<compile_context>
chip_gen: v7x
topology: tpu7x:2x2x1
jax: 0.10.2.dev20260603
libtpu: 0.0.44.dev20260713+nightly
codegen_flags: <defaults>
</compile_context>

<pallas_src>
import functools

import jax
import jax.numpy as jnp
from jax import lax
from jax.experimental import pallas as pl
from jax.experimental.pallas import tpu as pltpu
from jax.experimental.pallas import tpu_sc as plsc

N = 10000
E = 320000
D = 128

NUM_CORES = 2
NUM_SUBCORES = 16
NUM_TILES = NUM_CORES * NUM_SUBCORES
CH = 128
EPT = 10240
EPAD = EPT * NUM_TILES
NCHUNK = EPT // CH
N_ACC = 10240
ROWS_PER_TILE = N_ACC // NUM_SUBCORES
ZR = 128


def _spmm_body(h_hbm, col_hbm, row_hbm, adj_hbm, out_hbm,
               colr, rowc, adjc, rows0, rows1, acc_sh,
               sg0, sg1, ss0, ss1, si0, si1):
    cid = lax.axis_index("c")
    sid = lax.axis_index("s")
    wid = sid * NUM_CORES + cid

    pltpu.sync_copy(col_hbm.at[wid], colr)

    def zbody(i, carry):
        r = i // (D // 16)
        c = (i % (D // 16)) * 16
        rows0[r, pl.ds(c, 16)] = jnp.zeros((16,), jnp.float32)
        return carry
    lax.fori_loop(0, CH * (D // 16), zbody, 0)
    for z in range(ROWS_PER_TILE // CH):
        pltpu.sync_copy(rows0, acc_sh.at[pl.ds(sid * ROWS_PER_TILE + z * CH, CH)])
    plsc.subcore_barrier()

    def g_desc(i, buf, sem):
        return pltpu.make_async_copy(h_hbm.at[colr.at[i]], buf, sem)

    def s_desc(b, buf, sem):
        return pltpu.make_async_copy(buf, acc_sh.at[rowc.at[b]], sem)

    def r_desc(i, b, sem):
        return pltpu.make_async_copy(row_hbm.at[wid, i], rowc.at[b], sem)

    def a_desc(i, b, sem):
        return pltpu.make_async_copy(adj_hbm.at[wid, i], adjc.at[b], sem)

    UNROLL = 4

    def scale(buf, b):
        def scale_body(j4, carry):
            j = j4 * UNROLL
            avs = [plsc.load_gather(
                adjc, [jnp.full((16,), b, jnp.int32),
                       jnp.full((16,), j + u, jnp.int32)])
                   for u in range(UNROLL)]
            for r in range(D // 16):
                for u in range(UNROLL):
                    buf[j + u, pl.ds(r * 16, 16)] = (
                        buf[j + u, pl.ds(r * 16, 16)] * avs[u])
            return carry
        lax.fori_loop(0, CH // UNROLL, scale_body, 0)

    bufs = ((rows0, sg0, ss0, si0), (rows1, sg1, ss1, si1))

    r_desc(0, 0, si0).start()
    a_desc(0, 0, si0).start()
    g_desc(0, rows0, sg0).start()

    def body2(it, carry):
        for k in range(2):
            i = it * 2 + k
            buf, sg, ss, si = bufs[k]
            obuf, osg, oss, osi = bufs[1 - k]

            @pl.when(i + 1 < NCHUNK)
            def _prefetch():
                @pl.when(i > 0)
                def _drain():
                    s_desc(1 - k, obuf, oss).wait()
                r_desc(i + 1, 1 - k, osi).start()
                a_desc(i + 1, 1 - k, osi).start()
                g_desc(i + 1, obuf, osg).start()

            g_desc(i, buf, sg).wait()
            r_desc(i, k, si).wait()
            a_desc(i, k, si).wait()
            scale(buf, k)
            s_desc(k, buf, ss).start(add=True)
        return carry
    lax.fori_loop(0, NCHUNK // 2, body2, 0)
    s_desc(0, rows0, ss0).wait()
    s_desc(1, rows1, ss1).wait()

    plsc.subcore_barrier()
    pltpu.sync_copy(acc_sh.at[pl.ds(sid * ROWS_PER_TILE, ROWS_PER_TILE)],
                    out_hbm.at[cid, pl.ds(sid * ROWS_PER_TILE, ROWS_PER_TILE)])


_spmm = functools.partial(
    pl.kernel,
    out_type=jax.ShapeDtypeStruct((NUM_CORES, N_ACC, D), jnp.float32),
    mesh=plsc.VectorSubcoreMesh(core_axis_name="c", subcore_axis_name="s"),
    compiler_params=pltpu.CompilerParams(needs_layout_passes=False),
    scratch_types=[
        pltpu.VMEM((NCHUNK, CH), jnp.int32),
        pltpu.VMEM((2, CH), jnp.int32),
        pltpu.VMEM((2, CH), jnp.float32),
        pltpu.VMEM((CH, D), jnp.float32),
        pltpu.VMEM((CH, D), jnp.float32),
        pltpu.VMEM_SHARED((N_ACC, D), jnp.float32),
        pltpu.SemaphoreType.DMA,
        pltpu.SemaphoreType.DMA,
        pltpu.SemaphoreType.DMA,
        pltpu.SemaphoreType.DMA,
        pltpu.SemaphoreType.DMA,
        pltpu.SemaphoreType.DMA,
    ],
)(_spmm_body)


BR = 1000


def _mm_body(x_ref, w_ref, o_ref):
    o_ref[...] = lax.dot_general(x_ref[...], w_ref[...],
                                 (((1,), (1,)), ((), ())))


def _mm(x, w):
    return pl.pallas_call(
        _mm_body,
        grid=(N // BR,),
        in_specs=[
            pl.BlockSpec((BR, D), lambda i: (i, 0)),
            pl.BlockSpec((D, D), lambda i: (0, 0)),
        ],
        out_specs=pl.BlockSpec((BR, D), lambda i: (i, 0)),
        out_shape=jax.ShapeDtypeStruct((N, D), jnp.float32),
    )(x, w)


def _relu_mm_body(p_ref, w_ref, o_ref):
    a = jnp.maximum(p_ref[0] + p_ref[1], 0.0)
    o_ref[...] = lax.dot_general(a, w_ref[...], (((1,), (1,)), ((), ())))


def _relu_mm(p, w):
    return pl.pallas_call(
        _relu_mm_body,
        grid=(N // BR,),
        in_specs=[
            pl.BlockSpec((NUM_CORES, BR, D), lambda i: (0, i, 0)),
            pl.BlockSpec((D, D), lambda i: (0, 0)),
        ],
        out_specs=pl.BlockSpec((BR, D), lambda i: (i, 0)),
        out_shape=jax.ShapeDtypeStruct((N, D), jnp.float32),
    )(p, w)


def _logsoftmax_body(p_ref, o_ref):
    a = p_ref[0] + p_ref[1]
    m = jnp.max(a, axis=1, keepdims=True)
    s = jnp.sum(jnp.exp(a - m), axis=1, keepdims=True)
    o_ref[...] = (a - m) - jnp.log(s)


def _logsoftmax(p):
    return pl.pallas_call(
        _logsoftmax_body,
        grid=(N // BR,),
        in_specs=[pl.BlockSpec((NUM_CORES, BR, D), lambda i: (0, i, 0))],
        out_specs=pl.BlockSpec((BR, D), lambda i: (i, 0)),
        out_shape=jax.ShapeDtypeStruct((N, D), jnp.float32),
    )(p)


def kernel(x, edge_index, adj_values, W1, W2, W3):
    row = edge_index[0]
    col = edge_index[1]
    rpt = E // NUM_TILES
    ppt = EPT - rpt
    padc = (jnp.arange(NUM_TILES * ppt, dtype=jnp.int32) % N
            ).reshape(NUM_TILES, ppt)
    padr = (jnp.arange(NUM_TILES * ppt, dtype=jnp.int32) % N_ACC
            ).reshape(NUM_TILES, ppt)
    shape3 = (NUM_TILES, NCHUNK, CH)
    colp = jnp.concatenate(
        [col.reshape(NUM_TILES, rpt), padc], axis=1).reshape(shape3)
    rowp = jnp.concatenate(
        [row.reshape(NUM_TILES, rpt), padr], axis=1).reshape(shape3)
    adjp = jnp.concatenate(
        [adj_values.reshape(NUM_TILES, rpt),
         jnp.zeros((NUM_TILES, ppt), jnp.float32)], axis=1).reshape(shape3)

    h = _mm(x, W1)
    p = _spmm(h, colp, rowp, adjp)
    h = _relu_mm(p, W2)
    p = _spmm(h, colp, rowp, adjp)
    h = _relu_mm(p, W3)
    p = _spmm(h, colp, rowp, adjp)
    return _logsoftmax(p)

# --- scband reference (transcript-rebuilt; emitter-appended) ---
"""Pipeline reference for scband-gnn-2963527434326 (READ-ONLY COPY).

The authoritative reference and input builder live on the scoring server;
editing this copy changes nothing except your own understanding.
"""

import jax, jax.numpy as jnp
import numpy as np

N = 10000
E = 320000
D = 128

def setup_inputs(seed: int = 0) -> dict:
    key = jax.random.key(seed)
    k1, k2, k3, k4, k5, k6 = jax.random.split(key, 6)
    x = jax.random.normal(k1, (N, D), dtype=jnp.float32)
    edge_index = jax.random.randint(k2, (2, E), 0, N, dtype=jnp.int32)
    adj_values = jax.random.uniform(k3, (E,), dtype=jnp.float32)
    # torch.nn.Linear weights: shape [dim_out, dim_in], bias=False
    W1 = jax.random.normal(k4, (D, D), dtype=jnp.float32) * (1.0 / np.sqrt(D))
    W2 = jax.random.normal(k5, (D, D), dtype=jnp.float32) * (1.0 / np.sqrt(D))
    W3 = jax.random.normal(k6, (D, D), dtype=jnp.float32) * (1.0 / np.sqrt(D))
    return {"x": x, "edge_index": edge_index, "adj_values": adj_values, "W1": W1, "W2": W2, "W3": W3}


def reference(x, edge_index, adj_values, W1, W2, W3):
    row = edge_index[0]
    col = edge_index[1]

    def spmm(h):
        # out[i] = sum over edges (i=row, j=col) of A[i,j] * h[j]
        gathered = h[col] * adj_values[:, None]
        return jax.ops.segment_sum(gathered, row, num_segments=N)

    # layer 1
    h = x @ W1.T
    h = spmm(h)
    h = jax.nn.relu(h)
    # layer 2
    h = h @ W2.T
    h = spmm(h)
    h = jax.nn.relu(h)
    # layer 3
    h = h @ W3.T
    h = spmm(h)
    return jax.nn.log_softmax(h, axis=1)

if __name__ == "__main__":
    import jax
    _d = setup_inputs()
    print(jax.jit(kernel)(*tuple(_d.values())))

</pallas_src>

<mosaic_0001>
#map = affine_map<(d0, d1) -> (0, 0)>
#map1 = affine_map<(d0, d1) -> (0, 0, 0)>
module attributes {stable_mosaic.version = 14 : i64} {
  func.func @_spmm_body(%arg0: i32, %arg1: i32, %arg2: memref<10000x128xf32, #tpu.memory_space<hbm>>, %arg3: memref<32x80x128xi32, #tpu.memory_space<hbm>>, %arg4: memref<32x80x128xi32, #tpu.memory_space<hbm>>, %arg5: memref<32x80x128xf32, #tpu.memory_space<hbm>>, %arg6: memref<2x10240x128xf32, #tpu.memory_space<hbm>>, %arg7: memref<80x128xi32, #tpu.memory_space<vmem>>, %arg8: memref<2x128xi32, #tpu.memory_space<vmem>>, %arg9: memref<2x128xf32, #tpu.memory_space<vmem>>, %arg10: memref<128x128xf32, #tpu.memory_space<vmem>>, %arg11: memref<128x128xf32, #tpu.memory_space<vmem>>, %arg12: memref<10240x128xf32, #tpu.memory_space<vmem_shared>>, %arg13: memref<!tpu.dma_semaphore, #tpu.memory_space<semaphore_mem>>, %arg14: memref<!tpu.dma_semaphore, #tpu.memory_space<semaphore_mem>>, %arg15: memref<!tpu.dma_semaphore, #tpu.memory_space<semaphore_mem>>, %arg16: memref<!tpu.dma_semaphore, #tpu.memory_space<semaphore_mem>>, %arg17: memref<!tpu.dma_semaphore, #tpu.memory_space<semaphore_mem>>, %arg18: memref<!tpu.dma_semaphore, #tpu.memory_space<semaphore_mem>>) attributes {dimension_semantics = [#tpu.dimension_semantics<core_parallel>, #tpu.dimension_semantics<subcore_parallel>], iteration_bounds = array<i64: 2, 16>, scalar_prefetch = 0 : i64, scratch_operands = 12 : i64, tpu.core_type = #tpu.core_type<sc_vector_subcore>, window_params = [{transform_indices = #map}, {transform_indices = #map1}, {transform_indices = #map1}, {transform_indices = #map1}, {transform_indices = #map1}]} {
    %mul3A = arith.constant 2 : i32
    %mul3A_0 = arith.muli %arg1, %mul3A : i32
    %add3A = arith.addi %mul3A_0, %arg0 : i32
    "tpu.region"() ({
      %run_scoped3A = tpu.sem_alloc : memref<!tpu.dma_semaphore, #tpu.memory_space<semaphore_mem>>
      %dma_start3A_84 = arith.constant 0 : i32
      %dma_start3A_85 = arith.constant 0 : i32
      %dma_start3A_86 = tpu.memref_slice %arg3[%add3A, %dma_start3A_84, %dma_start3A_85] : memref<32x80x128xi32, #tpu.memory_space<hbm>> -> memref<1x80x128xi32, #tpu.memory_space<hbm>>
      %dma_start3A_87 = tpu.memref_squeeze %dma_start3A_86 : memref<1x80x128xi32, #tpu.memory_space<hbm>> -> memref<80x128xi32, #tpu.memory_space<hbm>>
      %dma_start3A_88 = arith.constant 0 : i32
      %dma_start3A_89 = arith.constant 0 : i32
      %dma_start3A_90 = tpu.memref_slice %arg3[%add3A, %dma_start3A_88, %dma_start3A_89] : memref<32x80x128xi32, #tpu.memory_space<hbm>> -> memref<1x80x128xi32, #tpu.memory_space<hbm>>
      %dma_start3A_91 = tpu.memref_squeeze %dma_start3A_90 : memref<1x80x128xi32, #tpu.memory_space<hbm>> -> memref<80x128xi32, #tpu.memory_space<hbm>>
      tpu.enqueue_dma source(%dma_start3A_91 : memref<80x128xi32, #tpu.memory_space<hbm>>) target(%arg7 : memref<80x128xi32, #tpu.memory_space<vmem>>) target_semaphore(%run_scoped3A : memref<!tpu.dma_semaphore, #tpu.memory_space<semaphore_mem>>)
      %dma_wait3A_92 = arith.constant 0 : i32
      %dma_wait3A_93 = arith.constant 0 : i32
      %dma_wait3A_94 = tpu.memref_slice %arg3[%add3A, %dma_wait3A_92, %dma_wait3A_93] : memref<32x80x128xi32, #tpu.memory_space<hbm>> -> memref<1x80x128xi32, #tpu.memory_space<hbm>>
      %dma_wait3A_95 = tpu.memref_squeeze %dma_wait3A_94 : memref<1x80x128xi32, #tpu.memory_space<hbm>> -> memref<80x128xi32, #tpu.memory_space<hbm>>
      %dma_wait3A_96 = arith.constant 0 : i32
      %dma_wait3A_97 = arith.constant 0 : i32
      %dma_wait3A_98 = tpu.memref_slice %arg3[%add3A, %dma_wait3A_96, %dma_wait3A_97] : memref<32x80x128xi32, #tpu.memory_space<hbm>> -> memref<1x80x128xi32, #tpu.memory_space<hbm>>
      %dma_wait3A_99 = tpu.memref_squeeze %dma_wait3A_98 : memref<1x80x128xi32, #tpu.memory_space<hbm>> -> memref<80x128xi32, #tpu.memory_space<hbm>>
      tpu.wait_dma2 semaphore(%run_scoped3A : memref<!tpu.dma_semaphore, #tpu.memory_space<semaphore_mem>>) src(%dma_wait3A_99 : memref<80x128xi32, #tpu.memory_space<hbm>>) dst(%arg7 : memref<80x128xi32, #tpu.memory_space<vmem>>)
      tpu.yield
    }) : () -> ()
    %scan3A = arith.constant 0 : i32
    %scan3A_1 = arith.constant 0 : i32
    %scan3A_2 = arith.constant 1024 : i32
    %scan3A_3 = arith.addi %scan3A_1, %scan3A_2 : i32
    %scan3A_4 = arith.constant 1 : i32
    scf.for %scan3A_84 = %scan3A_1 to %scan3A_3 step %scan3A_4  : i32 {
      %jit3A = arith.constant 8 : i32
      %div3A = arith.divsi %scan3A_84, %jit3A : i32
      %sign3A = arith.constant 0 : i32
      %sign3A_85 = arith.cmpi sgt, %scan3A_84, %sign3A : i32
      %sign3A_86 = arith.extui %sign3A_85 : i1 to i32
      %sign3A_87 = arith.constant 0 : i32
      %sign3A_88 = arith.cmpi slt, %scan3A_84, %sign3A_87 : i32
      %sign3A_89 = arith.extui %sign3A_88 : i1 to i32
      %sign3A_90 = arith.subi %sign3A_86, %sign3A_89 : i32
      %sign3A_91 = arith.constant 0 : i32
      %sign3A_92 = arith.cmpi sgt, %jit3A, %sign3A_91 : i32
      %sign3A_93 = arith.extui %sign3A_92 : i1 to i32
      %sign3A_94 = arith.constant 0 : i32
      %sign3A_95 = arith.cmpi slt, %jit3A, %sign3A_94 : i32
      %sign3A_96 = arith.extui %sign3A_95 : i1 to i32
      %sign3A_97 = arith.subi %sign3A_93, %sign3A_96 : i32
      %ne3A = arith.cmpi ne, %sign3A_90, %sign3A_97 : i32
      %rem3A = arith.remsi %scan3A_84, %jit3A : i32
      %ne3A_98 = arith.constant 0 : i32
      %ne3A_99 = arith.cmpi ne, %rem3A, %ne3A_98 : i32
      %and3A = arith.andi %ne3A, %ne3A_99 : i1
      %sub3A = arith.constant 1 : i32
      %sub3A_100 = arith.subi %div3A, %sub3A : i32
      %select_n3A = arith.select %and3A, %sub3A_100, %div3A : i32
      %jit3A_101 = arith.constant 8 : i32
      %eq3A = arith.constant 0 : i32
      %eq3A_102 = arith.cmpi eq, %jit3A_101, %eq3A : i32
      %jit3A_103 = arith.constant 1 : i32
      %select_n3A_104 = arith.select %eq3A_102, %jit3A_103, %jit3A_101 : i32
      %rem3A_105 = arith.remsi %scan3A_84, %select_n3A_104 : i32
      %ne3A_106 = arith.constant 0 : i32
      %ne3A_107 = arith.cmpi ne, %rem3A_105, %ne3A_106 : i32
      %lt3A = arith.constant 0 : i32
      %lt3A_108 = arith.cmpi slt, %rem3A_105, %lt3A : i32
      %lt3A_109 = arith.constant 0 : i32
      %lt3A_110 = arith.cmpi slt, %select_n3A_104, %lt3A_109 : i32
      %ne3A_111 = arith.xori %lt3A_108, %lt3A_110 : i1
      %and3A_112 = arith.andi %ne3A_111, %ne3A_107 : i1
      %add3A_113 = arith.addi %rem3A_105, %select_n3A_104 : i32
      %select_n3A_114 = arith.select %and3A_112, %add3A_113, %rem3A_105 : i32
      %mul3A_115 = arith.constant 16 : i32
      %mul3A_116 = arith.muli %select_n3A_114, %mul3A_115 : i32
      %broadcast_in_dim3A = arith.constant 0.000000e+00 : f32
      %broadcast_in_dim3A_117 = vector.broadcast %broadcast_in_dim3A : f32 to vector<16xf32>
      %swap3A = arith.index_cast %select_n3A : i32 to index
      %swap3A_118 = arith.index_cast %mul3A_116 : i32 to index
      %swap3A_119 = tpu.vector_load %arg10[%swap3A, %swap3A_118] {strides = array<i32>} : memref<128x128xf32, #tpu.memory_space<vmem>>, vector<16xf32>,
      tpu.vector_store %arg10[%swap3A, %swap3A_118], %broadcast_in_dim3A_117 {strides = array<i32>} : memref<128x128xf32, #tpu.memory_space<vmem>>, vector<16xf32>,
    }
    %scan3A_5 = arith.constant 1024 : i32
    %mul3A_6 = arith.constant 640 : i32
    %mul3A_7 = arith.muli %arg1, %mul3A_6 : i32
    %add3A_8 = arith.constant 0 : i32
    %add3A_9 = arith.addi %mul3A_7, %add3A_8 : i32
    "tpu.region"() ({
      %run_scoped3A = tpu.sem_alloc : memref<!tpu.dma_semaphore, #tpu.memory_space<semaphore_mem>>
      %dma_start3A_84 = arith.constant 0 : i32
      %dma_start3A_85 = tpu.memref_slice %arg12[%add3A_9, %dma_start3A_84] : memref<10240x128xf32, #tpu.memory_space<vmem_shared>> -> memref<128x128xf32, #tpu.memory_space<vmem_shared>>
      %dma_start3A_86 = arith.constant 0 : i32
      %dma_start3A_87 = tpu.memref_slice %arg12[%add3A_9, %dma_start3A_86] : memref<10240x128xf32, #tpu.memory_space<vmem_shared>> -> memref<128x128xf32, #tpu.memory_space<vmem_shared>>
      tpu.enqueue_dma source(%arg10 : memref<128x128xf32, #tpu.memory_space<vmem>>) target(%dma_start3A_87 : memref<128x128xf32, #tpu.memory_space<vmem_shared>>) target_semaphore(%run_scoped3A : memref<!tpu.dma_semaphore, #tpu.memory_space<semaphore_mem>>)
      %dma_wait3A_88 = arith.constant 0 : i32
      %dma_wait3A_89 = tpu.memref_slice %arg12[%add3A_9, %dma_wait3A_88] : memref<10240x128xf32, #tpu.memory_space<vmem_shared>> -> memref<128x128xf32, #tpu.memory_space<vmem_shared>>
      %dma_wait3A_90 = arith.constant 0 : i32
      %dma_wait3A_91 = tpu.memref_slice %arg12[%add3A_9, %dma_wait3A_90] : memref<10240x128xf32, #tpu.memory_space<vmem_shared>> -> memref<128x128xf32, #tpu.memory_space<vmem_shared>>
      tpu.wait_dma2 semaphore(%run_scoped3A : memref<!tpu.dma_semaphore, #tpu.memory_space<semaphore_mem>>) src(%arg10 : memref<128x128xf32, #tpu.memory_space<vmem>>) dst(%dma_wait3A_91 : memref<128x128xf32, #tpu.memory_space<vmem_shared>>)
      tpu.yield
    }) : () -> ()
    %mul3A_10 = arith.constant 640 : i32
    %mul3A_11 = arith.muli %arg1, %mul3A_10 : i32
    %add3A_12 = arith.constant 128 : i32
    %add3A_13 = arith.addi %mul3A_11, %add3A_12 : i32
    "tpu.region"() ({
      %run_scoped3A = tpu.sem_alloc : memref<!tpu.dma_semaphore, #tpu.memory_space<semaphore_mem>>
      %dma_start3A_84 = arith.constant 0 : i32
      %dma_start3A_85 = tpu.memref_slice %arg12[%add3A_13, %dma_start3A_84] : memref<10240x128xf32, #tpu.memory_space<vmem_shared>> -> memref<128x128xf32, #tpu.memory_space<vmem_shared>>
      %dma_start3A_86 = arith.constant 0 : i32
      %dma_start3A_87 = tpu.memref_slice %arg12[%add3A_13, %dma_start3A_86] : memref<10240x128xf32, #tpu.memory_space<vmem_shared>> -> memref<128x128xf32, #tpu.memory_space<vmem_shared>>
      tpu.enqueue_dma source(%arg10 : memref<128x128xf32, #tpu.memory_space<vmem>>) target(%dma_start3A_87 : memref<128x128xf32, #tpu.memory_space<vmem_shared>>) target_semaphore(%run_scoped3A : memref<!tpu.dma_semaphore, #tpu.memory_space<semaphore_mem>>)
      %dma_wait3A_88 = arith.constant 0 : i32
      %dma_wait3A_89 = tpu.memref_slice %arg12[%add3A_13, %dma_wait3A_88] : memref<10240x128xf32, #tpu.memory_space<vmem_shared>> -> memref<128x128xf32, #tpu.memory_space<vmem_shared>>
      %dma_wait3A_90 = arith.constant 0 : i32
      %dma_wait3A_91 = tpu.memref_slice %arg12[%add3A_13, %dma_wait3A_90] : memref<10240x128xf32, #tpu.memory_space<vmem_shared>> -> memref<128x128xf32, #tpu.memory_space<vmem_shared>>
      tpu.wait_dma2 semaphore(%run_scoped3A : memref<!tpu.dma_semaphore, #tpu.memory_space<semaphore_mem>>) src(%arg10 : memref<128x128xf32, #tpu.memory_space<vmem>>) dst(%dma_wait3A_91 : memref<128x128xf32, #tpu.memory_space<vmem_shared>>)
      tpu.yield
    }) : () -> ()
    %mul3A_14 = arith.constant 640 : i32
    %mul3A_15 = arith.muli %arg1, %mul3A_14 : i32
    %add3A_16 = arith.constant 256 : i32
    %add3A_17 = arith.addi %mul3A_15, %add3A_16 : i32
    "tpu.region"() ({
      %run_scoped3A = tpu.sem_alloc : memref<!tpu.dma_semaphore, #tpu.memory_space<semaphore_mem>>
      %dma_start3A_84 = arith.constant 0 : i32
      %dma_start3A_85 = tpu.memref_slice %arg12[%add3A_17, %dma_start3A_84] : memref<10240x128xf32, #tpu.memory_space<vmem_shared>> -> memref<128x128xf32, #tpu.memory_space<vmem_shared>>
      %dma_start3A_86 = arith.constant 0 : i32
      %dma_start3A_87 = tpu.memref_slice %arg12[%add3A_17, %dma_start3A_86] : memref<10240x128xf32, #tpu.memory_space<vmem_shared>> -> memref<128x128xf32, #tpu.memory_space<vmem_shared>>
      tpu.enqueue_dma source(%arg10 : memref<128x128xf32, #tpu.memory_space<vmem>>) target(%dma_start3A_87 : memref<128x128xf32, #tpu.memory_space<vmem_shared>>) target_semaphore(%run_scoped3A : memref<!tpu.dma_semaphore, #tpu.memory_space<semaphore_mem>>)
      %dma_wait3A_88 = arith.constant 0 : i32
      %dma_wait3A_89 = tpu.memref_slice %arg12[%add3A_17, %dma_wait3A_88] : memref<10240x128xf32, #tpu.memory_space<vmem_shared>> -> memref<128x128xf32, #tpu.memory_space<vmem_shared>>
      %dma_wait3A_90 = arith.constant 0 : i32
      %dma_wait3A_91 = tpu.memref_slice %arg12[%add3A_17, %dma_wait3A_90] : memref<10240x128xf32, #tpu.memory_space<vmem_shared>> -> memref<128x128xf32, #tpu.memory_space<vmem_shared>>
      tpu.wait_dma2 semaphore(%run_scoped3A : memref<!tpu.dma_semaphore, #tpu.memory_space<semaphore_mem>>) src(%arg10 : memref<128x128xf32, #tpu.memory_space<vmem>>) dst(%dma_wait3A_91 : memref<128x128xf32, #tpu.memory_space<vmem_shared>>)
      tpu.yield
    }) : () -> ()
    %mul3A_18 = arith.constant 640 : i32
    %mul3A_19 = arith.muli %arg1, %mul3A_18 : i32
    %add3A_20 = arith.constant 384 : i32
    %add3A_21 = arith.addi %mul3A_19, %add3A_20 : i32
    "tpu.region"() ({
      %run_scoped3A = tpu.sem_alloc : memref<!tpu.dma_semaphore, #tpu.memory_space<semaphore_mem>>
      %dma_start3A_84 = arith.constant 0 : i32
      %dma_start3A_85 = tpu.memref_slice %arg12[%add3A_21, %dma_start3A_84] : memref<10240x128xf32, #tpu.memory_space<vmem_shared>> -> memref<128x128xf32, #tpu.memory_space<vmem_shared>>
      %dma_start3A_86 = arith.constant 0 : i32
      %dma_start3A_87 = tpu.memref_slice %arg12[%add3A_21, %dma_start3A_86] : memref<10240x128xf32, #tpu.memory_space<vmem_shared>> -> memref<128x128xf32, #tpu.memory_space<vmem_shared>>
      tpu.enqueue_dma source(%arg10 : memref<128x128xf32, #tpu.memory_space<vmem>>) target(%dma_start3A_87 : memref<128x128xf32, #tpu.memory_space<vmem_shared>>) target_semaphore(%run_scoped3A : memref<!tpu.dma_semaphore, #tpu.memory_space<semaphore_mem>>)
      %dma_wait3A_88 = arith.constant 0 : i32
      %dma_wait3A_89 = tpu.memref_slice %arg12[%add3A_21, %dma_wait3A_88] : memref<10240x128xf32, #tpu.memory_space<vmem_shared>> -> memref<128x128xf32, #tpu.memory_space<vmem_shared>>
      %dma_wait3A_90 = arith.constant 0 : i32
      %dma_wait3A_91 = tpu.memref_slice %arg12[%add3A_21, %dma_wait3A_90] : memref<10240x128xf32, #tpu.memory_space<vmem_shared>> -> memref<128x128xf32, #tpu.memory_space<vmem_shared>>
      tpu.wait_dma2 semaphore(%run_scoped3A : memref<!tpu.dma_semaphore, #tpu.memory_space<semaphore_mem>>) src(%arg10 : memref<128x128xf32, #tpu.memory_space<vmem>>) dst(%dma_wait3A_91 : memref<128x128xf32, #tpu.memory_space<vmem_shared>>)
      tpu.yield
    }) : () -> ()
    %mul3A_22 = arith.constant 640 : i32
    %mul3A_23 = arith.muli %arg1, %mul3A_22 : i32
    %add3A_24 = arith.constant 512 : i32
    %add3A_25 = arith.addi %mul3A_23, %add3A_24 : i32
    "tpu.region"() ({
      %run_scoped3A = tpu.sem_alloc : memref<!tpu.dma_semaphore, #tpu.memory_space<semaphore_mem>>
      %dma_start3A_84 = arith.constant 0 : i32
      %dma_start3A_85 = tpu.memref_slice %arg12[%add3A_25, %dma_start3A_84] : memref<10240x128xf32, #tpu.memory_space<vmem_shared>> -> memref<128x128xf32, #tpu.memory_space<vmem_shared>>
      %dma_start3A_86 = arith.constant 0 : i32
      %dma_start3A_87 = tpu.memref_slice %arg12[%add3A_25, %dma_start3A_86] : memref<10240x128xf32, #tpu.memory_space<vmem_shared>> -> memref<128x128xf32, #tpu.memory_space<vmem_shared>>
      tpu.enqueue_dma source(%arg10 : memref<128x128xf32, #tpu.memory_space<vmem>>) target(%dma_start3A_87 : memref<128x128xf32, #tpu.memory_space<vmem_shared>>) target_semaphore(%run_scoped3A : memref<!tpu.dma_semaphore, #tpu.memory_space<semaphore_mem>>)
      %dma_wait3A_88 = arith.constant 0 : i32
      %dma_wait3A_89 = tpu.memref_slice %arg12[%add3A_25, %dma_wait3A_88] : memref<10240x128xf32, #tpu.memory_space<vmem_shared>> -> memref<128x128xf32, #tpu.memory_space<vmem_shared>>
      %dma_wait3A_90 = arith.constant 0 : i32
      %dma_wait3A_91 = tpu.memref_slice %arg12[%add3A_25, %dma_wait3A_90] : memref<10240x128xf32, #tpu.memory_space<vmem_shared>> -> memref<128x128xf32, #tpu.memory_space<vmem_shared>>
      tpu.wait_dma2 semaphore(%run_scoped3A : memref<!tpu.dma_semaphore, #tpu.memory_space<semaphore_mem>>) src(%arg10 : memref<128x128xf32, #tpu.memory_space<vmem>>) dst(%dma_wait3A_91 : memref<128x128xf32, #tpu.memory_space<vmem_shared>>)
      tpu.yield
    }) : () -> ()
    %barrier3A = arith.constant 0 : index
    tpu.barrier barrier_id(%barrier3A)
    %dma_start3A = arith.constant 0 : i32
    %dma_start3A_26 = arith.constant 0 : i32
    %dma_start3A_27 = arith.constant 0 : i32
    %dma_start3A_28 = tpu.memref_slice %arg8[%dma_start3A_26, %dma_start3A_27] : memref<2x128xi32, #tpu.memory_space<vmem>> -> memref<1x128xi32, #tpu.memory_space<vmem>>
    %dma_start3A_29 = tpu.memref_squeeze %dma_start3A_28 : memref<1x128xi32, #tpu.memory_space<vmem>> -> memref<128xi32, #tpu.memory_space<vmem>>
    %dma_start3A_30 = arith.constant 0 : i32
    %dma_start3A_31 = tpu.memref_slice %arg4[%add3A, %dma_start3A, %dma_start3A_30] : memref<32x80x128xi32, #tpu.memory_space<hbm>> -> memref<1x1x128xi32, #tpu.memory_space<hbm>>
    %dma_start3A_32 = tpu.memref_squeeze %dma_start3A_31 : memref<1x1x128xi32, #tpu.memory_space<hbm>> -> memref<128xi32, #tpu.memory_space<hbm>>
    %dma_start3A_33 = arith.constant 0 : i32
    %dma_start3A_34 = tpu.memref_slice %arg8[%dma_start3A_26, %dma_start3A_33] : memref<2x128xi32, #tpu.memory_space<vmem>> -> memref<1x128xi32, #tpu.memory_space<vmem>>
    %dma_start3A_35 = tpu.memref_squeeze %dma_start3A_34 : memref<1x128xi32, #tpu.memory_space<vmem>> -> memref<128xi32, #tpu.memory_space<vmem>>
    %dma_start3A_36 = arith.constant 0 : i32
    %dma_start3A_37 = tpu.memref_slice %arg4[%add3A, %dma_start3A, %dma_start3A_36] : memref<32x80x128xi32, #tpu.memory_space<hbm>> -> memref<1x1x128xi32, #tpu.memory_space<hbm>>
    %dma_start3A_38 = tpu.memref_squeeze %dma_start3A_37 : memref<1x1x128xi32, #tpu.memory_space<hbm>> -> memref<128xi32, #tpu.memory_space<hbm>>
    tpu.enqueue_dma source(%dma_start3A_38 : memref<128xi32, #tpu.memory_space<hbm>>) target(%dma_start3A_35 : memref<128xi32, #tpu.memory_space<vmem>>) target_semaphore(%arg17 : memref<!tpu.dma_semaphore, #tpu.memory_space<semaphore_mem>>)
    %dma_start3A_39 = arith.constant 0 : i32
    %dma_start3A_40 = arith.constant 0 : i32
    %dma_start3A_41 = arith.constant 0 : i32
    %dma_start3A_42 = tpu.memref_slice %arg9[%dma_start3A_40, %dma_start3A_41] : memref<2x128xf32, #tpu.memory_space<vmem>> -> memref<1x128xf32, #tpu.memory_space<vmem>>
    %dma_start3A_43 = tpu.memref_squeeze %dma_start3A_42 : memref<1x128xf32, #tpu.memory_space<vmem>> -> memref<128xf32, #tpu.memory_space<vmem>>
    %dma_start3A_44 = arith.constant 0 : i32
    %dma_start3A_45 = tpu.memref_slice %arg5[%add3A, %dma_start3A_39, %dma_start3A_44] : memref<32x80x128xf32, #tpu.memory_space<hbm>> -> memref<1x1x128xf32, #tpu.memory_space<hbm>>
    %dma_start3A_46 = tpu.memref_squeeze %dma_start3A_45 : memref<1x1x128xf32, #tpu.memory_space<hbm>> -> memref<128xf32, #tpu.memory_space<hbm>>
    %dma_start3A_47 = arith.constant 0 : i32
    %dma_start3A_48 = tpu.memref_slice %arg9[%dma_start3A_40, %dma_start3A_47] : memref<2x128xf32, #tpu.memory_space<vmem>> -> memref<1x128xf32, #tpu.memory_space<vmem>>
    %dma_start3A_49 = tpu.memref_squeeze %dma_start3A_48 : memref<1x128xf32, #tpu.memory_space<vmem>> -> memref<128xf32, #tpu.memory_space<vmem>>
    %dma_start3A_50 = arith.constant 0 : i32
    %dma_start3A_51 = tpu.memref_slice %arg5[%add3A, %dma_start3A_39, %dma_start3A_50] : memref<32x80x128xf32, #tpu.memory_space<hbm>> -> memref<1x1x128xf32, #tpu.memory_space<hbm>>
    %dma_start3A_52 = tpu.memref_squeeze %dma_start3A_51 : memref<1x1x128xf32, #tpu.memory_space<hbm>> -> memref<128xf32, #tpu.memory_space<hbm>>
    tpu.enqueue_dma source(%dma_start3A_52 : memref<128xf32, #tpu.memory_space<hbm>>) target(%dma_start3A_49 : memref<128xf32, #tpu.memory_space<vmem>>) target_semaphore(%arg17 : memref<!tpu.dma_semaphore, #tpu.memory_space<semaphore_mem>>)
    %dma_start3A_53 = arith.constant 0 : i32
    %dma_start3A_54 = arith.constant 0 : i32
    %dma_start3A_55 = tpu.memref_slice %arg7[%dma_start3A_53, %dma_start3A_54] : memref<80x128xi32, #tpu.memory_space<vmem>> -> memref<1x128xi32, #tpu.memory_space<vmem>>
    %dma_start3A_56 = tpu.memref_squeeze %dma_start3A_55 : memref<1x128xi32, #tpu.memory_space<vmem>> -> memref<128xi32, #tpu.memory_space<vmem>>
    %dma_start3A_57 = arith.constant 0 : i32
    %dma_start3A_58 = arith.constant 0 : i32
    %dma_start3A_59 = tpu.memref_slice %arg2[%dma_start3A_57, %dma_start3A_58] : memref<10000x128xf32, #tpu.memory_space<hbm>> -> memref<10000x128xf32, #tpu.memory_space<hbm>>
    tpu.enqueue_indirect_dma source(%dma_start3A_59 : memref<10000x128xf32, #tpu.memory_space<hbm>>) target(%arg10 : memref<128x128xf32, #tpu.memory_space<vmem>>) offsets(%dma_start3A_56 : memref<128xi32, #tpu.memory_space<vmem>>) semaphore(%arg13 : memref<!tpu.dma_semaphore, #tpu.memory_space<semaphore_mem>>)
    %scan3A_60 = arith.constant 0 : i32
    %scan3A_61 = arith.constant 0 : i32
    %scan3A_62 = arith.constant 40 : i32
    %scan3A_63 = arith.addi %scan3A_61, %scan3A_62 : i32
    %scan3A_64 = arith.constant 1 : i32
    scf.for %scan3A_84 = %scan3A_61 to %scan3A_63 step %scan3A_64  : i32 {
      %mul3A_85 = arith.constant 2 : i32
      %mul3A_86 = arith.muli %scan3A_84, %mul3A_85 : i32
      %add3A_87 = arith.constant 0 : i32
      %add3A_88 = arith.addi %mul3A_86, %add3A_87 : i32
      %add3A_89 = arith.constant 1 : i32
      %add3A_90 = arith.addi %add3A_88, %add3A_89 : i32
      %lt3A = arith.constant 80 : i32
      %lt3A_91 = arith.cmpi slt, %add3A_90, %lt3A : i32
      %convert_element_type3A = arith.extui %lt3A_91 : i1 to i32
      %cond3A = arith.constant 0 : i32
      %cond3A_92 = arith.cmpi ne, %convert_element_type3A, %cond3A : i32
      scf.if %cond3A_92 {
        %gt3A = arith.constant 0 : i32
        %gt3A_194 = arith.cmpi sgt, %add3A_88, %gt3A : i32
        %convert_element_type3A_195 = arith.extui %gt3A_194 : i1 to i32
        %cond3A_196 = arith.constant 0 : i32
        %cond3A_197 = arith.cmpi ne, %convert_element_type3A_195, %cond3A_196 : i32
        scf.if %cond3A_197 {
          %dma_wait3A_236 = arith.constant 1 : i32
          %dma_wait3A_237 = arith.constant 0 : i32
          %dma_wait3A_238 = tpu.memref_slice %arg8[%dma_wait3A_236, %dma_wait3A_237] : memref<2x128xi32, #tpu.memory_space<vmem>> -> memref<1x128xi32, #tpu.memory_space<vmem>>
          %dma_wait3A_239 = tpu.memref_squeeze %dma_wait3A_238 : memref<1x128xi32, #tpu.memory_space<vmem>> -> memref<128xi32, #tpu.memory_space<vmem>>
          %dma_wait3A_240 = arith.constant 0 : i32
          %dma_wait3A_241 = arith.constant 0 : i32
          %dma_wait3A_242 = tpu.memref_slice %arg12[%dma_wait3A_240, %dma_wait3A_241] : memref<10240x128xf32, #tpu.memory_space<vmem_shared>> -> memref<10240x128xf32, #tpu.memory_space<vmem_shared>>
          tpu.wait_indirect_dma semaphore(%arg16 : memref<!tpu.dma_semaphore, #tpu.memory_space<semaphore_mem>>) src(%arg11 : memref<128x128xf32, #tpu.memory_space<vmem>>) dst(%dma_wait3A_242 : memref<10240x128xf32, #tpu.memory_space<vmem_shared>>)
        } else {
        }
        %add3A_198 = arith.constant 1 : i32
        %add3A_199 = arith.addi %add3A_88, %add3A_198 : i32
        %dma_start3A_200 = arith.constant 1 : i32
        %dma_start3A_201 = arith.constant 0 : i32
        %dma_start3A_202 = tpu.memref_slice %arg8[%dma_start3A_200, %dma_start3A_201] : memref<2x128xi32, #tpu.memory_space<vmem>> -> memref<1x128xi32, #tpu.memory_space<vmem>>
        %dma_start3A_203 = tpu.memref_squeeze %dma_start3A_202 : memref<1x128xi32, #tpu.memory_space<vmem>> -> memref<128xi32, #tpu.memory_space<vmem>>
        %dma_start3A_204 = arith.constant 0 : i32
        %dma_start3A_205 = tpu.memref_slice %arg4[%add3A, %add3A_199, %dma_start3A_204] : memref<32x80x128xi32, #tpu.memory_space<hbm>> -> memref<1x1x128xi32, #tpu.memory_space<hbm>>
        %dma_start3A_206 = tpu.memref_squeeze %dma_start3A_205 : memref<1x1x128xi32, #tpu.memory_space<hbm>> -> memref<128xi32, #tpu.memory_space<hbm>>
        %dma_start3A_207 = arith.constant 0 : i32
        %dma_start3A_208 = tpu.memref_slice %arg8[%dma_start3A_200, %dma_start3A_207] : memref<2x128xi32, #tpu.memory_space<vmem>> -> memref<1x128xi32, #tpu.memory_space<vmem>>
        %dma_start3A_209 = tpu.memref_squeeze %dma_start3A_208 : memref<1x128xi32, #tpu.memory_space<vmem>> -> memref<128xi32, #tpu.memory_space<vmem>>
        %dma_start3A_210 = arith.constant 0 : i32
        %dma_start3A_211 = tpu.memref_slice %arg4[%add3A, %add3A_199, %dma_start3A_210] : memref<32x80x128xi32, #tpu.memory_space<hbm>> -> memref<1x1x128xi32, #tpu.memory_space<hbm>>
        %dma_start3A_212 = tpu.memref_squeeze %dma_start3A_211 : memref<1x1x128xi32, #tpu.memory_space<hbm>> -> memref<128xi32, #tpu.memory_space<hbm>>
        tpu.enqueue_dma source(%dma_start3A_212 : memref<128xi32, #tpu.memory_space<hbm>>) target(%dma_start3A_209 : memref<128xi32, #tpu.memory_space<vmem>>) target_semaphore(%arg18 : memref<!tpu.dma_semaphore, #tpu.memory_space<semaphore_mem>>)
        %add3A_213 = arith.constant 1 : i32
        %add3A_214 = arith.addi %add3A_88, %add3A_213 : i32
        %dma_start3A_215 = arith.constant 1 : i32
        %dma_start3A_216 = arith.constant 0 : i32
        %dma_start3A_217 = tpu.memref_slice %arg9[%dma_start3A_215, %dma_start3A_216] : memref<2x128xf32, #tpu.memory_space<vmem>> -> memref<1x128xf32, #tpu.memory_space<vmem>>
        %dma_start3A_218 = tpu.memref_squeeze %dma_start3A_217 : memref<1x128xf32, #tpu.memory_space<vmem>> -> memref<128xf32, #tpu.memory_space<vmem>>
        %dma_start3A_219 = arith.constant 0 : i32
        %dma_start3A_220 = tpu.memref_slice %arg5[%add3A, %add3A_214, %dma_start3A_219] : memref<32x80x128xf32, #tpu.memory_space<hbm>> -> memref<1x1x128xf32, #tpu.memory_space<hbm>>
        %dma_start3A_221 = tpu.memref_squeeze %dma_start3A_220 : memref<1x1x128xf32, #tpu.memory_space<hbm>> -> memref<128xf32, #tpu.memory_space<hbm>>
        %dma_start3A_222 = arith.constant 0 : i32
        %dma_start3A_223 = tpu.memref_slice %arg9[%dma_start3A_215, %dma_start3A_222] : memref<2x128xf32, #tpu.memory_space<vmem>> -> memref<1x128xf32, #tpu.memory_space<vmem>>
        %dma_start3A_224 = tpu.memref_squeeze %dma_start3A_223 : memref<1x128xf32, #tpu.memory_space<vmem>> -> memref<128xf32, #tpu.memory_space<vmem>>
        %dma_start3A_225 = arith.constant 0 : i32
        %dma_start3A_226 = tpu.memref_slice %arg5[%add3A, %add3A_214, %dma_start3A_225] : memref<32x80x128xf32, #tpu.memory_space<hbm>> -> memref<1x1x128xf32, #tpu.memory_space<hbm>>
        %dma_start3A_227 = tpu.memref_squeeze %dma_start3A_226 : memref<1x1x128xf32, #tpu.memory_space<hbm>> -> memref<128xf32, #tpu.memory_space<hbm>>
        tpu.enqueue_dma source(%dma_start3A_227 : memref<128xf32, #tpu.memory_space<hbm>>) target(%dma_start3A_224 : memref<128xf32, #tpu.memory_space<vmem>>) target_semaphore(%arg18 : memref<!tpu.dma_semaphore, #tpu.memory_space<semaphore_mem>>)
        %add3A_228 = arith.constant 1 : i32
        %add3A_229 = arith.addi %add3A_88, %add3A_228 : i32
        %dma_start3A_230 = arith.constant 0 : i32
        %dma_start3A_231 = tpu.memref_slice %arg7[%add3A_229, %dma_start3A_230] : memref<80x128xi32, #tpu.memory_space<vmem>> -> memref<1x128xi32, #tpu.memory_space<vmem>>
        %dma_start3A_232 = tpu.memref_squeeze %dma_start3A_231 : memref<1x128xi32, #tpu.memory_space<vmem>> -> memref<128xi32, #tpu.memory_space<vmem>>
        %dma_start3A_233 = arith.constant 0 : i32
        %dma_start3A_234 = arith.constant 0 : i32
        %dma_start3A_235 = tpu.memref_slice %arg2[%dma_start3A_233, %dma_start3A_234] : memref<10000x128xf32, #tpu.memory_space<hbm>> -> memref<10000x128xf32, #tpu.memory_space<hbm>>
        tpu.enqueue_indirect_dma source(%dma_start3A_235 : memref<10000x128xf32, #tpu.memory_space<hbm>>) target(%arg11 : memref<128x128xf32, #tpu.memory_space<vmem>>) offsets(%dma_start3A_232 : memref<128xi32, #tpu.memory_space<vmem>>) semaphore(%arg14 : memref<!tpu.dma_semaphore, #tpu.memory_space<semaphore_mem>>)
      } else {
      }
      %dma_wait3A_93 = arith.constant 0 : i32
      %dma_wait3A_94 = tpu.memref_slice %arg7[%add3A_88, %dma_wait3A_93] : memref<80x128xi32, #tpu.memory_space<vmem>> -> memref<1x128xi32, #tpu.memory_space<vmem>>
      %dma_wait3A_95 = tpu.memref_squeeze %dma_wait3A_94 : memref<1x128xi32, #tpu.memory_space<vmem>> -> memref<128xi32, #tpu.memory_space<vmem>>
      %dma_wait3A_96 = arith.constant 0 : i32
      %dma_wait3A_97 = arith.constant 0 : i32
      %dma_wait3A_98 = tpu.memref_slice %arg2[%dma_wait3A_96, %dma_wait3A_97] : memref<10000x128xf32, #tpu.memory_space<hbm>> -> memref<10000x128xf32, #tpu.memory_space<hbm>>
      tpu.wait_indirect_dma semaphore(%arg13 : memref<!tpu.dma_semaphore, #tpu.memory_space<semaphore_mem>>) src(%dma_wait3A_98 : memref<10000x128xf32, #tpu.memory_space<hbm>>) dst(%arg10 : memref<128x128xf32, #tpu.memory_space<vmem>>)
      %dma_wait3A_99 = arith.constant 0 : i32
      %dma_wait3A_100 = arith.constant 0 : i32
      %dma_wait3A_101 = tpu.memref_slice %arg8[%dma_wait3A_99, %dma_wait3A_100] : memref<2x128xi32, #tpu.memory_space<vmem>> -> memref<1x128xi32, #tpu.memory_space<vmem>>
      %dma_wait3A_102 = tpu.memref_squeeze %dma_wait3A_101 : memref<1x128xi32, #tpu.memory_space<vmem>> -> memref<128xi32, #tpu.memory_space<vmem>>
      %dma_wait3A_103 = arith.constant 0 : i32
      %dma_wait3A_104 = tpu.memref_slice %arg4[%add3A, %add3A_88, %dma_wait3A_103] : memref<32x80x128xi32, #tpu.memory_space<hbm>> -> memref<1x1x128xi32, #tpu.memory_space<hbm>>
      %dma_wait3A_105 = tpu.memref_squeeze %dma_wait3A_104 : memref<1x1x128xi32, #tpu.memory_space<hbm>> -> memref<128xi32, #tpu.memory_space<hbm>>
      %dma_wait3A_106 = arith.constant 0 : i32
      %dma_wait3A_107 = tpu.memref_slice %arg8[%dma_wait3A_99, %dma_wait3A_106] : memref<2x128xi32, #tpu.memory_space<vmem>> -> memref<1x128xi32, #tpu.memory_space<vmem>>
      %dma_wait3A_108 = tpu.memref_squeeze %dma_wait3A_107 : memref<1x128xi32, #tpu.memory_space<vmem>> -> memref<128xi32, #tpu.memory_space<vmem>>
      %dma_wait3A_109 = arith.constant 0 : i32
      %dma_wait3A_110 = tpu.memref_slice %arg4[%add3A, %add3A_88, %dma_wait3A_109] : memref<32x80x128xi32, #tpu.memory_space<hbm>> -> memref<1x1x128xi32, #tpu.memory_space<hbm>>
      %dma_wait3A_111 = tpu.memref_squeeze %dma_wait3A_110 : memref<1x1x128xi32, #tpu.memory_space<hbm>> -> memref<128xi32, #tpu.memory_space<hbm>>
      tpu.wait_dma2 semaphore(%arg17 : memref<!tpu.dma_semaphore, #tpu.memory_space<semaphore_mem>>) src(%dma_wait3A_111 : memref<128xi32, #tpu.memory_space<hbm>>) dst(%dma_wait3A_108 : memref<128xi32, #tpu.memory_space<vmem>>)
      %dma_wait3A_112 = arith.constant 0 : i32
      %dma_wait3A_113 = arith.constant 0 : i32
      %dma_wait3A_114 = tpu.memref_slice %arg9[%dma_wait3A_112, %dma_wait3A_113] : memref<2x128xf32, #tpu.memory_space<vmem>> -> memref<1x128xf32, #tpu.memory_space<vmem>>
      %dma_wait3A_115 = tpu.memref_squeeze %dma_wait3A_114 : memref<1x128xf32, #tpu.memory_space<vmem>> -> memref<128xf32, #tpu.memory_space<vmem>>
      %dma_wait3A_116 = arith.constant 0 : i32
      %dma_wait3A_117 = tpu.memref_slice %arg5[%add3A, %add3A_88, %dma_wait3A_116] : memref<32x80x128xf32, #tpu.memory_space<hbm>> -> memref<1x1x128xf32, #tpu.memory_space<hbm>>
      %dma_wait3A_118 = tpu.memref_squeeze %dma_wait3A_117 : memref<1x1x128xf32, #tpu.memory_space<hbm>> -> memref<128xf32, #tpu.memory_space<hbm>>
      %dma_wait3A_119 = arith.constant 0 : i32
      %dma_wait3A_120 = tpu.memref_slice %arg9[%dma_wait3A_112, %dma_wait3A_119] : memref<2x128xf32, #tpu.memory_space<vmem>> -> memref<1x128xf32, #tpu.memory_space<vmem>>
      %dma_wait3A_121 = tpu.memref_squeeze %dma_wait3A_120 : memref<1x128xf32, #tpu.memory_space<vmem>> -> memref<128xf32, #tpu.memory_space<vmem>>
      %dma_wait3A_122 = arith.constant 0 : i32
      %dma_wait3A_123 = tpu.memref_slice %arg5[%add3A, %add3A_88, %dma_wait3A_122] : memref<32x80x128xf32, #tpu.memory_space<hbm>> -> memref<1x1x128xf32, #tpu.memory_space<hbm>>
      %dma_wait3A_124 = tpu.memref_squeeze %dma_wait3A_123 : memref<1x1x128xf32, #tpu.memory_space<hbm>> -> memref<128xf32, #tpu.memory_space<hbm>>
      tpu.wait_dma2 semaphore(%arg17 : memref<!tpu.dma_semaphore, #tpu.memory_space<semaphore_mem>>) src(%dma_wait3A_124 : memref<128xf32, #tpu.memory_space<hbm>>) dst(%dma_wait3A_121 : memref<128xf32, #tpu.memory_space<vmem>>)
      %scan3A_125 = arith.constant 0 : i32
      %scan3A_126 = arith.constant 0 : i32
      %scan3A_127 = arith.constant 32 : i32
      %scan3A_128 = arith.addi %scan3A_126, %scan3A_127 : i32
      %scan3A_129 = arith.constant 1 : i32
      scf.for %scan3A_194 = %scan3A_126 to %scan3A_128 step %scan3A_129  : i32 {
        %mul3A_195 = arith.constant 4 : i32
        %mul3A_196 = arith.muli %scan3A_194, %mul3A_195 : i32
        %broadcast_in_dim3A = arith.constant 0 : i32
        %broadcast_in_dim3A_197 = vector.broadcast %broadcast_in_dim3A : i32 to vector<16xi32>
        %add3A_198 = arith.constant 0 : i32
        %add3A_199 = arith.addi %mul3A_196, %add3A_198 : i32
        %broadcast_in_dim3A_200 = vector.broadcast %add3A_199 : i32 to vector<16xi32>
        %gather3A = tpu.vector_load_idx %arg9[%broadcast_in_dim3A_197, %broadcast_in_dim3A_200] : memref<2x128xf32, #tpu.memory_space<vmem>>[vector<16xi32>, vector<16xi32>], vector<16xf32>,
        %broadcast_in_dim3A_201 = arith.constant 0 : i32
        %broadcast_in_dim3A_202 = vector.broadcast %broadcast_in_dim3A_201 : i32 to vector<16xi32>
        %add3A_203 = arith.constant 1 : i32
        %add3A_204 = arith.addi %mul3A_196, %add3A_203 : i32
        %broadcast_in_dim3A_205 = vector.broadcast %add3A_204 : i32 to vector<16xi32>
        %gather3A_206 = tpu.vector_load_idx %arg9[%broadcast_in_dim3A_202, %broadcast_in_dim3A_205] : memref<2x128xf32, #tpu.memory_space<vmem>>[vector<16xi32>, vector<16xi32>], vector<16xf32>,
        %broadcast_in_dim3A_207 = arith.constant 0 : i32
        %broadcast_in_dim3A_208 = vector.broadcast %broadcast_in_dim3A_207 : i32 to vector<16xi32>
        %add3A_209 = arith.constant 2 : i32
        %add3A_210 = arith.addi %mul3A_196, %add3A_209 : i32
        %broadcast_in_dim3A_211 = vector.broadcast %add3A_210 : i32 to vector<16xi32>
        %gather3A_212 = tpu.vector_load_idx %arg9[%broadcast_in_dim3A_208, %broadcast_in_dim3A_211] : memref<2x128xf32, #tpu.memory_space<vmem>>[vector<16xi32>, vector<16xi32>], vector<16xf32>,
        %broadcast_in_dim3A_213 = arith.constant 0 : i32
        %broadcast_in_dim3A_214 = vector.broadcast %broadcast_in_dim3A_213 : i32 to vector<16xi32>
        %add3A_215 = arith.constant 3 : i32
        %add3A_216 = arith.addi %mul3A_196, %add3A_215 : i32
        %broadcast_in_dim3A_217 = vector.broadcast %add3A_216 : i32 to vector<16xi32>
        %gather3A_218 = tpu.vector_load_idx %arg9[%broadcast_in_dim3A_214, %broadcast_in_dim3A_217] : memref<2x128xf32, #tpu.memory_space<vmem>>[vector<16xi32>, vector<16xi32>], vector<16xf32>,
        %add3A_219 = arith.constant 0 : i32
        %add3A_220 = arith.addi %mul3A_196, %add3A_219 : i32
        %get3A = arith.index_cast %add3A_220 : i32 to index
        %get3A_221 = arith.constant 0 : index
        %get3A_222 = tpu.vector_load %arg10[%get3A, %get3A_221] {strides = array<i32>} : memref<128x128xf32, #tpu.memory_space<vmem>>, vector<16xf32>,
        %mul3A_223 = arith.mulf %get3A_222, %gather3A : vector<16xf32>
        %add3A_224 = arith.constant 0 : i32
        %add3A_225 = arith.addi %mul3A_196, %add3A_224 : i32
        %swap3A = arith.index_cast %add3A_225 : i32 to index
        %swap3A_226 = arith.constant 0 : index
        %swap3A_227 = tpu.vector_load %arg10[%swap3A, %swap3A_226] {strides = array<i32>} : memref<128x128xf32, #tpu.memory_space<vmem>>, vector<16xf32>,
        tpu.vector_store %arg10[%swap3A, %swap3A_226], %mul3A_223 {strides = array<i32>} : memref<128x128xf32, #tpu.memory_space<vmem>>, vector<16xf32>,
        %add3A_228 = arith.constant 1 : i32
        %add3A_229 = arith.addi %mul3A_196, %add3A_228 : i32
        %get3A_230 = arith.index_cast %add3A_229 : i32 to index
        %get3A_231 = arith.constant 0 : index
        %get3A_232 = tpu.vector_load %arg10[%get3A_230, %get3A_231] {strides = array<i32>} : memref<128x128xf32, #tpu.memory_space<vmem>>, vector<16xf32>,
        %mul3A_233 = arith.mulf %get3A_232, %gather3A_206 : vector<16xf32>
        %add3A_234 = arith.constant 1 : i32
        %add3A_235 = arith.addi %mul3A_196, %add3A_234 : i32
        %swap3A_236 = arith.index_cast %add3A_235 : i32 to index
        %swap3A_237 = arith.constant 0 : index
        %swap3A_238 = tpu.vector_load %arg10[%swap3A_236, %swap3A_237] {strides = array<i32>} : memref<128x128xf32, #tpu.memory_space<vmem>>, vector<16xf32>,
        tpu.vector_store %arg10[%swap3A_236, %swap3A_237], %mul3A_233 {strides = array<i32>} : memref<128x128xf32, #tpu.memory_space<vmem>>, vector<16xf32>,
        %add3A_239 = arith.constant 2 : i32
        %add3A_240 = arith.addi %mul3A_196, %add3A_239 : i32
        %get3A_241 = arith.index_cast %add3A_240 : i32 to index
        %get3A_242 = arith.constant 0 : index
        %get3A_243 = tpu.vector_load %arg10[%get3A_241, %get3A_242] {strides = array<i32>} : memref<128x128xf32, #tpu.memory_space<vmem>>, vector<16xf32>,
        %mul3A_244 = arith.mulf %get3A_243, %gather3A_212 : vector<16xf32>
        %add3A_245 = arith.constant 2 : i32
        %add3A_246 = arith.addi %mul3A_196, %add3A_245 : i32
        %swap3A_247 = arith.index_cast %add3A_246 : i32 to index
        %swap3A_248 = arith.constant 0 : index
        %swap3A_249 = tpu.vector_load %arg10[%swap3A_247, %swap3A_248] {strides = array<i32>} : memref<128x128xf32, #tpu.memory_space<vmem>>, vector<16xf32>,
        tpu.vector_store %arg10[%swap3A_247, %swap3A_248], %mul3A_244 {strides = array<i32>} : memref<128x128xf32, #tpu.memory_space<vmem>>, vector<16xf32>,
        %add3A_250 = arith.constant 3 : i32
        %add3A_251 = arith.addi %mul3A_196, %add3A_250 : i32
        %get3A_252 = arith.index_cast %add3A_251 : i32 to index
        %get3A_253 = arith.constant 0 : index
        %get3A_254 = tpu.vector_load %arg10[%get3A_252, %get3A_253] {strides = array<i32>} : memref<128x128xf32, #tpu.memory_space<vmem>>, vector<16xf32>,
        %mul3A_255 = arith.mulf %get3A_254, %gather3A_218 : vector<16xf32>
        %add3A_256 = arith.constant 3 : i32
        %add3A_257 = arith.addi %mul3A_196, %add3A_256 : i32
        %swap3A_258 = arith.index_cast %add3A_257 : i32 to index
        %swap3A_259 = arith.constant 0 : index
        %swap3A_260 = tpu.vector_load %arg10[%swap3A_258, %swap3A_259] {strides = array<i32>} : memref<128x128xf32, #tpu.memory_space<vmem>>, vector<16xf32>,
        tpu.vector_store %arg10[%swap3A_258, %swap3A_259], %mul3A_255 {strides = array<i32>} : memref<128x128xf32, #tpu.memory_space<vmem>>, vector<16xf32>,
        %add3A_261 = arith.constant 0 : i32
        %add3A_262 = arith.addi %mul3A_196, %add3A_261 : i32
        %get3A_263 = arith.index_cast %add3A_262 : i32 to index
        %get3A_264 = arith.constant 16 : index
        %get3A_265 = tpu.vector_load %arg10[%get3A_263, %get3A_264] {strides = array<i32>} : memref<128x128xf32, #tpu.memory_space<vmem>>, vector<16xf32>,
        %mul3A_266 = arith.mulf %get3A_265, %gather3A : vector<16xf32>
        %add3A_267 = arith.constant 0 : i32
        %add3A_268 = arith.addi %mul3A_196, %add3A_267 : i32
        %swap3A_269 = arith.index_cast %add3A_268 : i32 to index
        %swap3A_270 = arith.constant 16 : index
        %swap3A_271 = tpu.vector_load %arg10[%swap3A_269, %swap3A_270] {strides = array<i32>} : memref<128x128xf32, #tpu.memory_space<vmem>>, vector<16xf32>,
        tpu.vector_store %arg10[%swap3A_269, %swap3A_270], %mul3A_266 {strides = array<i32>} : memref<128x128xf32, #tpu.memory_space<vmem>>, vector<16xf32>,
        %add3A_272 = arith.constant 1 : i32
        %add3A_273 = arith.addi %mul3A_196, %add3A_272 : i32
        %get3A_274 = arith.index_cast %add3A_273 : i32 to index
        %get3A_275 = arith.constant 16 : index
        %get3A_276 = tpu.vector_load %arg10[%get3A_274, %get3A_275] {strides = array<i32>} : memref<128x128xf32, #tpu.memory_space<vmem>>, vector<16xf32>,
        %mul3A_277 = arith.mulf %get3A_276, %gather3A_206 : vector<16xf32>
        %add3A_278 = arith.constant 1 : i32
        %add3A_279 = arith.addi %mul3A_196, %add3A_278 : i32
        %swap3A_280 = arith.index_cast %add3A_279 : i32 to index
        %swap3A_281 = arith.constant 16 : index
        %swap3A_282 = tpu.vector_load %arg10[%swap3A_280, %swap3A_281] {strides = array<i32>} : memref<128x128xf32, #tpu.memory_space<vmem>>, vector<16xf32>,
        tpu.vector_store %arg10[%swap3A_280, %swap3A_281], %mul3A_277 {strides = array<i32>} : memref<128x128xf32, #tpu.memory_space<vmem>>, vector<16xf32>,
        %add3A_283 = arith.constant 2 : i32
        %add3A_284 = arith.addi %mul3A_196, %add3A_283 : i32
        %get3A_285 = arith.index_cast %add3A_284 : i32 to index
        %get3A_286 = arith.constant 16 : index
        %get3A_287 = tpu.vector_load %arg10[%get3A_285, %get3A_286] {strides = array<i32>} : memref<128x128xf32, #tpu.memory_space<vmem>>, vector<16xf32>,
        %mul3A_288 = arith.mulf %get3A_287, %gather3A_212 : vector<16xf32>
        %add3A_289 = arith.constant 2 : i32
        %add3A_290 = arith.addi %mul3A_196, %add3A_289 : i32
        %swap3A_291 = arith.index_cast %add3A_290 : i32 to index
        %swap3A_292 = arith.constant 16 : index
        %swap3A_293 = tpu.vector_load %arg10[%swap3A_291, %swap3A_292] {strides = array<i32>} : memref<128x128xf32, #tpu.memory_space<vmem>>, vector<16xf32>,
        tpu.vector_store %arg10[%swap3A_291, %swap3A_292], %mul3A_288 {strides = array<i32>} : memref<128x128xf32, #tpu.memory_space<vmem>>, vector<16xf32>,
        %add3A_294 = arith.constant 3 : i32
        %add3A_295 = arith.addi %mul3A_196, %add3A_294 : i32
        %get3A_296 = arith.index_cast %add3A_295 : i32 to index
        %get3A_297 = arith.constant 16 : index
        %get3A_298 = tpu.vector_load %arg10[%get3A_296, %get3A_297] {strides = array<i32>} : memref<128x128xf32, #tpu.memory_space<vmem>>, vector<16xf32>,
        %mul3A_299 = arith.mulf %get3A_298, %gather3A_218 : vector<16xf32>
        %add3A_300 = arith.constant 3 : i32
        %add3A_301 = arith.addi %mul3A_196, %add3A_300 : i32
        %swap3A_302 = arith.index_cast %add3A_301 : i32 to index
        %swap3A_303 = arith.constant 16 : index
        %swap3A_304 = tpu.vector_load %arg10[%swap3A_302, %swap3A_303] {strides = array<i32>} : memref<128x128xf32, #tpu.memory_space<vmem>>, vector<16xf32>,
        tpu.vector_store %arg10[%swap3A_302, %swap3A_303], %mul3A_299 {strides = array<i32>} : memref<128x128xf32, #tpu.memory_space<vmem>>, vector<16xf32>,
        %add3A_305 = arith.constant 0 : i32
        %add3A_306 = arith.addi %mul3A_196, %add3A_305 : i32
        %get3A_307 = arith.index_cast %add3A_306 : i32 to index
        %get3A_308 = arith.constant 32 : index
        %get3A_309 = tpu.vector_load %arg10[%get3A_307, %get3A_308] {strides = array<i32>} : memref<128x128xf32, #tpu.memory_space<vmem>>, vector<16xf32>,
        %mul3A_310 = arith.mulf %get3A_309, %gather3A : vector<16xf32>
        %add3A_311 = arith.constant 0 : i32
        %add3A_312 = arith.addi %mul3A_196, %add3A_311 : i32
        %swap3A_313 = arith.index_cast %add3A_312 : i32 to index
        %swap3A_314 = arith.constant 32 : index
        %swap3A_315 = tpu.vector_load %arg10[%swap3A_313, %swap3A_314] {strides = array<i32>} : memref<128x128xf32, #tpu.memory_space<vmem>>, vector<16xf32>,
        tpu.vector_store %arg10[%swap3A_313, %swap3A_314], %mul3A_310 {strides = array<i32>} : memref<128x128xf32, #tpu.memory_space<vmem>>, vector<16xf32>,
        %add3A_316 = arith.constant 1 : i32
        %add3A_317 = arith.addi %mul3A_196, %add3A_316 : i32
        %get3A_318 = arith.index_cast %add3A_317 : i32 to index
        %get3A_319 = arith.constant 32 : index
        %get3A_320 = tpu.vector_load %arg10[%get3A_318, %get3A_319] {strides = array<i32>} : memref<128x128xf32, #tpu.memory_space<vmem>>, vector<16xf32>,
        %mul3A_321 = arith.mulf %get3A_320, %gather3A_206 : vector<16xf32>
        %add3A_322 = arith.constant 1 : i32
        %add3A_323 = arith.addi %mul3A_196, %add3A_322 : i32
        %swap3A_324 = arith.index_cast %add3A_323 : i32 to index
        %swap3A_325 = arith.constant 32 : index
        %swap3A_326 = tpu.vector_load %arg10[%swap3A_324, %swap3A_325] {strides = array<i32>} : memref<128x128xf32, #tpu.memory_space<vmem>>, vector<16xf32>,
        tpu.vector_store %arg10[%swap3A_324, %swap3A_325], %mul3A_321 {strides = array<i32>} : memref<128x128xf32, #tpu.memory_space<vmem>>, vector<16xf32>,
        %add3A_327 = arith.constant 2 : i32
        %add3A_328 = arith.addi %mul3A_196, %add3A_327 : i32
        %get3A_329 = arith.index_cast %add3A_328 : i32 to index
        %get3A_330 = arith.constant 32 : index
        %get3A_331 = tpu.vector_load %arg10[%get3A_329, %get3A_330] {strides = array<i32>} : memref<128x128xf32, #tpu.memory_space<vmem>>, vector<16xf32>,
        %mul3A_332 = arith.mulf %get3A_331, %gather3A_212 : vector<16xf32>
        %add3A_333 = arith.constant 2 : i32
        %add3A_334 = arith.addi %mul3A_196, %add3A_333 : i32
        %swap3A_335 = arith.index_cast %add3A_334 : i32 to index
        %swap3A_336 = arith.constant 32 : index
        %swap3A_337 = tpu.vector_load %arg10[%swap3A_335, %swap3A_336] {strides = array<i32>} : memref<128x128xf32, #tpu.memory_space<vmem>>, vector<16xf32>,
        tpu.vector_store %arg10[%swap3A_335, %swap3A_336], %mul3A_332 {strides = array<i32>} : memref<128x128xf32, #tpu.memory_space<vmem>>, vector<16xf32>,
        %add3A_338 = arith.constant 3 : i32
        %add3A_339 = arith.addi %mul3A_196, %add3A_338 : i32
        %get3A_340 = arith.index_cast %add3A_339 : i32 to index
        %get3A_341 = arith.constant 32 : index
        %get3A_342 = tpu.vector_load %arg10[%get3A_340, %get3A_341] {strides = array<i32>} : memref<128x128xf32, #tpu.memory_space<vmem>>, vector<16xf32>,
        %mul3A_343 = arith.mulf %get3A_342, %gather3A_218 : vector<16xf32>
        %add3A_344 = arith.constant 3 : i32
        %add3A_345 = arith.addi %mul3A_196, %add3A_344 : i32
        %swap3A_346 = arith.index_cast %add3A_345 : i32 to index
        %swap3A_347 = arith.constant 32 : index
        %swap3A_348 = tpu.vector_load %arg10[%swap3A_346, %swap3A_347] {strides = array<i32>} : memref<128x128xf32, #tpu.memory_space<vmem>>, vector<16xf32>,
        tpu.vector_store %arg10[%swap3A_346, %swap3A_347], %mul3A_343 {strides = array<i32>} : memref<128x128xf32, #tpu.memory_space<vmem>>, vector<16xf32>,
        %add3A_349 = arith.constant 0 : i32
        %add3A_350 = arith.addi %mul3A_196, %add3A_349 : i32
        %get3A_351 = arith.index_cast %add3A_350 : i32 to index
        %get3A_352 = arith.constant 48 : index
        %get3A_353 = tpu.vector_load %arg10[%get3A_351, %get3A_352] {strides = array<i32>} : memref<128x128xf32, #tpu.memory_space<vmem>>, vector<16xf32>,
        %mul3A_354 = arith.mulf %get3A_353, %gather3A : vector<16xf32>
        %add3A_355 = arith.constant 0 : i32
        %add3A_356 = arith.addi %mul3A_196, %add3A_355 : i32
        %swap3A_357 = arith.index_cast %add3A_356 : i32 to index
        %swap3A_358 = arith.constant 48 : index
        %swap3A_359 = tpu.vector_load %arg10[%swap3A_357, %swap3A_358] {strides = array<i32>} : memref<128x128xf32, #tpu.memory_space<vmem>>, vector<16xf32>,
        tpu.vector_store %arg10[%swap3A_357, %swap3A_358], %mul3A_354 {strides = array<i32>} : memref<128x128xf32, #tpu.memory_space<vmem>>, vector<16xf32>,
        %add3A_360 = arith.constant 1 : i32
        %add3A_361 = arith.addi %mul3A_196, %add3A_360 : i32
        %get3A_362 = arith.index_cast %add3A_361 : i32 to index
        %get3A_363 = arith.constant 48 : index
        %get3A_364 = tpu.vector_load %arg10[%get3A_362, %get3A_363] {strides = array<i32>} : memref<128x128xf32, #tpu.memory_space<vmem>>, vector<16xf32>,
        %mul3A_365 = arith.mulf %get3A_364, %gather3A_206 : vector<16xf32>
        %add3A_366 = arith.constant 1 : i32
        %add3A_367 = arith.addi %mul3A_196, %add3A_366 : i32
        %swap3A_368 = arith.index_cast %add3A_367 : i32 to index
        %swap3A_369 = arith.constant 48 : index
        %swap3A_370 = tpu.vector_load %arg10[%swap3A_368, %swap3A_369] {strides = array<i32>} : memref<128x128xf32, #tpu.memory_space<vmem>>, vector<16xf32>,
        tpu.vector_store %arg10[%swap3A_368, %swap3A_369], %mul3A_365 {strides = array<i32>} : memref<128x128xf32, #tpu.memory_space<vmem>>, vector<16xf32>,
        %add3A_371 = arith.constant 2 : i32
        %add3A_372 = arith.addi %mul3A_196, %add3A_371 : i32
        %get3A_373 = arith.index_cast %add3A_372 : i32 to index
        %get3A_374 = arith.constant 48 : index
        %get3A_375 = tpu.vector_load %arg10[%get3A_373, %get3A_374] {strides = array<i32>} : memref<128x128xf32, #tpu.memory_space<vmem>>, vector<16xf32>,
        %mul3A_376 = arith.mulf %get3A_375, %gather3A_212 : vector<16xf32>
        %add3A_377 = arith.constant 2 : i32
        %add3A_378 = arith.addi %mul3A_196, %add3A_377 : i32
        %swap3A_379 = arith.index_cast %add3A_378 : i32 to index
        %swap3A_380 = arith.constant 48 : index
        %swap3A_381 = tpu.vector_load %arg10[%swap3A_379, %swap3A_380] {strides = array<i32>} : memref<128x128xf32, #tpu.memory_space<vmem>>, vector<16xf32>,
        tpu.vector_store %arg10[%swap3A_379, %swap3A_380], %mul3A_376 {strides = array<i32>} : memref<128x128xf32, #tpu.memory_space<vmem>>, vector<16xf32>,
        %add3A_382 = arith.constant 3 : i32
        %add3A_383 = arith.addi %mul3A_196, %add3A_382 : i32
        %get3A_384 = arith.index_cast %add3A_383 : i32 to index
        %get3A_385 = arith.constant 48 : index
        %get3A_386 = tpu.vector_load %arg10[%get3A_384, %get3A_385] {strides = array<i32>} : memref<128x128xf32, #tpu.memory_space<vmem>>, vector<16xf32>,
        %mul3A_387 = arith.mulf %get3A_386, %gather3A_218 : vector<16xf32>
        %add3A_388 = arith.constant 3 : i32
        %add3A_389 = arith.addi %mul3A_196, %add3A_388 : i32
        %swap3A_390 = arith.index_cast %add3A_389 : i32 to index
        %swap3A_391 = arith.constant 48 : index
        %swap3A_392 = tpu.vector_load %arg10[%swap3A_390, %swap3A_391] {strides = array<i32>} : memref<128x128xf32, #tpu.memory_space<vmem>>, vector<16xf32>,
        tpu.vector_store %arg10[%swap3A_390, %swap3A_391], %mul3A_387 {strides = array<i32>} : memref<128x128xf32, #tpu.memory_space<vmem>>, vector<16xf32>,
        %add3A_393 = arith.constant 0 : i32
        %add3A_394 = arith.addi %mul3A_196, %add3A_393 : i32
        %get3A_395 = arith.index_cast %add3A_394 : i32 to index
        %get3A_396 = arith.constant 64 : index
        %get3A_397 = tpu.vector_load %arg10[%get3A_395, %get3A_396] {strides = array<i32>} : memref<128x128xf32, #tpu.memory_space<vmem>>, vector<16xf32>,
        %mul3A_398 = arith.mulf %get3A_397, %gather3A : vector<16xf32>
        %add3A_399 = arith.constant 0 : i32
        %add3A_400 = arith.addi %mul3A_196, %add3A_399 : i32
        %swap3A_401 = arith.index_cast %add3A_400 : i32 to index
        %swap3A_402 = arith.constant 64 : index
        %swap3A_403 = tpu.vector_load %arg10[%swap3A_401, %swap3A_402] {strides = array<i32>} : memref<128x128xf32, #tpu.memory_space<vmem>>, vector<16xf32>,
        tpu.vector_store %arg10[%swap3A_401, %swap3A_402], %mul3A_398 {strides = array<i32>} : memref<128x128xf32, #tpu.memory_space<vmem>>, vector<16xf32>,
        %add3A_404 = arith.constant 1 : i32
        %add3A_405 = arith.addi %mul3A_196, %add3A_404 : i32
        %get3A_406 = arith.index_cast %add3A_405 : i32 to index
        %get3A_407 = arith.constant 64 : index
        %get3A_408 = tpu.vector_load %arg10[%get3A_406, %get3A_407] {strides = array<i32>} : memref<128x128xf32, #tpu.memory_space<vmem>>, vector<16xf32>,
        %mul3A_409 = arith.mulf %get3A_408, %gather3A_206 : vector<16xf32>
        %add3A_410 = arith.constant 1 : i32
        %add3A_411 = arith.addi %mul3A_196, %add3A_410 : i32
        %swap3A_412 = arith.index_cast %add3A_411 : i32 to index
        %swap3A_413 = arith.constant 64 : index
        %swap3A_414 = tpu.vector_load %arg10[%swap3A_412, %swap3A_413] {strides = array<i32>} : memref<128x128xf32, #tpu.memory_space<vmem>>, vector<16xf32>,
        tpu.vector_store %arg10[%swap3A_412, %swap3A_413], %mul3A_409 {strides = array<i32>} : memref<128x128xf32, #tpu.memory_space<vmem>>, vector<16xf32>,
        %add3A_415 = arith.constant 2 : i32
        %add3A_416 = arith.addi %mul3A_196, %add3A_415 : i32
        %get3A_417 = arith.index_cast %add3A_416 : i32 to index
        %get3A_418 = arith.constant 64 : index
        %get3A_419 = tpu.vector_load %arg10[%get3A_417, %get3A_418] {strides = array<i32>} : memref<128x128xf32, #tpu.memory_space<vmem>>, vector<16xf32>,
        %mul3A_420 = arith.mulf %get3A_419, %gather3A_212 : vector<16xf32>
        %add3A_421 = arith.constant 2 : i32
        %add3A_422 = arith.addi %mul3A_196, %add3A_421 : i32
        %swap3A_423 = arith.index_cast %add3A_422 : i32 to index
        %swap3A_424 = arith.constant 64 : index
        %swap3A_425 = tpu.vector_load %arg10[%swap3A_423, %swap3A_424] {strides = array<i32>} : memref<128x128xf32, #tpu.memory_space<vmem>>, vector<16xf32>,
        tpu.vector_store %arg10[%swap3A_423, %swap3A_424], %mul3A_420 {strides = array<i32>} : memref<128x128xf32, #tpu.memory_space<vmem>>, vector<16xf32>,
        %add3A_426 = arith.constant 3 : i32
        %add3A_427 = arith.addi %mul3A_196, %add3A_426 : i32
        %get3A_428 = arith.index_cast %add3A_427 : i32 to index
        %get3A_429 = arith.constant 64 : index
        %get3A_430 = tpu.vector_load %arg10[%get3A_428, %get3A_429] {strides = array<i32>} : memref<128x128xf32, #tpu.memory_space<vmem>>, vector<16xf32>,
        %mul3A_431 = arith.mulf %get3A_430, %gather3A_218 : vector<16xf32>
        %add3A_432 = arith.constant 3 : i32
        %add3A_433 = arith.addi %mul3A_196, %add3A_432 : i32
        %swap3A_434 = arith.index_cast %add3A_433 : i32 to index
        %swap3A_435 = arith.constant 64 : index
        %swap3A_436 = tpu.vector_load %arg10[%swap3A_434, %swap3A_435] {strides = array<i32>} : memref<128x128xf32, #tpu.memory_space<vmem>>, vector<16xf32>,
        tpu.vector_store %arg10[%swap3A_434, %swap3A_435], %mul3A_431 {strides = array<i32>} : memref<128x128xf32, #tpu.memory_space<vmem>>, vector<16xf32>,
        %add3A_437 = arith.constant 0 : i32
        %add3A_438 = arith.addi %mul3A_196, %add3A_437 : i32
        %get3A_439 = arith.index_cast %add3A_438 : i32 to index
        %get3A_440 = arith.constant 80 : index
        %get3A_441 = tpu.vector_load %arg10[%get3A_439, %get3A_440] {strides = array<i32>} : memref<128x128xf32, #tpu.memory_space<vmem>>, vector<16xf32>,
        %mul3A_442 = arith.mulf %get3A_441, %gather3A : vector<16xf32>
        %add3A_443 = arith.constant 0 : i32
        %add3A_444 = arith.addi %mul3A_196, %add3A_443 : i32
        %swap3A_445 = arith.index_cast %add3A_444 : i32 to index
        %swap3A_446 = arith.constant 80 : index
        %swap3A_447 = tpu.vector_load %arg10[%swap3A_445, %swap3A_446] {strides = array<i32>} : memref<128x128xf32, #tpu.memory_space<vmem>>, vector<16xf32>,
        tpu.vector_store %arg10[%swap3A_445, %swap3A_446], %mul3A_442 {strides = array<i32>} : memref<128x128xf32, #tpu.memory_space<vmem>>, vector<16xf32>,
        %add3A_448 = arith.constant 1 : i32
        %add3A_449 = arith.addi %mul3A_196, %add3A_448 : i32
        %get3A_450 = arith.index_cast %add3A_449 : i32 to index
        %get3A_451 = arith.constant 80 : index
        %get3A_452 = tpu.vector_load %arg10[%get3A_450, %get3A_451] {strides = array<i32>} : memref<128x128xf32, #tpu.memory_space<vmem>>, vector<16xf32>,
        %mul3A_453 = arith.mulf %get3A_452, %gather3A_206 : vector<16xf32>
        %add3A_454 = arith.constant 1 : i32
        %add3A_455 = arith.addi %mul3A_196, %add3A_454 : i32
        %swap3A_456 = arith.index_cast %add3A_455 : i32 to index
        %swap3A_457 = arith.constant 80 : index
        %swap3A_458 = tpu.vector_load %arg10[%swap3A_456, %swap3A_457] {strides = array<i32>} : memref<128x128xf32, #tpu.memory_space<vmem>>, vector<16xf32>,
        tpu.vector_store %arg10[%swap3A_456, %swap3A_457], %mul3A_453 {strides = array<i32>} : memref<128x128xf32, #tpu.memory_space<vmem>>, vector<16xf32>,
        %add3A_459 = arith.constant 2 : i32
        %add3A_460 = arith.addi %mul3A_196, %add3A_459 : i32
        %get3A_461 = arith.index_cast %add3A_460 : i32 to index
        %get3A_462 = arith.constant 80 : index
        %get3A_463 = tpu.vector_load %arg10[%get3A_461, %get3A_462] {strides = array<i32>} : memref<128x128xf32, #tpu.memory_space<vmem>>, vector<16xf32>,
        %mul3A_464 = arith.mulf %get3A_463, %gather3A_212 : vector<16xf32>
        %add3A_465 = arith.constant 2 : i32
        %add3A_466 = arith.addi %mul3A_196, %add3A_465 : i32
        %swap3A_467 = arith.index_cast %add3A_466 : i32 to index
        %swap3A_468 = arith.constant 80 : index
        %swap3A_469 = tpu.vector_load %arg10[%swap3A_467, %swap3A_468] {strides = array<i32>} : memref<128x128xf32, #tpu.memory_space<vmem>>, vector<16xf32>,
        tpu.vector_store %arg10[%swap3A_467, %swap3A_468], %mul3A_464 {strides = array<i32>} : memref<128x128xf32, #tpu.memory_space<vmem>>, vector<16xf32>,
        %add3A_470 = arith.constant 3 : i32
        %add3A_471 = arith.addi %mul3A_196, %add3A_470 : i32
        %get3A_472 = arith.index_cast %add3A_471 : i32 to index
        %get3A_473 = arith.constant 80 : index
        %get3A_474 = tpu.vector_load %arg10[%get3A_472, %get3A_473] {strides = array<i32>} : memref<128x128xf32, #tpu.memory_space<vmem>>, vector<16xf32>,
        %mul3A_475 = arith.mulf %get3A_474, %gather3A_218 : vector<16xf32>
        %add3A_476 = arith.constant 3 : i32
        %add3A_477 = arith.addi %mul3A_196, %add3A_476 : i32
        %swap3A_478 = arith.index_cast %add3A_477 : i32 to index
        %swap3A_479 = arith.constant 80 : index
        %swap3A_480 = tpu.vector_load %arg10[%swap3A_478, %swap3A_479] {strides = array<i32>} : memref<128x128xf32, #tpu.memory_space<vmem>>, vector<16xf32>,
        tpu.vector_store %arg10[%swap3A_478, %swap3A_479], %mul3A_475 {strides = array<i32>} : memref<128x128xf32, #tpu.memory_space<vmem>>, vector<16xf32>,
        %add3A_481 = arith.constant 0 : i32
        %add3A_482 = arith.addi %mul3A_196, %add3A_481 : i32
        %get3A_483 = arith.index_cast %add3A_482 : i32 to index
        %get3A_484 = arith.constant 96 : index
        %get3A_485 = tpu.vector_load %arg10[%get3A_483, %get3A_484] {strides = array<i32>} : memref<128x128xf32, #tpu.memory_space<vmem>>, vector<16xf32>,
        %mul3A_486 = arith.mulf %get3A_485, %gather3A : vector<16xf32>
        %add3A_487 = arith.constant 0 : i32
        %add3A_488 = arith.addi %mul3A_196, %add3A_487 : i32
        %swap3A_489 = arith.index_cast %add3A_488 : i32 to index
        %swap3A_490 = arith.constant 96 : index
        %swap3A_491 = tpu.vector_load %arg10[%swap3A_489, %swap3A_490] {strides = array<i32>} : memref<128x128xf32, #tpu.memory_space<vmem>>, vector<16xf32>,
        tpu.vector_store %arg10[%swap3A_489, %swap3A_490], %mul3A_486 {strides = array<i32>} : memref<128x128xf32, #tpu.memory_space<vmem>>, vector<16xf32>,
        %add3A_492 = arith.constant 1 : i32
        %add3A_493 = arith.addi %mul3A_196, %add3A_492 : i32
        %get3A_494 = arith.index_cast %add3A_493 : i32 to index
        %get3A_495 = arith.constant 96 : index
        %get3A_496 = tpu.vector_load %arg10[%get3A_494, %get3A_495] {strides = array<i32>} : memref<128x128xf32, #tpu.memory_space<vmem>>, vector<16xf32>,
        %mul3A_497 = arith.mulf %get3A_496, %gather3A_206 : vector<16xf32>
        %add3A_498 = arith.constant 1 : i32
        %add3A_499 = arith.addi %mul3A_196, %add3A_498 : i32
        %swap3A_500 = arith.index_cast %add3A_499 : i32 to index
        %swap3A_501 = arith.constant 96 : index
        %swap3A_502 = tpu.vector_load %arg10[%swap3A_500, %swap3A_501] {strides = array<i32>} : memref<128x128xf32, #tpu.memory_space<vmem>>, vector<16xf32>,
        tpu.vector_store %arg10[%swap3A_500, %swap3A_501], %mul3A_497 {strides = array<i32>} : memref<128x128xf32, #tpu.memory_space<vmem>>, vector<16xf32>,
        %add3A_503 = arith.constant 2 : i32
        %add3A_504 = arith.addi %mul3A_196, %add3A_503 : i32
        %get3A_505 = arith.index_cast %add3A_504 : i32 to index
        %get3A_506 = arith.constant 96 : index
        %get3A_507 = tpu.vector_load %arg10[%get3A_505, %get3A_506] {strides = array<i32>} : memref<128x128xf32, #tpu.memory_space<vmem>>, vector<16xf32>,
        %mul3A_508 = arith.mulf %get3A_507, %gather3A_212 : vector<16xf32>
        %add3A_509 = arith.constant 2 : i32
        %add3A_510 = arith.addi %mul3A_196, %add3A_509 : i32
        %swap3A_511 = arith.index_cast %add3A_510 : i32 to index
        %swap3A_512 = arith.constant 96 : index
        %swap3A_513 = tpu.vector_load %arg10[%swap3A_511, %swap3A_512] {strides = array<i32>} : memref<128x128xf32, #tpu.memory_space<vmem>>, vector<16xf32>,
        tpu.vector_store %arg10[%swap3A_511, %swap3A_512], %mul3A_508 {strides = array<i32>} : memref<128x128xf32, #tpu.memory_space<vmem>>, vector<16xf32>,
        %add3A_514 = arith.constant 3 : i32
        %add3A_515 = arith.addi %mul3A_196, %add3A_514 : i32
        %get3A_516 = arith.index_cast %add3A_515 : i32 to index
        %get3A_517 = arith.constant 96 : index
        %get3A_518 = tpu.vector_load %arg10[%get3A_516, %get3A_517] {strides = array<i32>} : memref<128x128xf32, #tpu.memory_space<vmem>>, vector<16xf32>,
        %mul3A_519 = arith.mulf %get3A_518, %gather3A_218 : vector<16xf32>
        %add3A_520 = arith.constant 3 : i32
        %add3A_521 = arith.addi %mul3A_196, %add3A_520 : i32
        %swap3A_522 = arith.index_cast %add3A_521 : i32 to index
        %swap3A_523 = arith.constant 96 : index
        %swap3A_524 = tpu.vector_load %arg10[%swap3A_522, %swap3A_523] {strides = array<i32>} : memref<128x128xf32, #tpu.memory_space<vmem>>, vector<16xf32>,
        tpu.vector_store %arg10[%swap3A_522, %swap3A_523], %mul3A_519 {strides = array<i32>} : memref<128x128xf32, #tpu.memory_space<vmem>>, vector<16xf32>,
        %add3A_525 = arith.constant 0 : i32
        %add3A_526 = arith.addi %mul3A_196, %add3A_525 : i32
        %get3A_527 = arith.index_cast %add3A_526 : i32 to index
        %get3A_528 = arith.constant 112 : index
        %get3A_529 = tpu.vector_load %arg10[%get3A_527, %get3A_528] {strides = array<i32>} : memref<128x128xf32, #tpu.memory_space<vmem>>, vector<16xf32>,
        %mul3A_530 = arith.mulf %get3A_529, %gather3A : vector<16xf32>
        %add3A_531 = arith.constant 0 : i32
        %add3A_532 = arith.addi %mul3A_196, %add3A_531 : i32
        %swap3A_533 = arith.index_cast %add3A_532 : i32 to index
        %swap3A_534 = arith.constant 112 : index
        %swap3A_535 = tpu.vector_load %arg10[%swap3A_533, %swap3A_534] {strides = array<i32>} : memref<128x128xf32, #tpu.memory_space<vmem>>, vector<16xf32>,
        tpu.vector_store %arg10[%swap3A_533, %swap3A_534], %mul3A_530 {strides = array<i32>} : memref<128x128xf32, #tpu.memory_space<vmem>>, vector<16xf32>,
        %add3A_536 = arith.constant 1 : i32
        %add3A_537 = arith.addi %mul3A_196, %add3A_536 : i32
        %get3A_538 = arith.index_cast %add3A_537 : i32 to index
        %get3A_539 = arith.constant 112 : index
        %get3A_540 = tpu.vector_load %arg10[%get3A_538, %get3A_539] {strides = array<i32>} : memref<128x128xf32, #tpu.memory_space<vmem>>, vector<16xf32>,
        %mul3A_541 = arith.mulf %get3A_540, %gather3A_206 : vector<16xf32>
        %add3A_542 = arith.constant 1 : i32
        %add3A_543 = arith.addi %mul3A_196, %add3A_542 : i32
        %swap3A_544 = arith.index_cast %add3A_543 : i32 to index
        %swap3A_545 = arith.constant 112 : index
        %swap3A_546 = tpu.vector_load %arg10[%swap3A_544, %swap3A_545] {strides = array<i32>} : memref<128x128xf32, #tpu.memory_space<vmem>>, vector<16xf32>,
        tpu.vector_store %arg10[%swap3A_544, %swap3A_545], %mul3A_541 {strides = array<i32>} : memref<128x128xf32, #tpu.memory_space<vmem>>, vector<16xf32>,
        %add3A_547 = arith.constant 2 : i32
        %add3A_548 = arith.addi %mul3A_196, %add3A_547 : i32
        %get3A_549 = arith.index_cast %add3A_548 : i32 to index
        %get3A_550 = arith.constant 112 : index
        %get3A_551 = tpu.vector_load %arg10[%get3A_549, %get3A_550] {strides = array<i32>} : memref<128x128xf32, #tpu.memory_space<vmem>>, vector<16xf32>,
        %mul3A_552 = arith.mulf %get3A_551, %gather3A_212 : vector<16xf32>
        %add3A_553 = arith.constant 2 : i32
        %add3A_554 = arith.addi %mul3A_196, %add3A_553 : i32
        %swap3A_555 = arith.index_cast %add3A_554 : i32 to index
        %swap3A_556 = arith.constant 112 : index
        %swap3A_557 = tpu.vector_load %arg10[%swap3A_555, %swap3A_556] {strides = array<i32>} : memref<128x128xf32, #tpu.memory_space<vmem>>, vector<16xf32>,
        tpu.vector_store %arg10[%swap3A_555, %swap3A_556], %mul3A_552 {strides = array<i32>} : memref<128x128xf32, #tpu.memory_space<vmem>>, vector<16xf32>,
        %add3A_558 = arith.constant 3 : i32
        %add3A_559 = arith.addi %mul3A_196, %add3A_558 : i32
        %get3A_560 = arith.index_cast %add3A_559 : i32 to index
        %get3A_561 = arith.constant 112 : index
        %get3A_562 = tpu.vector_load %arg10[%get3A_560, %get3A_561] {strides = array<i32>} : memref<128x128xf32, #tpu.memory_space<vmem>>, vector<16xf32>,
        %mul3A_563 = arith.mulf %get3A_562, %gather3A_218 : vector<16xf32>
        %add3A_564 = arith.constant 3 : i32
        %add3A_565 = arith.addi %mul3A_196, %add3A_564 : i32
        %swap3A_566 = arith.index_cast %add3A_565 : i32 to index
        %swap3A_567 = arith.constant 112 : index
        %swap3A_568 = tpu.vector_load %arg10[%swap3A_566, %swap3A_567] {strides = array<i32>} : memref<128x128xf32, #tpu.memory_space<vmem>>, vector<16xf32>,
        tpu.vector_store %arg10[%swap3A_566, %swap3A_567], %mul3A_563 {strides = array<i32>} : memref<128x128xf32, #tpu.memory_space<vmem>>, vector<16xf32>,
      }
      %scan3A_130 = arith.constant 32 : i32
      %dma_start3A_131 = arith.constant 0 : i32
      %dma_start3A_132 = arith.constant 0 : i32
      %dma_start3A_133 = tpu.memref_slice %arg8[%dma_start3A_131, %dma_start3A_132] : memref<2x128xi32, #tpu.memory_space<vmem>> -> memref<1x128xi32, #tpu.memory_space<vmem>>
      %dma_start3A_134 = tpu.memref_squeeze %dma_start3A_133 : memref<1x128xi32, #tpu.memory_space<vmem>> -> memref<128xi32, #tpu.memory_space<vmem>>
      %dma_start3A_135 = arith.constant 0 : i32
      %dma_start3A_136 = arith.constant 0 : i32
      %dma_start3A_137 = tpu.memref_slice %arg12[%dma_start3A_135, %dma_start3A_136] : memref<10240x128xf32, #tpu.memory_space<vmem_shared>> -> memref<10240x128xf32, #tpu.memory_space<vmem_shared>>
      tpu.enqueue_indirect_dma source(%arg10 : memref<128x128xf32, #tpu.memory_space<vmem>>) target(%dma_start3A_137 : memref<10240x128xf32, #tpu.memory_space<vmem_shared>>) offsets(%dma_start3A_134 : memref<128xi32, #tpu.memory_space<vmem>>) semaphore(%arg15 : memref<!tpu.dma_semaphore, #tpu.memory_space<semaphore_mem>>) {add = true}
      %mul3A_138 = arith.constant 2 : i32
      %mul3A_139 = arith.muli %scan3A_84, %mul3A_138 : i32
      %add3A_140 = arith.constant 1 : i32
      %add3A_141 = arith.addi %mul3A_139, %add3A_140 : i32
      %add3A_142 = arith.constant 1 : i32
      %add3A_143 = arith.addi %add3A_141, %add3A_142 : i32
      %lt3A_144 = arith.constant 80 : i32
      %lt3A_145 = arith.cmpi slt, %add3A_143, %lt3A_144 : i32
      %convert_element_type3A_146 = arith.extui %lt3A_145 : i1 to i32
      %cond3A_147 = arith.constant 0 : i32
      %cond3A_148 = arith.cmpi ne, %convert_element_type3A_146, %cond3A_147 : i32
      scf.if %cond3A_148 {
        %gt3A = arith.constant 0 : i32
        %gt3A_194 = arith.cmpi sgt, %add3A_141, %gt3A : i32
        %convert_element_type3A_195 = arith.extui %gt3A_194 : i1 to i32
        %cond3A_196 = arith.constant 0 : i32
        %cond3A_197 = arith.cmpi ne, %convert_element_type3A_195, %cond3A_196 : i32
        scf.if %cond3A_197 {
          %dma_wait3A_236 = arith.constant 0 : i32
          %dma_wait3A_237 = arith.constant 0 : i32
          %dma_wait3A_238 = tpu.memref_slice %arg8[%dma_wait3A_236, %dma_wait3A_237] : memref<2x128xi32, #tpu.memory_space<vmem>> -> memref<1x128xi32, #tpu.memory_space<vmem>>
          %dma_wait3A_239 = tpu.memref_squeeze %dma_wait3A_238 : memref<1x128xi32, #tpu.memory_space<vmem>> -> memref<128xi32, #tpu.memory_space<vmem>>
          %dma_wait3A_240 = arith.constant 0 : i32
          %dma_wait3A_241 = arith.constant 0 : i32
          %dma_wait3A_242 = tpu.memref_slice %arg12[%dma_wait3A_240, %dma_wait3A_241] : memref<10240x128xf32, #tpu.memory_space<vmem_shared>> -> memref<10240x128xf32, #tpu.memory_space<vmem_shared>>
          tpu.wait_indirect_dma semaphore(%arg15 : memref<!tpu.dma_semaphore, #tpu.memory_space<semaphore_mem>>) src(%arg10 : memref<128x128xf32, #tpu.memory_space<vmem>>) dst(%dma_wait3A_242 : memref<10240x128xf32, #tpu.memory_space<vmem_shared>>)
        } else {
        }
        %add3A_198 = arith.constant 1 : i32
        %add3A_199 = arith.addi %add3A_141, %add3A_198 : i32
        %dma_start3A_200 = arith.constant 0 : i32
        %dma_start3A_201 = arith.constant 0 : i32
        %dma_start3A_202 = tpu.memref_slice %arg8[%dma_start3A_200, %dma_start3A_201] : memref<2x128xi32, #tpu.memory_space<vmem>> -> memref<1x128xi32, #tpu.memory_space<vmem>>
        %dma_start3A_203 = tpu.memref_squeeze %dma_start3A_202 : memref<1x128xi32, #tpu.memory_space<vmem>> -> memref<128xi32, #tpu.memory_space<vmem>>
        %dma_start3A_204 = arith.constant 0 : i32
        %dma_start3A_205 = tpu.memref_slice %arg4[%add3A, %add3A_199, %dma_start3A_204] : memref<32x80x128xi32, #tpu.memory_space<hbm>> -> memref<1x1x128xi32, #tpu.memory_space<hbm>>
        %dma_start3A_206 = tpu.memref_squeeze %dma_start3A_205 : memref<1x1x128xi32, #tpu.memory_space<hbm>> -> memref<128xi32, #tpu.memory_space<hbm>>
        %dma_start3A_207 = arith.constant 0 : i32
        %dma_start3A_208 = tpu.memref_slice %arg8[%dma_start3A_200, %dma_start3A_207] : memref<2x128xi32, #tpu.memory_space<vmem>> -> memref<1x128xi32, #tpu.memory_space<vmem>>
        %dma_start3A_209 = tpu.memref_squeeze %dma_start3A_208 : memref<1x128xi32, #tpu.memory_space<vmem>> -> memref<128xi32, #tpu.memory_space<vmem>>
        %dma_start3A_210 = arith.constant 0 : i32
        %dma_start3A_211 = tpu.memref_slice %arg4[%add3A, %add3A_199, %dma_start3A_210] : memref<32x80x128xi32, #tpu.memory_space<hbm>> -> memref<1x1x128xi32, #tpu.memory_space<hbm>>
        %dma_start3A_212 = tpu.memref_squeeze %dma_start3A_211 : memref<1x1x128xi32, #tpu.memory_space<hbm>> -> memref<128xi32, #tpu.memory_space<hbm>>
        tpu.enqueue_dma source(%dma_start3A_212 : memref<128xi32, #tpu.memory_space<hbm>>) target(%dma_start3A_209 : memref<128xi32, #tpu.memory_space<vmem>>) target_semaphore(%arg17 : memref<!tpu.dma_semaphore, #tpu.memory_space<semaphore_mem>>)
        %add3A_213 = arith.constant 1 : i32
        %add3A_214 = arith.addi %add3A_141, %add3A_213 : i32
        %dma_start3A_215 = arith.constant 0 : i32
        %dma_start3A_216 = arith.constant 0 : i32
        %dma_start3A_217 = tpu.memref_slice %arg9[%dma_start3A_215, %dma_start3A_216] : memref<2x128xf32, #tpu.memory_space<vmem>> -> memref<1x128xf32, #tpu.memory_space<vmem>>
        %dma_start3A_218 = tpu.memref_squeeze %dma_start3A_217 : memref<1x128xf32, #tpu.memory_space<vmem>> -> memref<128xf32, #tpu.memory_space<vmem>>
        %dma_start3A_219 = arith.constant 0 : i32
        %dma_start3A_220 = tpu.memref_slice %arg5[%add3A, %add3A_214, %dma_start3A_219] : memref<32x80x128xf32, #tpu.memory_space<hbm>> -> memref<1x1x128xf32, #tpu.memory_space<hbm>>
        %dma_start3A_221 = tpu.memref_squeeze %dma_start3A_220 : memref<1x1x128xf32, #tpu.memory_space<hbm>> -> memref<128xf32, #tpu.memory_space<hbm>>
        %dma_start3A_222 = arith.constant 0 : i32
        %dma_start3A_223 = tpu.memref_slice %arg9[%dma_start3A_215, %dma_start3A_222] : memref<2x128xf32, #tpu.memory_space<vmem>> -> memref<1x128xf32, #tpu.memory_space<vmem>>
        %dma_start3A_224 = tpu.memref_squeeze %dma_start3A_223 : memref<1x128xf32, #tpu.memory_space<vmem>> -> memref<128xf32, #tpu.memory_space<vmem>>
        %dma_start3A_225 = arith.constant 0 : i32
        %dma_start3A_226 = tpu.memref_slice %arg5[%add3A, %add3A_214, %dma_start3A_225] : memref<32x80x128xf32, #tpu.memory_space<hbm>> -> memref<1x1x128xf32, #tpu.memory_space<hbm>>
        %dma_start3A_227 = tpu.memref_squeeze %dma_start3A_226 : memref<1x1x128xf32, #tpu.memory_space<hbm>> -> memref<128xf32, #tpu.memory_space<hbm>>
        tpu.enqueue_dma source(%dma_start3A_227 : memref<128xf32, #tpu.memory_space<hbm>>) target(%dma_start3A_224 : memref<128xf32, #tpu.memory_space<vmem>>) target_semaphore(%arg17 : memref<!tpu.dma_semaphore, #tpu.memory_space<semaphore_mem>>)
        %add3A_228 = arith.constant 1 : i32
        %add3A_229 = arith.addi %add3A_141, %add3A_228 : i32
        %dma_start3A_230 = arith.constant 0 : i32
        %dma_start3A_231 = tpu.memref_slice %arg7[%add3A_229, %dma_start3A_230] : memref<80x128xi32, #tpu.memory_space<vmem>> -> memref<1x128xi32, #tpu.memory_space<vmem>>
        %dma_start3A_232 = tpu.memref_squeeze %dma_start3A_231 : memref<1x128xi32, #tpu.memory_space<vmem>> -> memref<128xi32, #tpu.memory_space<vmem>>
        %dma_start3A_233 = arith.constant 0 : i32
        %dma_start3A_234 = arith.constant 0 : i32
        %dma_start3A_235 = tpu.memref_slice %arg2[%dma_start3A_233, %dma_start3A_234] : memref<10000x128xf32, #tpu.memory_space<hbm>> -> memref<10000x128xf32, #tpu.memory_space<hbm>>
        tpu.enqueue_indirect_dma source(%dma_start3A_235 : memref<10000x128xf32, #tpu.memory_space<hbm>>) target(%arg10 : memref<128x128xf32, #tpu.memory_space<vmem>>) offsets(%dma_start3A_232 : memref<128xi32, #tpu.memory_space<vmem>>) semaphore(%arg13 : memref<!tpu.dma_semaphore, #tpu.memory_space<semaphore_mem>>)
      } else {
      }
      %dma_wait3A_149 = arith.constant 0 : i32
      %dma_wait3A_150 = tpu.memref_slice %arg7[%add3A_141, %dma_wait3A_149] : memref<80x128xi32, #tpu.memory_space<vmem>> -> memref<1x128xi32, #tpu.memory_space<vmem>>
      %dma_wait3A_151 = tpu.memref_squeeze %dma_wait3A_150 : memref<1x128xi32, #tpu.memory_space<vmem>> -> memref<128xi32, #tpu.memory_space<vmem>>
      %dma_wait3A_152 = arith.constant 0 : i32
      %dma_wait3A_153 = arith.constant 0 : i32
      %dma_wait3A_154 = tpu.memref_slice %arg2[%dma_wait3A_152, %dma_wait3A_153] : memref<10000x128xf32, #tpu.memory_space<hbm>> -> memref<10000x128xf32, #tpu.memory_space<hbm>>
      tpu.wait_indirect_dma semaphore(%arg14 : memref<!tpu.dma_semaphore, #tpu.memory_space<semaphore_mem>>) src(%dma_wait3A_154 : memref<10000x128xf32, #tpu.memory_space<hbm>>) dst(%arg11 : memref<128x128xf32, #tpu.memory_space<vmem>>)
      %dma_wait3A_155 = arith.constant 1 : i32
      %dma_wait3A_156 = arith.constant 0 : i32
      %dma_wait3A_157 = tpu.memref_slice %arg8[%dma_wait3A_155, %dma_wait3A_156] : memref<2x128xi32, #tpu.memory_space<vmem>> -> memref<1x128xi32, #tpu.memory_space<vmem>>
      %dma_wait3A_158 = tpu.memref_squeeze %dma_wait3A_157 : memref<1x128xi32, #tpu.memory_space<vmem>> -> memref<128xi32, #tpu.memory_space<vmem>>
      %dma_wait3A_159 = arith.constant 0 : i32
      %dma_wait3A_160 = tpu.memref_slice %arg4[%add3A, %add3A_141, %dma_wait3A_159] : memref<32x80x128xi32, #tpu.memory_space<hbm>> -> memref<1x1x128xi32, #tpu.memory_space<hbm>>
      %dma_wait3A_161 = tpu.memref_squeeze %dma_wait3A_160 : memref<1x1x128xi32, #tpu.memory_space<hbm>> -> memref<128xi32, #tpu.memory_space<hbm>>
      %dma_wait3A_162 = arith.constant 0 : i32
      %dma_wait3A_163 = tpu.memref_slice %arg8[%dma_wait3A_155, %dma_wait3A_162] : memref<2x128xi32, #tpu.memory_space<vmem>> -> memref<1x128xi32, #tpu.memory_space<vmem>>
      %dma_wait3A_164 = tpu.memref_squeeze %dma_wait3A_163 : memref<1x128xi32, #tpu.memory_space<vmem>> -> memref<128xi32, #tpu.memory_space<vmem>>
      %dma_wait3A_165 = arith.constant 0 : i32
      %dma_wait3A_166 = tpu.memref_slice %arg4[%add3A, %add3A_141, %dma_wait3A_165] : memref<32x80x128xi32, #tpu.memory_space<hbm>> -> memref<1x1x128xi32, #tpu.memory_space<hbm>>
      %dma_wait3A_167 = tpu.memref_squeeze %dma_wait3A_166 : memref<1x1x128xi32, #tpu.memory_space<hbm>> -> memref<128xi32, #tpu.memory_space<hbm>>
      tpu.wait_dma2 semaphore(%arg18 : memref<!tpu.dma_semaphore, #tpu.memory_space<semaphore_mem>>) src(%dma_wait3A_167 : memref<128xi32, #tpu.memory_space<hbm>>) dst(%dma_wait3A_164 : memref<128xi32, #tpu.memory_space<vmem>>)
      %dma_wait3A_168 = arith.constant 1 : i32
      %dma_wait3A_169 = arith.constant 0 : i32
      %dma_wait3A_170 = tpu.memref_slice %arg9[%dma_wait3A_168, %dma_wait3A_169] : memref<2x128xf32, #tpu.memory_space<vmem>> -> memref<1x128xf32, #tpu.memory_space<vmem>>
      %dma_wait3A_171 = tpu.memref_squeeze %dma_wait3A_170 : memref<1x128xf32, #tpu.memory_space<vmem>> -> memref<128xf32, #tpu.memory_space<vmem>>
      %dma_wait3A_172 = arith.constant 0 : i32
      %dma_wait3A_173 = tpu.memref_slice %arg5[%add3A, %add3A_141, %dma_wait3A_172] : memref<32x80x128xf32, #tpu.memory_space<hbm>> -> memref<1x1x128xf32, #tpu.memory_space<hbm>>
      %dma_wait3A_174 = tpu.memref_squeeze %dma_wait3A_173 : memref<1x1x128xf32, #tpu.memory_space<hbm>> -> memref<128xf32, #tpu.memory_space<hbm>>
      %dma_wait3A_175 = arith.constant 0 : i32
      %dma_wait3A_176 = tpu.memref_slice %arg9[%dma_wait3A_168, %dma_wait3A_175] : memref<2x128xf32, #tpu.memory_space<vmem>> -> memref<1x128xf32, #tpu.memory_space<vmem>>
      %dma_wait3A_177 = tpu.memref_squeeze %dma_wait3A_176 : memref<1x128xf32, #tpu.memory_space<vmem>> -> memref<128xf32, #tpu.memory_space<vmem>>
      %dma_wait3A_178 = arith.constant 0 : i32
      %dma_wait3A_179 = tpu.memref_slice %arg5[%add3A, %add3A_141, %dma_wait3A_178] : memref<32x80x128xf32, #tpu.memory_space<hbm>> -> memref<1x1x128xf32, #tpu.memory_space<hbm>>
      %dma_wait3A_180 = tpu.memref_squeeze %dma_wait3A_179 : memref<1x1x128xf32, #tpu.memory_space<hbm>> -> memref<128xf32, #tpu.memory_space<hbm>>
      tpu.wait_dma2 semaphore(%arg18 : memref<!tpu.dma_semaphore, #tpu.memory_space<semaphore_mem>>) src(%dma_wait3A_180 : memref<128xf32, #tpu.memory_space<hbm>>) dst(%dma_wait3A_177 : memref<128xf32, #tpu.memory_space<vmem>>)
      %scan3A_181 = arith.constant 0 : i32
      %scan3A_182 = arith.constant 0 : i32
      %scan3A_183 = arith.constant 32 : i32
      %scan3A_184 = arith.addi %scan3A_182, %scan3A_183 : i32
      %scan3A_185 = arith.constant 1 : i32
      scf.for %scan3A_194 = %scan3A_182 to %scan3A_184 step %scan3A_185  : i32 {
        %mul3A_195 = arith.constant 4 : i32
        %mul3A_196 = arith.muli %scan3A_194, %mul3A_195 : i32
        %broadcast_in_dim3A = arith.constant 1 : i32
        %broadcast_in_dim3A_197 = vector.broadcast %broadcast_in_dim3A : i32 to vector<16xi32>
        %add3A_198 = arith.constant 0 : i32
        %add3A_199 = arith.addi %mul3A_196, %add3A_198 : i32
        %broadcast_in_dim3A_200 = vector.broadcast %add3A_199 : i32 to vector<16xi32>
        %gather3A = tpu.vector_load_idx %arg9[%broadcast_in_dim3A_197, %broadcast_in_dim3A_200] : memref<2x128xf32, #tpu.memory_space<vmem>>[vector<16xi32>, vector<16xi32>], vector<16xf32>,
        %broadcast_in_dim3A_201 = arith.constant 1 : i32
        %broadcast_in_dim3A_202 = vector.broadcast %broadcast_in_dim3A_201 : i32 to vector<16xi32>
        %add3A_203 = arith.constant 1 : i32
        %add3A_204 = arith.addi %mul3A_196, %add3A_203 : i32
        %broadcast_in_dim3A_205 = vector.broadcast %add3A_204 : i32 to vector<16xi32>
        %gather3A_206 = tpu.vector_load_idx %arg9[%broadcast_in_dim3A_202, %broadcast_in_dim3A_205] : memref<2x128xf32, #tpu.memory_space<vmem>>[vector<16xi32>, vector<16xi32>], vector<16xf32>,
        %broadcast_in_dim3A_207 = arith.constant 1 : i32
        %broadcast_in_dim3A_208 = vector.broadcast %broadcast_in_dim3A_207 : i32 to vector<16xi32>
        %add3A_209 = arith.constant 2 : i32
        %add3A_210 = arith.addi %mul3A_196, %add3A_209 : i32
        %broadcast_in_dim3A_211 = vector.broadcast %add3A_210 : i32 to vector<16xi32>
        %gather3A_212 = tpu.vector_load_idx %arg9[%broadcast_in_dim3A_208, %broadcast_in_dim3A_211] : memref<2x128xf32, #tpu.memory_space<vmem>>[vector<16xi32>, vector<16xi32>], vector<16xf32>,
        %broadcast_in_dim3A_213 = arith.constant 1 : i32
        %broadcast_in_dim3A_214 = vector.broadcast %broadcast_in_dim3A_213 : i32 to vector<16xi32>
        %add3A_215 = arith.constant 3 : i32
        %add3A_216 = arith.addi %mul3A_196, %add3A_215 : i32
        %broadcast_in_dim3A_217 = vector.broadcast %add3A_216 : i32 to vector<16xi32>
        %gather3A_218 = tpu.vector_load_idx %arg9[%broadcast_in_dim3A_214, %broadcast_in_dim3A_217] : memref<2x128xf32, #tpu.memory_space<vmem>>[vector<16xi32>, vector<16xi32>], vector<16xf32>,
        %add3A_219 = arith.constant 0 : i32
        %add3A_220 = arith.addi %mul3A_196, %add3A_219 : i32
        %get3A = arith.index_cast %add3A_220 : i32 to index
        %get3A_221 = arith.constant 0 : index
        %get3A_222 = tpu.vector_load %arg11[%get3A, %get3A_221] {strides = array<i32>} : memref<128x128xf32, #tpu.memory_space<vmem>>, vector<16xf32>,
        %mul3A_223 = arith.mulf %get3A_222, %gather3A : vector<16xf32>
        %add3A_224 = arith.constant 0 : i32
        %add3A_225 = arith.addi %mul3A_196, %add3A_224 : i32
        %swap3A = arith.index_cast %add3A_225 : i32 to index
        %swap3A_226 = arith.constant 0 : index
        %swap3A_227 = tpu.vector_load %arg11[%swap3A, %swap3A_226] {strides = array<i32>} : memref<128x128xf32, #tpu.memory_space<vmem>>, vector<16xf32>,
        tpu.vector_store %arg11[%swap3A, %swap3A_226], %mul3A_223 {strides = array<i32>} : memref<128x128xf32, #tpu.memory_space<vmem>>, vector<16xf32>,
        %add3A_228 = arith.constant 1 : i32
        %add3A_229 = arith.addi %mul3A_196, %add3A_228 : i32
        %get3A_230 = arith.index_cast %add3A_229 : i32 to index
        %get3A_231 = arith.constant 0 : index
        %get3A_232 = tpu.vector_load %arg11[%get3A_230, %get3A_231] {strides = array<i32>} : memref<128x128xf32, #tpu.memory_space<vmem>>, vector<16xf32>,
        %mul3A_233 = arith.mulf %get3A_232, %gather3A_206 : vector<16xf32>
        %add3A_234 = arith.constant 1 : i32
        %add3A_235 = arith.addi %mul3A_196, %add3A_234 : i32
        %swap3A_236 = arith.index_cast %add3A_235 : i32 to index
        %swap3A_237 = arith.constant 0 : index
        %swap3A_238 = tpu.vector_load %arg11[%swap3A_236, %swap3A_237] {strides = array<i32>} : memref<128x128xf32, #tpu.memory_space<vmem>>, vector<16xf32>,
        tpu.vector_store %arg11[%swap3A_236, %swap3A_237], %mul3A_233 {strides = array<i32>} : memref<128x128xf32, #tpu.memory_space<vmem>>, vector<16xf32>,
        %add3A_239 = arith.constant 2 : i32
        %add3A_240 = arith.addi %mul3A_196, %add3A_239 : i32
        %get3A_241 = arith.index_cast %add3A_240 : i32 to index
        %get3A_242 = arith.constant 0 : index
        %get3A_243 = tpu.vector_load %arg11[%get3A_241, %get3A_242] {strides = array<i32>} : memref<128x128xf32, #tpu.memory_space<vmem>>, vector<16xf32>,
        %mul3A_244 = arith.mulf %get3A_243, %gather3A_212 : vector<16xf32>
        %add3A_245 = arith.constant 2 : i32
        %add3A_246 = arith.addi %mul3A_196, %add3A_245 : i32
        %swap3A_247 = arith.index_cast %add3A_246 : i32 to index
        %swap3A_248 = arith.constant 0 : index
        %swap3A_249 = tpu.vector_load %arg11[%swap3A_247, %swap3A_248] {strides = array<i32>} : memref<128x128xf32, #tpu.memory_space<vmem>>, vector<16xf32>,
        tpu.vector_store %arg11[%swap3A_247, %swap3A_248], %mul3A_244 {strides = array<i32>} : memref<128x128xf32, #tpu.memory_space<vmem>>, vector<16xf32>,
        %add3A_250 = arith.constant 3 : i32
        %add3A_251 = arith.addi %mul3A_196, %add3A_250 : i32
        %get3A_252 = arith.index_cast %add3A_251 : i32 to index
        %get3A_253 = arith.constant 0 : index
        %get3A_254 = tpu.vector_load %arg11[%get3A_252, %get3A_253] {strides = array<i32>} : memref<128x128xf32, #tpu.memory_space<vmem>>, vector<16xf32>,
        %mul3A_255 = arith.mulf %get3A_254, %gather3A_218 : vector<16xf32>
        %add3A_256 = arith.constant 3 : i32
        %add3A_257 = arith.addi %mul3A_196, %add3A_256 : i32
        %swap3A_258 = arith.index_cast %add3A_257 : i32 to index
        %swap3A_259 = arith.constant 0 : index
        %swap3A_260 = tpu.vector_load %arg11[%swap3A_258, %swap3A_259] {strides = array<i32>} : memref<128x128xf32, #tpu.memory_space<vmem>>, vector<16xf32>,
        tpu.vector_store %arg11[%swap3A_258, %swap3A_259], %mul3A_255 {strides = array<i32>} : memref<128x128xf32, #tpu.memory_space<vmem>>, vector<16xf32>,
        %add3A_261 = arith.constant 0 : i32
        %add3A_262 = arith.addi %mul3A_196, %add3A_261 : i32
        %get3A_263 = arith.index_cast %add3A_262 : i32 to index
        %get3A_264 = arith.constant 16 : index
        %get3A_265 = tpu.vector_load %arg11[%get3A_263, %get3A_264] {strides = array<i32>} : memref<128x128xf32, #tpu.memory_space<vmem>>, vector<16xf32>,
        %mul3A_266 = arith.mulf %get3A_265, %gather3A : vector<16xf32>
        %add3A_267 = arith.constant 0 : i32
        %add3A_268 = arith.addi %mul3A_196, %add3A_267 : i32
        %swap3A_269 = arith.index_cast %add3A_268 : i32 to index
        %swap3A_270 = arith.constant 16 : index
        %swap3A_271 = tpu.vector_load %arg11[%swap3A_269, %swap3A_270] {strides = array<i32>} : memref<128x128xf32, #tpu.memory_space<vmem>>, vector<16xf32>,
        tpu.vector_store %arg11[%swap3A_269, %swap3A_270], %mul3A_266 {strides = array<i32>} : memref<128x128xf32, #tpu.memory_space<vmem>>, vector<16xf32>,
        %add3A_272 = arith.constant 1 : i32
        %add3A_273 = arith.addi %mul3A_196, %add3A_272 : i32
        %get3A_274 = arith.index_cast %add3A_273 : i32 to index
        %get3A_275 = arith.constant 16 : index
        %get3A_276 = tpu.vector_load %arg11[%get3A_274, %get3A_275] {strides = array<i32>} : memref<128x128xf32, #tpu.memory_space<vmem>>, vector<16xf32>,
        %mul3A_277 = arith.mulf %get3A_276, %gather3A_206 : vector<16xf32>
        %add3A_278 = arith.constant 1 : i32
        %add3A_279 = arith.addi %mul3A_196, %add3A_278 : i32
        %swap3A_280 = arith.index_cast %add3A_279 : i32 to index
        %swap3A_281 = arith.constant 16 : index
        %swap3A_282 = tpu.vector_load %arg11[%swap3A_280, %swap3A_281] {strides = array<i32>} : memref<128x128xf32, #tpu.memory_space<vmem>>, vector<16xf32>,
        tpu.vector_store %arg11[%swap3A_280, %swap3A_281], %mul3A_277 {strides = array<i32>} : memref<128x128xf32, #tpu.memory_space<vmem>>, vector<16xf32>,
        %add3A_283 = arith.constant 2 : i32
        %add3A_284 = arith.addi %mul3A_196, %add3A_283 : i32
        %get3A_285 = arith.index_cast %add3A_284 : i32 to index
        %get3A_286 = arith.constant 16 : index
        %get3A_287 = tpu.vector_load %arg11[%get3A_285, %get3A_286] {strides = array<i32>} : memref<128x128xf32, #tpu.memory_space<vmem>>, vector<16xf32>,
        %mul3A_288 = arith.mulf %get3A_287, %gather3A_212 : vector<16xf32>
        %add3A_289 = arith.constant 2 : i32
        %add3A_290 = arith.addi %mul3A_196, %add3A_289 : i32
        %swap3A_291 = arith.index_cast %add3A_290 : i32 to index
        %swap3A_292 = arith.constant 16 : index
        %swap3A_293 = tpu.vector_load %arg11[%swap3A_291, %swap3A_292] {strides = array<i32>} : memref<128x128xf32, #tpu.memory_space<vmem>>, vector<16xf32>,
        tpu.vector_store %arg11[%swap3A_291, %swap3A_292], %mul3A_288 {strides = array<i32>} : memref<128x128xf32, #tpu.memory_space<vmem>>, vector<16xf32>,
        %add3A_294 = arith.constant 3 : i32
        %add3A_295 = arith.addi %mul3A_196, %add3A_294 : i32
        %get3A_296 = arith.index_cast %add3A_295 : i32 to index
        %get3A_297 = arith.constant 16 : index
        %get3A_298 = tpu.vector_load %arg11[%get3A_296, %get3A_297] {strides = array<i32>} : memref<128x128xf32, #tpu.memory_space<vmem>>, vector<16xf32>,
        %mul3A_299 = arith.mulf %get3A_298, %gather3A_218 : vector<16xf32>
        %add3A_300 = arith.constant 3 : i32
        %add3A_301 = arith.addi %mul3A_196, %add3A_300 : i32
        %swap3A_302 = arith.index_cast %add3A_301 : i32 to index
        %swap3A_303 = arith.constant 16 : index
        %swap3A_304 = tpu.vector_load %arg11[%swap3A_302, %swap3A_303] {strides = array<i32>} : memref<128x128xf32, #tpu.memory_space<vmem>>, vector<16xf32>,
        tpu.vector_store %arg11[%swap3A_302, %swap3A_303], %mul3A_299 {strides = array<i32>} : memref<128x128xf32, #tpu.memory_space<vmem>>, vector<16xf32>,
        %add3A_305 = arith.constant 0 : i32
        %add3A_306 = arith.addi %mul3A_196, %add3A_305 : i32
        %get3A_307 = arith.index_cast %add3A_306 : i32 to index
        %get3A_308 = arith.constant 32 : index
        %get3A_309 = tpu.vector_load %arg11[%get3A_307, %get3A_308] {strides = array<i32>} : memref<128x128xf32, #tpu.memory_space<vmem>>, vector<16xf32>,
        %mul3A_310 = arith.mulf %get3A_309, %gather3A : vector<16xf32>
        %add3A_311 = arith.constant 0 : i32
        %add3A_312 = arith.addi %mul3A_196, %add3A_311 : i32
        %swap3A_313 = arith.index_cast %add3A_312 : i32 to index
        %swap3A_314 = arith.constant 32 : index
        %swap3A_315 = tpu.vector_load %arg11[%swap3A_313, %swap3A_314] {strides = array<i32>} : memref<128x128xf32, #tpu.memory_space<vmem>>, vector<16xf32>,
        tpu.vector_store %arg11[%swap3A_313, %swap3A_314], %mul3A_310 {strides = array<i32>} : memref<128x128xf32, #tpu.memory_space<vmem>>, vector<16xf32>,
        %add3A_316 = arith.constant 1 : i32
        %add3A_317 = arith.addi %mul3A_196, %add3A_316 : i32
        %get3A_318 = arith.index_cast %add3A_317 : i32 to index
        %get3A_319 = arith.constant 32 : index
        %get3A_320 = tpu.vector_load %arg11[%get3A_318, %get3A_319] {strides = array<i32>} : memref<128x128xf32, #tpu.memory_space<vmem>>, vector<16xf32>,
        %mul3A_321 = arith.mulf %get3A_320, %gather3A_206 : vector<16xf32>
        %add3A_322 = arith.constant 1 : i32
        %add3A_323 = arith.addi %mul3A_196, %add3A_322 : i32
        %swap3A_324 = arith.index_cast %add3A_323 : i32 to index
        %swap3A_325 = arith.constant 32 : index
        %swap3A_326 = tpu.vector_load %arg11[%swap3A_324, %swap3A_325] {strides = array<i32>} : memref<128x128xf32, #tpu.memory_space<vmem>>, vector<16xf32>,
        tpu.vector_store %arg11[%swap3A_324, %swap3A_325], %mul3A_321 {strides = array<i32>} : memref<128x128xf32, #tpu.memory_space<vmem>>, vector<16xf32>,
        %add3A_327 = arith.constant 2 : i32
        %add3A_328 = arith.addi %mul3A_196, %add3A_327 : i32
        %get3A_329 = arith.index_cast %add3A_328 : i32 to index
        %get3A_330 = arith.constant 32 : index
        %get3A_331 = tpu.vector_load %arg11[%get3A_329, %get3A_330] {strides = array<i32>} : memref<128x128xf32, #tpu.memory_space<vmem>>, vector<16xf32>,
        %mul3A_332 = arith.mulf %get3A_331, %gather3A_212 : vector<16xf32>
        %add3A_333 = arith.constant 2 : i32
        %add3A_334 = arith.addi %mul3A_196, %add3A_333 : i32
        %swap3A_335 = arith.index_cast %add3A_334 : i32 to index
        %swap3A_336 = arith.constant 32 : index
        %swap3A_337 = tpu.vector_load %arg11[%swap3A_335, %swap3A_336] {strides = array<i32>} : memref<128x128xf32, #tpu.memory_space<vmem>>, vector<16xf32>,
        tpu.vector_store %arg11[%swap3A_335, %swap3A_336], %mul3A_332 {strides = array<i32>} : memref<128x128xf32, #tpu.memory_space<vmem>>, vector<16xf32>,
        %add3A_338 = arith.constant 3 : i32
        %add3A_339 = arith.addi %mul3A_196, %add3A_338 : i32
        %get3A_340 = arith.index_cast %add3A_339 : i32 to index
        %get3A_341 = arith.constant 32 : index
        %get3A_342 = tpu.vector_load %arg11[%get3A_340, %get3A_341] {strides = array<i32>} : memref<128x128xf32, #tpu.memory_space<vmem>>, vector<16xf32>,
        %mul3A_343 = arith.mulf %get3A_342, %gather3A_218 : vector<16xf32>
        %add3A_344 = arith.constant 3 : i32
        %add3A_345 = arith.addi %mul3A_196, %add3A_344 : i32
        %swap3A_346 = arith.index_cast %add3A_345 : i32 to index
        %swap3A_347 = arith.constant 32 : index
        %swap3A_348 = tpu.vector_load %arg11[%swap3A_346, %swap3A_347] {strides = array<i32>} : memref<128x128xf32, #tpu.memory_space<vmem>>, vector<16xf32>,
        tpu.vector_store %arg11[%swap3A_346, %swap3A_347], %mul3A_343 {strides = array<i32>} : memref<128x128xf32, #tpu.memory_space<vmem>>, vector<16xf32>,
        %add3A_349 = arith.constant 0 : i32
        %add3A_350 = arith.addi %mul3A_196, %add3A_349 : i32
        %get3A_351 = arith.index_cast %add3A_350 : i32 to index
        %get3A_352 = arith.constant 48 : index
        %get3A_353 = tpu.vector_load %arg11[%get3A_351, %get3A_352] {strides = array<i32>} : memref<128x128xf32, #tpu.memory_space<vmem>>, vector<16xf32>,
        %mul3A_354 = arith.mulf %get3A_353, %gather3A : vector<16xf32>
        %add3A_355 = arith.constant 0 : i32
        %add3A_356 = arith.addi %mul3A_196, %add3A_355 : i32
        %swap3A_357 = arith.index_cast %add3A_356 : i32 to index
        %swap3A_358 = arith.constant 48 : index
        %swap3A_359 = tpu.vector_load %arg11[%swap3A_357, %swap3A_358] {strides = array<i32>} : memref<128x128xf32, #tpu.memory_space<vmem>>, vector<16xf32>,
        tpu.vector_store %arg11[%swap3A_357, %swap3A_358], %mul3A_354 {strides = array<i32>} : memref<128x128xf32, #tpu.memory_space<vmem>>, vector<16xf32>,
        %add3A_360 = arith.constant 1 : i32
        %add3A_361 = arith.addi %mul3A_196, %add3A_360 : i32
        %get3A_362 = arith.index_cast %add3A_361 : i32 to index
        %get3A_363 = arith.constant 48 : index
        %get3A_364 = tpu.vector_load %arg11[%get3A_362, %get3A_363] {strides = array<i32>} : memref<128x128xf32, #tpu.memory_space<vmem>>, vector<16xf32>,
        %mul3A_365 = arith.mulf %get3A_364, %gather3A_206 : vector<16xf32>
        %add3A_366 = arith.constant 1 : i32
        %add3A_367 = arith.addi %mul3A_196, %add3A_366 : i32
        %swap3A_368 = arith.index_cast %add3A_367 : i32 to index
        %swap3A_369 = arith.constant 48 : index
        %swap3A_370 = tpu.vector_load %arg11[%swap3A_368, %swap3A_369] {strides = array<i32>} : memref<128x128xf32, #tpu.memory_space<vmem>>, vector<16xf32>,
        tpu.vector_store %arg11[%swap3A_368, %swap3A_369], %mul3A_365 {strides = array<i32>} : memref<128x128xf32, #tpu.memory_space<vmem>>, vector<16xf32>,
        %add3A_371 = arith.constant 2 : i32
        %add3A_372 = arith.addi %mul3A_196, %add3A_371 : i32
        %get3A_373 = arith.index_cast %add3A_372 : i32 to index
        %get3A_374 = arith.constant 48 : index
        %get3A_375 = tpu.vector_load %arg11[%get3A_373, %get3A_374] {strides = array<i32>} : memref<128x128xf32, #tpu.memory_space<vmem>>, vector<16xf32>,
        %mul3A_376 = arith.mulf %get3A_375, %gather3A_212 : vector<16xf32>
        %add3A_377 = arith.constant 2 : i32
        %add3A_378 = arith.addi %mul3A_196, %add3A_377 : i32
        %swap3A_379 = arith.index_cast %add3A_378 : i32 to index
        %swap3A_380 = arith.constant 48 : index
        %swap3A_381 = tpu.vector_load %arg11[%swap3A_379, %swap3A_380] {strides = array<i32>} : memref<128x128xf32, #tpu.memory_space<vmem>>, vector<16xf32>,
        tpu.vector_store %arg11[%swap3A_379, %swap3A_380], %mul3A_376 {strides = array<i32>} : memref<128x128xf32, #tpu.memory_space<vmem>>, vector<16xf32>,
        %add3A_382 = arith.constant 3 : i32
        %add3A_383 = arith.addi %mul3A_196, %add3A_382 : i32
        %get3A_384 = arith.index_cast %add3A_383 : i32 to index
        %get3A_385 = arith.constant 48 : index
        %get3A_386 = tpu.vector_load %arg11[%get3A_384, %get3A_385] {strides = array<i32>} : memref<128x128xf32, #tpu.memory_space<vmem>>, vector<16xf32>,
        %mul3A_387 = arith.mulf %get3A_386, %gather3A_218 : vector<16xf32>
        %add3A_388 = arith.constant 3 : i32
        %add3A_389 = arith.addi %mul3A_196, %add3A_388 : i32
        %swap3A_390 = arith.index_cast %add3A_389 : i32 to index
        %swap3A_391 = arith.constant 48 : index
        %swap3A_392 = tpu.vector_load %arg11[%swap3A_390, %swap3A_391] {strides = array<i32>} : memref<128x128xf32, #tpu.memory_space<vmem>>, vector<16xf32>,
        tpu.vector_store %arg11[%swap3A_390, %swap3A_391], %mul3A_387 {strides = array<i32>} : memref<128x128xf32, #tpu.memory_space<vmem>>, vector<16xf32>,
        %add3A_393 = arith.constant 0 : i32
        %add3A_394 = arith.addi %mul3A_196, %add3A_393 : i32
        %get3A_395 = arith.index_cast %add3A_394 : i32 to index
        %get3A_396 = arith.constant 64 : index
        %get3A_397 = tpu.vector_load %arg11[%get3A_395, %get3A_396] {strides = array<i32>} : memref<128x128xf32, #tpu.memory_space<vmem>>, vector<16xf32>,
        %mul3A_398 = arith.mulf %get3A_397, %gather3A : vector<16xf32>
        %add3A_399 = arith.constant 0 : i32
        %add3A_400 = arith.addi %mul3A_196, %add3A_399 : i32
        %swap3A_401 = arith.index_cast %add3A_400 : i32 to index
        %swap3A_402 = arith.constant 64 : index
        %swap3A_403 = tpu.vector_load %arg11[%swap3A_401, %swap3A_402] {strides = array<i32>} : memref<128x128xf32, #tpu.memory_space<vmem>>, vector<16xf32>,
        tpu.vector_store %arg11[%swap3A_401, %swap3A_402], %mul3A_398 {strides = array<i32>} : memref<128x128xf32, #tpu.memory_space<vmem>>, vector<16xf32>,
        %add3A_404 = arith.constant 1 : i32
        %add3A_405 = arith.addi %mul3A_196, %add3A_404 : i32
        %get3A_406 = arith.index_cast %add3A_405 : i32 to index
        %get3A_407 = arith.constant 64 : index
        %get3A_408 = tpu.vector_load %arg11[%get3A_406, %get3A_407] {strides = array<i32>} : memref<128x128xf32, #tpu.memory_space<vmem>>, vector<16xf32>,
        %mul3A_409 = arith.mulf %get3A_408, %gather3A_206 : vector<16xf32>
        %add3A_410 = arith.constant 1 : i32
        %add3A_411 = arith.addi %mul3A_196, %add3A_410 : i32
        %swap3A_412 = arith.index_cast %add3A_411 : i32 to index
        %swap3A_413 = arith.constant 64 : index
        %swap3A_414 = tpu.vector_load %arg11[%swap3A_412, %swap3A_413] {strides = array<i32>} : memref<128x128xf32, #tpu.memory_space<vmem>>, vector<16xf32>,
        tpu.vector_store %arg11[%swap3A_412, %swap3A_413], %mul3A_409 {strides = array<i32>} : memref<128x128xf32, #tpu.memory_space<vmem>>, vector<16xf32>,
        %add3A_415 = arith.constant 2 : i32
        %add3A_416 = arith.addi %mul3A_196, %add3A_415 : i32
        %get3A_417 = arith.index_cast %add3A_416 : i32 to index
        %get3A_418 = arith.constant 64 : index
        %get3A_419 = tpu.vector_load %arg11[%get3A_417, %get3A_418] {strides = array<i32>} : memref<128x128xf32, #tpu.memory_space<vmem>>, vector<16xf32>,
        %mul3A_420 = arith.mulf %get3A_419, %gather3A_212 : vector<16xf32>
        %add3A_421 = arith.constant 2 : i32
        %add3A_422 = arith.addi %mul3A_196, %add3A_421 : i32
        %swap3A_423 = arith.index_cast %add3A_422 : i32 to index
        %swap3A_424 = arith.constant 64 : index
        %swap3A_425 = tpu.vector_load %arg11[%swap3A_423, %swap3A_424] {strides = array<i32>} : memref<128x128xf32, #tpu.memory_space<vmem>>, vector<16xf32>,
        tpu.vector_store %arg11[%swap3A_423, %swap3A_424], %mul3A_420 {strides = array<i32>} : memref<128x128xf32, #tpu.memory_space<vmem>>, vector<16xf32>,
        %add3A_426 = arith.constant 3 : i32
        %add3A_427 = arith.addi %mul3A_196, %add3A_426 : i32
        %get3A_428 = arith.index_cast %add3A_427 : i32 to index
        %get3A_429 = arith.constant 64 : index
        %get3A_430 = tpu.vector_load %arg11[%get3A_428, %get3A_429] {strides = array<i32>} : memref<128x128xf32, #tpu.memory_space<vmem>>, vector<16xf32>,
        %mul3A_431 = arith.mulf %get3A_430, %gather3A_218 : vector<16xf32>
        %add3A_432 = arith.constant 3 : i32
        %add3A_433 = arith.addi %mul3A_196, %add3A_432 : i32
        %swap3A_434 = arith.index_cast %add3A_433 : i32 to index
        %swap3A_435 = arith.constant 64 : index
        %swap3A_436 = tpu.vector_load %arg11[%swap3A_434, %swap3A_435] {strides = array<i32>} : memref<128x128xf32, #tpu.memory_space<vmem>>, vector<16xf32>,
        tpu.vector_store %arg11[%swap3A_434, %swap3A_435], %mul3A_431 {strides = array<i32>} : memref<128x128xf32, #tpu.memory_space<vmem>>, vector<16xf32>,
        %add3A_437 = arith.constant 0 : i32
        %add3A_438 = arith.addi %mul3A_196, %add3A_437 : i32
        %get3A_439 = arith.index_cast %add3A_438 : i32 to index
        %get3A_440 = arith.constant 80 : index
        %get3A_441 = tpu.vector_load %arg11[%get3A_439, %get3A_440] {strides = array<i32>} : memref<128x128xf32, #tpu.memory_space<vmem>>, vector<16xf32>,
        %mul3A_442 = arith.mulf %get3A_441, %gather3A : vector<16xf32>
        %add3A_443 = arith.constant 0 : i32
        %add3A_444 = arith.addi %mul3A_196, %add3A_443 : i32
        %swap3A_445 = arith.index_cast %add3A_444 : i32 to index
        %swap3A_446 = arith.constant 80 : index
        %swap3A_447 = tpu.vector_load %arg11[%swap3A_445, %swap3A_446] {strides = array<i32>} : memref<128x128xf32, #tpu.memory_space<vmem>>, vector<16xf32>,
        tpu.vector_store %arg11[%swap3A_445, %swap3A_446], %mul3A_442 {strides = array<i32>} : memref<128x128xf32, #tpu.memory_space<vmem>>, vector<16xf32>,
        %add3A_448 = arith.constant 1 : i32
        %add3A_449 = arith.addi %mul3A_196, %add3A_448 : i32
        %get3A_450 = arith.index_cast %add3A_449 : i32 to index
        %get3A_451 = arith.constant 80 : index
        %get3A_452 = tpu.vector_load %arg11[%get3A_450, %get3A_451] {strides = array<i32>} : memref<128x128xf32, #tpu.memory_space<vmem>>, vector<16xf32>,
        %mul3A_453 = arith.mulf %get3A_452, %gather3A_206 : vector<16xf32>
        %add3A_454 = arith.constant 1 : i32
        %add3A_455 = arith.addi %mul3A_196, %add3A_454 : i32
        %swap3A_456 = arith.index_cast %add3A_455 : i32 to index
        %swap3A_457 = arith.constant 80 : index
        %swap3A_458 = tpu.vector_load %arg11[%swap3A_456, %swap3A_457] {strides = array<i32>} : memref<128x128xf32, #tpu.memory_space<vmem>>, vector<16xf32>,
        tpu.vector_store %arg11[%swap3A_456, %swap3A_457], %mul3A_453 {strides = array<i32>} : memref<128x128xf32, #tpu.memory_space<vmem>>, vector<16xf32>,
        %add3A_459 = arith.constant 2 : i32
        %add3A_460 = arith.addi %mul3A_196, %add3A_459 : i32
        %get3A_461 = arith.index_cast %add3A_460 : i32 to index
        %get3A_462 = arith.constant 80 : index
        %get3A_463 = tpu.vector_load %arg11[%get3A_461, %get3A_462] {strides = array<i32>} : memref<128x128xf32, #tpu.memory_space<vmem>>, vector<16xf32>,
        %mul3A_464 = arith.mulf %get3A_463, %gather3A_212 : vector<16xf32>
        %add3A_465 = arith.constant 2 : i32
        %add3A_466 = arith.addi %mul3A_196, %add3A_465 : i32
        %swap3A_467 = arith.index_cast %add3A_466 : i32 to index
        %swap3A_468 = arith.constant 80 : index
        %swap3A_469 = tpu.vector_load %arg11[%swap3A_467, %swap3A_468] {strides = array<i32>} : memref<128x128xf32, #tpu.memory_space<vmem>>, vector<16xf32>,
        tpu.vector_store %arg11[%swap3A_467, %swap3A_468], %mul3A_464 {strides = array<i32>} : memref<128x128xf32, #tpu.memory_space<vmem>>, vector<16xf32>,
        %add3A_470 = arith.constant 3 : i32
        %add3A_471 = arith.addi %mul3A_196, %add3A_470 : i32
        %get3A_472 = arith.index_cast %add3A_471 : i32 to index
        %get3A_473 = arith.constant 80 : index
        %get3A_474 = tpu.vector_load %arg11[%get3A_472, %get3A_473] {strides = array<i32>} : memref<128x128xf32, #tpu.memory_space<vmem>>, vector<16xf32>,
        %mul3A_475 = arith.mulf %get3A_474, %gather3A_218 : vector<16xf32>
        %add3A_476 = arith.constant 3 : i32
        %add3A_477 = arith.addi %mul3A_196, %add3A_476 : i32
        %swap3A_478 = arith.index_cast %add3A_477 : i32 to index
        %swap3A_479 = arith.constant 80 : index
        %swap3A_480 = tpu.vector_load %arg11[%swap3A_478, %swap3A_479] {strides = array<i32>} : memref<128x128xf32, #tpu.memory_space<vmem>>, vector<16xf32>,
        tpu.vector_store %arg11[%swap3A_478, %swap3A_479], %mul3A_475 {strides = array<i32>} : memref<128x128xf32, #tpu.memory_space<vmem>>, vector<16xf32>,
        %add3A_481 = arith.constant 0 : i32
        %add3A_482 = arith.addi %mul3A_196, %add3A_481 : i32
        %get3A_483 = arith.index_cast %add3A_482 : i32 to index
        %get3A_484 = arith.constant 96 : index
        %get3A_485 = tpu.vector_load %arg11[%get3A_483, %get3A_484] {strides = array<i32>} : memref<128x128xf32, #tpu.memory_space<vmem>>, vector<16xf32>,
        %mul3A_486 = arith.mulf %get3A_485, %gather3A : vector<16xf32>
        %add3A_487 = arith.constant 0 : i32
        %add3A_488 = arith.addi %mul3A_196, %add3A_487 : i32
        %swap3A_489 = arith.index_cast %add3A_488 : i32 to index
        %swap3A_490 = arith.constant 96 : index
        %swap3A_491 = tpu.vector_load %arg11[%swap3A_489, %swap3A_490] {strides = array<i32>} : memref<128x128xf32, #tpu.memory_space<vmem>>, vector<16xf32>,
        tpu.vector_store %arg11[%swap3A_489, %swap3A_490], %mul3A_486 {strides = array<i32>} : memref<128x128xf32, #tpu.memory_space<vmem>>, vector<16xf32>,
        %add3A_492 = arith.constant 1 : i32
        %add3A_493 = arith.addi %mul3A_196, %add3A_492 : i32
        %get3A_494 = arith.index_cast %add3A_493 : i32 to index
        %get3A_495 = arith.constant 96 : index
        %get3A_496 = tpu.vector_load %arg11[%get3A_494, %get3A_495] {strides = array<i32>} : memref<128x128xf32, #tpu.memory_space<vmem>>, vector<16xf32>,
        %mul3A_497 = arith.mulf %get3A_496, %gather3A_206 : vector<16xf32>
        %add3A_498 = arith.constant 1 : i32
        %add3A_499 = arith.addi %mul3A_196, %add3A_498 : i32
        %swap3A_500 = arith.index_cast %add3A_499 : i32 to index
        %swap3A_501 = arith.constant 96 : index
        %swap3A_502 = tpu.vector_load %arg11[%swap3A_500, %swap3A_501] {strides = array<i32>} : memref<128x128xf32, #tpu.memory_space<vmem>>, vector<16xf32>,
        tpu.vector_store %arg11[%swap3A_500, %swap3A_501], %mul3A_497 {strides = array<i32>} : memref<128x128xf32, #tpu.memory_space<vmem>>, vector<16xf32>,
        %add3A_503 = arith.constant 2 : i32
        %add3A_504 = arith.addi %mul3A_196, %add3A_503 : i32
        %get3A_505 = arith.index_cast %add3A_504 : i32 to index
        %get3A_506 = arith.constant 96 : index
        %get3A_507 = tpu.vector_load %arg11[%get3A_505, %get3A_506] {strides = array<i32>} : memref<128x128xf32, #tpu.memory_space<vmem>>, vector<16xf32>,
        %mul3A_508 = arith.mulf %get3A_507, %gather3A_212 : vector<16xf32>
        %add3A_509 = arith.constant 2 : i32
        %add3A_510 = arith.addi %mul3A_196, %add3A_509 : i32
        %swap3A_511 = arith.index_cast %add3A_510 : i32 to index
        %swap3A_512 = arith.constant 96 : index
        %swap3A_513 = tpu.vector_load %arg11[%swap3A_511, %swap3A_512] {strides = array<i32>} : memref<128x128xf32, #tpu.memory_space<vmem>>, vector<16xf32>,
        tpu.vector_store %arg11[%swap3A_511, %swap3A_512], %mul3A_508 {strides = array<i32>} : memref<128x128xf32, #tpu.memory_space<vmem>>, vector<16xf32>,
        %add3A_514 = arith.constant 3 : i32
        %add3A_515 = arith.addi %mul3A_196, %add3A_514 : i32
        %get3A_516 = arith.index_cast %add3A_515 : i32 to index
        %get3A_517 = arith.constant 96 : index
        %get3A_518 = tpu.vector_load %arg11[%get3A_516, %get3A_517] {strides = array<i32>} : memref<128x128xf32, #tpu.memory_space<vmem>>, vector<16xf32>,
        %mul3A_519 = arith.mulf %get3A_518, %gather3A_218 : vector<16xf32>
        %add3A_520 = arith.constant 3 : i32
        %add3A_521 = arith.addi %mul3A_196, %add3A_520 : i32
        %swap3A_522 = arith.index_cast %add3A_521 : i32 to index
        %swap3A_523 = arith.constant 96 : index
        %swap3A_524 = tpu.vector_load %arg11[%swap3A_522, %swap3A_523] {strides = array<i32>} : memref<128x128xf32, #tpu.memory_space<vmem>>, vector<16xf32>,
        tpu.vector_store %arg11[%swap3A_522, %swap3A_523], %mul3A_519 {strides = array<i32>} : memref<128x128xf32, #tpu.memory_space<vmem>>, vector<16xf32>,
        %add3A_525 = arith.constant 0 : i32
        %add3A_526 = arith.addi %mul3A_196, %add3A_525 : i32
        %get3A_527 = arith.index_cast %add3A_526 : i32 to index
        %get3A_528 = arith.constant 112 : index
        %get3A_529 = tpu.vector_load %arg11[%get3A_527, %get3A_528] {strides = array<i32>} : memref<128x128xf32, #tpu.memory_space<vmem>>, vector<16xf32>,
        %mul3A_530 = arith.mulf %get3A_529, %gather3A : vector<16xf32>
        %add3A_531 = arith.constant 0 : i32
        %add3A_532 = arith.addi %mul3A_196, %add3A_531 : i32
        %swap3A_533 = arith.index_cast %add3A_532 : i32 to index
        %swap3A_534 = arith.constant 112 : index
        %swap3A_535 = tpu.vector_load %arg11[%swap3A_533, %swap3A_534] {strides = array<i32>} : memref<128x128xf32, #tpu.memory_space<vmem>>, vector<16xf32>,
        tpu.vector_store %arg11[%swap3A_533, %swap3A_534], %mul3A_530 {strides = array<i32>} : memref<128x128xf32, #tpu.memory_space<vmem>>, vector<16xf32>,
        %add3A_536 = arith.constant 1 : i32
        %add3A_537 = arith.addi %mul3A_196, %add3A_536 : i32
        %get3A_538 = arith.index_cast %add3A_537 : i32 to index
        %get3A_539 = arith.constant 112 : index
        %get3A_540 = tpu.vector_load %arg11[%get3A_538, %get3A_539] {strides = array<i32>} : memref<128x128xf32, #tpu.memory_space<vmem>>, vector<16xf32>,
        %mul3A_541 = arith.mulf %get3A_540, %gather3A_206 : vector<16xf32>
        %add3A_542 = arith.constant 1 : i32
        %add3A_543 = arith.addi %mul3A_196, %add3A_542 : i32
        %swap3A_544 = arith.index_cast %add3A_543 : i32 to index
        %swap3A_545 = arith.constant 112 : index
        %swap3A_546 = tpu.vector_load %arg11[%swap3A_544, %swap3A_545] {strides = array<i32>} : memref<128x128xf32, #tpu.memory_space<vmem>>, vector<16xf32>,
        tpu.vector_store %arg11[%swap3A_544, %swap3A_545], %mul3A_541 {strides = array<i32>} : memref<128x128xf32, #tpu.memory_space<vmem>>, vector<16xf32>,
        %add3A_547 = arith.constant 2 : i32
        %add3A_548 = arith.addi %mul3A_196, %add3A_547 : i32
        %get3A_549 = arith.index_cast %add3A_548 : i32 to index
        %get3A_550 = arith.constant 112 : index
        %get3A_551 = tpu.vector_load %arg11[%get3A_549, %get3A_550] {strides = array<i32>} : memref<128x128xf32, #tpu.memory_space<vmem>>, vector<16xf32>,
        %mul3A_552 = arith.mulf %get3A_551, %gather3A_212 : vector<16xf32>
        %add3A_553 = arith.constant 2 : i32
        %add3A_554 = arith.addi %mul3A_196, %add3A_553 : i32
        %swap3A_555 = arith.index_cast %add3A_554 : i32 to index
        %swap3A_556 = arith.constant 112 : index
        %swap3A_557 = tpu.vector_load %arg11[%swap3A_555, %swap3A_556] {strides = array<i32>} : memref<128x128xf32, #tpu.memory_space<vmem>>, vector<16xf32>,
        tpu.vector_store %arg11[%swap3A_555, %swap3A_556], %mul3A_552 {strides = array<i32>} : memref<128x128xf32, #tpu.memory_space<vmem>>, vector<16xf32>,
        %add3A_558 = arith.constant 3 : i32
        %add3A_559 = arith.addi %mul3A_196, %add3A_558 : i32
        %get3A_560 = arith.index_cast %add3A_559 : i32 to index
        %get3A_561 = arith.constant 112 : index
        %get3A_562 = tpu.vector_load %arg11[%get3A_560, %get3A_561] {strides = array<i32>} : memref<128x128xf32, #tpu.memory_space<vmem>>, vector<16xf32>,
        %mul3A_563 = arith.mulf %get3A_562, %gather3A_218 : vector<16xf32>
        %add3A_564 = arith.constant 3 : i32
        %add3A_565 = arith.addi %mul3A_196, %add3A_564 : i32
        %swap3A_566 = arith.index_cast %add3A_565 : i32 to index
        %swap3A_567 = arith.constant 112 : index
        %swap3A_568 = tpu.vector_load %arg11[%swap3A_566, %swap3A_567] {strides = array<i32>} : memref<128x128xf32, #tpu.memory_space<vmem>>, vector<16xf32>,
        tpu.vector_store %arg11[%swap3A_566, %swap3A_567], %mul3A_563 {strides = array<i32>} : memref<128x128xf32, #tpu.memory_space<vmem>>, vector<16xf32>,
      }
      %scan3A_186 = arith.constant 32 : i32
      %dma_start3A_187 = arith.constant 1 : i32
      %dma_start3A_188 = arith.constant 0 : i32
      %dma_start3A_189 = tpu.memref_slice %arg8[%dma_start3A_187, %dma_start3A_188] : memref<2x128xi32, #tpu.memory_space<vmem>> -> memref<1x128xi32, #tpu.memory_space<vmem>>
      %dma_start3A_190 = tpu.memref_squeeze %dma_start3A_189 : memref<1x128xi32, #tpu.memory_space<vmem>> -> memref<128xi32, #tpu.memory_space<vmem>>
      %dma_start3A_191 = arith.constant 0 : i32
      %dma_start3A_192 = arith.constant 0 : i32
      %dma_start3A_193 = tpu.memref_slice %arg12[%dma_start3A_191, %dma_start3A_192] : memref<10240x128xf32, #tpu.memory_space<vmem_shared>> -> memref<10240x128xf32, #tpu.memory_space<vmem_shared>>
      tpu.enqueue_indirect_dma source(%arg11 : memref<128x128xf32, #tpu.memory_space<vmem>>) target(%dma_start3A_193 : memref<10240x128xf32, #tpu.memory_space<vmem_shared>>) offsets(%dma_start3A_190 : memref<128xi32, #tpu.memory_space<vmem>>) semaphore(%arg16 : memref<!tpu.dma_semaphore, #tpu.memory_space<semaphore_mem>>) {add = true}
    }
    %scan3A_65 = arith.constant 40 : i32
    %dma_wait3A = arith.constant 0 : i32
    %dma_wait3A_66 = arith.constant 0 : i32
    %dma_wait3A_67 = tpu.memref_slice %arg8[%dma_wait3A, %dma_wait3A_66] : memref<2x128xi32, #tpu.memory_space<vmem>> -> memref<1x128xi32, #tpu.memory_space<vmem>>
    %dma_wait3A_68 = tpu.memref_squeeze %dma_wait3A_67 : memref<1x128xi32, #tpu.memory_space<vmem>> -> memref<128xi32, #tpu.memory_space<vmem>>
    %dma_wait3A_69 = arith.constant 0 : i32
    %dma_wait3A_70 = arith.constant 0 : i32
    %dma_wait3A_71 = tpu.memref_slice %arg12[%dma_wait3A_69, %dma_wait3A_70] : memref<10240x128xf32, #tpu.memory_space<vmem_shared>> -> memref<10240x128xf32, #tpu.memory_space<vmem_shared>>
    tpu.wait_indirect_dma semaphore(%arg15 : memref<!tpu.dma_semaphore, #tpu.memory_space<semaphore_mem>>) src(%arg10 : memref<128x128xf32, #tpu.memory_space<vmem>>) dst(%dma_wait3A_71 : memref<10240x128xf32, #tpu.memory_space<vmem_shared>>)
    %dma_wait3A_72 = arith.constant 1 : i32
    %dma_wait3A_73 = arith.constant 0 : i32
    %dma_wait3A_74 = tpu.memref_slice %arg8[%dma_wait3A_72, %dma_wait3A_73] : memref<2x128xi32, #tpu.memory_space<vmem>> -> memref<1x128xi32, #tpu.memory_space<vmem>>
    %dma_wait3A_75 = tpu.memref_squeeze %dma_wait3A_74 : memref<1x128xi32, #tpu.memory_space<vmem>> -> memref<128xi32, #tpu.memory_space<vmem>>
    %dma_wait3A_76 = arith.constant 0 : i32
    %dma_wait3A_77 = arith.constant 0 : i32
    %dma_wait3A_78 = tpu.memref_slice %arg12[%dma_wait3A_76, %dma_wait3A_77] : memref<10240x128xf32, #tpu.memory_space<vmem_shared>> -> memref<10240x128xf32, #tpu.memory_space<vmem_shared>>
    tpu.wait_indirect_dma semaphore(%arg16 : memref<!tpu.dma_semaphore, #tpu.memory_space<semaphore_mem>>) src(%arg11 : memref<128x128xf32, #tpu.memory_space<vmem>>) dst(%dma_wait3A_78 : memref<10240x128xf32, #tpu.memory_space<vmem_shared>>)
    %barrier3A_79 = arith.constant 0 : index
    tpu.barrier barrier_id(%barrier3A_79)
    %mul3A_80 = arith.constant 640 : i32
    %mul3A_81 = arith.muli %arg1, %mul3A_80 : i32
    %mul3A_82 = arith.constant 640 : i32
    %mul3A_83 = arith.muli %arg1, %mul3A_82 : i32
    "tpu.region"() ({
      %run_scoped3A = tpu.sem_alloc : memref<!tpu.dma_semaphore, #tpu.memory_space<semaphore_mem>>
      %dma_start3A_84 = arith.constant 0 : i32
      %dma_start3A_85 = tpu.memref_slice %arg6[%arg0, %mul3A_83, %dma_start3A_84] : memref<2x10240x128xf32, #tpu.memory_space<hbm>> -> memref<1x640x128xf32, #tpu.memory_space<hbm>>
      %dma_start3A_86 = tpu.memref_squeeze %dma_start3A_85 : memref<1x640x128xf32, #tpu.memory_space<hbm>> -> memref<640x128xf32, #tpu.memory_space<hbm>>
      %dma_start3A_87 = arith.constant 0 : i32
      %dma_start3A_88 = tpu.memref_slice %arg12[%mul3A_81, %dma_start3A_87] : memref<10240x128xf32, #tpu.memory_space<vmem_shared>> -> memref<640x128xf32, #tpu.memory_space<vmem_shared>>
      tpu.enqueue_dma source(%dma_start3A_88 : memref<640x128xf32, #tpu.memory_space<vmem_shared>>) target(%dma_start3A_86 : memref<640x128xf32, #tpu.memory_space<hbm>>) target_semaphore(%run_scoped3A : memref<!tpu.dma_semaphore, #tpu.memory_space<semaphore_mem>>)
      %dma_wait3A_89 = arith.constant 0 : i32
      %dma_wait3A_90 = tpu.memref_slice %arg6[%arg0, %mul3A_83, %dma_wait3A_89] : memref<2x10240x128xf32, #tpu.memory_space<hbm>> -> memref<1x640x128xf32, #tpu.memory_space<hbm>>
      %dma_wait3A_91 = tpu.memref_squeeze %dma_wait3A_90 : memref<1x640x128xf32, #tpu.memory_space<hbm>> -> memref<640x128xf32, #tpu.memory_space<hbm>>
      %dma_wait3A_92 = arith.constant 0 : i32
      %dma_wait3A_93 = tpu.memref_slice %arg12[%mul3A_81, %dma_wait3A_92] : memref<10240x128xf32, #tpu.memory_space<vmem_shared>> -> memref<640x128xf32, #tpu.memory_space<vmem_shared>>
      tpu.wait_dma2 semaphore(%run_scoped3A : memref<!tpu.dma_semaphore, #tpu.memory_space<semaphore_mem>>) src(%dma_wait3A_93 : memref<640x128xf32, #tpu.memory_space<vmem_shared>>) dst(%dma_wait3A_91 : memref<640x128xf32, #tpu.memory_space<hbm>>)
      tpu.yield
    }) : () -> ()
    return
  }
}

#map = affine_map<(d0, d1) -> (0, 0)>
#map1 = affine_map<(d0, d1) -> (0, 0, 0)>
module attributes {stable_mosaic.version = 14 : i64} {
  func.func @_spmm_body(%arg0: i32, %arg1: i32, %arg2: memref<10000x128xf32, #tpu.memory_space<hbm>>, %arg3: memref<32x80x128xi32, #tpu.memory_space<hbm>>, %arg4: memref<32x80x128xi32, #tpu.memory_space<hbm>>, %arg5: memref<32x80x128xf32, #tpu.memory_space<hbm>>, %arg6: memref<2x10240x128xf32, #tpu.memory_space<hbm>>, %arg7: memref<80x128xi32, #tpu.memory_space<vmem>>, %arg8: memref<2x128xi32, #tpu.memory_space<vmem>>, %arg9: memref<2x128xf32, #tpu.memory_space<vmem>>, %arg10: memref<128x128xf32, #tpu.memory_space<vmem>>, %arg11: memref<128x128xf32, #tpu.memory_space<vmem>>, %arg12: memref<10240x128xf32, #tpu.memory_space<vmem_shared>>, %arg13: memref<!tpu.dma_semaphore, #tpu.memory_space<semaphore_mem>>, %arg14: memref<!tpu.dma_semaphore, #tpu.memory_space<semaphore_mem>>, %arg15: memref<!tpu.dma_semaphore, #tpu.memory_space<semaphore_mem>>, %arg16: memref<!tpu.dma_semaphore, #tpu.memory_space<semaphore_mem>>, %arg17: memref<!tpu.dma_semaphore, #tpu.memory_space<semaphore_mem>>, %arg18: memref<!tpu.dma_semaphore, #tpu.memory_space<semaphore_mem>>) attributes {dimension_semantics = [#tpu.dimension_semantics<core_parallel>, #tpu.dimension_semantics<subcore_parallel>], iteration_bounds = array<i64: 2, 16>, scalar_prefetch = 0 : i64, scratch_operands = 12 : i64, tpu.core_type = #tpu.core_type<sc_vector_subcore>, window_params = [{transform_indices = #map}, {transform_indices = #map1}, {transform_indices = #map1}, {transform_indices = #map1}, {transform_indices = #map1}]} {
    %mul3A = arith.constant 2 : i32
    %mul3A_0 = arith.muli %arg1, %mul3A : i32
    %add3A = arith.addi %mul3A_0, %arg0 : i32
    "tpu.region"() ({
      %run_scoped3A = tpu.sem_alloc : memref<!tpu.dma_semaphore, #tpu.memory_space<semaphore_mem>>
      %dma_start3A_84 = arith.constant 0 : i32
      %dma_start3A_85 = arith.constant 0 : i32
      %dma_start3A_86 = tpu.memref_slice %arg3[%add3A, %dma_start3A_84, %dma_start3A_85] : memref<32x80x128xi32, #tpu.memory_space<hbm>> -> memref<1x80x128xi32, #tpu.memory_space<hbm>>
      %dma_start3A_87 = tpu.memref_squeeze %dma_start3A_86 : memref<1x80x128xi32, #tpu.memory_space<hbm>> -> memref<80x128xi32, #tpu.memory_space<hbm>>
      %dma_start3A_88 = arith.constant 0 : i32
      %dma_start3A_89 = arith.constant 0 : i32
      %dma_start3A_90 = tpu.memref_slice %arg3[%add3A, %dma_start3A_88, %dma_start3A_89] : memref<32x80x128xi32, #tpu.memory_space<hbm>> -> memref<1x80x128xi32, #tpu.memory_space<hbm>>
      %dma_start3A_91 = tpu.memref_squeeze %dma_start3A_90 : memref<1x80x128xi32, #tpu.memory_space<hbm>> -> memref<80x128xi32, #tpu.memory_space<hbm>>
      tpu.enqueue_dma source(%dma_start3A_91 : memref<80x128xi32, #tpu.memory_space<hbm>>) target(%arg7 : memref<80x128xi32, #tpu.memory_space<vmem>>) target_semaphore(%run_scoped3A : memref<!tpu.dma_semaphore, #tpu.memory_space<semaphore_mem>>)
      %dma_wait3A_92 = arith.constant 0 : i32
      %dma_wait3A_93 = arith.constant 0 : i32
      %dma_wait3A_94 = tpu.memref_slice %arg3[%add3A, %dma_wait3A_92, %dma_wait3A_93] : memref<32x80x128xi32, #tpu.memory_space<hbm>> -> memref<1x80x128xi32, #tpu.memory_space<hbm>>
      %dma_wait3A_95 = tpu.memref_squeeze %dma_wait3A_94 : memref<1x80x128xi32, #tpu.memory_space<hbm>> -> memref<80x128xi32, #tpu.memory_space<hbm>>
      %dma_wait3A_96 = arith.constant 0 : i32
      %dma_wait3A_97 = arith.constant 0 : i32
      %dma_wait3A_98 = tpu.memref_slice %arg3[%add3A, %dma_wait3A_96, %dma_wait3A_97] : memref<32x80x128xi32, #tpu.memory_space<hbm>> -> memref<1x80x128xi32, #tpu.memory_space<hbm>>
      %dma_wait3A_99 = tpu.memref_squeeze %dma_wait3A_98 : memref<1x80x128xi32, #tpu.memory_space<hbm>> -> memref<80x128xi32, #tpu.memory_space<hbm>>
      tpu.wait_dma2 semaphore(%run_scoped3A : memref<!tpu.dma_semaphore, #tpu.memory_space<semaphore_mem>>) src(%dma_wait3A_99 : memref<80x128xi32, #tpu.memory_space<hbm>>) dst(%arg7 : memref<80x128xi32, #tpu.memory_space<vmem>>)
      tpu.yield
    }) : () -> ()
    %scan3A = arith.constant 0 : i32
    %scan3A_1 = arith.constant 0 : i32
    %scan3A_2 = arith.constant 1024 : i32
    %scan3A_3 = arith.addi %scan3A_1, %scan3A_2 : i32
    %scan3A_4 = arith.constant 1 : i32
    scf.for %scan3A_84 = %scan3A_1 to %scan3A_3 step %scan3A_4  : i32 {
      %jit3A = arith.constant 8 : i32
      %div3A = arith.divsi %scan3A_84, %jit3A : i32
      %sign3A = arith.constant 0 : i32
      %sign3A_85 = arith.cmpi sgt, %scan3A_84, %sign3A : i32
      %sign3A_86 = arith.extui %sign3A_85 : i1 to i32
      %sign3A_87 = arith.constant 0 : i32
      %sign3A_88 = arith.cmpi slt, %scan3A_84, %sign3A_87 : i32
      %sign3A_89 = arith.extui %sign3A_88 : i1 to i32
      %sign3A_90 = arith.subi %sign3A_86, %sign3A_89 : i32
      %sign3A_91 = arith.constant 0 : i32
      %sign3A_92 = arith.cmpi sgt, %jit3A, %sign3A_91 : i32
      %sign3A_93 = arith.extui %sign3A_92 : i1 to i32
      %sign3A_94 = arith.constant 0 : i32
      %sign3A_95 = arith.cmpi slt, %jit3A, %sign3A_94 : i32
      %sign3A_96 = arith.extui %sign3A_95 : i1 to i32
      %sign3A_97 = arith.subi %sign3A_93, %sign3A_96 : i32
      %ne3A = arith.cmpi ne, %sign3A_90, %sign3A_97 : i32
      %rem3A = arith.remsi %scan3A_84, %jit3A : i32
      %ne3A_98 = arith.constant 0 : i32
      %ne3A_99 = arith.cmpi ne, %rem3A, %ne3A_98 : i32
      %and3A = arith.andi %ne3A, %ne3A_99 : i1
      %sub3A = arith.constant 1 : i32
      %sub3A_100 = arith.subi %div3A, %sub3A : i32
      %select_n3A = arith.select %and3A, %sub3A_100, %div3A : i32
      %jit3A_101 = arith.constant 8 : i32
      %eq3A = arith.constant 0 : i32
      %eq3A_102 = arith.cmpi eq, %jit3A_101, %eq3A : i32
      %jit3A_103 = arith.constant 1 : i32
      %select_n3A_104 = arith.select %eq3A_102, %jit3A_103, %jit3A_101 : i32
      %rem3A_105 = arith.remsi %scan3A_84, %select_n3A_104 : i32
      %ne3A_106 = arith.constant 0 : i32
      %ne3A_107 = arith.cmpi ne, %rem3A_105, %ne3A_106 : i32
      %lt3A = arith.constant 0 : i32
      %lt3A_108 = arith.cmpi slt, %rem3A_105, %lt3A : i32
      %lt3A_109 = arith.constant 0 : i32
      %lt3A_110 = arith.cmpi slt, %select_n3A_104, %lt3A_109 : i32
      %ne3A_111 = arith.xori %lt3A_108, %lt3A_110 : i1
      %and3A_112 = arith.andi %ne3A_111, %ne3A_107 : i1
      %add3A_113 = arith.addi %rem3A_105, %select_n3A_104 : i32
      %select_n3A_114 = arith.select %and3A_112, %add3A_113, %rem3A_105 : i32
      %mul3A_115 = arith.constant 16 : i32
      %mul3A_116 = arith.muli %select_n3A_114, %mul3A_115 : i32
      %broadcast_in_dim3A = arith.constant 0.000000e+00 : f32
      %broadcast_in_dim3A_117 = vector.broadcast %broadcast_in_dim3A : f32 to vector<16xf32>
      %swap3A = arith.index_cast %select_n3A : i32 to index
      %swap3A_118 = arith.index_cast %mul3A_116 : i32 to index
      %swap3A_119 = tpu.vector_load %arg10[%swap3A, %swap3A_118] {strides = array<i32>} : memref<128x128xf32, #tpu.memory_space<vmem>>, vector<16xf32>,
      tpu.vector_store %arg10[%swap3A, %swap3A_118], %broadcast_in_dim3A_117 {strides = array<i32>} : memref<128x128xf32, #tpu.memory_space<vmem>>, vector<16xf32>,
    }
    %scan3A_5 = arith.constant 1024 : i32
    %mul3A_6 = arith.constant 640 : i32
    %mul3A_7 = arith.muli %arg1, %mul3A_6 : i32
    %add3A_8 = arith.constant 0 : i32
    %add3A_9 = arith.addi %mul3A_7, %add3A_8 : i32
    "tpu.region"() ({
      %run_scoped3A = tpu.sem_alloc : memref<!tpu.dma_semaphore, #tpu.memory_space<semaphore_mem>>
      %dma_start3A_84 = arith.constant 0 : i32
      %dma_start3A_85 = tpu.memref_slice %arg12[%add3A_9, %dma_start3A_84] : memref<10240x128xf32, #tpu.memory_space<vmem_shared>> -> memref<128x128xf32, #tpu.memory_space<vmem_shared>>
      %dma_start3A_86 = arith.constant 0 : i32
      %dma_start3A_87 = tpu.memref_slice %arg12[%add3A_9, %dma_start3A_86] : memref<10240x128xf32, #tpu.memory_space<vmem_shared>> -> memref<128x128xf32, #tpu.memory_space<vmem_shared>>
      tpu.enqueue_dma source(%arg10 : memref<128x128xf32, #tpu.memory_space<vmem>>) target(%dma_start3A_87 : memref<128x128xf32, #tpu.memory_space<vmem_shared>>) target_semaphore(%run_scoped3A : memref<!tpu.dma_semaphore, #tpu.memory_space<semaphore_mem>>)
      %dma_wait3A_88 = arith.constant 0 : i32
      %dma_wait3A_89 = tpu.memref_slice %arg12[%add3A_9, %dma_wait3A_88] : memref<10240x128xf32, #tpu.memory_space<vmem_shared>> -> memref<128x128xf32, #tpu.memory_space<vmem_shared>>
      %dma_wait3A_90 = arith.constant 0 : i32
      %dma_wait3A_91 = tpu.memref_slice %arg12[%add3A_9, %dma_wait3A_90] : memref<10240x128xf32, #tpu.memory_space<vmem_shared>> -> memref<128x128xf32, #tpu.memory_space<vmem_shared>>
      tpu.wait_dma2 semaphore(%run_scoped3A : memref<!tpu.dma_semaphore, #tpu.memory_space<semaphore_mem>>) src(%arg10 : memref<128x128xf32, #tpu.memory_space<vmem>>) dst(%dma_wait3A_91 : memref<128x128xf32, #tpu.memory_space<vmem_shared>>)
      tpu.yield
    }) : () -> ()
    %mul3A_10 = arith.constant 640 : i32
    %mul3A_11 = arith.muli %arg1, %mul3A_10 : i32
    %add3A_12 = arith.constant 128 : i32
    %add3A_13 = arith.addi %mul3A_11, %add3A_12 : i32
    "tpu.region"() ({
      %run_scoped3A = tpu.sem_alloc : memref<!tpu.dma_semaphore, #tpu.memory_space<semaphore_mem>>
      %dma_start3A_84 = arith.constant 0 : i32
      %dma_start3A_85 = tpu.memref_slice %arg12[%add3A_13, %dma_start3A_84] : memref<10240x128xf32, #tpu.memory_space<vmem_shared>> -> memref<128x128xf32, #tpu.memory_space<vmem_shared>>
      %dma_start3A_86 = arith.constant 0 : i32
      %dma_start3A_87 = tpu.memref_slice %arg12[%add3A_13, %dma_start3A_86] : memref<10240x128xf32, #tpu.memory_space<vmem_shared>> -> memref<128x128xf32, #tpu.memory_space<vmem_shared>>
      tpu.enqueue_dma source(%arg10 : memref<128x128xf32, #tpu.memory_space<vmem>>) target(%dma_start3A_87 : memref<128x128xf32, #tpu.memory_space<vmem_shared>>) target_semaphore(%run_scoped3A : memref<!tpu.dma_semaphore, #tpu.memory_space<semaphore_mem>>)
      %dma_wait3A_88 = arith.constant 0 : i32
      %dma_wait3A_89 = tpu.memref_slice %arg12[%add3A_13, %dma_wait3A_88] : memref<10240x128xf32, #tpu.memory_space<vmem_shared>> -> memref<128x128xf32, #tpu.memory_space<vmem_shared>>
      %dma_wait3A_90 = arith.constant 0 : i32
      %dma_wait3A_91 = tpu.memref_slice %arg12[%add3A_13, %dma_wait3A_90] : memref<10240x128xf32, #tpu.memory_space<vmem_shared>> -> memref<128x128xf32, #tpu.memory_space<vmem_shared>>
      tpu.wait_dma2 semaphore(%run_scoped3A : memref<!tpu.dma_semaphore, #tpu.memory_space<semaphore_mem>>) src(%arg10 : memref<128x128xf32, #tpu.memory_space<vmem>>) dst(%dma_wait3A_91 : memref<128x128xf32, #tpu.memory_space<vmem_shared>>)
      tpu.yield
    }) : () -> ()
    %mul3A_14 = arith.constant 640 : i32
    %mul3A_15 = arith.muli %arg1, %mul3A_14 : i32
    %add3A_16 = arith.constant 256 : i32
    %add3A_17 = arith.addi %mul3A_15, %add3A_16 : i32
    "tpu.region"() ({
      %run_scoped3A = tpu.sem_alloc : memref<!tpu.dma_semaphore, #tpu.memory_space<semaphore_mem>>
      %dma_start3A_84 = arith.constant 0 : i32
      %dma_start3A_85 = tpu.memref_slice %arg12[%add3A_17, %dma_start3A_84] : memref<10240x128xf32, #tpu.memory_space<vmem_shared>> -> memref<128x128xf32, #tpu.memory_space<vmem_shared>>
      %dma_start3A_86 = arith.constant 0 : i32
      %dma_start3A_87 = tpu.memref_slice %arg12[%add3A_17, %dma_start3A_86] : memref<10240x128xf32, #tpu.memory_space<vmem_shared>> -> memref<128x128xf32, #tpu.memory_space<vmem_shared>>
      tpu.enqueue_dma source(%arg10 : memref<128x128xf32, #tpu.memory_space<vmem>>) target(%dma_start3A_87 : memref<128x128xf32, #tpu.memory_space<vmem_shared>>) target_semaphore(%run_scoped3A : memref<!tpu.dma_semaphore, #tpu.memory_space<semaphore_mem>>)
      %dma_wait3A_88 = arith.constant 0 : i32
      %dma_wait3A_89 = tpu.memref_slice %arg12[%add3A_17, %dma_wait3A_88] : memref<10240x128xf32, #tpu.memory_space<vmem_shared>> -> memref<128x128xf32, #tpu.memory_space<vmem_shared>>
      %dma_wait3A_90 = arith.constant 0 : i32
      %dma_wait3A_91 = tpu.memref_slice %arg12[%add3A_17, %dma_wait3A_90] : memref<10240x128xf32, #tpu.memory_space<vmem_shared>> -> memref<128x128xf32, #tpu.memory_space<vmem_shared>>
      tpu.wait_dma2 semaphore(%run_scoped3A : memref<!tpu.dma_semaphore, #tpu.memory_space<semaphore_mem>>) src(%arg10 : memref<128x128xf32, #tpu.memory_space<vmem>>) dst(%dma_wait3A_91 : memref<128x128xf32, #tpu.memory_space<vmem_shared>>)
      tpu.yield
    }) : () -> ()
    %mul3A_18 = arith.constant 640 : i32
    %mul3A_19 = arith.muli %arg1, %mul3A_18 : i32
    %add3A_20 = arith.constant 384 : i32
    %add3A_21 = arith.addi %mul3A_19, %add3A_20 : i32
    "tpu.region"() ({
      %run_scoped3A = tpu.sem_alloc : memref<!tpu.dma_semaphore, #tpu.memory_space<semaphore_mem>>
      %dma_start3A_84 = arith.constant 0 : i32
      %dma_start3A_85 = tpu.memref_slice %arg12[%add3A_21, %dma_start3A_84] : memref<10240x128xf32, #tpu.memory_space<vmem_shared>> -> memref<128x128xf32, #tpu.memory_space<vmem_shared>>
      %dma_start3A_86 = arith.constant 0 : i32
      %dma_start3A_87 = tpu.memref_slice %arg12[%add3A_21, %dma_start3A_86] : memref<10240x128xf32, #tpu.memory_space<vmem_shared>> -> memref<128x128xf32, #tpu.memory_space<vmem_shared>>
      tpu.enqueue_dma source(%arg10 : memref<128x128xf32, #tpu.memory_space<vmem>>) target(%dma_start3A_87 : memref<128x128xf32, #tpu.memory_space<vmem_shared>>) target_semaphore(%run_scoped3A : memref<!tpu.dma_semaphore, #tpu.memory_space<semaphore_mem>>)
      %dma_wait3A_88 = arith.constant 0 : i32
      %dma_wait3A_89 = tpu.memref_slice %arg12[%add3A_21, %dma_wait3A_88] : memref<10240x128xf32, #tpu.memory_space<vmem_shared>> -> memref<128x128xf32, #tpu.memory_space<vmem_shared>>
      %dma_wait3A_90 = arith.constant 0 : i32
      %dma_wait3A_91 = tpu.memref_slice %arg12[%add3A_21, %dma_wait3A_90] : memref<10240x128xf32, #tpu.memory_space<vmem_shared>> -> memref<128x128xf32, #tpu.memory_space<vmem_shared>>
      tpu.wait_dma2 semaphore(%run_scoped3A : memref<!tpu.dma_semaphore, #tpu.memory_space<semaphore_mem>>) src(%arg10 : memref<128x128xf32, #tpu.memory_space<vmem>>) dst(%dma_wait3A_91 : memref<128x128xf32, #tpu.memory_space<vmem_shared>>)
      tpu.yield
    }) : () -> ()
    %mul3A_22 = arith.constant 640 : i32
    %mul3A_23 = arith.muli %arg1, %mul3A_22 : i32
    %add3A_24 = arith.constant 512 : i32
    %add3A_25 = arith.addi %mul3A_23, %add3A_24 : i32
    "tpu.region"() ({
      %run_scoped3A = tpu.sem_alloc : memref<!tpu.dma_semaphore, #tpu.memory_space<semaphore_mem>>
      %dma_start3A_84 = arith.constant 0 : i32
      %dma_start3A_85 = tpu.memref_slice %arg12[%add3A_25, %dma_start3A_84] : memref<10240x128xf32, #tpu.memory_space<vmem_shared>> -> memref<128x128xf32, #tpu.memory_space<vmem_shared>>
      %dma_start3A_86 = arith.constant 0 : i32
      %dma_start3A_87 = tpu.memref_slice %arg12[%add3A_25, %dma_start3A_86] : memref<10240x128xf32, #tpu.memory_space<vmem_shared>> -> memref<128x128xf32, #tpu.memory_space<vmem_shared>>
      tpu.enqueue_dma source(%arg10 : memref<128x128xf32, #tpu.memory_space<vmem>>) target(%dma_start3A_87 : memref<128x128xf32, #tpu.memory_space<vmem_shared>>) target_semaphore(%run_scoped3A : memref<!tpu.dma_semaphore, #tpu.memory_space<semaphore_mem>>)
      %dma_wait3A_88 = arith.constant 0 : i32
      %dma_wait3A_89 = tpu.memref_slice %arg12[%add3A_25, %dma_wait3A_88] : memref<10240x128xf32, #tpu.memory_space<vmem_shared>> -> memref<128x128xf32, #tpu.memory_space<vmem_shared>>
      %dma_wait3A_90 = arith.constant 0 : i32
      %dma_wait3A_91 = tpu.memref_slice %arg12[%add3A_25, %dma_wait3A_90] : memref<10240x128xf32, #tpu.memory_space<vmem_shared>> -> memref<128x128xf32, #tpu.memory_space<vmem_shared>>
      tpu.wait_dma2 semaphore(%run_scoped3A : memref<!tpu.dma_semaphore, #tpu.memory_space<semaphore_mem>>) src(%arg10 : memref<128x128xf32, #tpu.memory_space<vmem>>) dst(%dma_wait3A_91 : memref<128x128xf32, #tpu.memory_space<vmem_shared>>)
      tpu.yield
    }) : () -> ()
    %barrier3A = arith.constant 0 : index
    tpu.barrier barrier_id(%barrier3A)
    %dma_start3A = arith.constant 0 : i32
    %dma_start3A_26 = arith.constant 0 : i32
    %dma_start3A_27 = arith.constant 0 : i32
    %dma_start3A_28 = tpu.memref_slice %arg8[%dma_start3A_26, %dma_start3A_27] : memref<2x128xi32, #tpu.memory_space<vmem>> -> memref<1x128xi32, #tpu.memory_space<vmem>>
    %dma_start3A_29 = tpu.memref_squeeze %dma_start3A_28 : memref<1x128xi32, #tpu.memory_space<vmem>> -> memref<128xi32, #tpu.memory_space<vmem>>
    %dma_start3A_30 = arith.constant 0 : i32
    %dma_start3A_31 = tpu.memref_slice %arg4[%add3A, %dma_start3A, %dma_start3A_30] : memref<32x80x128xi32, #tpu.memory_space<hbm>> -> memref<1x1x128xi32, #tpu.memory_space<hbm>>
    %dma_start3A_32 = tpu.memref_squeeze %dma_start3A_31 : memref<1x1x128xi32, #tpu.memory_space<hbm>> -> memref<128xi32, #tpu.memory_space<hbm>>
    %dma_start3A_33 = arith.constant 0 : i32
    %dma_start3A_34 = tpu.memref_slice %arg8[%dma_start3A_26, %dma_start3A_33] : memref<2x128xi32, #tpu.memory_space<vmem>> -> memref<1x128xi32, #tpu.memory_space<vmem>>
    %dma_start3A_35 = tpu.memref_squeeze %dma_start3A_34 : memref<1x128xi32, #tpu.memory_space<vmem>> -> memref<128xi32, #tpu.memory_space<vmem>>
    %dma_start3A_36 = arith.constant 0 : i32
    %dma_start3A_37 = tpu.memref_slice %arg4[%add3A, %dma_start3A, %dma_start3A_36] : memref<32x80x128xi32, #tpu.memory_space<hbm>> -> memref<1x1x128xi32, #tpu.memory_space<hbm>>
    %dma_start3A_38 = tpu.memref_squeeze %dma_start3A_37 : memref<1x1x128xi32, #tpu.memory_space<hbm>> -> memref<128xi32, #tpu.memory_space<hbm>>
    tpu.enqueue_dma source(%dma_start3A_38 : memref<128xi32, #tpu.memory_space<hbm>>) target(%dma_start3A_35 : memref<128xi32, #tpu.memory_space<vmem>>) target_semaphore(%arg17 : memref<!tpu.dma_semaphore, #tpu.memory_space<semaphore_mem>>)
    %dma_start3A_39 = arith.constant 0 : i32
    %dma_start3A_40 = arith.constant 0 : i32
    %dma_start3A_41 = arith.constant 0 : i32
    %dma_start3A_42 = tpu.memref_slice %arg9[%dma_start3A_40, %dma_start3A_41] : memref<2x128xf32, #tpu.memory_space<vmem>> -> memref<1x128xf32, #tpu.memory_space<vmem>>
    %dma_start3A_43 = tpu.memref_squeeze %dma_start3A_42 : memref<1x128xf32, #tpu.memory_space<vmem>> -> memref<128xf32, #tpu.memory_space<vmem>>
    %dma_start3A_44 = arith.constant 0 : i32
    %dma_start3A_45 = tpu.memref_slice %arg5[%add3A, %dma_start3A_39, %dma_start3A_44] : memref<32x80x128xf32, #tpu.memory_space<hbm>> -> memref<1x1x128xf32, #tpu.memory_space<hbm>>
    %dma_start3A_46 = tpu.memref_squeeze %dma_start3A_45 : memref<1x1x128xf32, #tpu.memory_space<hbm>> -> memref<128xf32, #tpu.memory_space<hbm>>
    %dma_start3A_47 = arith.constant 0 : i32
    %dma_start3A_48 = tpu.memref_slice %arg9[%dma_start3A_40, %dma_start3A_47] : memref<2x128xf32, #tpu.memory_space<vmem>> -> memref<1x128xf32, #tpu.memory_space<vmem>>
    %dma_start3A_49 = tpu.memref_squeeze %dma_start3A_48 : memref<1x128xf32, #tpu.memory_space<vmem>> -> memref<128xf32, #tpu.memory_space<vmem>>
    %dma_start3A_50 = arith.constant 0 : i32
    %dma_start3A_51 = tpu.memref_slice %arg5[%add3A, %dma_start3A_39, %dma_start3A_50] : memref<32x80x128xf32, #tpu.memory_space<hbm>> -> memref<1x1x128xf32, #tpu.memory_space<hbm>>
    %dma_start3A_52 = tpu.memref_squeeze %dma_start3A_51 : memref<1x1x128xf32, #tpu.memory_space<hbm>> -> memref<128xf32, #tpu.memory_space<hbm>>
    tpu.enqueue_dma source(%dma_start3A_52 : memref<128xf32, #tpu.memory_space<hbm>>) target(%dma_start3A_49 : memref<128xf32, #tpu.memory_space<vmem>>) target_semaphore(%arg17 : memref<!tpu.dma_semaphore, #tpu.memory_space<semaphore_mem>>)
    %dma_start3A_53 = arith.constant 0 : i32
    %dma_start3A_54 = arith.constant 0 : i32
    %dma_start3A_55 = tpu.memref_slice %arg7[%dma_start3A_53, %dma_start3A_54] : memref<80x128xi32, #tpu.memory_space<vmem>> -> memref<1x128xi32, #tpu.memory_space<vmem>>
    %dma_start3A_56 = tpu.memref_squeeze %dma_start3A_55 : memref<1x128xi32, #tpu.memory_space<vmem>> -> memref<128xi32, #tpu.memory_space<vmem>>
    %dma_start3A_57 = arith.constant 0 : i32
    %dma_start3A_58 = arith.constant 0 : i32
    %dma_start3A_59 = tpu.memref_slice %arg2[%dma_start3A_57, %dma_start3A_58] : memref<10000x128xf32, #tpu.memory_space<hbm>> -> memref<10000x128xf32, #tpu.memory_space<hbm>>
    tpu.enqueue_indirect_dma source(%dma_start3A_59 : memref<10000x128xf32, #tpu.memory_space<hbm>>) target(%arg10 : memref<128x128xf32, #tpu.memory_space<vmem>>) offsets(%dma_start3A_56 : memref<128xi32, #tpu.memory_space<vmem>>) semaphore(%arg13 : memref<!tpu.dma_semaphore, #tpu.memory_space<semaphore_mem>>)
    %scan3A_60 = arith.constant 0 : i32
    %scan3A_61 = arith.constant 0 : i32
    %scan3A_62 = arith.constant 40 : i32
    %scan3A_63 = arith.addi %scan3A_61, %scan3A_62 : i32
    %scan3A_64 = arith.constant 1 : i32
    scf.for %scan3A_84 = %scan3A_61 to %scan3A_63 step %scan3A_64  : i32 {
      %mul3A_85 = arith.constant 2 : i32
      %mul3A_86 = arith.muli %scan3A_84, %mul3A_85 : i32
      %add3A_87 = arith.constant 0 : i32
      %add3A_88 = arith.addi %mul3A_86, %add3A_87 : i32
      %add3A_89 = arith.constant 1 : i32
      %add3A_90 = arith.addi %add3A_88, %add3A_89 : i32
      %lt3A = arith.constant 80 : i32
      %lt3A_91 = arith.cmpi slt, %add3A_90, %lt3A : i32
      %convert_element_type3A = arith.extui %lt3A_91 : i1 to i32
      %cond3A = arith.constant 0 : i32
      %cond3A_92 = arith.cmpi ne, %convert_element_type3A, %cond3A : i32
      scf.if %cond3A_92 {
        %gt3A = arith.constant 0 : i32
        %gt3A_194 = arith.cmpi sgt, %add3A_88, %gt3A : i32
        %convert_element_type3A_195 = arith.extui %gt3A_194 : i1 to i32
        %cond3A_196 = arith.constant 0 : i32
        %cond3A_197 = arith.cmpi ne, %convert_element_type3A_195, %cond3A_196 : i32
        scf.if %cond3A_197 {
          %dma_wait3A_236 = arith.constant 1 : i32
          %dma_wait3A_237 = arith.constant 0 : i32
          %dma_wait3A_238 = tpu.memref_slice %arg8[%dma_wait3A_236, %dma_wait3A_237] : memref<2x128xi32, #tpu.memory_space<vmem>> -> memref<1x128xi32, #tpu.memory_space<vmem>>
          %dma_wait3A_239 = tpu.memref_squeeze %dma_wait3A_238 : memref<1x128xi32, #tpu.memory_space<vmem>> -> memref<128xi32, #tpu.memory_space<vmem>>
          %dma_wait3A_240 = arith.constant 0 : i32
          %dma_wait3A_241 = arith.constant 0 : i32
          %dma_wait3A_242 = tpu.memref_slice %arg12[%dma_wait3A_240, %dma_wait3A_241] : memref<10240x128xf32, #tpu.memory_space<vmem_shared>> -> memref<10240x128xf32, #tpu.memory_space<vmem_shared>>
          tpu.wait_indirect_dma semaphore(%arg16 : memref<!tpu.dma_semaphore, #tpu.memory_space<semaphore_mem>>) src(%arg11 : memref<128x128xf32, #tpu.memory_space<vmem>>) dst(%dma_wait3A_242 : memref<10240x128xf32, #tpu.memory_space<vmem_shared>>)
        } else {
        }
        %add3A_198 = arith.constant 1 : i32
        %add3A_199 = arith.addi %add3A_88, %add3A_198 : i32
        %dma_start3A_200 = arith.constant 1 : i32
        %dma_start3A_201 = arith.constant 0 : i32
        %dma_start3A_202 = tpu.memref_slice %arg8[%dma_start3A_200, %dma_start3A_201] : memref<2x128xi32, #tpu.memory_space<vmem>> -> memref<1x128xi32, #tpu.memory_space<vmem>>
        %dma_start3A_203 = tpu.memref_squeeze %dma_start3A_202 : memref<1x128xi32, #tpu.memory_space<vmem>> -> memref<128xi32, #tpu.memory_space<vmem>>
        %dma_start3A_204 = arith.constant 0 : i32
        %dma_start3A_205 = tpu.memref_slice %arg4[%add3A, %add3A_199, %dma_start3A_204] : memref<32x80x128xi32, #tpu.memory_space<hbm>> -> memref<1x1x128xi32, #tpu.memory_space<hbm>>
        %dma_start3A_206 = tpu.memref_squeeze %dma_start3A_205 : memref<1x1x128xi32, #tpu.memory_space<hbm>> -> memref<128xi32, #tpu.memory_space<hbm>>
        %dma_start3A_207 = arith.constant 0 : i32
        %dma_start3A_208 = tpu.memref_slice %arg8[%dma_start3A_200, %dma_start3A_207] : memref<2x128xi32, #tpu.memory_space<vmem>> -> memref<1x128xi32, #tpu.memory_space<vmem>>
        %dma_start3A_209 = tpu.memref_squeeze %dma_start3A_208 : memref<1x128xi32, #tpu.memory_space<vmem>> -> memref<128xi32, #tpu.memory_space<vmem>>
        %dma_start3A_210 = arith.constant 0 : i32
        %dma_start3A_211 = tpu.memref_slice %arg4[%add3A, %add3A_199, %dma_start3A_210] : memref<32x80x128xi32, #tpu.memory_space<hbm>> -> memref<1x1x128xi32, #tpu.memory_space<hbm>>
        %dma_start3A_212 = tpu.memref_squeeze %dma_start3A_211 : memref<1x1x128xi32, #tpu.memory_space<hbm>> -> memref<128xi32, #tpu.memory_space<hbm>>
        tpu.enqueue_dma source(%dma_start3A_212 : memref<128xi32, #tpu.memory_space<hbm>>) target(%dma_start3A_209 : memref<128xi32, #tpu.memory_space<vmem>>) target_semaphore(%arg18 : memref<!tpu.dma_semaphore, #tpu.memory_space<semaphore_mem>>)
        %add3A_213 = arith.constant 1 : i32
        %add3A_214 = arith.addi %add3A_88, %add3A_213 : i32
        %dma_start3A_215 = arith.constant 1 : i32
        %dma_start3A_216 = arith.constant 0 : i32
        %dma_start3A_217 = tpu.memref_slice %arg9[%dma_start3A_215, %dma_start3A_216] : memref<2x128xf32, #tpu.memory_space<vmem>> -> memref<1x128xf32, #tpu.memory_space<vmem>>
        %dma_start3A_218 = tpu.memref_squeeze %dma_start3A_217 : memref<1x128xf32, #tpu.memory_space<vmem>> -> memref<128xf32, #tpu.memory_space<vmem>>
        %dma_start3A_219 = arith.constant 0 : i32
        %dma_start3A_220 = tpu.memref_slice %arg5[%add3A, %add3A_214, %dma_start3A_219] : memref<32x80x128xf32, #tpu.memory_space<hbm>> -> memref<1x1x128xf32, #tpu.memory_space<hbm>>
        %dma_start3A_221 = tpu.memref_squeeze %dma_start3A_220 : memref<1x1x128xf32, #tpu.memory_space<hbm>> -> memref<128xf32, #tpu.memory_space<hbm>>
        %dma_start3A_222 = arith.constant 0 : i32
        %dma_start3A_223 = tpu.memref_slice %arg9[%dma_start3A_215, %dma_start3A_222] : memref<2x128xf32, #tpu.memory_space<vmem>> -> memref<1x128xf32, #tpu.memory_space<vmem>>
        %dma_start3A_224 = tpu.memref_squeeze %dma_start3A_223 : memref<1x128xf32, #tpu.memory_space<vmem>> -> memref<128xf32, #tpu.memory_space<vmem>>
        %dma_start3A_225 = arith.constant 0 : i32
        %dma_start3A_226 = tpu.memref_slice %arg5[%add3A, %add3A_214, %dma_start3A_225] : memref<32x80x128xf32, #tpu.memory_space<hbm>> -> memref<1x1x128xf32, #tpu.memory_space<hbm>>
        %dma_start3A_227 = tpu.memref_squeeze %dma_start3A_226 : memref<1x1x128xf32, #tpu.memory_space<hbm>> -> memref<128xf32, #tpu.memory_space<hbm>>
        tpu.enqueue_dma source(%dma_start3A_227 : memref<128xf32, #tpu.memory_space<hbm>>) target(%dma_start3A_224 : memref<128xf32, #tpu.memory_space<vmem>>) target_semaphore(%arg18 : memref<!tpu.dma_semaphore, #tpu.memory_space<semaphore_mem>>)
        %add3A_228 = arith.constant 1 : i32
        %add3A_229 = arith.addi %add3A_88, %add3A_228 : i32
        %dma_start3A_230 = arith.constant 0 : i32
        %dma_start3A_231 = tpu.memref_slice %arg7[%add3A_229, %dma_start3A_230] : memref<80x128xi32, #tpu.memory_space<vmem>> -> memref<1x128xi32, #tpu.memory_space<vmem>>
        %dma_start3A_232 = tpu.memref_squeeze %dma_start3A_231 : memref<1x128xi32, #tpu.memory_space<vmem>> -> memref<128xi32, #tpu.memory_space<vmem>>
        %dma_start3A_233 = arith.constant 0 : i32
        %dma_start3A_234 = arith.constant 0 : i32
        %dma_start3A_235 = tpu.memref_slice %arg2[%dma_start3A_233, %dma_start3A_234] : memref<10000x128xf32, #tpu.memory_space<hbm>> -> memref<10000x128xf32, #tpu.memory_space<hbm>>
        tpu.enqueue_indirect_dma source(%dma_start3A_235 : memref<10000x128xf32, #tpu.memory_space<hbm>>) target(%arg11 : memref<128x128xf32, #tpu.memory_space<vmem>>) offsets(%dma_start3A_232 : memref<128xi32, #tpu.memory_space<vmem>>) semaphore(%arg14 : memref<!tpu.dma_semaphore, #tpu.memory_space<semaphore_mem>>)
      } else {
      }
      %dma_wait3A_93 = arith.constant 0 : i32
      %dma_wait3A_94 = tpu.memref_slice %arg7[%add3A_88, %dma_wait3A_93] : memref<80x128xi32, #tpu.memory_space<vmem>> -> memref<1x128xi32, #tpu.memory_space<vmem>>
      %dma_wait3A_95 = tpu.memref_squeeze %dma_wait3A_94 : memref<1x128xi32, #tpu.memory_space<vmem>> -> memref<128xi32, #tpu.memory_space<vmem>>
      %dma_wait3A_96 = arith.constant 0 : i32
      %dma_wait3A_97 = arith.constant 0 : i32
      %dma_wait3A_98 = tpu.memref_slice %arg2[%dma_wait3A_96, %dma_wait3A_97] : memref<10000x128xf32, #tpu.memory_space<hbm>> -> memref<10000x128xf32, #tpu.memory_space<hbm>>
      tpu.wait_indirect_dma semaphore(%arg13 : memref<!tpu.dma_semaphore, #tpu.memory_space<semaphore_mem>>) src(%dma_wait3A_98 : memref<10000x128xf32, #tpu.memory_space<hbm>>) dst(%arg10 : memref<128x128xf32, #tpu.memory_space<vmem>>)
      %dma_wait3A_99 = arith.constant 0 : i32
      %dma_wait3A_100 = arith.constant 0 : i32
      %dma_wait3A_101 = tpu.memref_slice %arg8[%dma_wait3A_99, %dma_wait3A_100] : memref<2x128xi32, #tpu.memory_space<vmem>> -> memref<1x128xi32, #tpu.memory_space<vmem>>
      %dma_wait3A_102 = tpu.memref_squeeze %dma_wait3A_101 : memref<1x128xi32, #tpu.memory_space<vmem>> -> memref<128xi32, #tpu.memory_space<vmem>>
      %dma_wait3A_103 = arith.constant 0 : i32
      %dma_wait3A_104 = tpu.memref_slice %arg4[%add3A, %add3A_88, %dma_wait3A_103] : memref<32x80x128xi32, #tpu.memory_space<hbm>> -> memref<1x1x128xi32, #tpu.memory_space<hbm>>
      %dma_wait3A_105 = tpu.memref_squeeze %dma_wait3A_104 : memref<1x1x128xi32, #tpu.memory_space<hbm>> -> memref<128xi32, #tpu.memory_space<hbm>>
      %dma_wait3A_106 = arith.constant 0 : i32
      %dma_wait3A_107 = tpu.memref_slice %arg8[%dma_wait3A_99, %dma_wait3A_106] : memref<2x128xi32, #tpu.memory_space<vmem>> -> memref<1x128xi32, #tpu.memory_space<vmem>>
      %dma_wait3A_108 = tpu.memref_squeeze %dma_wait3A_107 : memref<1x128xi32, #tpu.memory_space<vmem>> -> memref<128xi32, #tpu.memory_space<vmem>>
      %dma_wait3A_109 = arith.constant 0 : i32
      %dma_wait3A_110 = tpu.memref_slice %arg4[%add3A, %add3A_88, %dma_wait3A_109] : memref<32x80x128xi32, #tpu.memory_space<hbm>> -> memref<1x1x128xi32, #tpu.memory_space<hbm>>
      %dma_wait3A_111 = tpu.memref_squeeze %dma_wait3A_110 : memref<1x1x128xi32, #tpu.memory_space<hbm>> -> memref<128xi32, #tpu.memory_space<hbm>>
      tpu.wait_dma2 semaphore(%arg17 : memref<!tpu.dma_semaphore, #tpu.memory_space<semaphore_mem>>) src(%dma_wait3A_111 : memref<128xi32, #tpu.memory_space<hbm>>) dst(%dma_wait3A_108 : memref<128xi32, #tpu.memory_space<vmem>>)
      %dma_wait3A_112 = arith.constant 0 : i32
      %dma_wait3A_113 = arith.constant 0 : i32
      %dma_wait3A_114 = tpu.memref_slice %arg9[%dma_wait3A_112, %dma_wait3A_113] : memref<2x128xf32, #tpu.memory_space<vmem>> -> memref<1x128xf32, #tpu.memory_space<vmem>>
      %dma_wait3A_115 = tpu.memref_squeeze %dma_wait3A_114 : memref<1x128xf32, #tpu.memory_space<vmem>> -> memref<128xf32, #tpu.memory_space<vmem>>
      %dma_wait3A_116 = arith.constant 0 : i32
      %dma_wait3A_117 = tpu.memref_slice %arg5[%add3A, %add3A_88, %dma_wait3A_116] : memref<32x80x128xf32, #tpu.memory_space<hbm>> -> memref<1x1x128xf32, #tpu.memory_space<hbm>>
      %dma_wait3A_118 = tpu.memref_squeeze %dma_wait3A_117 : memref<1x1x128xf32, #tpu.memory_space<hbm>> -> memref<128xf32, #tpu.memory_space<hbm>>
      %dma_wait3A_119 = arith.constant 0 : i32
      %dma_wait3A_120 = tpu.memref_slice %arg9[%dma_wait3A_112, %dma_wait3A_119] : memref<2x128xf32, #tpu.memory_space<vmem>> -> memref<1x128xf32, #tpu.memory_space<vmem>>
      %dma_wait3A_121 = tpu.memref_squeeze %dma_wait3A_120 : memref<1x128xf32, #tpu.memory_space<vmem>> -> memref<128xf32, #tpu.memory_space<vmem>>
      %dma_wait3A_122 = arith.constant 0 : i32
      %dma_wait3A_123 = tpu.memref_slice %arg5[%add3A, %add3A_88, %dma_wait3A_122] : memref<32x80x128xf32, #tpu.memory_space<hbm>> -> memref<1x1x128xf32, #tpu.memory_space<hbm>>
      %dma_wait3A_124 = tpu.memref_squeeze %dma_wait3A_123 : memref<1x1x128xf32, #tpu.memory_space<hbm>> -> memref<128xf32, #tpu.memory_space<hbm>>
      tpu.wait_dma2 semaphore(%arg17 : memref<!tpu.dma_semaphore, #tpu.memory_space<semaphore_mem>>) src(%dma_wait3A_124 : memref<128xf32, #tpu.memory_space<hbm>>) dst(%dma_wait3A_121 : memref<128xf32, #tpu.memory_space<vmem>>)
      %scan3A_125 = arith.constant 0 : i32
      %scan3A_126 = arith.constant 0 : i32
      %scan3A_127 = arith.constant 32 : i32
      %scan3A_128 = arith.addi %scan3A_126, %scan3A_127 : i32
      %scan3A_129 = arith.constant 1 : i32
      scf.for %scan3A_194 = %scan3A_126 to %scan3A_128 step %scan3A_129  : i32 {
        %mul3A_195 = arith.constant 4 : i32
        %mul3A_196 = arith.muli %scan3A_194, %mul3A_195 : i32
        %broadcast_in_dim3A = arith.constant 0 : i32
        %broadcast_in_dim3A_197 = vector.broadcast %broadcast_in_dim3A : i32 to vector<16xi32>
        %add3A_198 = arith.constant 0 : i32
        %add3A_199 = arith.addi %mul3A_196, %add3A_198 : i32
        %broadcast_in_dim3A_200 = vector.broadcast %add3A_199 : i32 to vector<16xi32>
        %gather3A = tpu.vector_load_idx %arg9[%broadcast_in_dim3A_197, %broadcast_in_dim3A_200] : memref<2x128xf32, #tpu.memory_space<vmem>>[vector<16xi32>, vector<16xi32>], vector<16xf32>,
        %broadcast_in_dim3A_201 = arith.constant 0 : i32
        %broadcast_in_dim3A_202 = vector.broadcast %broadcast_in_dim3A_201 : i32 to vector<16xi32>
        %add3A_203 = arith.constant 1 : i32
        %add3A_204 = arith.addi %mul3A_196, %add3A_203 : i32
        %broadcast_in_dim3A_205 = vector.broadcast %add3A_204 : i32 to vector<16xi32>
        %gather3A_206 = tpu.vector_load_idx %arg9[%broadcast_in_dim3A_202, %broadcast_in_dim3A_205] : memref<2x128xf32, #tpu.memory_space<vmem>>[vector<16xi32>, vector<16xi32>], vector<16xf32>,
        %broadcast_in_dim3A_207 = arith.constant 0 : i32
        %broadcast_in_dim3A_208 = vector.broadcast %broadcast_in_dim3A_207 : i32 to vector<16xi32>
        %add3A_209 = arith.constant 2 : i32
        %add3A_210 = arith.addi %mul3A_196, %add3A_209 : i32
        %broadcast_in_dim3A_211 = vector.broadcast %add3A_210 : i32 to vector<16xi32>
        %gather3A_212 = tpu.vector_load_idx %arg9[%broadcast_in_dim3A_208, %broadcast_in_dim3A_211] : memref<2x128xf32, #tpu.memory_space<vmem>>[vector<16xi32>, vector<16xi32>], vector<16xf32>,
        %broadcast_in_dim3A_213 = arith.constant 0 : i32
        %broadcast_in_dim3A_214 = vector.broadcast %broadcast_in_dim3A_213 : i32 to vector<16xi32>
        %add3A_215 = arith.constant 3 : i32
        %add3A_216 = arith.addi %mul3A_196, %add3A_215 : i32
        %broadcast_in_dim3A_217 = vector.broadcast %add3A_216 : i32 to vector<16xi32>
        %gather3A_218 = tpu.vector_load_idx %arg9[%broadcast_in_dim3A_214, %broadcast_in_dim3A_217] : memref<2x128xf32, #tpu.memory_space<vmem>>[vector<16xi32>, vector<16xi32>], vector<16xf32>,
        %add3A_219 = arith.constant 0 : i32
        %add3A_220 = arith.addi %mul3A_196, %add3A_219 : i32
        %get3A = arith.index_cast %add3A_220 : i32 to index
        %get3A_221 = arith.constant 0 : index
        %get3A_222 = tpu.vector_load %arg10[%get3A, %get3A_221] {strides = array<i32>} : memref<128x128xf32, #tpu.memory_space<vmem>>, vector<16xf32>,
        %mul3A_223 = arith.mulf %get3A_222, %gather3A : vector<16xf32>
        %add3A_224 = arith.constant 0 : i32
        %add3A_225 = arith.addi %mul3A_196, %add3A_224 : i32
        %swap3A = arith.index_cast %add3A_225 : i32 to index
        %swap3A_226 = arith.constant 0 : index
        %swap3A_227 = tpu.vector_load %arg10[%swap3A, %swap3A_226] {strides = array<i32>} : memref<128x128xf32, #tpu.memory_space<vmem>>, vector<16xf32>,
        tpu.vector_store %arg10[%swap3A, %swap3A_226], %mul3A_223 {strides = array<i32>} : memref<128x128xf32, #tpu.memory_space<vmem>>, vector<16xf32>,
        %add3A_228 = arith.constant 1 : i32
        %add3A_229 = arith.addi %mul3A_196, %add3A_228 : i32
        %get3A_230 = arith.index_cast %add3A_229 : i32 to index
        %get3A_231 = arith.constant 0 : index
        %get3A_232 = tpu.vector_load %arg10[%get3A_230, %get3A_231] {strides = array<i32>} : memref<128x128xf32, #tpu.memory_space<vmem>>, vector<16xf32>,
        %mul3A_233 = arith.mulf %get3A_232, %gather3A_206 : vector<16xf32>
        %add3A_234 = arith.constant 1 : i32
        %add3A_235 = arith.addi %mul3A_196, %add3A_234 : i32
        %swap3A_236 = arith.index_cast %add3A_235 : i32 to index
        %swap3A_237 = arith.constant 0 : index
        %swap3A_238 = tpu.vector_load %arg10[%swap3A_236, %swap3A_237] {strides = array<i32>} : memref<128x128xf32, #tpu.memory_space<vmem>>, vector<16xf32>,
        tpu.vector_store %arg10[%swap3A_236, %swap3A_237], %mul3A_233 {strides = array<i32>} : memref<128x128xf32, #tpu.memory_space<vmem>>, vector<16xf32>,
        %add3A_239 = arith.constant 2 : i32
        %add3A_240 = arith.addi %mul3A_196, %add3A_239 : i32
        %get3A_241 = arith.index_cast %add3A_240 : i32 to index
        %get3A_242 = arith.constant 0 : index
        %get3A_243 = tpu.vector_load %arg10[%get3A_241, %get3A_242] {strides = array<i32>} : memref<128x128xf32, #tpu.memory_space<vmem>>, vector<16xf32>,
        %mul3A_244 = arith.mulf %get3A_243, %gather3A_212 : vector<16xf32>
        %add3A_245 = arith.constant 2 : i32
        %add3A_246 = arith.addi %mul3A_196, %add3A_245 : i32
        %swap3A_247 = arith.index_cast %add3A_246 : i32 to index
        %swap3A_248 = arith.constant 0 : index
        %swap3A_249 = tpu.vector_load %arg10[%swap3A_247, %swap3A_248] {strides = array<i32>} : memref<128x128xf32, #tpu.memory_space<vmem>>, vector<16xf32>,
        tpu.vector_store %arg10[%swap3A_247, %swap3A_248], %mul3A_244 {strides = array<i32>} : memref<128x128xf32, #tpu.memory_space<vmem>>, vector<16xf32>,
        %add3A_250 = arith.constant 3 : i32
        %add3A_251 = arith.addi %mul3A_196, %add3A_250 : i32
        %get3A_252 = arith.index_cast %add3A_251 : i32 to index
        %get3A_253 = arith.constant 0 : index
        %get3A_254 = tpu.vector_load %arg10[%get3A_252, %get3A_253] {strides = array<i32>} : memref<128x128xf32, #tpu.memory_space<vmem>>, vector<16xf32>,
        %mul3A_255 = arith.mulf %get3A_254, %gather3A_218 : vector<16xf32>
        %add3A_256 = arith.constant 3 : i32
        %add3A_257 = arith.addi %mul3A_196, %add3A_256 : i32
        %swap3A_258 = arith.index_cast %add3A_257 : i32 to index
        %swap3A_259 = arith.constant 0 : index
        %swap3A_260 = tpu.vector_load %arg10[%swap3A_258, %swap3A_259] {strides = array<i32>} : memref<128x128xf32, #tpu.memory_space<vmem>>, vector<16xf32>,
        tpu.vector_store %arg10[%swap3A_258, %swap3A_259], %mul3A_255 {strides = array<i32>} : memref<128x128xf32, #tpu.memory_space<vmem>>, vector<16xf32>,
        %add3A_261 = arith.constant 0 : i32
        %add3A_262 = arith.addi %mul3A_196, %add3A_261 : i32
        %get3A_263 = arith.index_cast %add3A_262 : i32 to index
        %get3A_264 = arith.constant 16 : index
        %get3A_265 = tpu.vector_load %arg10[%get3A_263, %get3A_264] {strides = array<i32>} : memref<128x128xf32, #tpu.memory_space<vmem>>, vector<16xf32>,
        %mul3A_266 = arith.mulf %get3A_265, %gather3A : vector<16xf32>
        %add3A_267 = arith.constant 0 : i32
        %add3A_268 = arith.addi %mul3A_196, %add3A_267 : i32
        %swap3A_269 = arith.index_cast %add3A_268 : i32 to index
        %swap3A_270 = arith.constant 16 : index
        %swap3A_271 = tpu.vector_load %arg10[%swap3A_269, %swap3A_270] {strides = array<i32>} : memref<128x128xf32, #tpu.memory_space<vmem>>, vector<16xf32>,
        tpu.vector_store %arg10[%swap3A_269, %swap3A_270], %mul3A_266 {strides = array<i32>} : memref<128x128xf32, #tpu.memory_space<vmem>>, vector<16xf32>,
        %add3A_272 = arith.constant 1 : i32
        %add3A_273 = arith.addi %mul3A_196, %add3A_272 : i32
        %get3A_274 = arith.index_cast %add3A_273 : i32 to index
        %get3A_275 = arith.constant 16 : index
        %get3A_276 = tpu.vector_load %arg10[%get3A_274, %get3A_275] {strides = array<i32>} : memref<128x128xf32, #tpu.memory_space<vmem>>, vector<16xf32>,
        %mul3A_277 = arith.mulf %get3A_276, %gather3A_206 : vector<16xf32>
        %add3A_278 = arith.constant 1 : i32
        %add3A_279 = arith.addi %mul3A_196, %add3A_278 : i32
        %swap3A_280 = arith.index_cast %add3A_279 : i32 to index
        %swap3A_281 = arith.constant 16 : index
        %swap3A_282 = tpu.vector_load %arg10[%swap3A_280, %swap3A_281] {strides = array<i32>} : memref<128x128xf32, #tpu.memory_space<vmem>>, vector<16xf32>,
        tpu.vector_store %arg10[%swap3A_280, %swap3A_281], %mul3A_277 {strides = array<i32>} : memref<128x128xf32, #tpu.memory_space<vmem>>, vector<16xf32>,
        %add3A_283 = arith.constant 2 : i32
        %add3A_284 = arith.addi %mul3A_196, %add3A_283 : i32
        %get3A_285 = arith.index_cast %add3A_284 : i32 to index
        %get3A_286 = arith.constant 16 : index
        %get3A_287 = tpu.vector_load %arg10[%get3A_285, %get3A_286] {strides = array<i32>} : memref<128x128xf32, #tpu.memory_space<vmem>>, vector<16xf32>,
        %mul3A_288 = arith.mulf %get3A_287, %gather3A_212 : vector<16xf32>
        %add3A_289 = arith.constant 2 : i32
        %add3A_290 = arith.addi %mul3A_196, %add3A_289 : i32
        %swap3A_291 = arith.index_cast %add3A_290 : i32 to index
        %swap3A_292 = arith.constant 16 : index
        %swap3A_293 = tpu.vector_load %arg10[%swap3A_291, %swap3A_292] {strides = array<i32>} : memref<128x128xf32, #tpu.memory_space<vmem>>, vector<16xf32>,
        tpu.vector_store %arg10[%swap3A_291, %swap3A_292], %mul3A_288 {strides = array<i32>} : memref<128x128xf32, #tpu.memory_space<vmem>>, vector<16xf32>,
        %add3A_294 = arith.constant 3 : i32
        %add3A_295 = arith.addi %mul3A_196, %add3A_294 : i32
        %get3A_296 = arith.index_cast %add3A_295 : i32 to index
        %get3A_297 = arith.constant 16 : index
        %get3A_298 = tpu.vector_load %arg10[%get3A_296, %get3A_297] {strides = array<i32>} : memref<128x128xf32, #tpu.memory_space<vmem>>, vector<16xf32>,
        %mul3A_299 = arith.mulf %get3A_298, %gather3A_218 : vector<16xf32>
        %add3A_300 = arith.constant 3 : i32
        %add3A_301 = arith.addi %mul3A_196, %add3A_300 : i32
        %swap3A_302 = arith.index_cast %add3A_301 : i32 to index
        %swap3A_303 = arith.constant 16 : index
        %swap3A_304 = tpu.vector_load %arg10[%swap3A_302, %swap3A_303] {strides = array<i32>} : memref<128x128xf32, #tpu.memory_space<vmem>>, vector<16xf32>,
        tpu.vector_store %arg10[%swap3A_302, %swap3A_303], %mul3A_299 {strides = array<i32>} : memref<128x128xf32, #tpu.memory_space<vmem>>, vector<16xf32>,
        %add3A_305 = arith.constant 0 : i32
        %add3A_306 = arith.addi %mul3A_196, %add3A_305 : i32
        %get3A_307 = arith.index_cast %add3A_306 : i32 to index
        %get3A_308 = arith.constant 32 : index
        %get3A_309 = tpu.vector_load %arg10[%get3A_307, %get3A_308] {strides = array<i32>} : memref<128x128xf32, #tpu.memory_space<vmem>>, vector<16xf32>,
        %mul3A_310 = arith.mulf %get3A_309, %gather3A : vector<16xf32>
        %add3A_311 = arith.constant 0 : i32
        %add3A_312 = arith.addi %mul3A_196, %add3A_311 : i32
        %swap3A_313 = arith.index_cast %add3A_312 : i32 to index
        %swap3A_314 = arith.constant 32 : index
        %swap3A_315 = tpu.vector_load %arg10[%swap3A_313, %swap3A_314] {strides = array<i32>} : memref<128x128xf32, #tpu.memory_space<vmem>>, vector<16xf32>,
        tpu.vector_store %arg10[%swap3A_313, %swap3A_314], %mul3A_310 {strides = array<i32>} : memref<128x128xf32, #tpu.memory_space<vmem>>, vector<16xf32>,
        %add3A_316 = arith.constant 1 : i32
        %add3A_317 = arith.addi %mul3A_196, %add3A_316 : i32
        %get3A_318 = arith.index_cast %add3A_317 : i32 to index
        %get3A_319 = arith.constant 32 : index
        %get3A_320 = tpu.vector_load %arg10[%get3A_318, %get3A_319] {strides = array<i32>} : memref<128x128xf32, #tpu.memory_space<vmem>>, vector<16xf32>,
        %mul3A_321 = arith.mulf %get3A_320, %gather3A_206 : vector<16xf32>
        %add3A_322 = arith.constant 1 : i32
        %add3A_323 = arith.addi %mul3A_196, %add3A_322 : i32
        %swap3A_324 = arith.index_cast %add3A_323 : i32 to index
        %swap3A_325 = arith.constant 32 : index
        %swap3A_326 = tpu.vector_load %arg10[%swap3A_324, %swap3A_325] {strides = array<i32>} : memref<128x128xf32, #tpu.memory_space<vmem>>, vector<16xf32>,
        tpu.vector_store %arg10[%swap3A_324, %swap3A_325], %mul3A_321 {strides = array<i32>} : memref<128x128xf32, #tpu.memory_space<vmem>>, vector<16xf32>,
        %add3A_327 = arith.constant 2 : i32
        %add3A_328 = arith.addi %mul3A_196, %add3A_327 : i32
        %get3A_329 = arith.index_cast %add3A_328 : i32 to index
        %get3A_330 = arith.constant 32 : index
        %get3A_331 = tpu.vector_load %arg10[%get3A_329, %get3A_330] {strides = array<i32>} : memref<128x128xf32, #tpu.memory_space<vmem>>, vector<16xf32>,
        %mul3A_332 = arith.mulf %get3A_331, %gather3A_212 : vector<16xf32>
        %add3A_333 = arith.constant 2 : i32
        %add3A_334 = arith.addi %mul3A_196, %add3A_333 : i32
        %swap3A_335 = arith.index_cast %add3A_334 : i32 to index
        %swap3A_336 = arith.constant 32 : index
        %swap3A_337 = tpu.vector_load %arg10[%swap3A_335, %swap3A_336] {strides = array<i32>} : memref<128x128xf32, #tpu.memory_space<vmem>>, vector<16xf32>,
        tpu.vector_store %arg10[%swap3A_335, %swap3A_336], %mul3A_332 {strides = array<i32>} : memref<128x128xf32, #tpu.memory_space<vmem>>, vector<16xf32>,
        %add3A_338 = arith.constant 3 : i32
        %add3A_339 = arith.addi %mul3A_196, %add3A_338 : i32
        %get3A_340 = arith.index_cast %add3A_339 : i32 to index
        %get3A_341 = arith.constant 32 : index
        %get3A_342 = tpu.vector_load %arg10[%get3A_340, %get3A_341] {strides = array<i32>} : memref<128x128xf32, #tpu.memory_space<vmem>>, vector<16xf32>,
        %mul3A_343 = arith.mulf %get3A_342, %gather3A_218 : vector<16xf32>
        %add3A_344 = arith.constant 3 : i32
        %add3A_345 = arith.addi %mul3A_196, %add3A_344 : i32
        %swap3A_346 = arith.index_cast %add3A_345 : i32 to index
        %swap3A_347 = arith.constant 32 : index
        %swap3A_348 = tpu.vector_load %arg10[%swap3A_346, %swap3A_347] {strides = array<i32>} : memref<128x128xf32, #tpu.memory_space<vmem>>, vector<16xf32>,
        tpu.vector_store %arg10[%swap3A_346, %swap3A_347], %mul3A_343 {strides = array<i32>} : memref<128x128xf32, #tpu.memory_space<vmem>>, vector<16xf32>,
        %add3A_349 = arith.constant 0 : i32
        %add3A_350 = arith.addi %mul3A_196, %add3A_349 : i32
        %get3A_351 = arith.index_cast %add3A_350 : i32 to index
        %get3A_352 = arith.constant 48 : index
        %get3A_353 = tpu.vector_load %arg10[%get3A_351, %get3A_352] {strides = array<i32>} : memref<128x128xf32, #tpu.memory_space<vmem>>, vector<16xf32>,
        %mul3A_354 = arith.mulf %get3A_353, %gather3A : vector<16xf32>
        %add3A_355 = arith.constant 0 : i32
        %add3A_356 = arith.addi %mul3A_196, %add3A_355 : i32
        %swap3A_357 = arith.index_cast %add3A_356 : i32 to index
        %swap3A_358 = arith.constant 48 : index
        %swap3A_359 = tpu.vector_load %arg10[%swap3A_357, %swap3A_358] {strides = array<i32>} : memref<128x128xf32, #tpu.memory_space<vmem>>, vector<16xf32>,
        tpu.vector_store %arg10[%swap3A_357, %swap3A_358], %mul3A_354 {strides = array<i32>} : memref<128x128xf32, #tpu.memory_space<vmem>>, vector<16xf32>,
        %add3A_360 = arith.constant 1 : i32
        %add3A_361 = arith.addi %mul3A_196, %add3A_360 : i32
        %get3A_362 = arith.index_cast %add3A_361 : i32 to index
        %get3A_363 = arith.constant 48 : index
        %get3A_364 = tpu.vector_load %arg10[%get3A_362, %get3A_363] {strides = array<i32>} : memref<128x128xf32, #tpu.memory_space<vmem>>, vector<16xf32>,
        %mul3A_365 = arith.mulf %get3A_364, %gather3A_206 : vector<16xf32>
        %add3A_366 = arith.constant 1 : i32
        %add3A_367 = arith.addi %mul3A_196, %add3A_366 : i32
        %swap3A_368 = arith.index_cast %add3A_367 : i32 to index
        %swap3A_369 = arith.constant 48 : index
        %swap3A_370 = tpu.vector_load %arg10[%swap3A_368, %swap3A_369] {strides = array<i32>} : memref<128x128xf32, #tpu.memory_space<vmem>>, vector<16xf32>,
        tpu.vector_store %arg10[%swap3A_368, %swap3A_369], %mul3A_365 {strides = array<i32>} : memref<128x128xf32, #tpu.memory_space<vmem>>, vector<16xf32>,
        %add3A_371 = arith.constant 2 : i32
        %add3A_372 = arith.addi %mul3A_196, %add3A_371 : i32
        %get3A_373 = arith.index_cast %add3A_372 : i32 to index
        %get3A_374 = arith.constant 48 : index
        %get3A_375 = tpu.vector_load %arg10[%get3A_373, %get3A_374] {strides = array<i32>} : memref<128x128xf32, #tpu.memory_space<vmem>>, vector<16xf32>,
        %mul3A_376 = arith.mulf %get3A_375, %gather3A_212 : vector<16xf32>
        %add3A_377 = arith.constant 2 : i32
        %add3A_378 = arith.addi %mul3A_196, %add3A_377 : i32
        %swap3A_379 = arith.index_cast %add3A_378 : i32 to index
        %swap3A_380 = arith.constant 48 : index
        %swap3A_381 = tpu.vector_load %arg10[%swap3A_379, %swap3A_380] {strides = array<i32>} : memref<128x128xf32, #tpu.memory_space<vmem>>, vector<16xf32>,
        tpu.vector_store %arg10[%swap3A_379, %swap3A_380], %mul3A_376 {strides = array<i32>} : memref<128x128xf32, #tpu.memory_space<vmem>>, vector<16xf32>,
        %add3A_382 = arith.constant 3 : i32
        %add3A_383 = arith.addi %mul3A_196, %add3A_382 : i32
        %get3A_384 = arith.index_cast %add3A_383 : i32 to index
        %get3A_385 = arith.constant 48 : index
        %get3A_386 = tpu.vector_load %arg10[%get3A_384, %get3A_385] {strides = array<i32>} : memref<128x128xf32, #tpu.memory_space<vmem>>, vector<16xf32>,
        %mul3A_387 = arith.mulf %get3A_386, %gather3A_218 : vector<16xf32>
        %add3A_388 = arith.constant 3 : i32
        %add3A_389 = arith.addi %mul3A_196, %add3A_388 : i32
        %swap3A_390 = arith.index_cast %add3A_389 : i32 to index
        %swap3A_391 = arith.constant 48 : index
        %swap3A_392 = tpu.vector_load %arg10[%swap3A_390, %swap3A_391] {strides = array<i32>} : memref<128x128xf32, #tpu.memory_space<vmem>>, vector<16xf32>,
        tpu.vector_store %arg10[%swap3A_390, %swap3A_391], %mul3A_387 {strides = array<i32>} : memref<128x128xf32, #tpu.memory_space<vmem>>, vector<16xf32>,
        %add3A_393 = arith.constant 0 : i32
        %add3A_394 = arith.addi %mul3A_196, %add3A_393 : i32
        %get3A_395 = arith.index_cast %add3A_394 : i32 to index
        %get3A_396 = arith.constant 64 : index
        %get3A_397 = tpu.vector_load %arg10[%get3A_395, %get3A_396] {strides = array<i32>} : memref<128x128xf32, #tpu.memory_space<vmem>>, vector<16xf32>,
        %mul3A_398 = arith.mulf %get3A_397, %gather3A : vector<16xf32>
        %add3A_399 = arith.constant 0 : i32
        %add3A_400 = arith.addi %mul3A_196, %add3A_399 : i32
        %swap3A_401 = arith.index_cast %add3A_400 : i32 to index
        %swap3A_402 = arith.constant 64 : index
        %swap3A_403 = tpu.vector_load %arg10[%swap3A_401, %swap3A_402] {strides = array<i32>} : memref<128x128xf32, #tpu.memory_space<vmem>>, vector<16xf32>,
        tpu.vector_store %arg10[%swap3A_401, %swap3A_402], %mul3A_398 {strides = array<i32>} : memref<128x128xf32, #tpu.memory_space<vmem>>, vector<16xf32>,
        %add3A_404 = arith.constant 1 : i32
        %add3A_405 = arith.addi %mul3A_196, %add3A_404 : i32
        %get3A_406 = arith.index_cast %add3A_405 : i32 to index
        %get3A_407 = arith.constant 64 : index
        %get3A_408 = tpu.vector_load %arg10[%get3A_406, %get3A_407] {strides = array<i32>} : memref<128x128xf32, #tpu.memory_space<vmem>>, vector<16xf32>,
        %mul3A_409 = arith.mulf %get3A_408, %gather3A_206 : vector<16xf32>
        %add3A_410 = arith.constant 1 : i32
        %add3A_411 = arith.addi %mul3A_196, %add3A_410 : i32
        %swap3A_412 = arith.index_cast %add3A_411 : i32 to index
        %swap3A_413 = arith.constant 64 : index
        %swap3A_414 = tpu.vector_load %arg10[%swap3A_412, %swap3A_413] {strides = array<i32>} : memref<128x128xf32, #tpu.memory_space<vmem>>, vector<16xf32>,
        tpu.vector_store %arg10[%swap3A_412, %swap3A_413], %mul3A_409 {strides = array<i32>} : memref<128x128xf32, #tpu.memory_space<vmem>>, vector<16xf32>,
        %add3A_415 = arith.constant 2 : i32
        %add3A_416 = arith.addi %mul3A_196, %add3A_415 : i32
        %get3A_417 = arith.index_cast %add3A_416 : i32 to index
        %get3A_418 = arith.constant 64 : index
        %get3A_419 = tpu.vector_load %arg10[%get3A_417, %get3A_418] {strides = array<i32>} : memref<128x128xf32, #tpu.memory_space<vmem>>, vector<16xf32>,
        %mul3A_420 = arith.mulf %get3A_419, %gather3A_212 : vector<16xf32>
        %add3A_421 = arith.constant 2 : i32
        %add3A_422 = arith.addi %mul3A_196, %add3A_421 : i32
        %swap3A_423 = arith.index_cast %add3A_422 : i32 to index
        %swap3A_424 = arith.constant 64 : index
        %swap3A_425 = tpu.vector_load %arg10[%swap3A_423, %swap3A_424] {strides = array<i32>} : memref<128x128xf32, #tpu.memory_space<vmem>>, vector<16xf32>,
        tpu.vector_store %arg10[%swap3A_423, %swap3A_424], %mul3A_420 {strides = array<i32>} : memref<128x128xf32, #tpu.memory_space<vmem>>, vector<16xf32>,
        %add3A_426 = arith.constant 3 : i32
        %add3A_427 = arith.addi %mul3A_196, %add3A_426 : i32
        %get3A_428 = arith.index_cast %add3A_427 : i32 to index
        %get3A_429 = arith.constant 64 : index
        %get3A_430 = tpu.vector_load %arg10[%get3A_428, %get3A_429] {strides = array<i32>} : memref<128x128xf32, #tpu.memory_space<vmem>>, vector<16xf32>,
        %mul3A_431 = arith.mulf %get3A_430, %gather3A_218 : vector<16xf32>
        %add3A_432 = arith.constant 3 : i32
        %add3A_433 = arith.addi %mul3A_196, %add3A_432 : i32
        %swap3A_434 = arith.index_cast %add3A_433 : i32 to index
        %swap3A_435 = arith.constant 64 : index
        %swap3A_436 = tpu.vector_load %arg10[%swap3A_434, %swap3A_435] {strides = array<i32>} : memref<128x128xf32, #tpu.memory_space<vmem>>, vector<16xf32>,
        tpu.vector_store %arg10[%swap3A_434, %swap3A_435], %mul3A_431 {strides = array<i32>} : memref<128x128xf32, #tpu.memory_space<vmem>>, vector<16xf32>,
        %add3A_437 = arith.constant 0 : i32
        %add3A_438 = arith.addi %mul3A_196, %add3A_437 : i32
        %get3A_439 = arith.index_cast %add3A_438 : i32 to index
        %get3A_440 = arith.constant 80 : index
        %get3A_441 = tpu.vector_load %arg10[%get3A_439, %get3A_440] {strides = array<i32>} : memref<128x128xf32, #tpu.memory_space<vmem>>, vector<16xf32>,
        %mul3A_442 = arith.mulf %get3A_441, %gather3A : vector<16xf32>
        %add3A_443 = arith.constant 0 : i32
        %add3A_444 = arith.addi %mul3A_196, %add3A_443 : i32
        %swap3A_445 = arith.index_cast %add3A_444 : i32 to index
        %swap3A_446 = arith.constant 80 : index
        %swap3A_447 = tpu.vector_load %arg10[%swap3A_445, %swap3A_446] {strides = array<i32>} : memref<128x128xf32, #tpu.memory_space<vmem>>, vector<16xf32>,
        tpu.vector_store %arg10[%swap3A_445, %swap3A_446], %mul3A_442 {strides = array<i32>} : memref<128x128xf32, #tpu.memory_space<vmem>>, vector<16xf32>,
        %add3A_448 = arith.constant 1 : i32
        %add3A_449 = arith.addi %mul3A_196, %add3A_448 : i32
        %get3A_450 = arith.index_cast %add3A_449 : i32 to index
        %get3A_451 = arith.constant 80 : index
        %get3A_452 = tpu.vector_load %arg10[%get3A_450, %get3A_451] {strides = array<i32>} : memref<128x128xf32, #tpu.memory_space<vmem>>, vector<16xf32>,
        %mul3A_453 = arith.mulf %get3A_452, %gather3A_206 : vector<16xf32>
        %add3A_454 = arith.constant 1 : i32
        %add3A_455 = arith.addi %mul3A_196, %add3A_454 : i32
        %swap3A_456 = arith.index_cast %add3A_455 : i32 to index
        %swap3A_457 = arith.constant 80 : index
        %swap3A_458 = tpu.vector_load %arg10[%swap3A_456, %swap3A_457] {strides = array<i32>} : memref<128x128xf32, #tpu.memory_space<vmem>>, vector<16xf32>,
        tpu.vector_store %arg10[%swap3A_456, %swap3A_457], %mul3A_453 {strides = array<i32>} : memref<128x128xf32, #tpu.memory_space<vmem>>, vector<16xf32>,
        %add3A_459 = arith.constant 2 : i32
        %add3A_460 = arith.addi %mul3A_196, %add3A_459 : i32
        %get3A_461 = arith.index_cast %add3A_460 : i32 to index
        %get3A_462 = arith.constant 80 : index
        %get3A_463 = tpu.vector_load %arg10[%get3A_461, %get3A_462] {strides = array<i32>} : memref<128x128xf32, #tpu.memory_space<vmem>>, vector<16xf32>,
        %mul3A_464 = arith.mulf %get3A_463, %gather3A_212 : vector<16xf32>
        %add3A_465 = arith.constant 2 : i32
        %add3A_466 = arith.addi %mul3A_196, %add3A_465 : i32
        %swap3A_467 = arith.index_cast %add3A_466 : i32 to index
        %swap3A_468 = arith.constant 80 : index
        %swap3A_469 = tpu.vector_load %arg10[%swap3A_467, %swap3A_468] {strides = array<i32>} : memref<128x128xf32, #tpu.memory_space<vmem>>, vector<16xf32>,
        tpu.vector_store %arg10[%swap3A_467, %swap3A_468], %mul3A_464 {strides = array<i32>} : memref<128x128xf32, #tpu.memory_space<vmem>>, vector<16xf32>,
        %add3A_470 = arith.constant 3 : i32
        %add3A_471 = arith.addi %mul3A_196, %add3A_470 : i32
        %get3A_472 = arith.index_cast %add3A_471 : i32 to index
        %get3A_473 = arith.constant 80 : index
        %get3A_474 = tpu.vector_load %arg10[%get3A_472, %get3A_473] {strides = array<i32>} : memref<128x128xf32, #tpu.memory_space<vmem>>, vector<16xf32>,
        %mul3A_475 = arith.mulf %get3A_474, %gather3A_218 : vector<16xf32>
        %add3A_476 = arith.constant 3 : i32
        %add3A_477 = arith.addi %mul3A_196, %add3A_476 : i32
        %swap3A_478 = arith.index_cast %add3A_477 : i32 to index
        %swap3A_479 = arith.constant 80 : index
        %swap3A_480 = tpu.vector_load %arg10[%swap3A_478, %swap3A_479] {strides = array<i32>} : memref<128x128xf32, #tpu.memory_space<vmem>>, vector<16xf32>,
        tpu.vector_store %arg10[%swap3A_478, %swap3A_479], %mul3A_475 {strides = array<i32>} : memref<128x128xf32, #tpu.memory_space<vmem>>, vector<16xf32>,
        %add3A_481 = arith.constant 0 : i32
        %add3A_482 = arith.addi %mul3A_196, %add3A_481 : i32
        %get3A_483 = arith.index_cast %add3A_482 : i32 to index
        %get3A_484 = arith.constant 96 : index
        %get3A_485 = tpu.vector_load %arg10[%get3A_483, %get3A_484] {strides = array<i32>} : memref<128x128xf32, #tpu.memory_space<vmem>>, vector<16xf32>,
        %mul3A_486 = arith.mulf %get3A_485, %gather3A : vector<16xf32>
        %add3A_487 = arith.constant 0 : i32
        %add3A_488 = arith.addi %mul3A_196, %add3A_487 : i32
        %swap3A_489 = arith.index_cast %add3A_488 : i32 to index
        %swap3A_490 = arith.constant 96 : index
        %swap3A_491 = tpu.vector_load %arg10[%swap3A_489, %swap3A_490] {strides = array<i32>} : memref<128x128xf32, #tpu.memory_space<vmem>>, vector<16xf32>,
        tpu.vector_store %arg10[%swap3A_489, %swap3A_490], %mul3A_486 {strides = array<i32>} : memref<128x128xf32, #tpu.memory_space<vmem>>, vector<16xf32>,
        %add3A_492 = arith.constant 1 : i32
        %add3A_493 = arith.addi %mul3A_196, %add3A_492 : i32
        %get3A_494 = arith.index_cast %add3A_493 : i32 to index
        %get3A_495 = arith.constant 96 : index
        %get3A_496 = tpu.vector_load %arg10[%get3A_494, %get3A_495] {strides = array<i32>} : memref<128x128xf32, #tpu.memory_space<vmem>>, vector<16xf32>,
        %mul3A_497 = arith.mulf %get3A_496, %gather3A_206 : vector<16xf32>
        %add3A_498 = arith.constant 1 : i32
        %add3A_499 = arith.addi %mul3A_196, %add3A_498 : i32
        %swap3A_500 = arith.index_cast %add3A_499 : i32 to index
        %swap3A_501 = arith.constant 96 : index
        %swap3A_502 = tpu.vector_load %arg10[%swap3A_500, %swap3A_501] {strides = array<i32>} : memref<128x128xf32, #tpu.memory_space<vmem>>, vector<16xf32>,
        tpu.vector_store %arg10[%swap3A_500, %swap3A_501], %mul3A_497 {strides = array<i32>} : memref<128x128xf32, #tpu.memory_space<vmem>>, vector<16xf32>,
        %add3A_503 = arith.constant 2 : i32
        %add3A_504 = arith.addi %mul3A_196, %add3A_503 : i32
        %get3A_505 = arith.index_cast %add3A_504 : i32 to index
        %get3A_506 = arith.constant 96 : index
        %get3A_507 = tpu.vector_load %arg10[%get3A_505, %get3A_506] {strides = array<i32>} : memref<128x128xf32, #tpu.memory_space<vmem>>, vector<16xf32>,
        %mul3A_508 = arith.mulf %get3A_507, %gather3A_212 : vector<16xf32>
        %add3A_509 = arith.constant 2 : i32
        %add3A_510 = arith.addi %mul3A_196, %add3A_509 : i32
        %swap3A_511 = arith.index_cast %add3A_510 : i32 to index
        %swap3A_512 = arith.constant 96 : index
        %swap3A_513 = tpu.vector_load %arg10[%swap3A_511, %swap3A_512] {strides = array<i32>} : memref<128x128xf32, #tpu.memory_space<vmem>>, vector<16xf32>,
        tpu.vector_store %arg10[%swap3A_511, %swap3A_512], %mul3A_508 {strides = array<i32>} : memref<128x128xf32, #tpu.memory_space<vmem>>, vector<16xf32>,
        %add3A_514 = arith.constant 3 : i32
        %add3A_515 = arith.addi %mul3A_196, %add3A_514 : i32
        %get3A_516 = arith.index_cast %add3A_515 : i32 to index
        %get3A_517 = arith.constant 96 : index
        %get3A_518 = tpu.vector_load %arg10[%get3A_516, %get3A_517] {strides = array<i32>} : memref<128x128xf32, #tpu.memory_space<vmem>>, vector<16xf32>,
        %mul3A_519 = arith.mulf %get3A_518, %gather3A_218 : vector<16xf32>
        %add3A_520 = arith.constant 3 : i32
        %add3A_521 = arith.addi %mul3A_196, %add3A_520 : i32
        %swap3A_522 = arith.index_cast %add3A_521 : i32 to index
        %swap3A_523 = arith.constant 96 : index
        %swap3A_524 = tpu.vector_load %arg10[%swap3A_522, %swap3A_523] {strides = array<i32>} : memref<128x128xf32, #tpu.memory_space<vmem>>, vector<16xf32>,
        tpu.vector_store %arg10[%swap3A_522, %swap3A_523], %mul3A_519 {strides = array<i32>} : memref<128x128xf32, #tpu.memory_space<vmem>>, vector<16xf32>,
        %add3A_525 = arith.constant 0 : i32
        %add3A_526 = arith.addi %mul3A_196, %add3A_525 : i32
        %get3A_527 = arith.index_cast %add3A_526 : i32 to index
        %get3A_528 = arith.constant 112 : index
        %get3A_529 = tpu.vector_load %arg10[%get3A_527, %get3A_528] {strides = array<i32>} : memref<128x128xf32, #tpu.memory_space<vmem>>, vector<16xf32>,
        %mul3A_530 = arith.mulf %get3A_529, %gather3A : vector<16xf32>
        %add3A_531 = arith.constant 0 : i32
        %add3A_532 = arith.addi %mul3A_196, %add3A_531 : i32
        %swap3A_533 = arith.index_cast %add3A_532 : i32 to index
        %swap3A_534 = arith.constant 112 : index
        %swap3A_535 = tpu.vector_load %arg10[%swap3A_533, %swap3A_534] {strides = array<i32>} : memref<128x128xf32, #tpu.memory_space<vmem>>, vector<16xf32>,
        tpu.vector_store %arg10[%swap3A_533, %swap3A_534], %mul3A_530 {strides = array<i32>} : memref<128x128xf32, #tpu.memory_space<vmem>>, vector<16xf32>,
        %add3A_536 = arith.constant 1 : i32
        %add3A_537 = arith.addi %mul3A_196, %add3A_536 : i32
        %get3A_538 = arith.index_cast %add3A_537 : i32 to index
        %get3A_539 = arith.constant 112 : index
        %get3A_540 = tpu.vector_load %arg10[%get3A_538, %get3A_539] {strides = array<i32>} : memref<128x128xf32, #tpu.memory_space<vmem>>, vector<16xf32>,
        %mul3A_541 = arith.mulf %get3A_540, %gather3A_206 : vector<16xf32>
        %add3A_542 = arith.constant 1 : i32
        %add3A_543 = arith.addi %mul3A_196, %add3A_542 : i32
        %swap3A_544 = arith.index_cast %add3A_543 : i32 to index
        %swap3A_545 = arith.constant 112 : index
        %swap3A_546 = tpu.vector_load %arg10[%swap3A_544, %swap3A_545] {strides = array<i32>} : memref<128x128xf32, #tpu.memory_space<vmem>>, vector<16xf32>,
        tpu.vector_store %arg10[%swap3A_544, %swap3A_545], %mul3A_541 {strides = array<i32>} : memref<128x128xf32, #tpu.memory_space<vmem>>, vector<16xf32>,
        %add3A_547 = arith.constant 2 : i32
        %add3A_548 = arith.addi %mul3A_196, %add3A_547 : i32
        %get3A_549 = arith.index_cast %add3A_548 : i32 to index
        %get3A_550 = arith.constant 112 : index
        %get3A_551 = tpu.vector_load %arg10[%get3A_549, %get3A_550] {strides = array<i32>} : memref<128x128xf32, #tpu.memory_space<vmem>>, vector<16xf32>,
        %mul3A_552 = arith.mulf %get3A_551, %gather3A_212 : vector<16xf32>
        %add3A_553 = arith.constant 2 : i32
        %add3A_554 = arith.addi %mul3A_196, %add3A_553 : i32
        %swap3A_555 = arith.index_cast %add3A_554 : i32 to index
        %swap3A_556 = arith.constant 112 : index
        %swap3A_557 = tpu.vector_load %arg10[%swap3A_555, %swap3A_556] {strides = array<i32>} : memref<128x128xf32, #tpu.memory_space<vmem>>, vector<16xf32>,
        tpu.vector_store %arg10[%swap3A_555, %swap3A_556], %mul3A_552 {strides = array<i32>} : memref<128x128xf32, #tpu.memory_space<vmem>>, vector<16xf32>,
        %add3A_558 = arith.constant 3 : i32
        %add3A_559 = arith.addi %mul3A_196, %add3A_558 : i32
        %get3A_560 = arith.index_cast %add3A_559 : i32 to index
        %get3A_561 = arith.constant 112 : index
        %get3A_562 = tpu.vector_load %arg10[%get3A_560, %get3A_561] {strides = array<i32>} : memref<128x128xf32, #tpu.memory_space<vmem>>, vector<16xf32>,
        %mul3A_563 = arith.mulf %get3A_562, %gather3A_218 : vector<16xf32>
        %add3A_564 = arith.constant 3 : i32
        %add3A_565 = arith.addi %mul3A_196, %add3A_564 : i32
        %swap3A_566 = arith.index_cast %add3A_565 : i32 to index
        %swap3A_567 = arith.constant 112 : index
        %swap3A_568 = tpu.vector_load %arg10[%swap3A_566, %swap3A_567] {strides = array<i32>} : memref<128x128xf32, #tpu.memory_space<vmem>>, vector<16xf32>,
        tpu.vector_store %arg10[%swap3A_566, %swap3A_567], %mul3A_563 {strides = array<i32>} : memref<128x128xf32, #tpu.memory_space<vmem>>, vector<16xf32>,
      }
      %scan3A_130 = arith.constant 32 : i32
      %dma_start3A_131 = arith.constant 0 : i32
      %dma_start3A_132 = arith.constant 0 : i32
      %dma_start3A_133 = tpu.memref_slice %arg8[%dma_start3A_131, %dma_start3A_132] : memref<2x128xi32, #tpu.memory_space<vmem>> -> memref<1x128xi32, #tpu.memory_space<vmem>>
      %dma_start3A_134 = tpu.memref_squeeze %dma_start3A_133 : memref<1x128xi32, #tpu.memory_space<vmem>> -> memref<128xi32, #tpu.memory_space<vmem>>
      %dma_start3A_135 = arith.constant 0 : i32
      %dma_start3A_136 = arith.constant 0 : i32
      %dma_start3A_137 = tpu.memref_slice %arg12[%dma_start3A_135, %dma_start3A_136] : memref<10240x128xf32, #tpu.memory_space<vmem_shared>> -> memref<10240x128xf32, #tpu.memory_space<vmem_shared>>
      tpu.enqueue_indirect_dma source(%arg10 : memref<128x128xf32, #tpu.memory_space<vmem>>) target(%dma_start3A_137 : memref<10240x128xf32, #tpu.memory_space<vmem_shared>>) offsets(%dma_start3A_134 : memref<128xi32, #tpu.memory_space<vmem>>) semaphore(%arg15 : memref<!tpu.dma_semaphore, #tpu.memory_space<semaphore_mem>>) {add = true}
      %mul3A_138 = arith.constant 2 : i32
      %mul3A_139 = arith.muli %scan3A_84, %mul3A_138 : i32
      %add3A_140 = arith.constant 1 : i32
      %add3A_141 = arith.addi %mul3A_139, %add3A_140 : i32
      %add3A_142 = arith.constant 1 : i32
      %add3A_143 = arith.addi %add3A_141, %add3A_142 : i32
      %lt3A_144 = arith.constant 80 : i32
      %lt3A_145 = arith.cmpi slt, %add3A_143, %lt3A_144 : i32
      %convert_element_type3A_146 = arith.extui %lt3A_145 : i1 to i32
      %cond3A_147 = arith.constant 0 : i32
      %cond3A_148 = arith.cmpi ne, %convert_element_type3A_146, %cond3A_147 : i32
      scf.if %cond3A_148 {
        %gt3A = arith.constant 0 : i32
        %gt3A_194 = arith.cmpi sgt, %add3A_141, %gt3A : i32
        %convert_element_type3A_195 = arith.extui %gt3A_194 : i1 to i32
        %cond3A_196 = arith.constant 0 : i32
        %cond3A_197 = arith.cmpi ne, %convert_element_type3A_195, %cond3A_196 : i32
        scf.if %cond3A_197 {
          %dma_wait3A_236 = arith.constant 0 : i32
          %dma_wait3A_237 = arith.constant 0 : i32
          %dma_wait3A_238 = tpu.memref_slice %arg8[%dma_wait3A_236, %dma_wait3A_237] : memref<2x128xi32, #tpu.memory_space<vmem>> -> memref<1x128xi32, #tpu.memory_space<vmem>>
          %dma_wait3A_239 = tpu.memref_squeeze %dma_wait3A_238 : memref<1x128xi32, #tpu.memory_space<vmem>> -> memref<128xi32, #tpu.memory_space<vmem>>
          %dma_wait3A_240 = arith.constant 0 : i32
          %dma_wait3A_241 = arith.constant 0 : i32
          %dma_wait3A_242 = tpu.memref_slice %arg12[%dma_wait3A_240, %dma_wait3A_241] : memref<10240x128xf32, #tpu.memory_space<vmem_shared>> -> memref<10240x128xf32, #tpu.memory_space<vmem_shared>>
          tpu.wait_indirect_dma semaphore(%arg15 : memref<!tpu.dma_semaphore, #tpu.memory_space<semaphore_mem>>) src(%arg10 : memref<128x128xf32, #tpu.memory_space<vmem>>) dst(%dma_wait3A_242 : memref<10240x128xf32, #tpu.memory_space<vmem_shared>>)
        } else {
        }
        %add3A_198 = arith.constant 1 : i32
        %add3A_199 = arith.addi %add3A_141, %add3A_198 : i32
        %dma_start3A_200 = arith.constant 0 : i32
        %dma_start3A_201 = arith.constant 0 : i32
        %dma_start3A_202 = tpu.memref_slice %arg8[%dma_start3A_200, %dma_start3A_201] : memref<2x128xi32, #tpu.memory_space<vmem>> -> memref<1x128xi32, #tpu.memory_space<vmem>>
        %dma_start3A_203 = tpu.memref_squeeze %dma_start3A_202 : memref<1x128xi32, #tpu.memory_space<vmem>> -> memref<128xi32, #tpu.memory_space<vmem>>
        %dma_start3A_204 = arith.constant 0 : i32
        %dma_start3A_205 = tpu.memref_slice %arg4[%add3A, %add3A_199, %dma_start3A_204] : memref<32x80x128xi32, #tpu.memory_space<hbm>> -> memref<1x1x128xi32, #tpu.memory_space<hbm>>
        %dma_start3A_206 = tpu.memref_squeeze %dma_start3A_205 : memref<1x1x128xi32, #tpu.memory_space<hbm>> -> memref<128xi32, #tpu.memory_space<hbm>>
        %dma_start3A_207 = arith.constant 0 : i32
        %dma_start3A_208 = tpu.memref_slice %arg8[%dma_start3A_200, %dma_start3A_207] : memref<2x128xi32, #tpu.memory_space<vmem>> -> memref<1x128xi32, #tpu.memory_space<vmem>>
        %dma_start3A_209 = tpu.memref_squeeze %dma_start3A_208 : memref<1x128xi32, #tpu.memory_space<vmem>> -> memref<128xi32, #tpu.memory_space<vmem>>
        %dma_start3A_210 = arith.constant 0 : i32
        %dma_start3A_211 = tpu.memref_slice %arg4[%add3A, %add3A_199, %dma_start3A_210] : memref<32x80x128xi32, #tpu.memory_space<hbm>> -> memref<1x1x128xi32, #tpu.memory_space<hbm>>
        %dma_start3A_212 = tpu.memref_squeeze %dma_start3A_211 : memref<1x1x128xi32, #tpu.memory_space<hbm>> -> memref<128xi32, #tpu.memory_space<hbm>>
        tpu.enqueue_dma source(%dma_start3A_212 : memref<128xi32, #tpu.memory_space<hbm>>) target(%dma_start3A_209 : memref<128xi32, #tpu.memory_space<vmem>>) target_semaphore(%arg17 : memref<!tpu.dma_semaphore, #tpu.memory_space<semaphore_mem>>)
        %add3A_213 = arith.constant 1 : i32
        %add3A_214 = arith.addi %add3A_141, %add3A_213 : i32
        %dma_start3A_215 = arith.constant 0 : i32
        %dma_start3A_216 = arith.constant 0 : i32
        %dma_start3A_217 = tpu.memref_slice %arg9[%dma_start3A_215, %dma_start3A_216] : memref<2x128xf32, #tpu.memory_space<vmem>> -> memref<1x128xf32, #tpu.memory_space<vmem>>
        %dma_start3A_218 = tpu.memref_squeeze %dma_start3A_217 : memref<1x128xf32, #tpu.memory_space<vmem>> -> memref<128xf32, #tpu.memory_space<vmem>>
        %dma_start3A_219 = arith.constant 0 : i32
        %dma_start3A_220 = tpu.memref_slice %arg5[%add3A, %add3A_214, %dma_start3A_219] : memref<32x80x128xf32, #tpu.memory_space<hbm>> -> memref<1x1x128xf32, #tpu.memory_space<hbm>>
        %dma_start3A_221 = tpu.memref_squeeze %dma_start3A_220 : memref<1x1x128xf32, #tpu.memory_space<hbm>> -> memref<128xf32, #tpu.memory_space<hbm>>
        %dma_start3A_222 = arith.constant 0 : i32
        %dma_start3A_223 = tpu.memref_slice %arg9[%dma_start3A_215, %dma_start3A_222] : memref<2x128xf32, #tpu.memory_space<vmem>> -> memref<1x128xf32, #tpu.memory_space<vmem>>
        %dma_start3A_224 = tpu.memref_squeeze %dma_start3A_223 : memref<1x128xf32, #tpu.memory_space<vmem>> -> memref<128xf32, #tpu.memory_space<vmem>>
        %dma_start3A_225 = arith.constant 0 : i32
        %dma_start3A_226 = tpu.memref_slice %arg5[%add3A, %add3A_214, %dma_start3A_225] : memref<32x80x128xf32, #tpu.memory_space<hbm>> -> memref<1x1x128xf32, #tpu.memory_space<hbm>>
        %dma_start3A_227 = tpu.memref_squeeze %dma_start3A_226 : memref<1x1x128xf32, #tpu.memory_space<hbm>> -> memref<128xf32, #tpu.memory_space<hbm>>
        tpu.enqueue_dma source(%dma_start3A_227 : memref<128xf32, #tpu.memory_space<hbm>>) target(%dma_start3A_224 : memref<128xf32, #tpu.memory_space<vmem>>) target_semaphore(%arg17 : memref<!tpu.dma_semaphore, #tpu.memory_space<semaphore_mem>>)
        %add3A_228 = arith.constant 1 : i32
        %add3A_229 = arith.addi %add3A_141, %add3A_228 : i32
        %dma_start3A_230 = arith.constant 0 : i32
        %dma_start3A_231 = tpu.memref_slice %arg7[%add3A_229, %dma_start3A_230] : memref<80x128xi32, #tpu.memory_space<vmem>> -> memref<1x128xi32, #tpu.memory_space<vmem>>
        %dma_start3A_232 = tpu.memref_squeeze %dma_start3A_231 : memref<1x128xi32, #tpu.memory_space<vmem>> -> memref<128xi32, #tpu.memory_space<vmem>>
        %dma_start3A_233 = arith.constant 0 : i32
        %dma_start3A_234 = arith.constant 0 : i32
        %dma_start3A_235 = tpu.memref_slice %arg2[%dma_start3A_233, %dma_start3A_234] : memref<10000x128xf32, #tpu.memory_space<hbm>> -> memref<10000x128xf32, #tpu.memory_space<hbm>>
        tpu.enqueue_indirect_dma source(%dma_start3A_235 : memref<10000x128xf32, #tpu.memory_space<hbm>>) target(%arg10 : memref<128x128xf32, #tpu.memory_space<vmem>>) offsets(%dma_start3A_232 : memref<128xi32, #tpu.memory_space<vmem>>) semaphore(%arg13 : memref<!tpu.dma_semaphore, #tpu.memory_space<semaphore_mem>>)
      } else {
      }
      %dma_wait3A_149 = arith.constant 0 : i32
      %dma_wait3A_150 = tpu.memref_slice %arg7[%add3A_141, %dma_wait3A_149] : memref<80x128xi32, #tpu.memory_space<vmem>> -> memref<1x128xi32, #tpu.memory_space<vmem>>
      %dma_wait3A_151 = tpu.memref_squeeze %dma_wait3A_150 : memref<1x128xi32, #tpu.memory_space<vmem>> -> memref<128xi32, #tpu.memory_space<vmem>>
      %dma_wait3A_152 = arith.constant 0 : i32
      %dma_wait3A_153 = arith.constant 0 : i32
      %dma_wait3A_154 = tpu.memref_slice %arg2[%dma_wait3A_152, %dma_wait3A_153] : memref<10000x128xf32, #tpu.memory_space<hbm>> -> memref<10000x128xf32, #tpu.memory_space<hbm>>
      tpu.wait_indirect_dma semaphore(%arg14 : memref<!tpu.dma_semaphore, #tpu.memory_space<semaphore_mem>>) src(%dma_wait3A_154 : memref<10000x128xf32, #tpu.memory_space<hbm>>) dst(%arg11 : memref<128x128xf32, #tpu.memory_space<vmem>>)
      %dma_wait3A_155 = arith.constant 1 : i32
      %dma_wait3A_156 = arith.constant 0 : i32
      %dma_wait3A_157 = tpu.memref_slice %arg8[%dma_wait3A_155, %dma_wait3A_156] : memref<2x128xi32, #tpu.memory_space<vmem>> -> memref<1x128xi32, #tpu.memory_space<vmem>>
      %dma_wait3A_158 = tpu.memref_squeeze %dma_wait3A_157 : memref<1x128xi32, #tpu.memory_space<vmem>> -> memref<128xi32, #tpu.memory_space<vmem>>
      %dma_wait3A_159 = arith.constant 0 : i32
      %dma_wait3A_160 = tpu.memref_slice %arg4[%add3A, %add3A_141, %dma_wait3A_159] : memref<32x80x128xi32, #tpu.memory_space<hbm>> -> memref<1x1x128xi32, #tpu.memory_space<hbm>>
      %dma_wait3A_161 = tpu.memref_squeeze %dma_wait3A_160 : memref<1x1x128xi32, #tpu.memory_space<hbm>> -> memref<128xi32, #tpu.memory_space<hbm>>
      %dma_wait3A_162 = arith.constant 0 : i32
      %dma_wait3A_163 = tpu.memref_slice %arg8[%dma_wait3A_155, %dma_wait3A_162] : memref<2x128xi32, #tpu.memory_space<vmem>> -> memref<1x128xi32, #tpu.memory_space<vmem>>
      %dma_wait3A_164 = tpu.memref_squeeze %dma_wait3A_163 : memref<1x128xi32, #tpu.memory_space<vmem>> -> memref<128xi32, #tpu.memory_space<vmem>>
      %dma_wait3A_165 = arith.constant 0 : i32
      %dma_wait3A_166 = tpu.memref_slice %arg4[%add3A, %add3A_141, %dma_wait3A_165] : memref<32x80x128xi32, #tpu.memory_space<hbm>> -> memref<1x1x128xi32, #tpu.memory_space<hbm>>
      %dma_wait3A_167 = tpu.memref_squeeze %dma_wait3A_166 : memref<1x1x128xi32, #tpu.memory_space<hbm>> -> memref<128xi32, #tpu.memory_space<hbm>>
      tpu.wait_dma2 semaphore(%arg18 : memref<!tpu.dma_semaphore, #tpu.memory_space<semaphore_mem>>) src(%dma_wait3A_167 : memref<128xi32, #tpu.memory_space<hbm>>) dst(%dma_wait3A_164 : memref<128xi32, #tpu.memory_space<vmem>>)
      %dma_wait3A_168 = arith.constant 1 : i32
      %dma_wait3A_169 = arith.constant 0 : i32
      %dma_wait3A_170 = tpu.memref_slice %arg9[%dma_wait3A_168, %dma_wait3A_169] : memref<2x128xf32, #tpu.memory_space<vmem>> -> memref<1x128xf32, #tpu.memory_space<vmem>>
      %dma_wait3A_171 = tpu.memref_squeeze %dma_wait3A_170 : memref<1x128xf32, #tpu.memory_space<vmem>> -> memref<128xf32, #tpu.memory_space<vmem>>
      %dma_wait3A_172 = arith.constant 0 : i32
      %dma_wait3A_173 = tpu.memref_slice %arg5[%add3A, %add3A_141, %dma_wait3A_172] : memref<32x80x128xf32, #tpu.memory_space<hbm>> -> memref<1x1x128xf32, #tpu.memory_space<hbm>>
      %dma_wait3A_174 = tpu.memref_squeeze %dma_wait3A_173 : memref<1x1x128xf32, #tpu.memory_space<hbm>> -> memref<128xf32, #tpu.memory_space<hbm>>
      %dma_wait3A_175 = arith.constant 0 : i32
      %dma_wait3A_176 = tpu.memref_slice %arg9[%dma_wait3A_168, %dma_wait3A_175] : memref<2x128xf32, #tpu.memory_space<vmem>> -> memref<1x128xf32, #tpu.memory_space<vmem>>
      %dma_wait3A_177 = tpu.memref_squeeze %dma_wait3A_176 : memref<1x128xf32, #tpu.memory_space<vmem>> -> memref<128xf32, #tpu.memory_space<vmem>>
      %dma_wait3A_178 = arith.constant 0 : i32
      %dma_wait3A_179 = tpu.memref_slice %arg5[%add3A, %add3A_141, %dma_wait3A_178] : memref<32x80x128xf32, #tpu.memory_space<hbm>> -> memref<1x1x128xf32, #tpu.memory_space<hbm>>
      %dma_wait3A_180 = tpu.memref_squeeze %dma_wait3A_179 : memref<1x1x128xf32, #tpu.memory_space<hbm>> -> memref<128xf32, #tpu.memory_space<hbm>>
      tpu.wait_dma2 semaphore(%arg18 : memref<!tpu.dma_semaphore, #tpu.memory_space<semaphore_mem>>) src(%dma_wait3A_180 : memref<128xf32, #tpu.memory_space<hbm>>) dst(%dma_wait3A_177 : memref<128xf32, #tpu.memory_space<vmem>>)
      %scan3A_181 = arith.constant 0 : i32
      %scan3A_182 = arith.constant 0 : i32
      %scan3A_183 = arith.constant 32 : i32
      %scan3A_184 = arith.addi %scan3A_182, %scan3A_183 : i32
      %scan3A_185 = arith.constant 1 : i32
      scf.for %scan3A_194 = %scan3A_182 to %scan3A_184 step %scan3A_185  : i32 {
        %mul3A_195 = arith.constant 4 : i32
        %mul3A_196 = arith.muli %scan3A_194, %mul3A_195 : i32
        %broadcast_in_dim3A = arith.constant 1 : i32
        %broadcast_in_dim3A_197 = vector.broadcast %broadcast_in_dim3A : i32 to vector<16xi32>
        %add3A_198 = arith.constant 0 : i32
        %add3A_199 = arith.addi %mul3A_196, %add3A_198 : i32
        %broadcast_in_dim3A_200 = vector.broadcast %add3A_199 : i32 to vector<16xi32>
        %gather3A = tpu.vector_load_idx %arg9[%broadcast_in_dim3A_197, %broadcast_in_dim3A_200] : memref<2x128xf32, #tpu.memory_space<vmem>>[vector<16xi32>, vector<16xi32>], vector<16xf32>,
        %broadcast_in_dim3A_201 = arith.constant 1 : i32
        %broadcast_in_dim3A_202 = vector.broadcast %broadcast_in_dim3A_201 : i32 to vector<16xi32>
        %add3A_203 = arith.constant 1 : i32
        %add3A_204 = arith.addi %mul3A_196, %add3A_203 : i32
        %broadcast_in_dim3A_205 = vector.broadcast %add3A_204 : i32 to vector<16xi32>
        %gather3A_206 = tpu.vector_load_idx %arg9[%broadcast_in_dim3A_202, %broadcast_in_dim3A_205] : memref<2x128xf32, #tpu.memory_space<vmem>>[vector<16xi32>, vector<16xi32>], vector<16xf32>,
        %broadcast_in_dim3A_207 = arith.constant 1 : i32
        %broadcast_in_dim3A_208 = vector.broadcast %broadcast_in_dim3A_207 : i32 to vector<16xi32>
        %add3A_209 = arith.constant 2 : i32
        %add3A_210 = arith.addi %mul3A_196, %add3A_209 : i32
        %broadcast_in_dim3A_211 = vector.broadcast %add3A_210 : i32 to vector<16xi32>
        %gather3A_212 = tpu.vector_load_idx %arg9[%broadcast_in_dim3A_208, %broadcast_in_dim3A_211] : memref<2x128xf32, #tpu.memory_space<vmem>>[vector<16xi32>, vector<16xi32>], vector<16xf32>,
        %broadcast_in_dim3A_213 = arith.constant 1 : i32
        %broadcast_in_dim3A_214 = vector.broadcast %broadcast_in_dim3A_213 : i32 to vector<16xi32>
        %add3A_215 = arith.constant 3 : i32
        %add3A_216 = arith.addi %mul3A_196, %add3A_215 : i32
        %broadcast_in_dim3A_217 = vector.broadcast %add3A_216 : i32 to vector<16xi32>
        %gather3A_218 = tpu.vector_load_idx %arg9[%broadcast_in_dim3A_214, %broadcast_in_dim3A_217] : memref<2x128xf32, #tpu.memory_space<vmem>>[vector<16xi32>, vector<16xi32>], vector<16xf32>,
        %add3A_219 = arith.constant 0 : i32
        %add3A_220 = arith.addi %mul3A_196, %add3A_219 : i32
        %get3A = arith.index_cast %add3A_220 : i32 to index
        %get3A_221 = arith.constant 0 : index
        %get3A_222 = tpu.vector_load %arg11[%get3A, %get3A_221] {strides = array<i32>} : memref<128x128xf32, #tpu.memory_space<vmem>>, vector<16xf32>,
        %mul3A_223 = arith.mulf %get3A_222, %gather3A : vector<16xf32>
        %add3A_224 = arith.constant 0 : i32
        %add3A_225 = arith.addi %mul3A_196, %add3A_224 : i32
        %swap3A = arith.index_cast %add3A_225 : i32 to index
        %swap3A_226 = arith.constant 0 : index
        %swap3A_227 = tpu.vector_load %arg11[%swap3A, %swap3A_226] {strides = array<i32>} : memref<128x128xf32, #tpu.memory_space<vmem>>, vector<16xf32>,
        tpu.vector_store %arg11[%swap3A, %swap3A_226], %mul3A_223 {strides = array<i32>} : memref<128x128xf32, #tpu.memory_space<vmem>>, vector<16xf32>,
        %add3A_228 = arith.constant 1 : i32
        %add3A_229 = arith.addi %mul3A_196, %add3A_228 : i32
        %get3A_230 = arith.index_cast %add3A_229 : i32 to index
        %get3A_231 = arith.constant 0 : index
        %get3A_232 = tpu.vector_load %arg11[%get3A_230, %get3A_231] {strides = array<i32>} : memref<128x128xf32, #tpu.memory_space<vmem>>, vector<16xf32>,
        %mul3A_233 = arith.mulf %get3A_232, %gather3A_206 : vector<16xf32>
        %add3A_234 = arith.constant 1 : i32
        %add3A_235 = arith.addi %mul3A_196, %add3A_234 : i32
        %swap3A_236 = arith.index_cast %add3A_235 : i32 to index
        %swap3A_237 = arith.constant 0 : index
        %swap3A_238 = tpu.vector_load %arg11[%swap3A_236, %swap3A_237] {strides = array<i32>} : memref<128x128xf32, #tpu.memory_space<vmem>>, vector<16xf32>,
        tpu.vector_store %arg11[%swap3A_236, %swap3A_237], %mul3A_233 {strides = array<i32>} : memref<128x128xf32, #tpu.memory_space<vmem>>, vector<16xf32>,
        %add3A_239 = arith.constant 2 : i32
        %add3A_240 = arith.addi %mul3A_196, %add3A_239 : i32
        %get3A_241 = arith.index_cast %add3A_240 : i32 to index
        %get3A_242 = arith.constant 0 : index
        %get3A_243 = tpu.vector_load %arg11[%get3A_241, %get3A_242] {strides = array<i32>} : memref<128x128xf32, #tpu.memory_space<vmem>>, vector<16xf32>,
        %mul3A_244 = arith.mulf %get3A_243, %gather3A_212 : vector<16xf32>
        %add3A_245 = arith.constant 2 : i32
        %add3A_246 = arith.addi %mul3A_196, %add3A_245 : i32
        %swap3A_247 = arith.index_cast %add3A_246 : i32 to index
        %swap3A_248 = arith.constant 0 : index
        %swap3A_249 = tpu.vector_load %arg11[%swap3A_247, %swap3A_248] {strides = array<i32>} : memref<128x128xf32, #tpu.memory_space<vmem>>, vector<16xf32>,
        tpu.vector_store %arg11[%swap3A_247, %swap3A_248], %mul3A_244 {strides = array<i32>} : memref<128x128xf32, #tpu.memory_space<vmem>>, vector<16xf32>,
        %add3A_250 = arith.constant 3 : i32
        %add3A_251 = arith.addi %mul3A_196, %add3A_250 : i32
        %get3A_252 = arith.index_cast %add3A_251 : i32 to index
        %get3A_253 = arith.constant 0 : index
        %get3A_254 = tpu.vector_load %arg11[%get3A_252, %get3A_253] {strides = array<i32>} : memref<128x128xf32, #tpu.memory_space<vmem>>, vector<16xf32>,
        %mul3A_255 = arith.mulf %get3A_254, %gather3A_218 : vector<16xf32>
        %add3A_256 = arith.constant 3 : i32
        %add3A_257 = arith.addi %mul3A_196, %add3A_256 : i32
        %swap3A_258 = arith.index_cast %add3A_257 : i32 to index
        %swap3A_259 = arith.constant 0 : index
        %swap3A_260 = tpu.vector_load %arg11[%swap3A_258, %swap3A_259] {strides = array<i32>} : memref<128x128xf32, #tpu.memory_space<vmem>>, vector<16xf32>,
        tpu.vector_store %arg11[%swap3A_258, %swap3A_259], %mul3A_255 {strides = array<i32>} : memref<128x128xf32, #tpu.memory_space<vmem>>, vector<16xf32>,
        %add3A_261 = arith.constant 0 : i32
        %add3A_262 = arith.addi %mul3A_196, %add3A_261 : i32
        %get3A_263 = arith.index_cast %add3A_262 : i32 to index
        %get3A_264 = arith.constant 16 : index
        %get3A_265 = tpu.vector_load %arg11[%get3A_263, %get3A_264] {strides = array<i32>} : memref<128x128xf32, #tpu.memory_space<vmem>>, vector<16xf32>,
        %mul3A_266 = arith.mulf %get3A_265, %gather3A : vector<16xf32>
        %add3A_267 = arith.constant 0 : i32
        %add3A_268 = arith.addi %mul3A_196, %add3A_267 : i32
        %swap3A_269 = arith.index_cast %add3A_268 : i32 to index
        %swap3A_270 = arith.constant 16 : index
        %swap3A_271 = tpu.vector_load %arg11[%swap3A_269, %swap3A_270] {strides = array<i32>} : memref<128x128xf32, #tpu.memory_space<vmem>>, vector<16xf32>,
        tpu.vector_store %arg11[%swap3A_269, %swap3A_270], %mul3A_266 {strides = array<i32>} : memref<128x128xf32, #tpu.memory_space<vmem>>, vector<16xf32>,
        %add3A_272 = arith.constant 1 : i32
        %add3A_273 = arith.addi %mul3A_196, %add3A_272 : i32
        %get3A_274 = arith.index_cast %add3A_273 : i32 to index
        %get3A_275 = arith.constant 16 : index
        %get3A_276 = tpu.vector_load %arg11[%get3A_274, %get3A_275] {strides = array<i32>} : memref<128x128xf32, #tpu.memory_space<vmem>>, vector<16xf32>,
        %mul3A_277 = arith.mulf %get3A_276, %gather3A_206 : vector<16xf32>
        %add3A_278 = arith.constant 1 : i32
        %add3A_279 = arith.addi %mul3A_196, %add3A_278 : i32
        %swap3A_280 = arith.index_cast %add3A_279 : i32 to index
        %swap3A_281 = arith.constant 16 : index
        %swap3A_282 = tpu.vector_load %arg11[%swap3A_280, %swap3A_281] {strides = array<i32>} : memref<128x128xf32, #tpu.memory_space<vmem>>, vector<16xf32>,
        tpu.vector_store %arg11[%swap3A_280, %swap3A_281], %mul3A_277 {strides = array<i32>} : memref<128x128xf32, #tpu.memory_space<vmem>>, vector<16xf32>,
        %add3A_283 = arith.constant 2 : i32
        %add3A_284 = arith.addi %mul3A_196, %add3A_283 : i32
        %get3A_285 = arith.index_cast %add3A_284 : i32 to index
        %get3A_286 = arith.constant 16 : index
        %get3A_287 = tpu.vector_load %arg11[%get3A_285, %get3A_286] {strides = array<i32>} : memref<128x128xf32, #tpu.memory_space<vmem>>, vector<16xf32>,
        %mul3A_288 = arith.mulf %get3A_287, %gather3A_212 : vector<16xf32>
        %add3A_289 = arith.constant 2 : i32
        %add3A_290 = arith.addi %mul3A_196, %add3A_289 : i32
        %swap3A_291 = arith.index_cast %add3A_290 : i32 to index
        %swap3A_292 = arith.constant 16 : index
        %swap3A_293 = tpu.vector_load %arg11[%swap3A_291, %swap3A_292] {strides = array<i32>} : memref<128x128xf32, #tpu.memory_space<vmem>>, vector<16xf32>,
        tpu.vector_store %arg11[%swap3A_291, %swap3A_292], %mul3A_288 {strides = array<i32>} : memref<128x128xf32, #tpu.memory_space<vmem>>, vector<16xf32>,
        %add3A_294 = arith.constant 3 : i32
        %add3A_295 = arith.addi %mul3A_196, %add3A_294 : i32
        %get3A_296 = arith.index_cast %add3A_295 : i32 to index
        %get3A_297 = arith.constant 16 : index
        %get3A_298 = tpu.vector_load %arg11[%get3A_296, %get3A_297] {strides = array<i32>} : memref<128x128xf32, #tpu.memory_space<vmem>>, vector<16xf32>,
        %mul3A_299 = arith.mulf %get3A_298, %gather3A_218 : vector<16xf32>
        %add3A_300 = arith.constant 3 : i32
        %add3A_301 = arith.addi %mul3A_196, %add3A_300 : i32
        %swap3A_302 = arith.index_cast %add3A_301 : i32 to index
        %swap3A_303 = arith.constant 16 : index
        %swap3A_304 = tpu.vector_load %arg11[%swap3A_302, %swap3A_303] {strides = array<i32>} : memref<128x128xf32, #tpu.memory_space<vmem>>, vector<16xf32>,
        tpu.vector_store %arg11[%swap3A_302, %swap3A_303], %mul3A_299 {strides = array<i32>} : memref<128x128xf32, #tpu.memory_space<vmem>>, vector<16xf32>,
        %add3A_305 = arith.constant 0 : i32
        %add3A_306 = arith.addi %mul3A_196, %add3A_305 : i32
        %get3A_307 = arith.index_cast %add3A_306 : i32 to index
        %get3A_308 = arith.constant 32 : index
        %get3A_309 = tpu.vector_load %arg11[%get3A_307, %get3A_308] {strides = array<i32>} : memref<128x128xf32, #tpu.memory_space<vmem>>, vector<16xf32>,
        %mul3A_310 = arith.mulf %get3A_309, %gather3A : vector<16xf32>
        %add3A_311 = arith.constant 0 : i32
        %add3A_312 = arith.addi %mul3A_196, %add3A_311 : i32
        %swap3A_313 = arith.index_cast %add3A_312 : i32 to index
        %swap3A_314 = arith.constant 32 : index
        %swap3A_315 = tpu.vector_load %arg11[%swap3A_313, %swap3A_314] {strides = array<i32>} : memref<128x128xf32, #tpu.memory_space<vmem>>, vector<16xf32>,
        tpu.vector_store %arg11[%swap3A_313, %swap3A_314], %mul3A_310 {strides = array<i32>} : memref<128x128xf32, #tpu.memory_space<vmem>>, vector<16xf32>,
        %add3A_316 = arith.constant 1 : i32
        %add3A_317 = arith.addi %mul3A_196, %add3A_316 : i32
        %get3A_318 = arith.index_cast %add3A_317 : i32 to index
        %get3A_319 = arith.constant 32 : index
        %get3A_320 = tpu.vector_load %arg11[%get3A_318, %get3A_319] {strides = array<i32>} : memref<128x128xf32, #tpu.memory_space<vmem>>, vector<16xf32>,
        %mul3A_321 = arith.mulf %get3A_320, %gather3A_206 : vector<16xf32>
        %add3A_322 = arith.constant 1 : i32
        %add3A_323 = arith.addi %mul3A_196, %add3A_322 : i32
        %swap3A_324 = arith.index_cast %add3A_323 : i32 to index
        %swap3A_325 = arith.constant 32 : index
        %swap3A_326 = tpu.vector_load %arg11[%swap3A_324, %swap3A_325] {strides = array<i32>} : memref<128x128xf32, #tpu.memory_space<vmem>>, vector<16xf32>,
        tpu.vector_store %arg11[%swap3A_324, %swap3A_325], %mul3A_321 {strides = array<i32>} : memref<128x128xf32, #tpu.memory_space<vmem>>, vector<16xf32>,
        %add3A_327 = arith.constant 2 : i32
        %add3A_328 = arith.addi %mul3A_196, %add3A_327 : i32
        %get3A_329 = arith.index_cast %add3A_328 : i32 to index
        %get3A_330 = arith.constant 32 : index
        %get3A_331 = tpu.vector_load %arg11[%get3A_329, %get3A_330] {strides = array<i32>} : memref<128x128xf32, #tpu.memory_space<vmem>>, vector<16xf32>,
        %mul3A_332 = arith.mulf %get3A_331, %gather3A_212 : vector<16xf32>
        %add3A_333 = arith.constant 2 : i32
        %add3A_334 = arith.addi %mul3A_196, %add3A_333 : i32
        %swap3A_335 = arith.index_cast %add3A_334 : i32 to index
        %swap3A_336 = arith.constant 32 : index
        %swap3A_337 = tpu.vector_load %arg11[%swap3A_335, %swap3A_336] {strides = array<i32>} : memref<128x128xf32, #tpu.memory_space<vmem>>, vector<16xf32>,
        tpu.vector_store %arg11[%swap3A_335, %swap3A_336], %mul3A_332 {strides = array<i32>} : memref<128x128xf32, #tpu.memory_space<vmem>>, vector<16xf32>,
        %add3A_338 = arith.constant 3 : i32
        %add3A_339 = arith.addi %mul3A_196, %add3A_338 : i32
        %get3A_340 = arith.index_cast %add3A_339 : i32 to index
        %get3A_341 = arith.constant 32 : index
        %get3A_342 = tpu.vector_load %arg11[%get3A_340, %get3A_341] {strides = array<i32>} : memref<128x128xf32, #tpu.memory_space<vmem>>, vector<16xf32>,
        %mul3A_343 = arith.mulf %get3A_342, %gather3A_218 : vector<16xf32>
        %add3A_344 = arith.constant 3 : i32
        %add3A_345 = arith.addi %mul3A_196, %add3A_344 : i32
        %swap3A_346 = arith.index_cast %add3A_345 : i32 to index
        %swap3A_347 = arith.constant 32 : index
        %swap3A_348 = tpu.vector_load %arg11[%swap3A_346, %swap3A_347] {strides = array<i32>} : memref<128x128xf32, #tpu.memory_space<vmem>>, vector<16xf32>,
        tpu.vector_store %arg11[%swap3A_346, %swap3A_347], %mul3A_343 {strides = array<i32>} : memref<128x128xf32, #tpu.memory_space<vmem>>, vector<16xf32>,
        %add3A_349 = arith.constant 0 : i32
        %add3A_350 = arith.addi %mul3A_196, %add3A_349 : i32
        %get3A_351 = arith.index_cast %add3A_350 : i32 to index
        %get3A_352 = arith.constant 48 : index
        %get3A_353 = tpu.vector_load %arg11[%get3A_351, %get3A_352] {strides = array<i32>} : memref<128x128xf32, #tpu.memory_space<vmem>>, vector<16xf32>,
        %mul3A_354 = arith.mulf %get3A_353, %gather3A : vector<16xf32>
        %add3A_355 = arith.constant 0 : i32
        %add3A_356 = arith.addi %mul3A_196, %add3A_355 : i32
        %swap3A_357 = arith.index_cast %add3A_356 : i32 to index
        %swap3A_358 = arith.constant 48 : index
        %swap3A_359 = tpu.vector_load %arg11[%swap3A_357, %swap3A_358] {strides = array<i32>} : memref<128x128xf32, #tpu.memory_space<vmem>>, vector<16xf32>,
        tpu.vector_store %arg11[%swap3A_357, %swap3A_358], %mul3A_354 {strides = array<i32>} : memref<128x128xf32, #tpu.memory_space<vmem>>, vector<16xf32>,
        %add3A_360 = arith.constant 1 : i32
        %add3A_361 = arith.addi %mul3A_196, %add3A_360 : i32
        %get3A_362 = arith.index_cast %add3A_361 : i32 to index
        %get3A_363 = arith.constant 48 : index
        %get3A_364 = tpu.vector_load %arg11[%get3A_362, %get3A_363] {strides = array<i32>} : memref<128x128xf32, #tpu.memory_space<vmem>>, vector<16xf32>,
        %mul3A_365 = arith.mulf %get3A_364, %gather3A_206 : vector<16xf32>
        %add3A_366 = arith.constant 1 : i32
        %add3A_367 = arith.addi %mul3A_196, %add3A_366 : i32
        %swap3A_368 = arith.index_cast %add3A_367 : i32 to index
        %swap3A_369 = arith.constant 48 : index
        %swap3A_370 = tpu.vector_load %arg11[%swap3A_368, %swap3A_369] {strides = array<i32>} : memref<128x128xf32, #tpu.memory_space<vmem>>, vector<16xf32>,
        tpu.vector_store %arg11[%swap3A_368, %swap3A_369], %mul3A_365 {strides = array<i32>} : memref<128x128xf32, #tpu.memory_space<vmem>>, vector<16xf32>,
        %add3A_371 = arith.constant 2 : i32
        %add3A_372 = arith.addi %mul3A_196, %add3A_371 : i32
        %get3A_373 = arith.index_cast %add3A_372 : i32 to index
        %get3A_374 = arith.constant 48 : index
        %get3A_375 = tpu.vector_load %arg11[%get3A_373, %get3A_374] {strides = array<i32>} : memref<128x128xf32, #tpu.memory_space<vmem>>, vector<16xf32>,
        %mul3A_376 = arith.mulf %get3A_375, %gather3A_212 : vector<16xf32>
        %add3A_377 = arith.constant 2 : i32
        %add3A_378 = arith.addi %mul3A_196, %add3A_377 : i32
        %swap3A_379 = arith.index_cast %add3A_378 : i32 to index
        %swap3A_380 = arith.constant 48 : index
        %swap3A_381 = tpu.vector_load %arg11[%swap3A_379, %swap3A_380] {strides = array<i32>} : memref<128x128xf32, #tpu.memory_space<vmem>>, vector<16xf32>,
        tpu.vector_store %arg11[%swap3A_379, %swap3A_380], %mul3A_376 {strides = array<i32>} : memref<128x128xf32, #tpu.memory_space<vmem>>, vector<16xf32>,
        %add3A_382 = arith.constant 3 : i32
        %add3A_383 = arith.addi %mul3A_196, %add3A_382 : i32
        %get3A_384 = arith.index_cast %add3A_383 : i32 to index
        %get3A_385 = arith.constant 48 : index
        %get3A_386 = tpu.vector_load %arg11[%get3A_384, %get3A_385] {strides = array<i32>} : memref<128x128xf32, #tpu.memory_space<vmem>>, vector<16xf32>,
        %mul3A_387 = arith.mulf %get3A_386, %gather3A_218 : vector<16xf32>
        %add3A_388 = arith.constant 3 : i32
        %add3A_389 = arith.addi %mul3A_196, %add3A_388 : i32
        %swap3A_390 = arith.index_cast %add3A_389 : i32 to index
        %swap3A_391 = arith.constant 48 : index
        %swap3A_392 = tpu.vector_load %arg11[%swap3A_390, %swap3A_391] {strides = array<i32>} : memref<128x128xf32, #tpu.memory_space<vmem>>, vector<16xf32>,
        tpu.vector_store %arg11[%swap3A_390, %swap3A_391], %mul3A_387 {strides = array<i32>} : memref<128x128xf32, #tpu.memory_space<vmem>>, vector<16xf32>,
        %add3A_393 = arith.constant 0 : i32
        %add3A_394 = arith.addi %mul3A_196, %add3A_393 : i32
        %get3A_395 = arith.index_cast %add3A_394 : i32 to index
        %get3A_396 = arith.constant 64 : index
        %get3A_397 = tpu.vector_load %arg11[%get3A_395, %get3A_396] {strides = array<i32>} : memref<128x128xf32, #tpu.memory_space<vmem>>, vector<16xf32>,
        %mul3A_398 = arith.mulf %get3A_397, %gather3A : vector<16xf32>
        %add3A_399 = arith.constant 0 : i32
        %add3A_400 = arith.addi %mul3A_196, %add3A_399 : i32
        %swap3A_401 = arith.index_cast %add3A_400 : i32 to index
        %swap3A_402 = arith.constant 64 : index
        %swap3A_403 = tpu.vector_load %arg11[%swap3A_401, %swap3A_402] {strides = array<i32>} : memref<128x128xf32, #tpu.memory_space<vmem>>, vector<16xf32>,
        tpu.vector_store %arg11[%swap3A_401, %swap3A_402], %mul3A_398 {strides = array<i32>} : memref<128x128xf32, #tpu.memory_space<vmem>>, vector<16xf32>,
        %add3A_404 = arith.constant 1 : i32
        %add3A_405 = arith.addi %mul3A_196, %add3A_404 : i32
        %get3A_406 = arith.index_cast %add3A_405 : i32 to index
        %get3A_407 = arith.constant 64 : index
        %get3A_408 = tpu.vector_load %arg11[%get3A_406, %get3A_407] {strides = array<i32>} : memref<128x128xf32, #tpu.memory_space<vmem>>, vector<16xf32>,
        %mul3A_409 = arith.mulf %get3A_408, %gather3A_206 : vector<16xf32>
        %add3A_410 = arith.constant 1 : i32
        %add3A_411 = arith.addi %mul3A_196, %add3A_410 : i32
        %swap3A_412 = arith.index_cast %add3A_411 : i32 to index
        %swap3A_413 = arith.constant 64 : index
        %swap3A_414 = tpu.vector_load %arg11[%swap3A_412, %swap3A_413] {strides = array<i32>} : memref<128x128xf32, #tpu.memory_space<vmem>>, vector<16xf32>,
        tpu.vector_store %arg11[%swap3A_412, %swap3A_413], %mul3A_409 {strides = array<i32>} : memref<128x128xf32, #tpu.memory_space<vmem>>, vector<16xf32>,
        %add3A_415 = arith.constant 2 : i32
        %add3A_416 = arith.addi %mul3A_196, %add3A_415 : i32
        %get3A_417 = arith.index_cast %add3A_416 : i32 to index
        %get3A_418 = arith.constant 64 : index
        %get3A_419 = tpu.vector_load %arg11[%get3A_417, %get3A_418] {strides = array<i32>} : memref<128x128xf32, #tpu.memory_space<vmem>>, vector<16xf32>,
        %mul3A_420 = arith.mulf %get3A_419, %gather3A_212 : vector<16xf32>
        %add3A_421 = arith.constant 2 : i32
        %add3A_422 = arith.addi %mul3A_196, %add3A_421 : i32
        %swap3A_423 = arith.index_cast %add3A_422 : i32 to index
        %swap3A_424 = arith.constant 64 : index
        %swap3A_425 = tpu.vector_load %arg11[%swap3A_423, %swap3A_424] {strides = array<i32>} : memref<128x128xf32, #tpu.memory_space<vmem>>, vector<16xf32>,
        tpu.vector_store %arg11[%swap3A_423, %swap3A_424], %mul3A_420 {strides = array<i32>} : memref<128x128xf32, #tpu.memory_space<vmem>>, vector<16xf32>,
        %add3A_426 = arith.constant 3 : i32
        %add3A_427 = arith.addi %mul3A_196, %add3A_426 : i32
        %get3A_428 = arith.index_cast %add3A_427 : i32 to index
        %get3A_429 = arith.constant 64 : index
        %get3A_430 = tpu.vector_load %arg11[%get3A_428, %get3A_429] {strides = array<i32>} : memref<128x128xf32, #tpu.memory_space<vmem>>, vector<16xf32>,
        %mul3A_431 = arith.mulf %get3A_430, %gather3A_218 : vector<16xf32>
        %add3A_432 = arith.constant 3 : i32
        %add3A_433 = arith.addi %mul3A_196, %add3A_432 : i32
        %swap3A_434 = arith.index_cast %add3A_433 : i32 to index
        %swap3A_435 = arith.constant 64 : index
        %swap3A_436 = tpu.vector_load %arg11[%swap3A_434, %swap3A_435] {strides = array<i32>} : memref<128x128xf32, #tpu.memory_space<vmem>>, vector<16xf32>,
        tpu.vector_store %arg11[%swap3A_434, %swap3A_435], %mul3A_431 {strides = array<i32>} : memref<128x128xf32, #tpu.memory_space<vmem>>, vector<16xf32>,
        %add3A_437 = arith.constant 0 : i32
        %add3A_438 = arith.addi %mul3A_196, %add3A_437 : i32
        %get3A_439 = arith.index_cast %add3A_438 : i32 to index
        %get3A_440 = arith.constant 80 : index
        %get3A_441 = tpu.vector_load %arg11[%get3A_439, %get3A_440] {strides = array<i32>} : memref<128x128xf32, #tpu.memory_space<vmem>>, vector<16xf32>,
        %mul3A_442 = arith.mulf %get3A_441, %gather3A : vector<16xf32>
        %add3A_443 = arith.constant 0 : i32
        %add3A_444 = arith.addi %mul3A_196, %add3A_443 : i32
        %swap3A_445 = arith.index_cast %add3A_444 : i32 to index
        %swap3A_446 = arith.constant 80 : index
        %swap3A_447 = tpu.vector_load %arg11[%swap3A_445, %swap3A_446] {strides = array<i32>} : memref<128x128xf32, #tpu.memory_space<vmem>>, vector<16xf32>,
        tpu.vector_store %arg11[%swap3A_445, %swap3A_446], %mul3A_442 {strides = array<i32>} : memref<128x128xf32, #tpu.memory_space<vmem>>, vector<16xf32>,
        %add3A_448 = arith.constant 1 : i32
        %add3A_449 = arith.addi %mul3A_196, %add3A_448 : i32
        %get3A_450 = arith.index_cast %add3A_449 : i32 to index
        %get3A_451 = arith.constant 80 : index
        %get3A_452 = tpu.vector_load %arg11[%get3A_450, %get3A_451] {strides = array<i32>} : memref<128x128xf32, #tpu.memory_space<vmem>>, vector<16xf32>,
        %mul3A_453 = arith.mulf %get3A_452, %gather3A_206 : vector<16xf32>
        %add3A_454 = arith.constant 1 : i32
        %add3A_455 = arith.addi %mul3A_196, %add3A_454 : i32
        %swap3A_456 = arith.index_cast %add3A_455 : i32 to index
        %swap3A_457 = arith.constant 80 : index
        %swap3A_458 = tpu.vector_load %arg11[%swap3A_456, %swap3A_457] {strides = array<i32>} : memref<128x128xf32, #tpu.memory_space<vmem>>, vector<16xf32>,
        tpu.vector_store %arg11[%swap3A_456, %swap3A_457], %mul3A_453 {strides = array<i32>} : memref<128x128xf32, #tpu.memory_space<vmem>>, vector<16xf32>,
        %add3A_459 = arith.constant 2 : i32
        %add3A_460 = arith.addi %mul3A_196, %add3A_459 : i32
        %get3A_461 = arith.index_cast %add3A_460 : i32 to index
        %get3A_462 = arith.constant 80 : index
        %get3A_463 = tpu.vector_load %arg11[%get3A_461, %get3A_462] {strides = array<i32>} : memref<128x128xf32, #tpu.memory_space<vmem>>, vector<16xf32>,
        %mul3A_464 = arith.mulf %get3A_463, %gather3A_212 : vector<16xf32>
        %add3A_465 = arith.constant 2 : i32
        %add3A_466 = arith.addi %mul3A_196, %add3A_465 : i32
        %swap3A_467 = arith.index_cast %add3A_466 : i32 to index
        %swap3A_468 = arith.constant 80 : index
        %swap3A_469 = tpu.vector_load %arg11[%swap3A_467, %swap3A_468] {strides = array<i32>} : memref<128x128xf32, #tpu.memory_space<vmem>>, vector<16xf32>,
        tpu.vector_store %arg11[%swap3A_467, %swap3A_468], %mul3A_464 {strides = array<i32>} : memref<128x128xf32, #tpu.memory_space<vmem>>, vector<16xf32>,
        %add3A_470 = arith.constant 3 : i32
        %add3A_471 = arith.addi %mul3A_196, %add3A_470 : i32
        %get3A_472 = arith.index_cast %add3A_471 : i32 to index
        %get3A_473 = arith.constant 80 : index
        %get3A_474 = tpu.vector_load %arg11[%get3A_472, %get3A_473] {strides = array<i32>} : memref<128x128xf32, #tpu.memory_space<vmem>>, vector<16xf32>,
        %mul3A_475 = arith.mulf %get3A_474, %gather3A_218 : vector<16xf32>
        %add3A_476 = arith.constant 3 : i32
        %add3A_477 = arith.addi %mul3A_196, %add3A_476 : i32
        %swap3A_478 = arith.index_cast %add3A_477 : i32 to index
        %swap3A_479 = arith.constant 80 : index
        %swap3A_480 = tpu.vector_load %arg11[%swap3A_478, %swap3A_479] {strides = array<i32>} : memref<128x128xf32, #tpu.memory_space<vmem>>, vector<16xf32>,
        tpu.vector_store %arg11[%swap3A_478, %swap3A_479], %mul3A_475 {strides = array<i32>} : memref<128x128xf32, #tpu.memory_space<vmem>>, vector<16xf32>,
        %add3A_481 = arith.constant 0 : i32
        %add3A_482 = arith.addi %mul3A_196, %add3A_481 : i32
        %get3A_483 = arith.index_cast %add3A_482 : i32 to index
        %get3A_484 = arith.constant 96 : index
        %get3A_485 = tpu.vector_load %arg11[%get3A_483, %get3A_484] {strides = array<i32>} : memref<128x128xf32, #tpu.memory_space<vmem>>, vector<16xf32>,
        %mul3A_486 = arith.mulf %get3A_485, %gather3A : vector<16xf32>
        %add3A_487 = arith.constant 0 : i32
        %add3A_488 = arith.addi %mul3A_196, %add3A_487 : i32
        %swap3A_489 = arith.index_cast %add3A_488 : i32 to index
        %swap3A_490 = arith.constant 96 : index
        %swap3A_491 = tpu.vector_load %arg11[%swap3A_489, %swap3A_490] {strides = array<i32>} : memref<128x128xf32, #tpu.memory_space<vmem>>, vector<16xf32>,
        tpu.vector_store %arg11[%swap3A_489, %swap3A_490], %mul3A_486 {strides = array<i32>} : memref<128x128xf32, #tpu.memory_space<vmem>>, vector<16xf32>,
        %add3A_492 = arith.constant 1 : i32
        %add3A_493 = arith.addi %mul3A_196, %add3A_492 : i32
        %get3A_494 = arith.index_cast %add3A_493 : i32 to index
        %get3A_495 = arith.constant 96 : index
        %get3A_496 = tpu.vector_load %arg11[%get3A_494, %get3A_495] {strides = array<i32>} : memref<128x128xf32, #tpu.memory_space<vmem>>, vector<16xf32>,
        %mul3A_497 = arith.mulf %get3A_496, %gather3A_206 : vector<16xf32>
        %add3A_498 = arith.constant 1 : i32
        %add3A_499 = arith.addi %mul3A_196, %add3A_498 : i32
        %swap3A_500 = arith.index_cast %add3A_499 : i32 to index
        %swap3A_501 = arith.constant 96 : index
        %swap3A_502 = tpu.vector_load %arg11[%swap3A_500, %swap3A_501] {strides = array<i32>} : memref<128x128xf32, #tpu.memory_space<vmem>>, vector<16xf32>,
        tpu.vector_store %arg11[%swap3A_500, %swap3A_501], %mul3A_497 {strides = array<i32>} : memref<128x128xf32, #tpu.memory_space<vmem>>, vector<16xf32>,
        %add3A_503 = arith.constant 2 : i32
        %add3A_504 = arith.addi %mul3A_196, %add3A_503 : i32
        %get3A_505 = arith.index_cast %add3A_504 : i32 to index
        %get3A_506 = arith.constant 96 : index
        %get3A_507 = tpu.vector_load %arg11[%get3A_505, %get3A_506] {strides = array<i32>} : memref<128x128xf32, #tpu.memory_space<vmem>>, vector<16xf32>,
        %mul3A_508 = arith.mulf %get3A_507, %gather3A_212 : vector<16xf32>
        %add3A_509 = arith.constant 2 : i32
        %add3A_510 = arith.addi %mul3A_196, %add3A_509 : i32
        %swap3A_511 = arith.index_cast %add3A_510 : i32 to index
        %swap3A_512 = arith.constant 96 : index
        %swap3A_513 = tpu.vector_load %arg11[%swap3A_511, %swap3A_512] {strides = array<i32>} : memref<128x128xf32, #tpu.memory_space<vmem>>, vector<16xf32>,
        tpu.vector_store %arg11[%swap3A_511, %swap3A_512], %mul3A_508 {strides = array<i32>} : memref<128x128xf32, #tpu.memory_space<vmem>>, vector<16xf32>,
        %add3A_514 = arith.constant 3 : i32
        %add3A_515 = arith.addi %mul3A_196, %add3A_514 : i32
        %get3A_516 = arith.index_cast %add3A_515 : i32 to index
        %get3A_517 = arith.constant 96 : index
        %get3A_518 = tpu.vector_load %arg11[%get3A_516, %get3A_517] {strides = array<i32>} : memref<128x128xf32, #tpu.memory_space<vmem>>, vector<16xf32>,
        %mul3A_519 = arith.mulf %get3A_518, %gather3A_218 : vector<16xf32>
        %add3A_520 = arith.constant 3 : i32
        %add3A_521 = arith.addi %mul3A_196, %add3A_520 : i32
        %swap3A_522 = arith.index_cast %add3A_521 : i32 to index
        %swap3A_523 = arith.constant 96 : index
        %swap3A_524 = tpu.vector_load %arg11[%swap3A_522, %swap3A_523] {strides = array<i32>} : memref<128x128xf32, #tpu.memory_space<vmem>>, vector<16xf32>,
        tpu.vector_store %arg11[%swap3A_522, %swap3A_523], %mul3A_519 {strides = array<i32>} : memref<128x128xf32, #tpu.memory_space<vmem>>, vector<16xf32>,
        %add3A_525 = arith.constant 0 : i32
        %add3A_526 = arith.addi %mul3A_196, %add3A_525 : i32
        %get3A_527 = arith.index_cast %add3A_526 : i32 to index
        %get3A_528 = arith.constant 112 : index
        %get3A_529 = tpu.vector_load %arg11[%get3A_527, %get3A_528] {strides = array<i32>} : memref<128x128xf32, #tpu.memory_space<vmem>>, vector<16xf32>,
        %mul3A_530 = arith.mulf %get3A_529, %gather3A : vector<16xf32>
        %add3A_531 = arith.constant 0 : i32
        %add3A_532 = arith.addi %mul3A_196, %add3A_531 : i32
        %swap3A_533 = arith.index_cast %add3A_532 : i32 to index
        %swap3A_534 = arith.constant 112 : index
        %swap3A_535 = tpu.vector_load %arg11[%swap3A_533, %swap3A_534] {strides = array<i32>} : memref<128x128xf32, #tpu.memory_space<vmem>>, vector<16xf32>,
        tpu.vector_store %arg11[%swap3A_533, %swap3A_534], %mul3A_530 {strides = array<i32>} : memref<128x128xf32, #tpu.memory_space<vmem>>, vector<16xf32>,
        %add3A_536 = arith.constant 1 : i32
        %add3A_537 = arith.addi %mul3A_196, %add3A_536 : i32
        %get3A_538 = arith.index_cast %add3A_537 : i32 to index
        %get3A_539 = arith.constant 112 : index
        %get3A_540 = tpu.vector_load %arg11[%get3A_538, %get3A_539] {strides = array<i32>} : memref<128x128xf32, #tpu.memory_space<vmem>>, vector<16xf32>,
        %mul3A_541 = arith.mulf %get3A_540, %gather3A_206 : vector<16xf32>
        %add3A_542 = arith.constant 1 : i32
        %add3A_543 = arith.addi %mul3A_196, %add3A_542 : i32
        %swap3A_544 = arith.index_cast %add3A_543 : i32 to index
        %swap3A_545 = arith.constant 112 : index
        %swap3A_546 = tpu.vector_load %arg11[%swap3A_544, %swap3A_545] {strides = array<i32>} : memref<128x128xf32, #tpu.memory_space<vmem>>, vector<16xf32>,
        tpu.vector_store %arg11[%swap3A_544, %swap3A_545], %mul3A_541 {strides = array<i32>} : memref<128x128xf32, #tpu.memory_space<vmem>>, vector<16xf32>,
        %add3A_547 = arith.constant 2 : i32
        %add3A_548 = arith.addi %mul3A_196, %add3A_547 : i32
        %get3A_549 = arith.index_cast %add3A_548 : i32 to index
        %get3A_550 = arith.constant 112 : index
        %get3A_551 = tpu.vector_load %arg11[%get3A_549, %get3A_550] {strides = array<i32>} : memref<128x128xf32, #tpu.memory_space<vmem>>, vector<16xf32>,
        %mul3A_552 = arith.mulf %get3A_551, %gather3A_212 : vector<16xf32>
        %add3A_553 = arith.constant 2 : i32
        %add3A_554 = arith.addi %mul3A_196, %add3A_553 : i32
        %swap3A_555 = arith.index_cast %add3A_554 : i32 to index
        %swap3A_556 = arith.constant 112 : index
        %swap3A_557 = tpu.vector_load %arg11[%swap3A_555, %swap3A_556] {strides = array<i32>} : memref<128x128xf32, #tpu.memory_space<vmem>>, vector<16xf32>,
        tpu.vector_store %arg11[%swap3A_555, %swap3A_556], %mul3A_552 {strides = array<i32>} : memref<128x128xf32, #tpu.memory_space<vmem>>, vector<16xf32>,
        %add3A_558 = arith.constant 3 : i32
        %add3A_559 = arith.addi %mul3A_196, %add3A_558 : i32
        %get3A_560 = arith.index_cast %add3A_559 : i32 to index
        %get3A_561 = arith.constant 112 : index
        %get3A_562 = tpu.vector_load %arg11[%get3A_560, %get3A_561] {strides = array<i32>} : memref<128x128xf32, #tpu.memory_space<vmem>>, vector<16xf32>,
        %mul3A_563 = arith.mulf %get3A_562, %gather3A_218 : vector<16xf32>
        %add3A_564 = arith.constant 3 : i32
        %add3A_565 = arith.addi %mul3A_196, %add3A_564 : i32
        %swap3A_566 = arith.index_cast %add3A_565 : i32 to index
        %swap3A_567 = arith.constant 112 : index
        %swap3A_568 = tpu.vector_load %arg11[%swap3A_566, %swap3A_567] {strides = array<i32>} : memref<128x128xf32, #tpu.memory_space<vmem>>, vector<16xf32>,
        tpu.vector_store %arg11[%swap3A_566, %swap3A_567], %mul3A_563 {strides = array<i32>} : memref<128x128xf32, #tpu.memory_space<vmem>>, vector<16xf32>,
      }
      %scan3A_186 = arith.constant 32 : i32
      %dma_start3A_187 = arith.constant 1 : i32
      %dma_start3A_188 = arith.constant 0 : i32
      %dma_start3A_189 = tpu.memref_slice %arg8[%dma_start3A_187, %dma_start3A_188] : memref<2x128xi32, #tpu.memory_space<vmem>> -> memref<1x128xi32, #tpu.memory_space<vmem>>
      %dma_start3A_190 = tpu.memref_squeeze %dma_start3A_189 : memref<1x128xi32, #tpu.memory_space<vmem>> -> memref<128xi32, #tpu.memory_space<vmem>>
      %dma_start3A_191 = arith.constant 0 : i32
      %dma_start3A_192 = arith.constant 0 : i32
      %dma_start3A_193 = tpu.memref_slice %arg12[%dma_start3A_191, %dma_start3A_192] : memref<10240x128xf32, #tpu.memory_space<vmem_shared>> -> memref<10240x128xf32, #tpu.memory_space<vmem_shared>>
      tpu.enqueue_indirect_dma source(%arg11 : memref<128x128xf32, #tpu.memory_space<vmem>>) target(%dma_start3A_193 : memref<10240x128xf32, #tpu.memory_space<vmem_shared>>) offsets(%dma_start3A_190 : memref<128xi32, #tpu.memory_space<vmem>>) semaphore(%arg16 : memref<!tpu.dma_semaphore, #tpu.memory_space<semaphore_mem>>) {add = true}
    }
    %scan3A_65 = arith.constant 40 : i32
    %dma_wait3A = arith.constant 0 : i32
    %dma_wait3A_66 = arith.constant 0 : i32
    %dma_wait3A_67 = tpu.memref_slice %arg8[%dma_wait3A, %dma_wait3A_66] : memref<2x128xi32, #tpu.memory_space<vmem>> -> memref<1x128xi32, #tpu.memory_space<vmem>>
    %dma_wait3A_68 = tpu.memref_squeeze %dma_wait3A_67 : memref<1x128xi32, #tpu.memory_space<vmem>> -> memref<128xi32, #tpu.memory_space<vmem>>
    %dma_wait3A_69 = arith.constant 0 : i32
    %dma_wait3A_70 = arith.constant 0 : i32
    %dma_wait3A_71 = tpu.memref_slice %arg12[%dma_wait3A_69, %dma_wait3A_70] : memref<10240x128xf32, #tpu.memory_space<vmem_shared>> -> memref<10240x128xf32, #tpu.memory_space<vmem_shared>>
    tpu.wait_indirect_dma semaphore(%arg15 : memref<!tpu.dma_semaphore, #tpu.memory_space<semaphore_mem>>) src(%arg10 : memref<128x128xf32, #tpu.memory_space<vmem>>) dst(%dma_wait3A_71 : memref<10240x128xf32, #tpu.memory_space<vmem_shared>>)
    %dma_wait3A_72 = arith.constant 1 : i32
    %dma_wait3A_73 = arith.constant 0 : i32
    %dma_wait3A_74 = tpu.memref_slice %arg8[%dma_wait3A_72, %dma_wait3A_73] : memref<2x128xi32, #tpu.memory_space<vmem>> -> memref<1x128xi32, #tpu.memory_space<vmem>>
    %dma_wait3A_75 = tpu.memref_squeeze %dma_wait3A_74 : memref<1x128xi32, #tpu.memory_space<vmem>> -> memref<128xi32, #tpu.memory_space<vmem>>
    %dma_wait3A_76 = arith.constant 0 : i32
    %dma_wait3A_77 = arith.constant 0 : i32
    %dma_wait3A_78 = tpu.memref_slice %arg12[%dma_wait3A_76, %dma_wait3A_77] : memref<10240x128xf32, #tpu.memory_space<vmem_shared>> -> memref<10240x128xf32, #tpu.memory_space<vmem_shared>>
    tpu.wait_indirect_dma semaphore(%arg16 : memref<!tpu.dma_semaphore, #tpu.memory_space<semaphore_mem>>) src(%arg11 : memref<128x128xf32, #tpu.memory_space<vmem>>) dst(%dma_wait3A_78 : memref<10240x128xf32, #tpu.memory_space<vmem_shared>>)
    %barrier3A_79 = arith.constant 0 : index
    tpu.barrier barrier_id(%barrier3A_79)
    %mul3A_80 = arith.constant 640 : i32
    %mul3A_81 = arith.muli %arg1, %mul3A_80 : i32
    %mul3A_82 = arith.constant 640 : i32
    %mul3A_83 = arith.muli %arg1, %mul3A_82 : i32
    "tpu.region"() ({
      %run_scoped3A = tpu.sem_alloc : memref<!tpu.dma_semaphore, #tpu.memory_space<semaphore_mem>>
      %dma_start3A_84 = arith.constant 0 : i32
      %dma_start3A_85 = tpu.memref_slice %arg6[%arg0, %mul3A_83, %dma_start3A_84] : memref<2x10240x128xf32, #tpu.memory_space<hbm>> -> memref<1x640x128xf32, #tpu.memory_space<hbm>>
      %dma_start3A_86 = tpu.memref_squeeze %dma_start3A_85 : memref<1x640x128xf32, #tpu.memory_space<hbm>> -> memref<640x128xf32, #tpu.memory_space<hbm>>
      %dma_start3A_87 = arith.constant 0 : i32
      %dma_start3A_88 = tpu.memref_slice %arg12[%mul3A_81, %dma_start3A_87] : memref<10240x128xf32, #tpu.memory_space<vmem_shared>> -> memref<640x128xf32, #tpu.memory_space<vmem_shared>>
      tpu.enqueue_dma source(%dma_start3A_88 : memref<640x128xf32, #tpu.memory_space<vmem_shared>>) target(%dma_start3A_86 : memref<640x128xf32, #tpu.memory_space<hbm>>) target_semaphore(%run_scoped3A : memref<!tpu.dma_semaphore, #tpu.memory_space<semaphore_mem>>)
      %dma_wait3A_89 = arith.constant 0 : i32
      %dma_wait3A_90 = tpu.memref_slice %arg6[%arg0, %mul3A_83, %dma_wait3A_89] : memref<2x10240x128xf32, #tpu.memory_space<hbm>> -> memref<1x640x128xf32, #tpu.memory_space<hbm>>
      %dma_wait3A_91 = tpu.memref_squeeze %dma_wait3A_90 : memref<1x640x128xf32, #tpu.memory_space<hbm>> -> memref<640x128xf32, #tpu.memory_space<hbm>>
      %dma_wait3A_92 = arith.constant 0 : i32
      %dma_wait3A_93 = tpu.memref_slice %arg12[%mul3A_81, %dma_wait3A_92] : memref<10240x128xf32, #tpu.memory_space<vmem_shared>> -> memref<640x128xf32, #tpu.memory_space<vmem_shared>>
      tpu.wait_dma2 semaphore(%run_scoped3A : memref<!tpu.dma_semaphore, #tpu.memory_space<semaphore_mem>>) src(%dma_wait3A_93 : memref<640x128xf32, #tpu.memory_space<vmem_shared>>) dst(%dma_wait3A_91 : memref<640x128xf32, #tpu.memory_space<hbm>>)
      tpu.yield
    }) : () -> ()
    return
  }
}

#map = affine_map<(d0, d1) -> (0, 0)>
#map1 = affine_map<(d0, d1) -> (0, 0, 0)>
module attributes {stable_mosaic.version = 14 : i64} {
  func.func @_spmm_body(%arg0: i32, %arg1: i32, %arg2: memref<10000x128xf32, #tpu.memory_space<hbm>>, %arg3: memref<32x80x128xi32, #tpu.memory_space<hbm>>, %arg4: memref<32x80x128xi32, #tpu.memory_space<hbm>>, %arg5: memref<32x80x128xf32, #tpu.memory_space<hbm>>, %arg6: memref<2x10240x128xf32, #tpu.memory_space<hbm>>, %arg7: memref<80x128xi32, #tpu.memory_space<vmem>>, %arg8: memref<2x128xi32, #tpu.memory_space<vmem>>, %arg9: memref<2x128xf32, #tpu.memory_space<vmem>>, %arg10: memref<128x128xf32, #tpu.memory_space<vmem>>, %arg11: memref<128x128xf32, #tpu.memory_space<vmem>>, %arg12: memref<10240x128xf32, #tpu.memory_space<vmem_shared>>, %arg13: memref<!tpu.dma_semaphore, #tpu.memory_space<semaphore_mem>>, %arg14: memref<!tpu.dma_semaphore, #tpu.memory_space<semaphore_mem>>, %arg15: memref<!tpu.dma_semaphore, #tpu.memory_space<semaphore_mem>>, %arg16: memref<!tpu.dma_semaphore, #tpu.memory_space<semaphore_mem>>, %arg17: memref<!tpu.dma_semaphore, #tpu.memory_space<semaphore_mem>>, %arg18: memref<!tpu.dma_semaphore, #tpu.memory_space<semaphore_mem>>) attributes {dimension_semantics = [#tpu.dimension_semantics<core_parallel>, #tpu.dimension_semantics<subcore_parallel>], iteration_bounds = array<i64: 2, 16>, scalar_prefetch = 0 : i64, scratch_operands = 12 : i64, tpu.core_type = #tpu.core_type<sc_vector_subcore>, window_params = [{transform_indices = #map}, {transform_indices = #map1}, {transform_indices = #map1}, {transform_indices = #map1}, {transform_indices = #map1}]} {
    %mul3A = arith.constant 2 : i32
    %mul3A_0 = arith.muli %arg1, %mul3A : i32
    %add3A = arith.addi %mul3A_0, %arg0 : i32
    "tpu.region"() ({
      %run_scoped3A = tpu.sem_alloc : memref<!tpu.dma_semaphore, #tpu.memory_space<semaphore_mem>>
      %dma_start3A_84 = arith.constant 0 : i32
      %dma_start3A_85 = arith.constant 0 : i32
      %dma_start3A_86 = tpu.memref_slice %arg3[%add3A, %dma_start3A_84, %dma_start3A_85] : memref<32x80x128xi32, #tpu.memory_space<hbm>> -> memref<1x80x128xi32, #tpu.memory_space<hbm>>
      %dma_start3A_87 = tpu.memref_squeeze %dma_start3A_86 : memref<1x80x128xi32, #tpu.memory_space<hbm>> -> memref<80x128xi32, #tpu.memory_space<hbm>>
      %dma_start3A_88 = arith.constant 0 : i32
      %dma_start3A_89 = arith.constant 0 : i32
      %dma_start3A_90 = tpu.memref_slice %arg3[%add3A, %dma_start3A_88, %dma_start3A_89] : memref<32x80x128xi32, #tpu.memory_space<hbm>> -> memref<1x80x128xi32, #tpu.memory_space<hbm>>
      %dma_start3A_91 = tpu.memref_squeeze %dma_start3A_90 : memref<1x80x128xi32, #tpu.memory_space<hbm>> -> memref<80x128xi32, #tpu.memory_space<hbm>>
      tpu.enqueue_dma source(%dma_start3A_91 : memref<80x128xi32, #tpu.memory_space<hbm>>) target(%arg7 : memref<80x128xi32, #tpu.memory_space<vmem>>) target_semaphore(%run_scoped3A : memref<!tpu.dma_semaphore, #tpu.memory_space<semaphore_mem>>)
      %dma_wait3A_92 = arith.constant 0 : i32
      %dma_wait3A_93 = arith.constant 0 : i32
      %dma_wait3A_94 = tpu.memref_slice %arg3[%add3A, %dma_wait3A_92, %dma_wait3A_93] : memref<32x80x128xi32, #tpu.memory_space<hbm>> -> memref<1x80x128xi32, #tpu.memory_space<hbm>>
      %dma_wait3A_95 = tpu.memref_squeeze %dma_wait3A_94 : memref<1x80x128xi32, #tpu.memory_space<hbm>> -> memref<80x128xi32, #tpu.memory_space<hbm>>
      %dma_wait3A_96 = arith.constant 0 : i32
      %dma_wait3A_97 = arith.constant 0 : i32
      %dma_wait3A_98 = tpu.memref_slice %arg3[%add3A, %dma_wait3A_96, %dma_wait3A_97] : memref<32x80x128xi32, #tpu.memory_space<hbm>> -> memref<1x80x128xi32, #tpu.memory_space<hbm>>
      %dma_wait3A_99 = tpu.memref_squeeze %dma_wait3A_98 : memref<1x80x128xi32, #tpu.memory_space<hbm>> -> memref<80x128xi32, #tpu.memory_space<hbm>>
      tpu.wait_dma2 semaphore(%run_scoped3A : memref<!tpu.dma_semaphore, #tpu.memory_space<semaphore_mem>>) src(%dma_wait3A_99 : memref<80x128xi32, #tpu.memory_space<hbm>>) dst(%arg7 : memref<80x128xi32, #tpu.memory_space<vmem>>)
      tpu.yield
    }) : () -> ()
    %scan3A = arith.constant 0 : i32
    %scan3A_1 = arith.constant 0 : i32
    %scan3A_2 = arith.constant 1024 : i32
    %scan3A_3 = arith.addi %scan3A_1, %scan3A_2 : i32
    %scan3A_4 = arith.constant 1 : i32
    scf.for %scan3A_84 = %scan3A_1 to %scan3A_3 step %scan3A_4  : i32 {
      %jit3A = arith.constant 8 : i32
      %div3A = arith.divsi %scan3A_84, %jit3A : i32
      %sign3A = arith.constant 0 : i32
      %sign3A_85 = arith.cmpi sgt, %scan3A_84, %sign3A : i32
      %sign3A_86 = arith.extui %sign3A_85 : i1 to i32
      %sign3A_87 = arith.constant 0 : i32
      %sign3A_88 = arith.cmpi slt, %scan3A_84, %sign3A_87 : i32
      %sign3A_89 = arith.extui %sign3A_88 : i1 to i32
      %sign3A_90 = arith.subi %sign3A_86, %sign3A_89 : i32
      %sign3A_91 = arith.constant 0 : i32
      %sign3A_92 = arith.cmpi sgt, %jit3A, %sign3A_91 : i32
      %sign3A_93 = arith.extui %sign3A_92 : i1 to i32
      %sign3A_94 = arith.constant 0 : i32
      %sign3A_95 = arith.cmpi slt, %jit3A, %sign3A_94 : i32
      %sign3A_96 = arith.extui %sign3A_95 : i1 to i32
      %sign3A_97 = arith.subi %sign3A_93, %sign3A_96 : i32
      %ne3A = arith.cmpi ne, %sign3A_90, %sign3A_97 : i32
      %rem3A = arith.remsi %scan3A_84, %jit3A : i32
      %ne3A_98 = arith.constant 0 : i32
      %ne3A_99 = arith.cmpi ne, %rem3A, %ne3A_98 : i32
      %and3A = arith.andi %ne3A, %ne3A_99 : i1
      %sub3A = arith.constant 1 : i32
      %sub3A_100 = arith.subi %div3A, %sub3A : i32
      %select_n3A = arith.select %and3A, %sub3A_100, %div3A : i32
      %jit3A_101 = arith.constant 8 : i32
      %eq3A = arith.constant 0 : i32
      %eq3A_102 = arith.cmpi eq, %jit3A_101, %eq3A : i32
      %jit3A_103 = arith.constant 1 : i32
      %select_n3A_104 = arith.select %eq3A_102, %jit3A_103, %jit3A_101 : i32
      %rem3A_105 = arith.remsi %scan3A_84, %select_n3A_104 : i32
      %ne3A_106 = arith.constant 0 : i32
      %ne3A_107 = arith.cmpi ne, %rem3A_105, %ne3A_106 : i32
      %lt3A = arith.constant 0 : i32
      %lt3A_108 = arith.cmpi slt, %rem3A_105, %lt3A : i32
      %lt3A_109 = arith.constant 0 : i32
      %lt3A_110 = arith.cmpi slt, %select_n3A_104, %lt3A_109 : i32
      %ne3A_111 = arith.xori %lt3A_108, %lt3A_110 : i1
      %and3A_112 = arith.andi %ne3A_111, %ne3A_107 : i1
      %add3A_113 = arith.addi %rem3A_105, %select_n3A_104 : i32
      %select_n3A_114 = arith.select %and3A_112, %add3A_113, %rem3A_105 : i32
      %mul3A_115 = arith.constant 16 : i32
      %mul3A_116 = arith.muli %select_n3A_114, %mul3A_115 : i32
      %broadcast_in_dim3A = arith.constant 0.000000e+00 : f32
      %broadcast_in_dim3A_117 = vector.broadcast %broadcast_in_dim3A : f32 to vector<16xf32>
      %swap3A = arith.index_cast %select_n3A : i32 to index
      %swap3A_118 = arith.index_cast %mul3A_116 : i32 to index
      %swap3A_119 = tpu.vector_load %arg10[%swap3A, %swap3A_118] {strides = array<i32>} : memref<128x128xf32, #tpu.memory_space<vmem>>, vector<16xf32>,
      tpu.vector_store %arg10[%swap3A, %swap3A_118], %broadcast_in_dim3A_117 {strides = array<i32>} : memref<128x128xf32, #tpu.memory_space<vmem>>, vector<16xf32>,
    }
    %scan3A_5 = arith.constant 1024 : i32
    %mul3A_6 = arith.constant 640 : i32
    %mul3A_7 = arith.muli %arg1, %mul3A_6 : i32
    %add3A_8 = arith.constant 0 : i32
    %add3A_9 = arith.addi %mul3A_7, %add3A_8 : i32
    "tpu.region"() ({
      %run_scoped3A = tpu.sem_alloc : memref<!tpu.dma_semaphore, #tpu.memory_space<semaphore_mem>>
      %dma_start3A_84 = arith.constant 0 : i32
      %dma_start3A_85 = tpu.memref_slice %arg12[%add3A_9, %dma_start3A_84] : memref<10240x128xf32, #tpu.memory_space<vmem_shared>> -> memref<128x128xf32, #tpu.memory_space<vmem_shared>>
      %dma_start3A_86 = arith.constant 0 : i32
      %dma_start3A_87 = tpu.memref_slice %arg12[%add3A_9, %dma_start3A_86] : memref<10240x128xf32, #tpu.memory_space<vmem_shared>> -> memref<128x128xf32, #tpu.memory_space<vmem_shared>>
      tpu.enqueue_dma source(%arg10 : memref<128x128xf32, #tpu.memory_space<vmem>>) target(%dma_start3A_87 : memref<128x128xf32, #tpu.memory_space<vmem_shared>>) target_semaphore(%run_scoped3A : memref<!tpu.dma_semaphore, #tpu.memory_space<semaphore_mem>>)
      %dma_wait3A_88 = arith.constant 0 : i32
      %dma_wait3A_89 = tpu.memref_slice %arg12[%add3A_9, %dma_wait3A_88] : memref<10240x128xf32, #tpu.memory_space<vmem_shared>> -> memref<128x128xf32, #tpu.memory_space<vmem_shared>>
      %dma_wait3A_90 = arith.constant 0 : i32
      %dma_wait3A_91 = tpu.memref_slice %arg12[%add3A_9, %dma_wait3A_90] : memref<10240x128xf32, #tpu.memory_space<vmem_shared>> -> memref<128x128xf32, #tpu.memory_space<vmem_shared>>
      tpu.wait_dma2 semaphore(%run_scoped3A : memref<!tpu.dma_semaphore, #tpu.memory_space<semaphore_mem>>) src(%arg10 : memref<128x128xf32, #tpu.memory_space<vmem>>) dst(%dma_wait3A_91 : memref<128x128xf32, #tpu.memory_space<vmem_shared>>)
      tpu.yield
    }) : () -> ()
    %mul3A_10 = arith.constant 640 : i32
    %mul3A_11 = arith.muli %arg1, %mul3A_10 : i32
    %add3A_12 = arith.constant 128 : i32
    %add3A_13 = arith.addi %mul3A_11, %add3A_12 : i32
    "tpu.region"() ({
      %run_scoped3A = tpu.sem_alloc : memref<!tpu.dma_semaphore, #tpu.memory_space<semaphore_mem>>
      %dma_start3A_84 = arith.constant 0 : i32
      %dma_start3A_85 = tpu.memref_slice %arg12[%add3A_13, %dma_start3A_84] : memref<10240x128xf32, #tpu.memory_space<vmem_shared>> -> memref<128x128xf32, #tpu.memory_space<vmem_shared>>
      %dma_start3A_86 = arith.constant 0 : i32
      %dma_start3A_87 = tpu.memref_slice %arg12[%add3A_13, %dma_start3A_86] : memref<10240x128xf32, #tpu.memory_space<vmem_shared>> -> memref<128x128xf32, #tpu.memory_space<vmem_shared>>
      tpu.enqueue_dma source(%arg10 : memref<128x128xf32, #tpu.memory_space<vmem>>) target(%dma_start3A_87 : memref<128x128xf32, #tpu.memory_space<vmem_shared>>) target_semaphore(%run_scoped3A : memref<!tpu.dma_semaphore, #tpu.memory_space<semaphore_mem>>)
      %dma_wait3A_88 = arith.constant 0 : i32
      %dma_wait3A_89 = tpu.memref_slice %arg12[%add3A_13, %dma_wait3A_88] : memref<10240x128xf32, #tpu.memory_space<vmem_shared>> -> memref<128x128xf32, #tpu.memory_space<vmem_shared>>
      %dma_wait3A_90 = arith.constant 0 : i32
      %dma_wait3A_91 = tpu.memref_slice %arg12[%add3A_13, %dma_wait3A_90] : memref<10240x128xf32, #tpu.memory_space<vmem_shared>> -> memref<128x128xf32, #tpu.memory_space<vmem_shared>>
      tpu.wait_dma2 semaphore(%run_scoped3A : memref<!tpu.dma_semaphore, #tpu.memory_space<semaphore_mem>>) src(%arg10 : memref<128x128xf32, #tpu.memory_space<vmem>>) dst(%dma_wait3A_91 : memref<128x128xf32, #tpu.memory_space<vmem_shared>>)
      tpu.yield
    }) : () -> ()
    %mul3A_14 = arith.constant 640 : i32
    %mul3A_15 = arith.muli %arg1, %mul3A_14 : i32
    %add3A_16 = arith.constant 256 : i32
    %add3A_17 = arith.addi %mul3A_15, %add3A_16 : i32
    "tpu.region"() ({
      %run_scoped3A = tpu.sem_alloc : memref<!tpu.dma_semaphore, #tpu.memory_space<semaphore_mem>>
      %dma_start3A_84 = arith.constant 0 : i32
      %dma_start3A_85 = tpu.memref_slice %arg12[%add3A_17, %dma_start3A_84] : memref<10240x128xf32, #tpu.memory_space<vmem_shared>> -> memref<128x128xf32, #tpu.memory_space<vmem_shared>>
      %dma_start3A_86 = arith.constant 0 : i32
      %dma_start3A_87 = tpu.memref_slice %arg12[%add3A_17, %dma_start3A_86] : memref<10240x128xf32, #tpu.memory_space<vmem_shared>> -> memref<128x128xf32, #tpu.memory_space<vmem_shared>>
      tpu.enqueue_dma source(%arg10 : memref<128x128xf32, #tpu.memory_space<vmem>>) target(%dma_start3A_87 : memref<128x128xf32, #tpu.memory_space<vmem_shared>>) target_semaphore(%run_scoped3A : memref<!tpu.dma_semaphore, #tpu.memory_space<semaphore_mem>>)
      %dma_wait3A_88 = arith.constant 0 : i32
      %dma_wait3A_89 = tpu.memref_slice %arg12[%add3A_17, %dma_wait3A_88] : memref<10240x128xf32, #tpu.memory_space<vmem_shared>> -> memref<128x128xf32, #tpu.memory_space<vmem_shared>>
      %dma_wait3A_90 = arith.constant 0 : i32
      %dma_wait3A_91 = tpu.memref_slice %arg12[%add3A_17, %dma_wait3A_90] : memref<10240x128xf32, #tpu.memory_space<vmem_shared>> -> memref<128x128xf32, #tpu.memory_space<vmem_shared>>
      tpu.wait_dma2 semaphore(%run_scoped3A : memref<!tpu.dma_semaphore, #tpu.memory_space<semaphore_mem>>) src(%arg10 : memref<128x128xf32, #tpu.memory_space<vmem>>) dst(%dma_wait3A_91 : memref<128x128xf32, #tpu.memory_space<vmem_shared>>)
      tpu.yield
    }) : () -> ()
    %mul3A_18 = arith.constant 640 : i32
    %mul3A_19 = arith.muli %arg1, %mul3A_18 : i32
    %add3A_20 = arith.constant 384 : i32
    %add3A_21 = arith.addi %mul3A_19, %add3A_20 : i32
    "tpu.region"() ({
      %run_scoped3A = tpu.sem_alloc : memref<!tpu.dma_semaphore, #tpu.memory_space<semaphore_mem>>
      %dma_start3A_84 = arith.constant 0 : i32
      %dma_start3A_85 = tpu.memref_slice %arg12[%add3A_21, %dma_start3A_84] : memref<10240x128xf32, #tpu.memory_space<vmem_shared>> -> memref<128x128xf32, #tpu.memory_space<vmem_shared>>
      %dma_start3A_86 = arith.constant 0 : i32
      %dma_start3A_87 = tpu.memref_slice %arg12[%add3A_21, %dma_start3A_86] : memref<10240x128xf32, #tpu.memory_space<vmem_shared>> -> memref<128x128xf32, #tpu.memory_space<vmem_shared>>
      tpu.enqueue_dma source(%arg10 : memref<128x128xf32, #tpu.memory_space<vmem>>) target(%dma_start3A_87 : memref<128x128xf32, #tpu.memory_space<vmem_shared>>) target_semaphore(%run_scoped3A : memref<!tpu.dma_semaphore, #tpu.memory_space<semaphore_mem>>)
      %dma_wait3A_88 = arith.constant 0 : i32
      %dma_wait3A_89 = tpu.memref_slice %arg12[%add3A_21, %dma_wait3A_88] : memref<10240x128xf32, #tpu.memory_space<vmem_shared>> -> memref<128x128xf32, #tpu.memory_space<vmem_shared>>
      %dma_wait3A_90 = arith.constant 0 : i32
      %dma_wait3A_91 = tpu.memref_slice %arg12[%add3A_21, %dma_wait3A_90] : memref<10240x128xf32, #tpu.memory_space<vmem_shared>> -> memref<128x128xf32, #tpu.memory_space<vmem_shared>>
      tpu.wait_dma2 semaphore(%run_scoped3A : memref<!tpu.dma_semaphore, #tpu.memory_space<semaphore_mem>>) src(%arg10 : memref<128x128xf32, #tpu.memory_space<vmem>>) dst(%dma_wait3A_91 : memref<128x128xf32, #tpu.memory_space<vmem_shared>>)
      tpu.yield
    }) : () -> ()
    %mul3A_22 = arith.constant 640 : i32
    %mul3A_23 = arith.muli %arg1, %mul3A_22 : i32
    %add3A_24 = arith.constant 512 : i32
    %add3A_25 = arith.addi %mul3A_23, %add3A_24 : i32
    "tpu.region"() ({
      %run_scoped3A = tpu.sem_alloc : memref<!tpu.dma_semaphore, #tpu.memory_space<semaphore_mem>>
      %dma_start3A_84 = arith.constant 0 : i32
      %dma_start3A_85 = tpu.memref_slice %arg12[%add3A_25, %dma_start3A_84] : memref<10240x128xf32, #tpu.memory_space<vmem_shared>> -> memref<128x128xf32, #tpu.memory_space<vmem_shared>>
      %dma_start3A_86 = arith.constant 0 : i32
      %dma_start3A_87 = tpu.memref_slice %arg12[%add3A_25, %dma_start3A_86] : memref<10240x128xf32, #tpu.memory_space<vmem_shared>> -> memref<128x128xf32, #tpu.memory_space<vmem_shared>>
      tpu.enqueue_dma source(%arg10 : memref<128x128xf32, #tpu.memory_space<vmem>>) target(%dma_start3A_87 : memref<128x128xf32, #tpu.memory_space<vmem_shared>>) target_semaphore(%run_scoped3A : memref<!tpu.dma_semaphore, #tpu.memory_space<semaphore_mem>>)
      %dma_wait3A_88 = arith.constant 0 : i32
      %dma_wait3A_89 = tpu.memref_slice %arg12[%add3A_25, %dma_wait3A_88] : memref<10240x128xf32, #tpu.memory_space<vmem_shared>> -> memref<128x128xf32, #tpu.memory_space<vmem_shared>>
      %dma_wait3A_90 = arith.constant 0 : i32
      %dma_wait3A_91 = tpu.memref_slice %arg12[%add3A_25, %dma_wait3A_90] : memref<10240x128xf32, #tpu.memory_space<vmem_shared>> -> memref<128x128xf32, #tpu.memory_space<vmem_shared>>
      tpu.wait_dma2 semaphore(%run_scoped3A : memref<!tpu.dma_semaphore, #tpu.memory_space<semaphore_mem>>) src(%arg10 : memref<128x128xf32, #tpu.memory_space<vmem>>) dst(%dma_wait3A_91 : memref<128x128xf32, #tpu.memory_space<vmem_shared>>)
      tpu.yield
    }) : () -> ()
    %barrier3A = arith.constant 0 : index
    tpu.barrier barrier_id(%barrier3A)
    %dma_start3A = arith.constant 0 : i32
    %dma_start3A_26 = arith.constant 0 : i32
    %dma_start3A_27 = arith.constant 0 : i32
    %dma_start3A_28 = tpu.memref_slice %arg8[%dma_start3A_26, %dma_start3A_27] : memref<2x128xi32, #tpu.memory_space<vmem>> -> memref<1x128xi32, #tpu.memory_space<vmem>>
    %dma_start3A_29 = tpu.memref_squeeze %dma_start3A_28 : memref<1x128xi32, #tpu.memory_space<vmem>> -> memref<128xi32, #tpu.memory_space<vmem>>
    %dma_start3A_30 = arith.constant 0 : i32
    %dma_start3A_31 = tpu.memref_slice %arg4[%add3A, %dma_start3A, %dma_start3A_30] : memref<32x80x128xi32, #tpu.memory_space<hbm>> -> memref<1x1x128xi32, #tpu.memory_space<hbm>>
    %dma_start3A_32 = tpu.memref_squeeze %dma_start3A_31 : memref<1x1x128xi32, #tpu.memory_space<hbm>> -> memref<128xi32, #tpu.memory_space<hbm>>
    %dma_start3A_33 = arith.constant 0 : i32
    %dma_start3A_34 = tpu.memref_slice %arg8[%dma_start3A_26, %dma_start3A_33] : memref<2x128xi32, #tpu.memory_space<vmem>> -> memref<1x128xi32, #tpu.memory_space<vmem>>
    %dma_start3A_35 = tpu.memref_squeeze %dma_start3A_34 : memref<1x128xi32, #tpu.memory_space<vmem>> -> memref<128xi32, #tpu.memory_space<vmem>>
    %dma_start3A_36 = arith.constant 0 : i32
    %dma_start3A_37 = tpu.memref_slice %arg4[%add3A, %dma_start3A, %dma_start3A_36] : memref<32x80x128xi32, #tpu.memory_space<hbm>> -> memref<1x1x128xi32, #tpu.memory_space<hbm>>
    %dma_start3A_38 = tpu.memref_squeeze %dma_start3A_37 : memref<1x1x128xi32, #tpu.memory_space<hbm>> -> memref<128xi32, #tpu.memory_space<hbm>>
    tpu.enqueue_dma source(%dma_start3A_38 : memref<128xi32, #tpu.memory_space<hbm>>) target(%dma_start3A_35 : memref<128xi32, #tpu.memory_space<vmem>>) target_semaphore(%arg17 : memref<!tpu.dma_semaphore, #tpu.memory_space<semaphore_mem>>)
    %dma_start3A_39 = arith.constant 0 : i32
    %dma_start3A_40 = arith.constant 0 : i32
    %dma_start3A_41 = arith.constant 0 : i32
    %dma_start3A_42 = tpu.memref_slice %arg9[%dma_start3A_40, %dma_start3A_41] : memref<2x128xf32, #tpu.memory_space<vmem>> -> memref<1x128xf32, #tpu.memory_space<vmem>>
    %dma_start3A_43 = tpu.memref_squeeze %dma_start3A_42 : memref<1x128xf32, #tpu.memory_space<vmem>> -> memref<128xf32, #tpu.memory_space<vmem>>
    %dma_start3A_44 = arith.constant 0 : i32
    %dma_start3A_45 = tpu.memref_slice %arg5[%add3A, %dma_start3A_39, %dma_start3A_44] : memref<32x80x128xf32, #tpu.memory_space<hbm>> -> memref<1x1x128xf32, #tpu.memory_space<hbm>>
    %dma_start3A_46 = tpu.memref_squeeze %dma_start3A_45 : memref<1x1x128xf32, #tpu.memory_space<hbm>> -> memref<128xf32, #tpu.memory_space<hbm>>
    %dma_start3A_47 = arith.constant 0 : i32
    %dma_start3A_48 = tpu.memref_slice %arg9[%dma_start3A_40, %dma_start3A_47] : memref<2x128xf32, #tpu.memory_space<vmem>> -> memref<1x128xf32, #tpu.memory_space<vmem>>
    %dma_start3A_49 = tpu.memref_squeeze %dma_start3A_48 : memref<1x128xf32, #tpu.memory_space<vmem>> -> memref<128xf32, #tpu.memory_space<vmem>>
    %dma_start3A_50 = arith.constant 0 : i32
    %dma_start3A_51 = tpu.memref_slice %arg5[%add3A, %dma_start3A_39, %dma_start3A_50] : memref<32x80x128xf32, #tpu.memory_space<hbm>> -> memref<1x1x128xf32, #tpu.memory_space<hbm>>
    %dma_start3A_52 = tpu.memref_squeeze %dma_start3A_51 : memref<1x1x128xf32, #tpu.memory_space<hbm>> -> memref<128xf32, #tpu.memory_space<hbm>>
    tpu.enqueue_dma source(%dma_start3A_52 : memref<128xf32, #tpu.memory_space<hbm>>) target(%dma_start3A_49 : memref<128xf32, #tpu.memory_space<vmem>>) target_semaphore(%arg17 : memref<!tpu.dma_semaphore, #tpu.memory_space<semaphore_mem>>)
    %dma_start3A_53 = arith.constant 0 : i32
    %dma_start3A_54 = arith.constant 0 : i32
    %dma_start3A_55 = tpu.memref_slice %arg7[%dma_start3A_53, %dma_start3A_54] : memref<80x128xi32, #tpu.memory_space<vmem>> -> memref<1x128xi32, #tpu.memory_space<vmem>>
    %dma_start3A_56 = tpu.memref_squeeze %dma_start3A_55 : memref<1x128xi32, #tpu.memory_space<vmem>> -> memref<128xi32, #tpu.memory_space<vmem>>
    %dma_start3A_57 = arith.constant 0 : i32
    %dma_start3A_58 = arith.constant 0 : i32
    %dma_start3A_59 = tpu.memref_slice %arg2[%dma_start3A_57, %dma_start3A_58] : memref<10000x128xf32, #tpu.memory_space<hbm>> -> memref<10000x128xf32, #tpu.memory_space<hbm>>
    tpu.enqueue_indirect_dma source(%dma_start3A_59 : memref<10000x128xf32, #tpu.memory_space<hbm>>) target(%arg10 : memref<128x128xf32, #tpu.memory_space<vmem>>) offsets(%dma_start3A_56 : memref<128xi32, #tpu.memory_space<vmem>>) semaphore(%arg13 : memref<!tpu.dma_semaphore, #tpu.memory_space<semaphore_mem>>)
    %scan3A_60 = arith.constant 0 : i32
    %scan3A_61 = arith.constant 0 : i32
    %scan3A_62 = arith.constant 40 : i32
    %scan3A_63 = arith.addi %scan3A_61, %scan3A_62 : i32
    %scan3A_64 = arith.constant 1 : i32
    scf.for %scan3A_84 = %scan3A_61 to %scan3A_63 step %scan3A_64  : i32 {
      %mul3A_85 = arith.constant 2 : i32
      %mul3A_86 = arith.muli %scan3A_84, %mul3A_85 : i32
      %add3A_87 = arith.constant 0 : i32
      %add3A_88 = arith.addi %mul3A_86, %add3A_87 : i32
      %add3A_89 = arith.constant 1 : i32
      %add3A_90 = arith.addi %add3A_88, %add3A_89 : i32
      %lt3A = arith.constant 80 : i32
      %lt3A_91 = arith.cmpi slt, %add3A_90, %lt3A : i32
      %convert_element_type3A = arith.extui %lt3A_91 : i1 to i32
      %cond3A = arith.constant 0 : i32
      %cond3A_92 = arith.cmpi ne, %convert_element_type3A, %cond3A : i32
      scf.if %cond3A_92 {
        %gt3A = arith.constant 0 : i32
        %gt3A_194 = arith.cmpi sgt, %add3A_88, %gt3A : i32
        %convert_element_type3A_195 = arith.extui %gt3A_194 : i1 to i32
        %cond3A_196 = arith.constant 0 : i32
        %cond3A_197 = arith.cmpi ne, %convert_element_type3A_195, %cond3A_196 : i32
        scf.if %cond3A_197 {
          %dma_wait3A_236 = arith.constant 1 : i32
          %dma_wait3A_237 = arith.constant 0 : i32
          %dma_wait3A_238 = tpu.memref_slice %arg8[%dma_wait3A_236, %dma_wait3A_237] : memref<2x128xi32, #tpu.memory_space<vmem>> -> memref<1x128xi32, #tpu.memory_space<vmem>>
          %dma_wait3A_239 = tpu.memref_squeeze %dma_wait3A_238 : memref<1x128xi32, #tpu.memory_space<vmem>> -> memref<128xi32, #tpu.memory_space<vmem>>
          %dma_wait3A_240 = arith.constant 0 : i32
          %dma_wait3A_241 = arith.constant 0 : i32
          %dma_wait3A_242 = tpu.memref_slice %arg12[%dma_wait3A_240, %dma_wait3A_241] : memref<10240x128xf32, #tpu.memory_space<vmem_shared>> -> memref<10240x128xf32, #tpu.memory_space<vmem_shared>>
          tpu.wait_indirect_dma semaphore(%arg16 : memref<!tpu.dma_semaphore, #tpu.memory_space<semaphore_mem>>) src(%arg11 : memref<128x128xf32, #tpu.memory_space<vmem>>) dst(%dma_wait3A_242 : memref<10240x128xf32, #tpu.memory_space<vmem_shared>>)
        } else {
        }
        %add3A_198 = arith.constant 1 : i32
        %add3A_199 = arith.addi %add3A_88, %add3A_198 : i32
        %dma_start3A_200 = arith.constant 1 : i32
        %dma_start3A_201 = arith.constant 0 : i32
        %dma_start3A_202 = tpu.memref_slice %arg8[%dma_start3A_200, %dma_start3A_201] : memref<2x128xi32, #tpu.memory_space<vmem>> -> memref<1x128xi32, #tpu.memory_space<vmem>>
        %dma_start3A_203 = tpu.memref_squeeze %dma_start3A_202 : memref<1x128xi32, #tpu.memory_space<vmem>> -> memref<128xi32, #tpu.memory_space<vmem>>
        %dma_start3A_204 = arith.constant 0 : i32
        %dma_start3A_205 = tpu.memref_slice %arg4[%add3A, %add3A_199, %dma_start3A_204] : memref<32x80x128xi32, #tpu.memory_space<hbm>> -> memref<1x1x128xi32, #tpu.memory_space<hbm>>
        %dma_start3A_206 = tpu.memref_squeeze %dma_start3A_205 : memref<1x1x128xi32, #tpu.memory_space<hbm>> -> memref<128xi32, #tpu.memory_space<hbm>>
        %dma_start3A_207 = arith.constant 0 : i32
        %dma_start3A_208 = tpu.memref_slice %arg8[%dma_start3A_200, %dma_start3A_207] : memref<2x128xi32, #tpu.memory_space<vmem>> -> memref<1x128xi32, #tpu.memory_space<vmem>>
        %dma_start3A_209 = tpu.memref_squeeze %dma_start3A_208 : memref<1x128xi32, #tpu.memory_space<vmem>> -> memref<128xi32, #tpu.memory_space<vmem>>
        %dma_start3A_210 = arith.constant 0 : i32
        %dma_start3A_211 = tpu.memref_slice %arg4[%add3A, %add3A_199, %dma_start3A_210] : memref<32x80x128xi32, #tpu.memory_space<hbm>> -> memref<1x1x128xi32, #tpu.memory_space<hbm>>
        %dma_start3A_212 = tpu.memref_squeeze %dma_start3A_211 : memref<1x1x128xi32, #tpu.memory_space<hbm>> -> memref<128xi32, #tpu.memory_space<hbm>>
        tpu.enqueue_dma source(%dma_start3A_212 : memref<128xi32, #tpu.memory_space<hbm>>) target(%dma_start3A_209 : memref<128xi32, #tpu.memory_space<vmem>>) target_semaphore(%arg18 : memref<!tpu.dma_semaphore, #tpu.memory_space<semaphore_mem>>)
        %add3A_213 = arith.constant 1 : i32
        %add3A_214 = arith.addi %add3A_88, %add3A_213 : i32
        %dma_start3A_215 = arith.constant 1 : i32
        %dma_start3A_216 = arith.constant 0 : i32
        %dma_start3A_217 = tpu.memref_slice %arg9[%dma_start3A_215, %dma_start3A_216] : memref<2x128xf32, #tpu.memory_space<vmem>> -> memref<1x128xf32, #tpu.memory_space<vmem>>
        %dma_start3A_218 = tpu.memref_squeeze %dma_start3A_217 : memref<1x128xf32, #tpu.memory_space<vmem>> -> memref<128xf32, #tpu.memory_space<vmem>>
        %dma_start3A_219 = arith.constant 0 : i32
        %dma_start3A_220 = tpu.memref_slice %arg5[%add3A, %add3A_214, %dma_start3A_219] : memref<32x80x128xf32, #tpu.memory_space<hbm>> -> memref<1x1x128xf32, #tpu.memory_space<hbm>>
        %dma_start3A_221 = tpu.memref_squeeze %dma_start3A_220 : memref<1x1x128xf32, #tpu.memory_space<hbm>> -> memref<128xf32, #tpu.memory_space<hbm>>
        %dma_start3A_222 = arith.constant 0 : i32
        %dma_start3A_223 = tpu.memref_slice %arg9[%dma_start3A_215, %dma_start3A_222] : memref<2x128xf32, #tpu.memory_space<vmem>> -> memref<1x128xf32, #tpu.memory_space<vmem>>
        %dma_start3A_224 = tpu.memref_squeeze %dma_start3A_223 : memref<1x128xf32, #tpu.memory_space<vmem>> -> memref<128xf32, #tpu.memory_space<vmem>>
        %dma_start3A_225 = arith.constant 0 : i32
        %dma_start3A_226 = tpu.memref_slice %arg5[%add3A, %add3A_214, %dma_start3A_225] : memref<32x80x128xf32, #tpu.memory_space<hbm>> -> memref<1x1x128xf32, #tpu.memory_space<hbm>>
        %dma_start3A_227 = tpu.memref_squeeze %dma_start3A_226 : memref<1x1x128xf32, #tpu.memory_space<hbm>> -> memref<128xf32, #tpu.memory_space<hbm>>
        tpu.enqueue_dma source(%dma_start3A_227 : memref<128xf32, #tpu.memory_space<hbm>>) target(%dma_start3A_224 : memref<128xf32, #tpu.memory_space<vmem>>) target_semaphore(%arg18 : memref<!tpu.dma_semaphore, #tpu.memory_space<semaphore_mem>>)
        %add3A_228 = arith.constant 1 : i32
        %add3A_229 = arith.addi %add3A_88, %add3A_228 : i32
        %dma_start3A_230 = arith.constant 0 : i32
        %dma_start3A_231 = tpu.memref_slice %arg7[%add3A_229, %dma_start3A_230] : memref<80x128xi32, #tpu.memory_space<vmem>> -> memref<1x128xi32, #tpu.memory_space<vmem>>
        %dma_start3A_232 = tpu.memref_squeeze %dma_start3A_231 : memref<1x128xi32, #tpu.memory_space<vmem>> -> memref<128xi32, #tpu.memory_space<vmem>>
        %dma_start3A_233 = arith.constant 0 : i32
        %dma_start3A_234 = arith.constant 0 : i32
        %dma_start3A_235 = tpu.memref_slice %arg2[%dma_start3A_233, %dma_start3A_234] : memref<10000x128xf32, #tpu.memory_space<hbm>> -> memref<10000x128xf32, #tpu.memory_space<hbm>>
        tpu.enqueue_indirect_dma source(%dma_start3A_235 : memref<10000x128xf32, #tpu.memory_space<hbm>>) target(%arg11 : memref<128x128xf32, #tpu.memory_space<vmem>>) offsets(%dma_start3A_232 : memref<128xi32, #tpu.memory_space<vmem>>) semaphore(%arg14 : memref<!tpu.dma_semaphore, #tpu.memory_space<semaphore_mem>>)
      } else {
      }
      %dma_wait3A_93 = arith.constant 0 : i32
      %dma_wait3A_94 = tpu.memref_slice %arg7[%add3A_88, %dma_wait3A_93] : memref<80x128xi32, #tpu.memory_space<vmem>> -> memref<1x128xi32, #tpu.memory_space<vmem>>
      %dma_wait3A_95 = tpu.memref_squeeze %dma_wait3A_94 : memref<1x128xi32, #tpu.memory_space<vmem>> -> memref<128xi32, #tpu.memory_space<vmem>>
      %dma_wait3A_96 = arith.constant 0 : i32
      %dma_wait3A_97 = arith.constant 0 : i32
      %dma_wait3A_98 = tpu.memref_slice %arg2[%dma_wait3A_96, %dma_wait3A_97] : memref<10000x128xf32, #tpu.memory_space<hbm>> -> memref<10000x128xf32, #tpu.memory_space<hbm>>
      tpu.wait_indirect_dma semaphore(%arg13 : memref<!tpu.dma_semaphore, #tpu.memory_space<semaphore_mem>>) src(%dma_wait3A_98 : memref<10000x128xf32, #tpu.memory_space<hbm>>) dst(%arg10 : memref<128x128xf32, #tpu.memory_space<vmem>>)
      %dma_wait3A_99 = arith.constant 0 : i32
      %dma_wait3A_100 = arith.constant 0 : i32
      %dma_wait3A_101 = tpu.memref_slice %arg8[%dma_wait3A_99, %dma_wait3A_100] : memref<2x128xi32, #tpu.memory_space<vmem>> -> memref<1x128xi32, #tpu.memory_space<vmem>>
      %dma_wait3A_102 = tpu.memref_squeeze %dma_wait3A_101 : memref<1x128xi32, #tpu.memory_space<vmem>> -> memref<128xi32, #tpu.memory_space<vmem>>
      %dma_wait3A_103 = arith.constant 0 : i32
      %dma_wait3A_104 = tpu.memref_slice %arg4[%add3A, %add3A_88, %dma_wait3A_103] : memref<32x80x128xi32, #tpu.memory_space<hbm>> -> memref<1x1x128xi32, #tpu.memory_space<hbm>>
      %dma_wait3A_105 = tpu.memref_squeeze %dma_wait3A_104 : memref<1x1x128xi32, #tpu.memory_space<hbm>> -> memref<128xi32, #tpu.memory_space<hbm>>
      %dma_wait3A_106 = arith.constant 0 : i32
      %dma_wait3A_107 = tpu.memref_slice %arg8[%dma_wait3A_99, %dma_wait3A_106] : memref<2x128xi32, #tpu.memory_space<vmem>> -> memref<1x128xi32, #tpu.memory_space<vmem>>
      %dma_wait3A_108 = tpu.memref_squeeze %dma_wait3A_107 : memref<1x128xi32, #tpu.memory_space<vmem>> -> memref<128xi32, #tpu.memory_space<vmem>>
      %dma_wait3A_109 = arith.constant 0 : i32
      %dma_wait3A_110 = tpu.memref_slice %arg4[%add3A, %add3A_88, %dma_wait3A_109] : memref<32x80x128xi32, #tpu.memory_space<hbm>> -> memref<1x1x128xi32, #tpu.memory_space<hbm>>
      %dma_wait3A_111 = tpu.memref_squeeze %dma_wait3A_110 : memref<1x1x128xi32, #tpu.memory_space<hbm>> -> memref<128xi32, #tpu.memory_space<hbm>>
      tpu.wait_dma2 semaphore(%arg17 : memref<!tpu.dma_semaphore, #tpu.memory_space<semaphore_mem>>) src(%dma_wait3A_111 : memref<128xi32, #tpu.memory_space<hbm>>) dst(%dma_wait3A_108 : memref<128xi32, #tpu.memory_space<vmem>>)
      %dma_wait3A_112 = arith.constant 0 : i32
      %dma_wait3A_113 = arith.constant 0 : i32
      %dma_wait3A_114 = tpu.memref_slice %arg9[%dma_wait3A_112, %dma_wait3A_113] : memref<2x128xf32, #tpu.memory_space<vmem>> -> memref<1x128xf32, #tpu.memory_space<vmem>>
      %dma_wait3A_115 = tpu.memref_squeeze %dma_wait3A_114 : memref<1x128xf32, #tpu.memory_space<vmem>> -> memref<128xf32, #tpu.memory_space<vmem>>
      %dma_wait3A_116 = arith.constant 0 : i32
      %dma_wait3A_117 = tpu.memref_slice %arg5[%add3A, %add3A_88, %dma_wait3A_116] : memref<32x80x128xf32, #tpu.memory_space<hbm>> -> memref<1x1x128xf32, #tpu.memory_space<hbm>>
      %dma_wait3A_118 = tpu.memref_squeeze %dma_wait3A_117 : memref<1x1x128xf32, #tpu.memory_space<hbm>> -> memref<128xf32, #tpu.memory_space<hbm>>
      %dma_wait3A_119 = arith.constant 0 : i32
      %dma_wait3A_120 = tpu.memref_slice %arg9[%dma_wait3A_112, %dma_wait3A_119] : memref<2x128xf32, #tpu.memory_space<vmem>> -> memref<1x128xf32, #tpu.memory_space<vmem>>
      %dma_wait3A_121 = tpu.memref_squeeze %dma_wait3A_120 : memref<1x128xf32, #tpu.memory_space<vmem>> -> memref<128xf32, #tpu.memory_space<vmem>>
      %dma_wait3A_122 = arith.constant 0 : i32
      %dma_wait3A_123 = tpu.memref_slice %arg5[%add3A, %add3A_88, %dma_wait3A_122] : memref<32x80x128xf32, #tpu.memory_space<hbm>> -> memref<1x1x128xf32, #tpu.memory_space<hbm>>
      %dma_wait3A_124 = tpu.memref_squeeze %dma_wait3A_123 : memref<1x1x128xf32, #tpu.memory_space<hbm>> -> memref<128xf32, #tpu.memory_space<hbm>>
      tpu.wait_dma2 semaphore(%arg17 : memref<!tpu.dma_semaphore, #tpu.memory_space<semaphore_mem>>) src(%dma_wait3A_124 : memref<128xf32, #tpu.memory_space<hbm>>) dst(%dma_wait3A_121 : memref<128xf32, #tpu.memory_space<vmem>>)
      %scan3A_125 = arith.constant 0 : i32
      %scan3A_126 = arith.constant 0 : i32
      %scan3A_127 = arith.constant 32 : i32
      %scan3A_128 = arith.addi %scan3A_126, %scan3A_127 : i32
      %scan3A_129 = arith.constant 1 : i32
      scf.for %scan3A_194 = %scan3A_126 to %scan3A_128 step %scan3A_129  : i32 {
        %mul3A_195 = arith.constant 4 : i32
        %mul3A_196 = arith.muli %scan3A_194, %mul3A_195 : i32
        %broadcast_in_dim3A = arith.constant 0 : i32
        %broadcast_in_dim3A_197 = vector.broadcast %broadcast_in_dim3A : i32 to vector<16xi32>
        %add3A_198 = arith.constant 0 : i32
        %add3A_199 = arith.addi %mul3A_196, %add3A_198 : i32
        %broadcast_in_dim3A_200 = vector.broadcast %add3A_199 : i32 to vector<16xi32>
        %gather3A = tpu.vector_load_idx %arg9[%broadcast_in_dim3A_197, %broadcast_in_dim3A_200] : memref<2x128xf32, #tpu.memory_space<vmem>>[vector<16xi32>, vector<16xi32>], vector<16xf32>,
        %broadcast_in_dim3A_201 = arith.constant 0 : i32
        %broadcast_in_dim3A_202 = vector.broadcast %broadcast_in_dim3A_201 : i32 to vector<16xi32>
        %add3A_203 = arith.constant 1 : i32
        %add3A_204 = arith.addi %mul3A_196, %add3A_203 : i32
        %broadcast_in_dim3A_205 = vector.broadcast %add3A_204 : i32 to vector<16xi32>
        %gather3A_206 = tpu.vector_load_idx %arg9[%broadcast_in_dim3A_202, %broadcast_in_dim3A_205] : memref<2x128xf32, #tpu.memory_space<vmem>>[vector<16xi32>, vector<16xi32>], vector<16xf32>,
        %broadcast_in_dim3A_207 = arith.constant 0 : i32
        %broadcast_in_dim3A_208 = vector.broadcast %broadcast_in_dim3A_207 : i32 to vector<16xi32>
        %add3A_209 = arith.constant 2 : i32
        %add3A_210 = arith.addi %mul3A_196, %add3A_209 : i32
        %broadcast_in_dim3A_211 = vector.broadcast %add3A_210 : i32 to vector<16xi32>
        %gather3A_212 = tpu.vector_load_idx %arg9[%broadcast_in_dim3A_208, %broadcast_in_dim3A_211] : memref<2x128xf32, #tpu.memory_space<vmem>>[vector<16xi32>, vector<16xi32>], vector<16xf32>,
        %broadcast_in_dim3A_213 = arith.constant 0 : i32
        %broadcast_in_dim3A_214 = vector.broadcast %broadcast_in_dim3A_213 : i32 to vector<16xi32>
        %add3A_215 = arith.constant 3 : i32
        %add3A_216 = arith.addi %mul3A_196, %add3A_215 : i32
        %broadcast_in_dim3A_217 = vector.broadcast %add3A_216 : i32 to vector<16xi32>
        %gather3A_218 = tpu.vector_load_idx %arg9[%broadcast_in_dim3A_214, %broadcast_in_dim3A_217] : memref<2x128xf32, #tpu.memory_space<vmem>>[vector<16xi32>, vector<16xi32>], vector<16xf32>,
        %add3A_219 = arith.constant 0 : i32
        %add3A_220 = arith.addi %mul3A_196, %add3A_219 : i32
        %get3A = arith.index_cast %add3A_220 : i32 to index
        %get3A_221 = arith.constant 0 : index
        %get3A_222 = tpu.vector_load %arg10[%get3A, %get3A_221] {strides = array<i32>} : memref<128x128xf32, #tpu.memory_space<vmem>>, vector<16xf32>,
        %mul3A_223 = arith.mulf %get3A_222, %gather3A : vector<16xf32>
        %add3A_224 = arith.constant 0 : i32
        %add3A_225 = arith.addi %mul3A_196, %add3A_224 : i32
        %swap3A = arith.index_cast %add3A_225 : i32 to index
        %swap3A_226 = arith.constant 0 : index
        %swap3A_227 = tpu.vector_load %arg10[%swap3A, %swap3A_226] {strides = array<i32>} : memref<128x128xf32, #tpu.memory_space<vmem>>, vector<16xf32>,
        tpu.vector_store %arg10[%swap3A, %swap3A_226], %mul3A_223 {strides = array<i32>} : memref<128x128xf32, #tpu.memory_space<vmem>>, vector<16xf32>,
        %add3A_228 = arith.constant 1 : i32
        %add3A_229 = arith.addi %mul3A_196, %add3A_228 : i32
        %get3A_230 = arith.index_cast %add3A_229 : i32 to index
        %get3A_231 = arith.constant 0 : index
        %get3A_232 = tpu.vector_load %arg10[%get3A_230, %get3A_231] {strides = array<i32>} : memref<128x128xf32, #tpu.memory_space<vmem>>, vector<16xf32>,
        %mul3A_233 = arith.mulf %get3A_232, %gather3A_206 : vector<16xf32>
        %add3A_234 = arith.constant 1 : i32
        %add3A_235 = arith.addi %mul3A_196, %add3A_234 : i32
        %swap3A_236 = arith.index_cast %add3A_235 : i32 to index
        %swap3A_237 = arith.constant 0 : index
        %swap3A_238 = tpu.vector_load %arg10[%swap3A_236, %swap3A_237] {strides = array<i32>} : memref<128x128xf32, #tpu.memory_space<vmem>>, vector<16xf32>,
        tpu.vector_store %arg10[%swap3A_236, %swap3A_237], %mul3A_233 {strides = array<i32>} : memref<128x128xf32, #tpu.memory_space<vmem>>, vector<16xf32>,
        %add3A_239 = arith.constant 2 : i32
        %add3A_240 = arith.addi %mul3A_196, %add3A_239 : i32
        %get3A_241 = arith.index_cast %add3A_240 : i32 to index
        %get3A_242 = arith.constant 0 : index
        %get3A_243 = tpu.vector_load %arg10[%get3A_241, %get3A_242] {strides = array<i32>} : memref<128x128xf32, #tpu.memory_space<vmem>>, vector<16xf32>,
        %mul3A_244 = arith.mulf %get3A_243, %gather3A_212 : vector<16xf32>
        %add3A_245 = arith.constant 2 : i32
        %add3A_246 = arith.addi %mul3A_196, %add3A_245 : i32
        %swap3A_247 = arith.index_cast %add3A_246 : i32 to index
        %swap3A_248 = arith.constant 0 : index
        %swap3A_249 = tpu.vector_load %arg10[%swap3A_247, %swap3A_248] {strides = array<i32>} : memref<128x128xf32, #tpu.memory_space<vmem>>, vector<16xf32>,
        tpu.vector_store %arg10[%swap3A_247, %swap3A_248], %mul3A_244 {strides = array<i32>} : memref<128x128xf32, #tpu.memory_space<vmem>>, vector<16xf32>,
        %add3A_250 = arith.constant 3 : i32
        %add3A_251 = arith.addi %mul3A_196, %add3A_250 : i32
        %get3A_252 = arith.index_cast %add3A_251 : i32 to index
        %get3A_253 = arith.constant 0 : index
        %get3A_254 = tpu.vector_load %arg10[%get3A_252, %get3A_253] {strides = array<i32>} : memref<128x128xf32, #tpu.memory_space<vmem>>, vector<16xf32>,
        %mul3A_255 = arith.mulf %get3A_254, %gather3A_218 : vector<16xf32>
        %add3A_256 = arith.constant 3 : i32
        %add3A_257 = arith.addi %mul3A_196, %add3A_256 : i32
        %swap3A_258 = arith.index_cast %add3A_257 : i32 to index
        %swap3A_259 = arith.constant 0 : index
        %swap3A_260 = tpu.vector_load %arg10[%swap3A_258, %swap3A_259] {strides = array<i32>} : memref<128x128xf32, #tpu.memory_space<vmem>>, vector<16xf32>,
        tpu.vector_store %arg10[%swap3A_258, %swap3A_259], %mul3A_255 {strides = array<i32>} : memref<128x128xf32, #tpu.memory_space<vmem>>, vector<16xf32>,
        %add3A_261 = arith.constant 0 : i32
        %add3A_262 = arith.addi %mul3A_196, %add3A_261 : i32
        %get3A_263 = arith.index_cast %add3A_262 : i32 to index
        %get3A_264 = arith.constant 16 : index
        %get3A_265 = tpu.vector_load %arg10[%get3A_263, %get3A_264] {strides = array<i32>} : memref<128x128xf32, #tpu.memory_space<vmem>>, vector<16xf32>,
        %mul3A_266 = arith.mulf %get3A_265, %gather3A : vector<16xf32>
        %add3A_267 = arith.constant 0 : i32
        %add3A_268 = arith.addi %mul3A_196, %add3A_267 : i32
        %swap3A_269 = arith.index_cast %add3A_268 : i32 to index
        %swap3A_270 = arith.constant 16 : index
        %swap3A_271 = tpu.vector_load %arg10[%swap3A_269, %swap3A_270] {strides = array<i32>} : memref<128x128xf32, #tpu.memory_space<vmem>>, vector<16xf32>,
        tpu.vector_store %arg10[%swap3A_269, %swap3A_270], %mul3A_266 {strides = array<i32>} : memref<128x128xf32, #tpu.memory_space<vmem>>, vector<16xf32>,
        %add3A_272 = arith.constant 1 : i32
        %add3A_273 = arith.addi %mul3A_196, %add3A_272 : i32
        %get3A_274 = arith.index_cast %add3A_273 : i32 to index
        %get3A_275 = arith.constant 16 : index
        %get3A_276 = tpu.vector_load %arg10[%get3A_274, %get3A_275] {strides = array<i32>} : memref<128x128xf32, #tpu.memory_space<vmem>>, vector<16xf32>,
        %mul3A_277 = arith.mulf %get3A_276, %gather3A_206 : vector<16xf32>
        %add3A_278 = arith.constant 1 : i32
        %add3A_279 = arith.addi %mul3A_196, %add3A_278 : i32
        %swap3A_280 = arith.index_cast %add3A_279 : i32 to index
        %swap3A_281 = arith.constant 16 : index
        %swap3A_282 = tpu.vector_load %arg10[%swap3A_280, %swap3A_281] {strides = array<i32>} : memref<128x128xf32, #tpu.memory_space<vmem>>, vector<16xf32>,
        tpu.vector_store %arg10[%swap3A_280, %swap3A_281], %mul3A_277 {strides = array<i32>} : memref<128x128xf32, #tpu.memory_space<vmem>>, vector<16xf32>,
        %add3A_283 = arith.constant 2 : i32
        %add3A_284 = arith.addi %mul3A_196, %add3A_283 : i32
        %get3A_285 = arith.index_cast %add3A_284 : i32 to index
        %get3A_286 = arith.constant 16 : index
        %get3A_287 = tpu.vector_load %arg10[%get3A_285, %get3A_286] {strides = array<i32>} : memref<128x128xf32, #tpu.memory_space<vmem>>, vector<16xf32>,
        %mul3A_288 = arith.mulf %get3A_287, %gather3A_212 : vector<16xf32>
        %add3A_289 = arith.constant 2 : i32
        %add3A_290 = arith.addi %mul3A_196, %add3A_289 : i32
        %swap3A_291 = arith.index_cast %add3A_290 : i32 to index
        %swap3A_292 = arith.constant 16 : index
        %swap3A_293 = tpu.vector_load %arg10[%swap3A_291, %swap3A_292] {strides = array<i32>} : memref<128x128xf32, #tpu.memory_space<vmem>>, vector<16xf32>,
        tpu.vector_store %arg10[%swap3A_291, %swap3A_292], %mul3A_288 {strides = array<i32>} : memref<128x128xf32, #tpu.memory_space<vmem>>, vector<16xf32>,
        %add3A_294 = arith.constant 3 : i32
        %add3A_295 = arith.addi %mul3A_196, %add3A_294 : i32
        %get3A_296 = arith.index_cast %add3A_295 : i32 to index
        %get3A_297 = arith.constant 16 : index
        %get3A_298 = tpu.vector_load %arg10[%get3A_296, %get3A_297] {strides = array<i32>} : memref<128x128xf32, #tpu.memory_space<vmem>>, vector<16xf32>,
        %mul3A_299 = arith.mulf %get3A_298, %gather3A_218 : vector<16xf32>
        %add3A_300 = arith.constant 3 : i32
        %add3A_301 = arith.addi %mul3A_196, %add3A_300 : i32
        %swap3A_302 = arith.index_cast %add3A_301 : i32 to index
        %swap3A_303 = arith.constant 16 : index
        %swap3A_304 = tpu.vector_load %arg10[%swap3A_302, %swap3A_303] {strides = array<i32>} : memref<128x128xf32, #tpu.memory_space<vmem>>, vector<16xf32>,
        tpu.vector_store %arg10[%swap3A_302, %swap3A_303], %mul3A_299 {strides = array<i32>} : memref<128x128xf32, #tpu.memory_space<vmem>>, vector<16xf32>,
        %add3A_305 = arith.constant 0 : i32
        %add3A_306 = arith.addi %mul3A_196, %add3A_305 : i32
        %get3A_307 = arith.index_cast %add3A_306 : i32 to index
        %get3A_308 = arith.constant 32 : index
        %get3A_309 = tpu.vector_load %arg10[%get3A_307, %get3A_308] {strides = array<i32>} : memref<128x128xf32, #tpu.memory_space<vmem>>, vector<16xf32>,
        %mul3A_310 = arith.mulf %get3A_309, %gather3A : vector<16xf32>
        %add3A_311 = arith.constant 0 : i32
        %add3A_312 = arith.addi %mul3A_196, %add3A_311 : i32
        %swap3A_313 = arith.index_cast %add3A_312 : i32 to index
        %swap3A_314 = arith.constant 32 : index
        %swap3A_315 = tpu.vector_load %arg10[%swap3A_313, %swap3A_314] {strides = array<i32>} : memref<128x128xf32, #tpu.memory_space<vmem>>, vector<16xf32>,
        tpu.vector_store %arg10[%swap3A_313, %swap3A_314], %mul3A_310 {strides = array<i32>} : memref<128x128xf32, #tpu.memory_space<vmem>>, vector<16xf32>,
        %add3A_316 = arith.constant 1 : i32
        %add3A_317 = arith.addi %mul3A_196, %add3A_316 : i32
        %get3A_318 = arith.index_cast %add3A_317 : i32 to index
        %get3A_319 = arith.constant 32 : index
        %get3A_320 = tpu.vector_load %arg10[%get3A_318, %get3A_319] {strides = array<i32>} : memref<128x128xf32, #tpu.memory_space<vmem>>, vector<16xf32>,
        %mul3A_321 = arith.mulf %get3A_320, %gather3A_206 : vector<16xf32>
        %add3A_322 = arith.constant 1 : i32
        %add3A_323 = arith.addi %mul3A_196, %add3A_322 : i32
        %swap3A_324 = arith.index_cast %add3A_323 : i32 to index
        %swap3A_325 = arith.constant 32 : index
        %swap3A_326 = tpu.vector_load %arg10[%swap3A_324, %swap3A_325] {strides = array<i32>} : memref<128x128xf32, #tpu.memory_space<vmem>>, vector<16xf32>,
        tpu.vector_store %arg10[%swap3A_324, %swap3A_325], %mul3A_321 {strides = array<i32>} : memref<128x128xf32, #tpu.memory_space<vmem>>, vector<16xf32>,
        %add3A_327 = arith.constant 2 : i32
        %add3A_328 = arith.addi %mul3A_196, %add3A_327 : i32
        %get3A_329 = arith.index_cast %add3A_328 : i32 to index
        %get3A_330 = arith.constant 32 : index
        %get3A_331 = tpu.vector_load %arg10[%get3A_329, %get3A_330] {strides = array<i32>} : memref<128x128xf32, #tpu.memory_space<vmem>>, vector<16xf32>,
        %mul3A_332 = arith.mulf %get3A_331, %gather3A_212 : vector<16xf32>
        %add3A_333 = arith.constant 2 : i32
        %add3A_334 = arith.addi %mul3A_196, %add3A_333 : i32
        %swap3A_335 = arith.index_cast %add3A_334 : i32 to index
        %swap3A_336 = arith.constant 32 : index
        %swap3A_337 = tpu.vector_load %arg10[%swap3A_335, %swap3A_336] {strides = array<i32>} : memref<128x128xf32, #tpu.memory_space<vmem>>, vector<16xf32>,
        tpu.vector_store %arg10[%swap3A_335, %swap3A_336], %mul3A_332 {strides = array<i32>} : memref<128x128xf32, #tpu.memory_space<vmem>>, vector<16xf32>,
        %add3A_338 = arith.constant 3 : i32
        %add3A_339 = arith.addi %mul3A_196, %add3A_338 : i32
        %get3A_340 = arith.index_cast %add3A_339 : i32 to index
        %get3A_341 = arith.constant 32 : index
        %get3A_342 = tpu.vector_load %arg10[%get3A_340, %get3A_341] {strides = array<i32>} : memref<128x128xf32, #tpu.memory_space<vmem>>, vector<16xf32>,
        %mul3A_343 = arith.mulf %get3A_342, %gather3A_218 : vector<16xf32>
        %add3A_344 = arith.constant 3 : i32
        %add3A_345 = arith.addi %mul3A_196, %add3A_344 : i32
        %swap3A_346 = arith.index_cast %add3A_345 : i32 to index
        %swap3A_347 = arith.constant 32 : index
        %swap3A_348 = tpu.vector_load %arg10[%swap3A_346, %swap3A_347] {strides = array<i32>} : memref<128x128xf32, #tpu.memory_space<vmem>>, vector<16xf32>,
        tpu.vector_store %arg10[%swap3A_346, %swap3A_347], %mul3A_343 {strides = array<i32>} : memref<128x128xf32, #tpu.memory_space<vmem>>, vector<16xf32>,
        %add3A_349 = arith.constant 0 : i32
        %add3A_350 = arith.addi %mul3A_196, %add3A_349 : i32
        %get3A_351 = arith.index_cast %add3A_350 : i32 to index
        %get3A_352 = arith.constant 48 : index
        %get3A_353 = tpu.vector_load %arg10[%get3A_351, %get3A_352] {strides = array<i32>} : memref<128x128xf32, #tpu.memory_space<vmem>>, vector<16xf32>,
        %mul3A_354 = arith.mulf %get3A_353, %gather3A : vector<16xf32>
        %add3A_355 = arith.constant 0 : i32
        %add3A_356 = arith.addi %mul3A_196, %add3A_355 : i32
        %swap3A_357 = arith.index_cast %add3A_356 : i32 to index
        %swap3A_358 = arith.constant 48 : index
        %swap3A_359 = tpu.vector_load %arg10[%swap3A_357, %swap3A_358] {strides = array<i32>} : memref<128x128xf32, #tpu.memory_space<vmem>>, vector<16xf32>,
        tpu.vector_store %arg10[%swap3A_357, %swap3A_358], %mul3A_354 {strides = array<i32>} : memref<128x128xf32, #tpu.memory_space<vmem>>, vector<16xf32>,
        %add3A_360 = arith.constant 1 : i32
        %add3A_361 = arith.addi %mul3A_196, %add3A_360 : i32
        %get3A_362 = arith.index_cast %add3A_361 : i32 to index
        %get3A_363 = arith.constant 48 : index
        %get3A_364 = tpu.vector_load %arg10[%get3A_362, %get3A_363] {strides = array<i32>} : memref<128x128xf32, #tpu.memory_space<vmem>>, vector<16xf32>,
        %mul3A_365 = arith.mulf %get3A_364, %gather3A_206 : vector<16xf32>
        %add3A_366 = arith.constant 1 : i32
        %add3A_367 = arith.addi %mul3A_196, %add3A_366 : i32
        %swap3A_368 = arith.index_cast %add3A_367 : i32 to index
        %swap3A_369 = arith.constant 48 : index
        %swap3A_370 = tpu.vector_load %arg10[%swap3A_368, %swap3A_369] {strides = array<i32>} : memref<128x128xf32, #tpu.memory_space<vmem>>, vector<16xf32>,
        tpu.vector_store %arg10[%swap3A_368, %swap3A_369], %mul3A_365 {strides = array<i32>} : memref<128x128xf32, #tpu.memory_space<vmem>>, vector<16xf32>,
        %add3A_371 = arith.constant 2 : i32
        %add3A_372 = arith.addi %mul3A_196, %add3A_371 : i32
        %get3A_373 = arith.index_cast %add3A_372 : i32 to index
        %get3A_374 = arith.constant 48 : index
        %get3A_375 = tpu.vector_load %arg10[%get3A_373, %get3A_374] {strides = array<i32>} : memref<128x128xf32, #tpu.memory_space<vmem>>, vector<16xf32>,
        %mul3A_376 = arith.mulf %get3A_375, %gather3A_212 : vector<16xf32>
        %add3A_377 = arith.constant 2 : i32
        %add3A_378 = arith.addi %mul3A_196, %add3A_377 : i32
        %swap3A_379 = arith.index_cast %add3A_378 : i32 to index
        %swap3A_380 = arith.constant 48 : index
        %swap3A_381 = tpu.vector_load %arg10[%swap3A_379, %swap3A_380] {strides = array<i32>} : memref<128x128xf32, #tpu.memory_space<vmem>>, vector<16xf32>,
        tpu.vector_store %arg10[%swap3A_379, %swap3A_380], %mul3A_376 {strides = array<i32>} : memref<128x128xf32, #tpu.memory_space<vmem>>, vector<16xf32>,
        %add3A_382 = arith.constant 3 : i32
        %add3A_383 = arith.addi %mul3A_196, %add3A_382 : i32
        %get3A_384 = arith.index_cast %add3A_383 : i32 to index
        %get3A_385 = arith.constant 48 : index
        %get3A_386 = tpu.vector_load %arg10[%get3A_384, %get3A_385] {strides = array<i32>} : memref<128x128xf32, #tpu.memory_space<vmem>>, vector<16xf32>,
        %mul3A_387 = arith.mulf %get3A_386, %gather3A_218 : vector<16xf32>
        %add3A_388 = arith.constant 3 : i32
        %add3A_389 = arith.addi %mul3A_196, %add3A_388 : i32
        %swap3A_390 = arith.index_cast %add3A_389 : i32 to index
        %swap3A_391 = arith.constant 48 : index
        %swap3A_392 = tpu.vector_load %arg10[%swap3A_390, %swap3A_391] {strides = array<i32>} : memref<128x128xf32, #tpu.memory_space<vmem>>, vector<16xf32>,
        tpu.vector_store %arg10[%swap3A_390, %swap3A_391], %mul3A_387 {strides = array<i32>} : memref<128x128xf32, #tpu.memory_space<vmem>>, vector<16xf32>,
        %add3A_393 = arith.constant 0 : i32
        %add3A_394 = arith.addi %mul3A_196, %add3A_393 : i32
        %get3A_395 = arith.index_cast %add3A_394 : i32 to index
        %get3A_396 = arith.constant 64 : index
        %get3A_397 = tpu.vector_load %arg10[%get3A_395, %get3A_396] {strides = array<i32>} : memref<128x128xf32, #tpu.memory_space<vmem>>, vector<16xf32>,
        %mul3A_398 = arith.mulf %get3A_397, %gather3A : vector<16xf32>
        %add3A_399 = arith.constant 0 : i32
        %add3A_400 = arith.addi %mul3A_196, %add3A_399 : i32
        %swap3A_401 = arith.index_cast %add3A_400 : i32 to index
        %swap3A_402 = arith.constant 64 : index
        %swap3A_403 = tpu.vector_load %arg10[%swap3A_401, %swap3A_402] {strides = array<i32>} : memref<128x128xf32, #tpu.memory_space<vmem>>, vector<16xf32>,
        tpu.vector_store %arg10[%swap3A_401, %swap3A_402], %mul3A_398 {strides = array<i32>} : memref<128x128xf32, #tpu.memory_space<vmem>>, vector<16xf32>,
        %add3A_404 = arith.constant 1 : i32
        %add3A_405 = arith.addi %mul3A_196, %add3A_404 : i32
        %get3A_406 = arith.index_cast %add3A_405 : i32 to index
        %get3A_407 = arith.constant 64 : index
        %get3A_408 = tpu.vector_load %arg10[%get3A_406, %get3A_407] {strides = array<i32>} : memref<128x128xf32, #tpu.memory_space<vmem>>, vector<16xf32>,
        %mul3A_409 = arith.mulf %get3A_408, %gather3A_206 : vector<16xf32>
        %add3A_410 = arith.constant 1 : i32
        %add3A_411 = arith.addi %mul3A_196, %add3A_410 : i32
        %swap3A_412 = arith.index_cast %add3A_411 : i32 to index
        %swap3A_413 = arith.constant 64 : index
        %swap3A_414 = tpu.vector_load %arg10[%swap3A_412, %swap3A_413] {strides = array<i32>} : memref<128x128xf32, #tpu.memory_space<vmem>>, vector<16xf32>,
        tpu.vector_store %arg10[%swap3A_412, %swap3A_413], %mul3A_409 {strides = array<i32>} : memref<128x128xf32, #tpu.memory_space<vmem>>, vector<16xf32>,
        %add3A_415 = arith.constant 2 : i32
        %add3A_416 = arith.addi %mul3A_196, %add3A_415 : i32
        %get3A_417 = arith.index_cast %add3A_416 : i32 to index
        %get3A_418 = arith.constant 64 : index
        %get3A_419 = tpu.vector_load %arg10[%get3A_417, %get3A_418] {strides = array<i32>} : memref<128x128xf32, #tpu.memory_space<vmem>>, vector<16xf32>,
        %mul3A_420 = arith.mulf %get3A_419, %gather3A_212 : vector<16xf32>
        %add3A_421 = arith.constant 2 : i32
        %add3A_422 = arith.addi %mul3A_196, %add3A_421 : i32
        %swap3A_423 = arith.index_cast %add3A_422 : i32 to index
        %swap3A_424 = arith.constant 64 : index
        %swap3A_425 = tpu.vector_load %arg10[%swap3A_423, %swap3A_424] {strides = array<i32>} : memref<128x128xf32, #tpu.memory_space<vmem>>, vector<16xf32>,
        tpu.vector_store %arg10[%swap3A_423, %swap3A_424], %mul3A_420 {strides = array<i32>} : memref<128x128xf32, #tpu.memory_space<vmem>>, vector<16xf32>,
        %add3A_426 = arith.constant 3 : i32
        %add3A_427 = arith.addi %mul3A_196, %add3A_426 : i32
        %get3A_428 = arith.index_cast %add3A_427 : i32 to index
        %get3A_429 = arith.constant 64 : index
        %get3A_430 = tpu.vector_load %arg10[%get3A_428, %get3A_429] {strides = array<i32>} : memref<128x128xf32, #tpu.memory_space<vmem>>, vector<16xf32>,
        %mul3A_431 = arith.mulf %get3A_430, %gather3A_218 : vector<16xf32>
        %add3A_432 = arith.constant 3 : i32
        %add3A_433 = arith.addi %mul3A_196, %add3A_432 : i32
        %swap3A_434 = arith.index_cast %add3A_433 : i32 to index
        %swap3A_435 = arith.constant 64 : index
        %swap3A_436 = tpu.vector_load %arg10[%swap3A_434, %swap3A_435] {strides = array<i32>} : memref<128x128xf32, #tpu.memory_space<vmem>>, vector<16xf32>,
        tpu.vector_store %arg10[%swap3A_434, %swap3A_435], %mul3A_431 {strides = array<i32>} : memref<128x128xf32, #tpu.memory_space<vmem>>, vector<16xf32>,
        %add3A_437 = arith.constant 0 : i32
        %add3A_438 = arith.addi %mul3A_196, %add3A_437 : i32
        %get3A_439 = arith.index_cast %add3A_438 : i32 to index
        %get3A_440 = arith.constant 80 : index
        %get3A_441 = tpu.vector_load %arg10[%get3A_439, %get3A_440] {strides = array<i32>} : memref<128x128xf32, #tpu.memory_space<vmem>>, vector<16xf32>,
        %mul3A_442 = arith.mulf %get3A_441, %gather3A : vector<16xf32>
        %add3A_443 = arith.constant 0 : i32
        %add3A_444 = arith.addi %mul3A_196, %add3A_443 : i32
        %swap3A_445 = arith.index_cast %add3A_444 : i32 to index
        %swap3A_446 = arith.constant 80 : index
        %swap3A_447 = tpu.vector_load %arg10[%swap3A_445, %swap3A_446] {strides = array<i32>} : memref<128x128xf32, #tpu.memory_space<vmem>>, vector<16xf32>,
        tpu.vector_store %arg10[%swap3A_445, %swap3A_446], %mul3A_442 {strides = array<i32>} : memref<128x128xf32, #tpu.memory_space<vmem>>, vector<16xf32>,
        %add3A_448 = arith.constant 1 : i32
        %add3A_449 = arith.addi %mul3A_196, %add3A_448 : i32
        %get3A_450 = arith.index_cast %add3A_449 : i32 to index
        %get3A_451 = arith.constant 80 : index
        %get3A_452 = tpu.vector_load %arg10[%get3A_450, %get3A_451] {strides = array<i32>} : memref<128x128xf32, #tpu.memory_space<vmem>>, vector<16xf32>,
        %mul3A_453 = arith.mulf %get3A_452, %gather3A_206 : vector<16xf32>
        %add3A_454 = arith.constant 1 : i32
        %add3A_455 = arith.addi %mul3A_196, %add3A_454 : i32
        %swap3A_456 = arith.index_cast %add3A_455 : i32 to index
        %swap3A_457 = arith.constant 80 : index
        %swap3A_458 = tpu.vector_load %arg10[%swap3A_456, %swap3A_457] {strides = array<i32>} : memref<128x128xf32, #tpu.memory_space<vmem>>, vector<16xf32>,
        tpu.vector_store %arg10[%swap3A_456, %swap3A_457], %mul3A_453 {strides = array<i32>} : memref<128x128xf32, #tpu.memory_space<vmem>>, vector<16xf32>,
        %add3A_459 = arith.constant 2 : i32
        %add3A_460 = arith.addi %mul3A_196, %add3A_459 : i32
        %get3A_461 = arith.index_cast %add3A_460 : i32 to index
        %get3A_462 = arith.constant 80 : index
        %get3A_463 = tpu.vector_load %arg10[%get3A_461, %get3A_462] {strides = array<i32>} : memref<128x128xf32, #tpu.memory_space<vmem>>, vector<16xf32>,
        %mul3A_464 = arith.mulf %get3A_463, %gather3A_212 : vector<16xf32>
        %add3A_465 = arith.constant 2 : i32
        %add3A_466 = arith.addi %mul3A_196, %add3A_465 : i32
        %swap3A_467 = arith.index_cast %add3A_466 : i32 to index
        %swap3A_468 = arith.constant 80 : index
        %swap3A_469 = tpu.vector_load %arg10[%swap3A_467, %swap3A_468] {strides = array<i32>} : memref<128x128xf32, #tpu.memory_space<vmem>>, vector<16xf32>,
        tpu.vector_store %arg10[%swap3A_467, %swap3A_468], %mul3A_464 {strides = array<i32>} : memref<128x128xf32, #tpu.memory_space<vmem>>, vector<16xf32>,
        %add3A_470 = arith.constant 3 : i32
        %add3A_471 = arith.addi %mul3A_196, %add3A_470 : i32
        %get3A_472 = arith.index_cast %add3A_471 : i32 to index
        %get3A_473 = arith.constant 80 : index
        %get3A_474 = tpu.vector_load %arg10[%get3A_472, %get3A_473] {strides = array<i32>} : memref<128x128xf32, #tpu.memory_space<vmem>>, vector<16xf32>,
        %mul3A_475 = arith.mulf %get3A_474, %gather3A_218 : vector<16xf32>
        %add3A_476 = arith.constant 3 : i32
        %add3A_477 = arith.addi %mul3A_196, %add3A_476 : i32
        %swap3A_478 = arith.index_cast %add3A_477 : i32 to index
        %swap3A_479 = arith.constant 80 : index
        %swap3A_480 = tpu.vector_load %arg10[%swap3A_478, %swap3A_479] {strides = array<i32>} : memref<128x128xf32, #tpu.memory_space<vmem>>, vector<16xf32>,
        tpu.vector_store %arg10[%swap3A_478, %swap3A_479], %mul3A_475 {strides = array<i32>} : memref<128x128xf32, #tpu.memory_space<vmem>>, vector<16xf32>,
        %add3A_481 = arith.constant 0 : i32
        %add3A_482 = arith.addi %mul3A_196, %add3A_481 : i32
        %get3A_483 = arith.index_cast %add3A_482 : i32 to index
        %get3A_484 = arith.constant 96 : index
        %get3A_485 = tpu.vector_load %arg10[%get3A_483, %get3A_484] {strides = array<i32>} : memref<128x128xf32, #tpu.memory_space<vmem>>, vector<16xf32>,
        %mul3A_486 = arith.mulf %get3A_485, %gather3A : vector<16xf32>
        %add3A_487 = arith.constant 0 : i32
        %add3A_488 = arith.addi %mul3A_196, %add3A_487 : i32
        %swap3A_489 = arith.index_cast %add3A_488 : i32 to index
        %swap3A_490 = arith.constant 96 : index
        %swap3A_491 = tpu.vector_load %arg10[%swap3A_489, %swap3A_490] {strides = array<i32>} : memref<128x128xf32, #tpu.memory_space<vmem>>, vector<16xf32>,
        tpu.vector_store %arg10[%swap3A_489, %swap3A_490], %mul3A_486 {strides = array<i32>} : memref<128x128xf32, #tpu.memory_space<vmem>>, vector<16xf32>,
        %add3A_492 = arith.constant 1 : i32
        %add3A_493 = arith.addi %mul3A_196, %add3A_492 : i32
        %get3A_494 = arith.index_cast %add3A_493 : i32 to index
        %get3A_495 = arith.constant 96 : index
        %get3A_496 = tpu.vector_load %arg10[%get3A_494, %get3A_495] {strides = array<i32>} : memref<128x128xf32, #tpu.memory_space<vmem>>, vector<16xf32>,
        %mul3A_497 = arith.mulf %get3A_496, %gather3A_206 : vector<16xf32>
        %add3A_498 = arith.constant 1 : i32
        %add3A_499 = arith.addi %mul3A_196, %add3A_498 : i32
        %swap3A_500 = arith.index_cast %add3A_499 : i32 to index
        %swap3A_501 = arith.constant 96 : index
        %swap3A_502 = tpu.vector_load %arg10[%swap3A_500, %swap3A_501] {strides = array<i32>} : memref<128x128xf32, #tpu.memory_space<vmem>>, vector<16xf32>,
        tpu.vector_store %arg10[%swap3A_500, %swap3A_501], %mul3A_497 {strides = array<i32>} : memref<128x128xf32, #tpu.memory_space<vmem>>, vector<16xf32>,
        %add3A_503 = arith.constant 2 : i32
        %add3A_504 = arith.addi %mul3A_196, %add3A_503 : i32
        %get3A_505 = arith.index_cast %add3A_504 : i32 to index
        %get3A_506 = arith.constant 96 : index
        %get3A_507 = tpu.vector_load %arg10[%get3A_505, %get3A_506] {strides = array<i32>} : memref<128x128xf32, #tpu.memory_space<vmem>>, vector<16xf32>,
        %mul3A_508 = arith.mulf %get3A_507, %gather3A_212 : vector<16xf32>
        %add3A_509 = arith.constant 2 : i32
        %add3A_510 = arith.addi %mul3A_196, %add3A_509 : i32
        %swap3A_511 = arith.index_cast %add3A_510 : i32 to index
        %swap3A_512 = arith.constant 96 : index
        %swap3A_513 = tpu.vector_load %arg10[%swap3A_511, %swap3A_512] {strides = array<i32>} : memref<128x128xf32, #tpu.memory_space<vmem>>, vector<16xf32>,
        tpu.vector_store %arg10[%swap3A_511, %swap3A_512], %mul3A_508 {strides = array<i32>} : memref<128x128xf32, #tpu.memory_space<vmem>>, vector<16xf32>,
        %add3A_514 = arith.constant 3 : i32
        %add3A_515 = arith.addi %mul3A_196, %add3A_514 : i32
        %get3A_516 = arith.index_cast %add3A_515 : i32 to index
        %get3A_517 = arith.constant 96 : index
        %get3A_518 = tpu.vector_load %arg10[%get3A_516, %get3A_517] {strides = array<i32>} : memref<128x128xf32, #tpu.memory_space<vmem>>, vector<16xf32>,
        %mul3A_519 = arith.mulf %get3A_518, %gather3A_218 : vector<16xf32>
        %add3A_520 = arith.constant 3 : i32
        %add3A_521 = arith.addi %mul3A_196, %add3A_520 : i32
        %swap3A_522 = arith.index_cast %add3A_521 : i32 to index
        %swap3A_523 = arith.constant 96 : index
        %swap3A_524 = tpu.vector_load %arg10[%swap3A_522, %swap3A_523] {strides = array<i32>} : memref<128x128xf32, #tpu.memory_space<vmem>>, vector<16xf32>,
        tpu.vector_store %arg10[%swap3A_522, %swap3A_523], %mul3A_519 {strides = array<i32>} : memref<128x128xf32, #tpu.memory_space<vmem>>, vector<16xf32>,
        %add3A_525 = arith.constant 0 : i32
        %add3A_526 = arith.addi %mul3A_196, %add3A_525 : i32
        %get3A_527 = arith.index_cast %add3A_526 : i32 to index
        %get3A_528 = arith.constant 112 : index
        %get3A_529 = tpu.vector_load %arg10[%get3A_527, %get3A_528] {strides = array<i32>} : memref<128x128xf32, #tpu.memory_space<vmem>>, vector<16xf32>,
        %mul3A_530 = arith.mulf %get3A_529, %gather3A : vector<16xf32>
        %add3A_531 = arith.constant 0 : i32
        %add3A_532 = arith.addi %mul3A_196, %add3A_531 : i32
        %swap3A_533 = arith.index_cast %add3A_532 : i32 to index
        %swap3A_534 = arith.constant 112 : index
        %swap3A_535 = tpu.vector_load %arg10[%swap3A_533, %swap3A_534] {strides = array<i32>} : memref<128x128xf32, #tpu.memory_space<vmem>>, vector<16xf32>,
        tpu.vector_store %arg10[%swap3A_533, %swap3A_534], %mul3A_530 {strides = array<i32>} : memref<128x128xf32, #tpu.memory_space<vmem>>, vector<16xf32>,
        %add3A_536 = arith.constant 1 : i32
        %add3A_537 = arith.addi %mul3A_196, %add3A_536 : i32
        %get3A_538 = arith.index_cast %add3A_537 : i32 to index
        %get3A_539 = arith.constant 112 : index
        %get3A_540 = tpu.vector_load %arg10[%get3A_538, %get3A_539] {strides = array<i32>} : memref<128x128xf32, #tpu.memory_space<vmem>>, vector<16xf32>,
        %mul3A_541 = arith.mulf %get3A_540, %gather3A_206 : vector<16xf32>
        %add3A_542 = arith.constant 1 : i32
        %add3A_543 = arith.addi %mul3A_196, %add3A_542 : i32
        %swap3A_544 = arith.index_cast %add3A_543 : i32 to index
        %swap3A_545 = arith.constant 112 : index
        %swap3A_546 = tpu.vector_load %arg10[%swap3A_544, %swap3A_545] {strides = array<i32>} : memref<128x128xf32, #tpu.memory_space<vmem>>, vector<16xf32>,
        tpu.vector_store %arg10[%swap3A_544, %swap3A_545], %mul3A_541 {strides = array<i32>} : memref<128x128xf32, #tpu.memory_space<vmem>>, vector<16xf32>,
        %add3A_547 = arith.constant 2 : i32
        %add3A_548 = arith.addi %mul3A_196, %add3A_547 : i32
        %get3A_549 = arith.index_cast %add3A_548 : i32 to index
        %get3A_550 = arith.constant 112 : index
        %get3A_551 = tpu.vector_load %arg10[%get3A_549, %get3A_550] {strides = array<i32>} : memref<128x128xf32, #tpu.memory_space<vmem>>, vector<16xf32>,
        %mul3A_552 = arith.mulf %get3A_551, %gather3A_212 : vector<16xf32>
        %add3A_553 = arith.constant 2 : i32
        %add3A_554 = arith.addi %mul3A_196, %add3A_553 : i32
        %swap3A_555 = arith.index_cast %add3A_554 : i32 to index
        %swap3A_556 = arith.constant 112 : index
        %swap3A_557 = tpu.vector_load %arg10[%swap3A_555, %swap3A_556] {strides = array<i32>} : memref<128x128xf32, #tpu.memory_space<vmem>>, vector<16xf32>,
        tpu.vector_store %arg10[%swap3A_555, %swap3A_556], %mul3A_552 {strides = array<i32>} : memref<128x128xf32, #tpu.memory_space<vmem>>, vector<16xf32>,
        %add3A_558 = arith.constant 3 : i32
        %add3A_559 = arith.addi %mul3A_196, %add3A_558 : i32
        %get3A_560 = arith.index_cast %add3A_559 : i32 to index
        %get3A_561 = arith.constant 112 : index
        %get3A_562 = tpu.vector_load %arg10[%get3A_560, %get3A_561] {strides = array<i32>} : memref<128x128xf32, #tpu.memory_space<vmem>>, vector<16xf32>,
        %mul3A_563 = arith.mulf %get3A_562, %gather3A_218 : vector<16xf32>
        %add3A_564 = arith.constant 3 : i32
        %add3A_565 = arith.addi %mul3A_196, %add3A_564 : i32
        %swap3A_566 = arith.index_cast %add3A_565 : i32 to index
        %swap3A_567 = arith.constant 112 : index
        %swap3A_568 = tpu.vector_load %arg10[%swap3A_566, %swap3A_567] {strides = array<i32>} : memref<128x128xf32, #tpu.memory_space<vmem>>, vector<16xf32>,
        tpu.vector_store %arg10[%swap3A_566, %swap3A_567], %mul3A_563 {strides = array<i32>} : memref<128x128xf32, #tpu.memory_space<vmem>>, vector<16xf32>,
      }
      %scan3A_130 = arith.constant 32 : i32
      %dma_start3A_131 = arith.constant 0 : i32
      %dma_start3A_132 = arith.constant 0 : i32
      %dma_start3A_133 = tpu.memref_slice %arg8[%dma_start3A_131, %dma_start3A_132] : memref<2x128xi32, #tpu.memory_space<vmem>> -> memref<1x128xi32, #tpu.memory_space<vmem>>
      %dma_start3A_134 = tpu.memref_squeeze %dma_start3A_133 : memref<1x128xi32, #tpu.memory_space<vmem>> -> memref<128xi32, #tpu.memory_space<vmem>>
      %dma_start3A_135 = arith.constant 0 : i32
      %dma_start3A_136 = arith.constant 0 : i32
      %dma_start3A_137 = tpu.memref_slice %arg12[%dma_start3A_135, %dma_start3A_136] : memref<10240x128xf32, #tpu.memory_space<vmem_shared>> -> memref<10240x128xf32, #tpu.memory_space<vmem_shared>>
      tpu.enqueue_indirect_dma source(%arg10 : memref<128x128xf32, #tpu.memory_space<vmem>>) target(%dma_start3A_137 : memref<10240x128xf32, #tpu.memory_space<vmem_shared>>) offsets(%dma_start3A_134 : memref<128xi32, #tpu.memory_space<vmem>>) semaphore(%arg15 : memref<!tpu.dma_semaphore, #tpu.memory_space<semaphore_mem>>) {add = true}
      %mul3A_138 = arith.constant 2 : i32
      %mul3A_139 = arith.muli %scan3A_84, %mul3A_138 : i32
      %add3A_140 = arith.constant 1 : i32
      %add3A_141 = arith.addi %mul3A_139, %add3A_140 : i32
      %add3A_142 = arith.constant 1 : i32
      %add3A_143 = arith.addi %add3A_141, %add3A_142 : i32
      %lt3A_144 = arith.constant 80 : i32
      %lt3A_145 = arith.cmpi slt, %add3A_143, %lt3A_144 : i32
      %convert_element_type3A_146 = arith.extui %lt3A_145 : i1 to i32
      %cond3A_147 = arith.constant 0 : i32
      %cond3A_148 = arith.cmpi ne, %convert_element_type3A_146, %cond3A_147 : i32
      scf.if %cond3A_148 {
        %gt3A = arith.constant 0 : i32
        %gt3A_194 = arith.cmpi sgt, %add3A_141, %gt3A : i32
        %convert_element_type3A_195 = arith.extui %gt3A_194 : i1 to i32
        %cond3A_196 = arith.constant 0 : i32
        %cond3A_197 = arith.cmpi ne, %convert_element_type3A_195, %cond3A_196 : i32
        scf.if %cond3A_197 {
          %dma_wait3A_236 = arith.constant 0 : i32
          %dma_wait3A_237 = arith.constant 0 : i32
          %dma_wait3A_238 = tpu.memref_slice %arg8[%dma_wait3A_236, %dma_wait3A_237] : memref<2x128xi32, #tpu.memory_space<vmem>> -> memref<1x128xi32, #tpu.memory_space<vmem>>
          %dma_wait3A_239 = tpu.memref_squeeze %dma_wait3A_238 : memref<1x128xi32, #tpu.memory_space<vmem>> -> memref<128xi32, #tpu.memory_space<vmem>>
          %dma_wait3A_240 = arith.constant 0 : i32
          %dma_wait3A_241 = arith.constant 0 : i32
          %dma_wait3A_242 = tpu.memref_slice %arg12[%dma_wait3A_240, %dma_wait3A_241] : memref<10240x128xf32, #tpu.memory_space<vmem_shared>> -> memref<10240x128xf32, #tpu.memory_space<vmem_shared>>
          tpu.wait_indirect_dma semaphore(%arg15 : memref<!tpu.dma_semaphore, #tpu.memory_space<semaphore_mem>>) src(%arg10 : memref<128x128xf32, #tpu.memory_space<vmem>>) dst(%dma_wait3A_242 : memref<10240x128xf32, #tpu.memory_space<vmem_shared>>)
        } else {
        }
        %add3A_198 = arith.constant 1 : i32
        %add3A_199 = arith.addi %add3A_141, %add3A_198 : i32
        %dma_start3A_200 = arith.constant 0 : i32
        %dma_start3A_201 = arith.constant 0 : i32
        %dma_start3A_202 = tpu.memref_slice %arg8[%dma_start3A_200, %dma_start3A_201] : memref<2x128xi32, #tpu.memory_space<vmem>> -> memref<1x128xi32, #tpu.memory_space<vmem>>
        %dma_start3A_203 = tpu.memref_squeeze %dma_start3A_202 : memref<1x128xi32, #tpu.memory_space<vmem>> -> memref<128xi32, #tpu.memory_space<vmem>>
        %dma_start3A_204 = arith.constant 0 : i32
        %dma_start3A_205 = tpu.memref_slice %arg4[%add3A, %add3A_199, %dma_start3A_204] : memref<32x80x128xi32, #tpu.memory_space<hbm>> -> memref<1x1x128xi32, #tpu.memory_space<hbm>>
        %dma_start3A_206 = tpu.memref_squeeze %dma_start3A_205 : memref<1x1x128xi32, #tpu.memory_space<hbm>> -> memref<128xi32, #tpu.memory_space<hbm>>
        %dma_start3A_207 = arith.constant 0 : i32
        %dma_start3A_208 = tpu.memref_slice %arg8[%dma_start3A_200, %dma_start3A_207] : memref<2x128xi32, #tpu.memory_space<vmem>> -> memref<1x128xi32, #tpu.memory_space<vmem>>
        %dma_start3A_209 = tpu.memref_squeeze %dma_start3A_208 : memref<1x128xi32, #tpu.memory_space<vmem>> -> memref<128xi32, #tpu.memory_space<vmem>>
        %dma_start3A_210 = arith.constant 0 : i32
        %dma_start3A_211 = tpu.memref_slice %arg4[%add3A, %add3A_199, %dma_start3A_210] : memref<32x80x128xi32, #tpu.memory_space<hbm>> -> memref<1x1x128xi32, #tpu.memory_space<hbm>>
        %dma_start3A_212 = tpu.memref_squeeze %dma_start3A_211 : memref<1x1x128xi32, #tpu.memory_space<hbm>> -> memref<128xi32, #tpu.memory_space<hbm>>
        tpu.enqueue_dma source(%dma_start3A_212 : memref<128xi32, #tpu.memory_space<hbm>>) target(%dma_start3A_209 : memref<128xi32, #tpu.memory_space<vmem>>) target_semaphore(%arg17 : memref<!tpu.dma_semaphore, #tpu.memory_space<semaphore_mem>>)
        %add3A_213 = arith.constant 1 : i32
        %add3A_214 = arith.addi %add3A_141, %add3A_213 : i32
        %dma_start3A_215 = arith.constant 0 : i32
        %dma_start3A_216 = arith.constant 0 : i32
        %dma_start3A_217 = tpu.memref_slice %arg9[%dma_start3A_215, %dma_start3A_216] : memref<2x128xf32, #tpu.memory_space<vmem>> -> memref<1x128xf32, #tpu.memory_space<vmem>>
        %dma_start3A_218 = tpu.memref_squeeze %dma_start3A_217 : memref<1x128xf32, #tpu.memory_space<vmem>> -> memref<128xf32, #tpu.memory_space<vmem>>
        %dma_start3A_219 = arith.constant 0 : i32
        %dma_start3A_220 = tpu.memref_slice %arg5[%add3A, %add3A_214, %dma_start3A_219] : memref<32x80x128xf32, #tpu.memory_space<hbm>> -> memref<1x1x128xf32, #tpu.memory_space<hbm>>
        %dma_start3A_221 = tpu.memref_squeeze %dma_start3A_220 : memref<1x1x128xf32, #tpu.memory_space<hbm>> -> memref<128xf32, #tpu.memory_space<hbm>>
        %dma_start3A_222 = arith.constant 0 : i32
        %dma_start3A_223 = tpu.memref_slice %arg9[%dma_start3A_215, %dma_start3A_222] : memref<2x128xf32, #tpu.memory_space<vmem>> -> memref<1x128xf32, #tpu.memory_space<vmem>>
        %dma_start3A_224 = tpu.memref_squeeze %dma_start3A_223 : memref<1x128xf32, #tpu.memory_space<vmem>> -> memref<128xf32, #tpu.memory_space<vmem>>
        %dma_start3A_225 = arith.constant 0 : i32
        %dma_start3A_226 = tpu.memref_slice %arg5[%add3A, %add3A_214, %dma_start3A_225] : memref<32x80x128xf32, #tpu.memory_space<hbm>> -> memref<1x1x128xf32, #tpu.memory_space<hbm>>
        %dma_start3A_227 = tpu.memref_squeeze %dma_start3A_226 : memref<1x1x128xf32, #tpu.memory_space<hbm>> -> memref<128xf32, #tpu.memory_space<hbm>>
        tpu.enqueue_dma source(%dma_start3A_227 : memref<128xf32, #tpu.memory_space<hbm>>) target(%dma_start3A_224 : memref<128xf32, #tpu.memory_space<vmem>>) target_semaphore(%arg17 : memref<!tpu.dma_semaphore, #tpu.memory_space<semaphore_mem>>)
        %add3A_228 = arith.constant 1 : i32
        %add3A_229 = arith.addi %add3A_141, %add3A_228 : i32
        %dma_start3A_230 = arith.constant 0 : i32
        %dma_start3A_231 = tpu.memref_slice %arg7[%add3A_229, %dma_start3A_230] : memref<80x128xi32, #tpu.memory_space<vmem>> -> memref<1x128xi32, #tpu.memory_space<vmem>>
        %dma_start3A_232 = tpu.memref_squeeze %dma_start3A_231 : memref<1x128xi32, #tpu.memory_space<vmem>> -> memref<128xi32, #tpu.memory_space<vmem>>
        %dma_start3A_233 = arith.constant 0 : i32
        %dma_start3A_234 = arith.constant 0 : i32
        %dma_start3A_235 = tpu.memref_slice %arg2[%dma_start3A_233, %dma_start3A_234] : memref<10000x128xf32, #tpu.memory_space<hbm>> -> memref<10000x128xf32, #tpu.memory_space<hbm>>
        tpu.enqueue_indirect_dma source(%dma_start3A_235 : memref<10000x128xf32, #tpu.memory_space<hbm>>) target(%arg10 : memref<128x128xf32, #tpu.memory_space<vmem>>) offsets(%dma_start3A_232 : memref<128xi32, #tpu.memory_space<vmem>>) semaphore(%arg13 : memref<!tpu.dma_semaphore, #tpu.memory_space<semaphore_mem>>)
      } else {
      }
      %dma_wait3A_149 = arith.constant 0 : i32
      %dma_wait3A_150 = tpu.memref_slice %arg7[%add3A_141, %dma_wait3A_149] : memref<80x128xi32, #tpu.memory_space<vmem>> -> memref<1x128xi32, #tpu.memory_space<vmem>>
      %dma_wait3A_151 = tpu.memref_squeeze %dma_wait3A_150 : memref<1x128xi32, #tpu.memory_space<vmem>> -> memref<128xi32, #tpu.memory_space<vmem>>
      %dma_wait3A_152 = arith.constant 0 : i32
      %dma_wait3A_153 = arith.constant 0 : i32
      %dma_wait3A_154 = tpu.memref_slice %arg2[%dma_wait3A_152, %dma_wait3A_153] : memref<10000x128xf32, #tpu.memory_space<hbm>> -> memref<10000x128xf32, #tpu.memory_space<hbm>>
      tpu.wait_indirect_dma semaphore(%arg14 : memref<!tpu.dma_semaphore, #tpu.memory_space<semaphore_mem>>) src(%dma_wait3A_154 : memref<10000x128xf32, #tpu.memory_space<hbm>>) dst(%arg11 : memref<128x128xf32, #tpu.memory_space<vmem>>)
      %dma_wait3A_155 = arith.constant 1 : i32
      %dma_wait3A_156 = arith.constant 0 : i32
      %dma_wait3A_157 = tpu.memref_slice %arg8[%dma_wait3A_155, %dma_wait3A_156] : memref<2x128xi32, #tpu.memory_space<vmem>> -> memref<1x128xi32, #tpu.memory_space<vmem>>
      %dma_wait3A_158 = tpu.memref_squeeze %dma_wait3A_157 : memref<1x128xi32, #tpu.memory_space<vmem>> -> memref<128xi32, #tpu.memory_space<vmem>>
      %dma_wait3A_159 = arith.constant 0 : i32
      %dma_wait3A_160 = tpu.memref_slice %arg4[%add3A, %add3A_141, %dma_wait3A_159] : memref<32x80x128xi32, #tpu.memory_space<hbm>> -> memref<1x1x128xi32, #tpu.memory_space<hbm>>
      %dma_wait3A_161 = tpu.memref_squeeze %dma_wait3A_160 : memref<1x1x128xi32, #tpu.memory_space<hbm>> -> memref<128xi32, #tpu.memory_space<hbm>>
      %dma_wait3A_162 = arith.constant 0 : i32
      %dma_wait3A_163 = tpu.memref_slice %arg8[%dma_wait3A_155, %dma_wait3A_162] : memref<2x128xi32, #tpu.memory_space<vmem>> -> memref<1x128xi32, #tpu.memory_space<vmem>>
      %dma_wait3A_164 = tpu.memref_squeeze %dma_wait3A_163 : memref<1x128xi32, #tpu.memory_space<vmem>> -> memref<128xi32, #tpu.memory_space<vmem>>
      %dma_wait3A_165 = arith.constant 0 : i32
      %dma_wait3A_166 = tpu.memref_slice %arg4[%add3A, %add3A_141, %dma_wait3A_165] : memref<32x80x128xi32, #tpu.memory_space<hbm>> -> memref<1x1x128xi32, #tpu.memory_space<hbm>>
      %dma_wait3A_167 = tpu.memref_squeeze %dma_wait3A_166 : memref<1x1x128xi32, #tpu.memory_space<hbm>> -> memref<128xi32, #tpu.memory_space<hbm>>
      tpu.wait_dma2 semaphore(%arg18 : memref<!tpu.dma_semaphore, #tpu.memory_space<semaphore_mem>>) src(%dma_wait3A_167 : memref<128xi32, #tpu.memory_space<hbm>>) dst(%dma_wait3A_164 : memref<128xi32, #tpu.memory_space<vmem>>)
      %dma_wait3A_168 = arith.constant 1 : i32
      %dma_wait3A_169 = arith.constant 0 : i32
      %dma_wait3A_170 = tpu.memref_slice %arg9[%dma_wait3A_168, %dma_wait3A_169] : memref<2x128xf32, #tpu.memory_space<vmem>> -> memref<1x128xf32, #tpu.memory_space<vmem>>
      %dma_wait3A_171 = tpu.memref_squeeze %dma_wait3A_170 : memref<1x128xf32, #tpu.memory_space<vmem>> -> memref<128xf32, #tpu.memory_space<vmem>>
      %dma_wait3A_172 = arith.constant 0 : i32
      %dma_wait3A_173 = tpu.memref_slice %arg5[%add3A, %add3A_141, %dma_wait3A_172] : memref<32x80x128xf32, #tpu.memory_space<hbm>> -> memref<1x1x128xf32, #tpu.memory_space<hbm>>
      %dma_wait3A_174 = tpu.memref_squeeze %dma_wait3A_173 : memref<1x1x128xf32, #tpu.memory_space<hbm>> -> memref<128xf32, #tpu.memory_space<hbm>>
      %dma_wait3A_175 = arith.constant 0 : i32
      %dma_wait3A_176 = tpu.memref_slice %arg9[%dma_wait3A_168, %dma_wait3A_175] : memref<2x128xf32, #tpu.memory_space<vmem>> -> memref<1x128xf32, #tpu.memory_space<vmem>>
      %dma_wait3A_177 = tpu.memref_squeeze %dma_wait3A_176 : memref<1x128xf32, #tpu.memory_space<vmem>> -> memref<128xf32, #tpu.memory_space<vmem>>
      %dma_wait3A_178 = arith.constant 0 : i32
      %dma_wait3A_179 = tpu.memref_slice %arg5[%add3A, %add3A_141, %dma_wait3A_178] : memref<32x80x128xf32, #tpu.memory_space<hbm>> -> memref<1x1x128xf32, #tpu.memory_space<hbm>>
      %dma_wait3A_180 = tpu.memref_squeeze %dma_wait3A_179 : memref<1x1x128xf32, #tpu.memory_space<hbm>> -> memref<128xf32, #tpu.memory_space<hbm>>
      tpu.wait_dma2 semaphore(%arg18 : memref<!tpu.dma_semaphore, #tpu.memory_space<semaphore_mem>>) src(%dma_wait3A_180 : memref<128xf32, #tpu.memory_space<hbm>>) dst(%dma_wait3A_177 : memref<128xf32, #tpu.memory_space<vmem>>)
      %scan3A_181 = arith.constant 0 : i32
      %scan3A_182 = arith.constant 0 : i32
      %scan3A_183 = arith.constant 32 : i32
      %scan3A_184 = arith.addi %scan3A_182, %scan3A_183 : i32
      %scan3A_185 = arith.constant 1 : i32
      scf.for %scan3A_194 = %scan3A_182 to %scan3A_184 step %scan3A_185  : i32 {
        %mul3A_195 = arith.constant 4 : i32
        %mul3A_196 = arith.muli %scan3A_194, %mul3A_195 : i32
        %broadcast_in_dim3A = arith.constant 1 : i32
        %broadcast_in_dim3A_197 = vector.broadcast %broadcast_in_dim3A : i32 to vector<16xi32>
        %add3A_198 = arith.constant 0 : i32
        %add3A_199 = arith.addi %mul3A_196, %add3A_198 : i32
        %broadcast_in_dim3A_200 = vector.broadcast %add3A_199 : i32 to vector<16xi32>
        %gather3A = tpu.vector_load_idx %arg9[%broadcast_in_dim3A_197, %broadcast_in_dim3A_200] : memref<2x128xf32, #tpu.memory_space<vmem>>[vector<16xi32>, vector<16xi32>], vector<16xf32>,
        %broadcast_in_dim3A_201 = arith.constant 1 : i32
        %broadcast_in_dim3A_202 = vector.broadcast %broadcast_in_dim3A_201 : i32 to vector<16xi32>
        %add3A_203 = arith.constant 1 : i32
        %add3A_204 = arith.addi %mul3A_196, %add3A_203 : i32
        %broadcast_in_dim3A_205 = vector.broadcast %add3A_204 : i32 to vector<16xi32>
        %gather3A_206 = tpu.vector_load_idx %arg9[%broadcast_in_dim3A_202, %broadcast_in_dim3A_205] : memref<2x128xf32, #tpu.memory_space<vmem>>[vector<16xi32>, vector<16xi32>], vector<16xf32>,
        %broadcast_in_dim3A_207 = arith.constant 1 : i32
        %broadcast_in_dim3A_208 = vector.broadcast %broadcast_in_dim3A_207 : i32 to vector<16xi32>
        %add3A_209 = arith.constant 2 : i32
        %add3A_210 = arith.addi %mul3A_196, %add3A_209 : i32
        %broadcast_in_dim3A_211 = vector.broadcast %add3A_210 : i32 to vector<16xi32>
        %gather3A_212 = tpu.vector_load_idx %arg9[%broadcast_in_dim3A_208, %broadcast_in_dim3A_211] : memref<2x128xf32, #tpu.memory_space<vmem>>[vector<16xi32>, vector<16xi32>], vector<16xf32>,
        %broadcast_in_dim3A_213 = arith.constant 1 : i32
        %broadcast_in_dim3A_214 = vector.broadcast %broadcast_in_dim3A_213 : i32 to vector<16xi32>
        %add3A_215 = arith.constant 3 : i32
        %add3A_216 = arith.addi %mul3A_196, %add3A_215 : i32
        %broadcast_in_dim3A_217 = vector.broadcast %add3A_216 : i32 to vector<16xi32>
        %gather3A_218 = tpu.vector_load_idx %arg9[%broadcast_in_dim3A_214, %broadcast_in_dim3A_217] : memref<2x128xf32, #tpu.memory_space<vmem>>[vector<16xi32>, vector<16xi32>], vector<16xf32>,
        %add3A_219 = arith.constant 0 : i32
        %add3A_220 = arith.addi %mul3A_196, %add3A_219 : i32
        %get3A = arith.index_cast %add3A_220 : i32 to index
        %get3A_221 = arith.constant 0 : index
        %get3A_222 = tpu.vector_load %arg11[%get3A, %get3A_221] {strides = array<i32>} : memref<128x128xf32, #tpu.memory_space<vmem>>, vector<16xf32>,
        %mul3A_223 = arith.mulf %get3A_222, %gather3A : vector<16xf32>
        %add3A_224 = arith.constant 0 : i32
        %add3A_225 = arith.addi %mul3A_196, %add3A_224 : i32
        %swap3A = arith.index_cast %add3A_225 : i32 to index
        %swap3A_226 = arith.constant 0 : index
        %swap3A_227 = tpu.vector_load %arg11[%swap3A, %swap3A_226] {strides = array<i32>} : memref<128x128xf32, #tpu.memory_space<vmem>>, vector<16xf32>,
        tpu.vector_store %arg11[%swap3A, %swap3A_226], %mul3A_223 {strides = array<i32>} : memref<128x128xf32, #tpu.memory_space<vmem>>, vector<16xf32>,
        %add3A_228 = arith.constant 1 : i32
        %add3A_229 = arith.addi %mul3A_196, %add3A_228 : i32
        %get3A_230 = arith.index_cast %add3A_229 : i32 to index
        %get3A_231 = arith.constant 0 : index
        %get3A_232 = tpu.vector_load %arg11[%get3A_230, %get3A_231] {strides = array<i32>} : memref<128x128xf32, #tpu.memory_space<vmem>>, vector<16xf32>,
        %mul3A_233 = arith.mulf %get3A_232, %gather3A_206 : vector<16xf32>
        %add3A_234 = arith.constant 1 : i32
        %add3A_235 = arith.addi %mul3A_196, %add3A_234 : i32
        %swap3A_236 = arith.index_cast %add3A_235 : i32 to index
        %swap3A_237 = arith.constant 0 : index
        %swap3A_238 = tpu.vector_load %arg11[%swap3A_236, %swap3A_237] {strides = array<i32>} : memref<128x128xf32, #tpu.memory_space<vmem>>, vector<16xf32>,
        tpu.vector_store %arg11[%swap3A_236, %swap3A_237], %mul3A_233 {strides = array<i32>} : memref<128x128xf32, #tpu.memory_space<vmem>>, vector<16xf32>,
        %add3A_239 = arith.constant 2 : i32
        %add3A_240 = arith.addi %mul3A_196, %add3A_239 : i32
        %get3A_241 = arith.index_cast %add3A_240 : i32 to index
        %get3A_242 = arith.constant 0 : index
        %get3A_243 = tpu.vector_load %arg11[%get3A_241, %get3A_242] {strides = array<i32>} : memref<128x128xf32, #tpu.memory_space<vmem>>, vector<16xf32>,
        %mul3A_244 = arith.mulf %get3A_243, %gather3A_212 : vector<16xf32>
        %add3A_245 = arith.constant 2 : i32
        %add3A_246 = arith.addi %mul3A_196, %add3A_245 : i32
        %swap3A_247 = arith.index_cast %add3A_246 : i32 to index
        %swap3A_248 = arith.constant 0 : index
        %swap3A_249 = tpu.vector_load %arg11[%swap3A_247, %swap3A_248] {strides = array<i32>} : memref<128x128xf32, #tpu.memory_space<vmem>>, vector<16xf32>,
        tpu.vector_store %arg11[%swap3A_247, %swap3A_248], %mul3A_244 {strides = array<i32>} : memref<128x128xf32, #tpu.memory_space<vmem>>, vector<16xf32>,
        %add3A_250 = arith.constant 3 : i32
        %add3A_251 = arith.addi %mul3A_196, %add3A_250 : i32
        %get3A_252 = arith.index_cast %add3A_251 : i32 to index
        %get3A_253 = arith.constant 0 : index
        %get3A_254 = tpu.vector_load %arg11[%get3A_252, %get3A_253] {strides = array<i32>} : memref<128x128xf32, #tpu.memory_space<vmem>>, vector<16xf32>,
        %mul3A_255 = arith.mulf %get3A_254, %gather3A_218 : vector<16xf32>
        %add3A_256 = arith.constant 3 : i32
        %add3A_257 = arith.addi %mul3A_196, %add3A_256 : i32
        %swap3A_258 = arith.index_cast %add3A_257 : i32 to index
        %swap3A_259 = arith.constant 0 : index
        %swap3A_260 = tpu.vector_load %arg11[%swap3A_258, %swap3A_259] {strides = array<i32>} : memref<128x128xf32, #tpu.memory_space<vmem>>, vector<16xf32>,
        tpu.vector_store %arg11[%swap3A_258, %swap3A_259], %mul3A_255 {strides = array<i32>} : memref<128x128xf32, #tpu.memory_space<vmem>>, vector<16xf32>,
        %add3A_261 = arith.constant 0 : i32
        %add3A_262 = arith.addi %mul3A_196, %add3A_261 : i32
        %get3A_263 = arith.index_cast %add3A_262 : i32 to index
        %get3A_264 = arith.constant 16 : index
        %get3A_265 = tpu.vector_load %arg11[%get3A_263, %get3A_264] {strides = array<i32>} : memref<128x128xf32, #tpu.memory_space<vmem>>, vector<16xf32>,
        %mul3A_266 = arith.mulf %get3A_265, %gather3A : vector<16xf32>
        %add3A_267 = arith.constant 0 : i32
        %add3A_268 = arith.addi %mul3A_196, %add3A_267 : i32
        %swap3A_269 = arith.index_cast %add3A_268 : i32 to index
        %swap3A_270 = arith.constant 16 : index
        %swap3A_271 = tpu.vector_load %arg11[%swap3A_269, %swap3A_270] {strides = array<i32>} : memref<128x128xf32, #tpu.memory_space<vmem>>, vector<16xf32>,
        tpu.vector_store %arg11[%swap3A_269, %swap3A_270], %mul3A_266 {strides = array<i32>} : memref<128x128xf32, #tpu.memory_space<vmem>>, vector<16xf32>,
        %add3A_272 = arith.constant 1 : i32
        %add3A_273 = arith.addi %mul3A_196, %add3A_272 : i32
        %get3A_274 = arith.index_cast %add3A_273 : i32 to index
        %get3A_275 = arith.constant 16 : index
        %get3A_276 = tpu.vector_load %arg11[%get3A_274, %get3A_275] {strides = array<i32>} : memref<128x128xf32, #tpu.memory_space<vmem>>, vector<16xf32>,
        %mul3A_277 = arith.mulf %get3A_276, %gather3A_206 : vector<16xf32>
        %add3A_278 = arith.constant 1 : i32
        %add3A_279 = arith.addi %mul3A_196, %add3A_278 : i32
        %swap3A_280 = arith.index_cast %add3A_279 : i32 to index
        %swap3A_281 = arith.constant 16 : index
        %swap3A_282 = tpu.vector_load %arg11[%swap3A_280, %swap3A_281] {strides = array<i32>} : memref<128x128xf32, #tpu.memory_space<vmem>>, vector<16xf32>,
        tpu.vector_store %arg11[%swap3A_280, %swap3A_281], %mul3A_277 {strides = array<i32>} : memref<128x128xf32, #tpu.memory_space<vmem>>, vector<16xf32>,
        %add3A_283 = arith.constant 2 : i32
        %add3A_284 = arith.addi %mul3A_196, %add3A_283 : i32
        %get3A_285 = arith.index_cast %add3A_284 : i32 to index
        %get3A_286 = arith.constant 16 : index
        %get3A_287 = tpu.vector_load %arg11[%get3A_285, %get3A_286] {strides = array<i32>} : memref<128x128xf32, #tpu.memory_space<vmem>>, vector<16xf32>,
        %mul3A_288 = arith.mulf %get3A_287, %gather3A_212 : vector<16xf32>
        %add3A_289 = arith.constant 2 : i32
        %add3A_290 = arith.addi %mul3A_196, %add3A_289 : i32
        %swap3A_291 = arith.index_cast %add3A_290 : i32 to index
        %swap3A_292 = arith.constant 16 : index
        %swap3A_293 = tpu.vector_load %arg11[%swap3A_291, %swap3A_292] {strides = array<i32>} : memref<128x128xf32, #tpu.memory_space<vmem>>, vector<16xf32>,
        tpu.vector_store %arg11[%swap3A_291, %swap3A_292], %mul3A_288 {strides = array<i32>} : memref<128x128xf32, #tpu.memory_space<vmem>>, vector<16xf32>,
        %add3A_294 = arith.constant 3 : i32
        %add3A_295 = arith.addi %mul3A_196, %add3A_294 : i32
        %get3A_296 = arith.index_cast %add3A_295 : i32 to index
        %get3A_297 = arith.constant 16 : index
        %get3A_298 = tpu.vector_load %arg11[%get3A_296, %get3A_297] {strides = array<i32>} : memref<128x128xf32, #tpu.memory_space<vmem>>, vector<16xf32>,
        %mul3A_299 = arith.mulf %get3A_298, %gather3A_218 : vector<16xf32>
        %add3A_300 = arith.constant 3 : i32
        %add3A_301 = arith.addi %mul3A_196, %add3A_300 : i32
        %swap3A_302 = arith.index_cast %add3A_301 : i32 to index
        %swap3A_303 = arith.constant 16 : index
        %swap3A_304 = tpu.vector_load %arg11[%swap3A_302, %swap3A_303] {strides = array<i32>} : memref<128x128xf32, #tpu.memory_space<vmem>>, vector<16xf32>,
        tpu.vector_store %arg11[%swap3A_302, %swap3A_303], %mul3A_299 {strides = array<i32>} : memref<128x128xf32, #tpu.memory_space<vmem>>, vector<16xf32>,
        %add3A_305 = arith.constant 0 : i32
        %add3A_306 = arith.addi %mul3A_196, %add3A_305 : i32
        %get3A_307 = arith.index_cast %add3A_306 : i32 to index
        %get3A_308 = arith.constant 32 : index
        %get3A_309 = tpu.vector_load %arg11[%get3A_307, %get3A_308] {strides = array<i32>} : memref<128x128xf32, #tpu.memory_space<vmem>>, vector<16xf32>,
        %mul3A_310 = arith.mulf %get3A_309, %gather3A : vector<16xf32>
        %add3A_311 = arith.constant 0 : i32
        %add3A_312 = arith.addi %mul3A_196, %add3A_311 : i32
        %swap3A_313 = arith.index_cast %add3A_312 : i32 to index
        %swap3A_314 = arith.constant 32 : index
        %swap3A_315 = tpu.vector_load %arg11[%swap3A_313, %swap3A_314] {strides = array<i32>} : memref<128x128xf32, #tpu.memory_space<vmem>>, vector<16xf32>,
        tpu.vector_store %arg11[%swap3A_313, %swap3A_314], %mul3A_310 {strides = array<i32>} : memref<128x128xf32, #tpu.memory_space<vmem>>, vector<16xf32>,
        %add3A_316 = arith.constant 1 : i32
        %add3A_317 = arith.addi %mul3A_196, %add3A_316 : i32
        %get3A_318 = arith.index_cast %add3A_317 : i32 to index
        %get3A_319 = arith.constant 32 : index
        %get3A_320 = tpu.vector_load %arg11[%get3A_318, %get3A_319] {strides = array<i32>} : memref<128x128xf32, #tpu.memory_space<vmem>>, vector<16xf32>,
        %mul3A_321 = arith.mulf %get3A_320, %gather3A_206 : vector<16xf32>
        %add3A_322 = arith.constant 1 : i32
        %add3A_323 = arith.addi %mul3A_196, %add3A_322 : i32
        %swap3A_324 = arith.index_cast %add3A_323 : i32 to index
        %swap3A_325 = arith.constant 32 : index
        %swap3A_326 = tpu.vector_load %arg11[%swap3A_324, %swap3A_325] {strides = array<i32>} : memref<128x128xf32, #tpu.memory_space<vmem>>, vector<16xf32>,
        tpu.vector_store %arg11[%swap3A_324, %swap3A_325], %mul3A_321 {strides = array<i32>} : memref<128x128xf32, #tpu.memory_space<vmem>>, vector<16xf32>,
        %add3A_327 = arith.constant 2 : i32
        %add3A_328 = arith.addi %mul3A_196, %add3A_327 : i32
        %get3A_329 = arith.index_cast %add3A_328 : i32 to index
        %get3A_330 = arith.constant 32 : index
        %get3A_331 = tpu.vector_load %arg11[%get3A_329, %get3A_330] {strides = array<i32>} : memref<128x128xf32, #tpu.memory_space<vmem>>, vector<16xf32>,
        %mul3A_332 = arith.mulf %get3A_331, %gather3A_212 : vector<16xf32>
        %add3A_333 = arith.constant 2 : i32
        %add3A_334 = arith.addi %mul3A_196, %add3A_333 : i32
        %swap3A_335 = arith.index_cast %add3A_334 : i32 to index
        %swap3A_336 = arith.constant 32 : index
        %swap3A_337 = tpu.vector_load %arg11[%swap3A_335, %swap3A_336] {strides = array<i32>} : memref<128x128xf32, #tpu.memory_space<vmem>>, vector<16xf32>,
        tpu.vector_store %arg11[%swap3A_335, %swap3A_336], %mul3A_332 {strides = array<i32>} : memref<128x128xf32, #tpu.memory_space<vmem>>, vector<16xf32>,
        %add3A_338 = arith.constant 3 : i32
        %add3A_339 = arith.addi %mul3A_196, %add3A_338 : i32
        %get3A_340 = arith.index_cast %add3A_339 : i32 to index
        %get3A_341 = arith.constant 32 : index
        %get3A_342 = tpu.vector_load %arg11[%get3A_340, %get3A_341] {strides = array<i32>} : memref<128x128xf32, #tpu.memory_space<vmem>>, vector<16xf32>,
        %mul3A_343 = arith.mulf %get3A_342, %gather3A_218 : vector<16xf32>
        %add3A_344 = arith.constant 3 : i32
        %add3A_345 = arith.addi %mul3A_196, %add3A_344 : i32
        %swap3A_346 = arith.index_cast %add3A_345 : i32 to index
        %swap3A_347 = arith.constant 32 : index
        %swap3A_348 = tpu.vector_load %arg11[%swap3A_346, %swap3A_347] {strides = array<i32>} : memref<128x128xf32, #tpu.memory_space<vmem>>, vector<16xf32>,
        tpu.vector_store %arg11[%swap3A_346, %swap3A_347], %mul3A_343 {strides = array<i32>} : memref<128x128xf32, #tpu.memory_space<vmem>>, vector<16xf32>,
        %add3A_349 = arith.constant 0 : i32
        %add3A_350 = arith.addi %mul3A_196, %add3A_349 : i32
        %get3A_351 = arith.index_cast %add3A_350 : i32 to index
        %get3A_352 = arith.constant 48 : index
        %get3A_353 = tpu.vector_load %arg11[%get3A_351, %get3A_352] {strides = array<i32>} : memref<128x128xf32, #tpu.memory_space<vmem>>, vector<16xf32>,
        %mul3A_354 = arith.mulf %get3A_353, %gather3A : vector<16xf32>
        %add3A_355 = arith.constant 0 : i32
        %add3A_356 = arith.addi %mul3A_196, %add3A_355 : i32
        %swap3A_357 = arith.index_cast %add3A_356 : i32 to index
        %swap3A_358 = arith.constant 48 : index
        %swap3A_359 = tpu.vector_load %arg11[%swap3A_357, %swap3A_358] {strides = array<i32>} : memref<128x128xf32, #tpu.memory_space<vmem>>, vector<16xf32>,
        tpu.vector_store %arg11[%swap3A_357, %swap3A_358], %mul3A_354 {strides = array<i32>} : memref<128x128xf32, #tpu.memory_space<vmem>>, vector<16xf32>,
        %add3A_360 = arith.constant 1 : i32
        %add3A_361 = arith.addi %mul3A_196, %add3A_360 : i32
        %get3A_362 = arith.index_cast %add3A_361 : i32 to index
        %get3A_363 = arith.constant 48 : index
        %get3A_364 = tpu.vector_load %arg11[%get3A_362, %get3A_363] {strides = array<i32>} : memref<128x128xf32, #tpu.memory_space<vmem>>, vector<16xf32>,
        %mul3A_365 = arith.mulf %get3A_364, %gather3A_206 : vector<16xf32>
        %add3A_366 = arith.constant 1 : i32
        %add3A_367 = arith.addi %mul3A_196, %add3A_366 : i32
        %swap3A_368 = arith.index_cast %add3A_367 : i32 to index
        %swap3A_369 = arith.constant 48 : index
        %swap3A_370 = tpu.vector_load %arg11[%swap3A_368, %swap3A_369] {strides = array<i32>} : memref<128x128xf32, #tpu.memory_space<vmem>>, vector<16xf32>,
        tpu.vector_store %arg11[%swap3A_368, %swap3A_369], %mul3A_365 {strides = array<i32>} : memref<128x128xf32, #tpu.memory_space<vmem>>, vector<16xf32>,
        %add3A_371 = arith.constant 2 : i32
        %add3A_372 = arith.addi %mul3A_196, %add3A_371 : i32
        %get3A_373 = arith.index_cast %add3A_372 : i32 to index
        %get3A_374 = arith.constant 48 : index
        %get3A_375 = tpu.vector_load %arg11[%get3A_373, %get3A_374] {strides = array<i32>} : memref<128x128xf32, #tpu.memory_space<vmem>>, vector<16xf32>,
        %mul3A_376 = arith.mulf %get3A_375, %gather3A_212 : vector<16xf32>
        %add3A_377 = arith.constant 2 : i32
        %add3A_378 = arith.addi %mul3A_196, %add3A_377 : i32
        %swap3A_379 = arith.index_cast %add3A_378 : i32 to index
        %swap3A_380 = arith.constant 48 : index
        %swap3A_381 = tpu.vector_load %arg11[%swap3A_379, %swap3A_380] {strides = array<i32>} : memref<128x128xf32, #tpu.memory_space<vmem>>, vector<16xf32>,
        tpu.vector_store %arg11[%swap3A_379, %swap3A_380], %mul3A_376 {strides = array<i32>} : memref<128x128xf32, #tpu.memory_space<vmem>>, vector<16xf32>,
        %add3A_382 = arith.constant 3 : i32
        %add3A_383 = arith.addi %mul3A_196, %add3A_382 : i32
        %get3A_384 = arith.index_cast %add3A_383 : i32 to index
        %get3A_385 = arith.constant 48 : index
        %get3A_386 = tpu.vector_load %arg11[%get3A_384, %get3A_385] {strides = array<i32>} : memref<128x128xf32, #tpu.memory_space<vmem>>, vector<16xf32>,
        %mul3A_387 = arith.mulf %get3A_386, %gather3A_218 : vector<16xf32>
        %add3A_388 = arith.constant 3 : i32
        %add3A_389 = arith.addi %mul3A_196, %add3A_388 : i32
        %swap3A_390 = arith.index_cast %add3A_389 : i32 to index
        %swap3A_391 = arith.constant 48 : index
        %swap3A_392 = tpu.vector_load %arg11[%swap3A_390, %swap3A_391] {strides = array<i32>} : memref<128x128xf32, #tpu.memory_space<vmem>>, vector<16xf32>,
        tpu.vector_store %arg11[%swap3A_390, %swap3A_391], %mul3A_387 {strides = array<i32>} : memref<128x128xf32, #tpu.memory_space<vmem>>, vector<16xf32>,
        %add3A_393 = arith.constant 0 : i32
        %add3A_394 = arith.addi %mul3A_196, %add3A_393 : i32
        %get3A_395 = arith.index_cast %add3A_394 : i32 to index
        %get3A_396 = arith.constant 64 : index
        %get3A_397 = tpu.vector_load %arg11[%get3A_395, %get3A_396] {strides = array<i32>} : memref<128x128xf32, #tpu.memory_space<vmem>>, vector<16xf32>,
        %mul3A_398 = arith.mulf %get3A_397, %gather3A : vector<16xf32>
        %add3A_399 = arith.constant 0 : i32
        %add3A_400 = arith.addi %mul3A_196, %add3A_399 : i32
        %swap3A_401 = arith.index_cast %add3A_400 : i32 to index
        %swap3A_402 = arith.constant 64 : index
        %swap3A_403 = tpu.vector_load %arg11[%swap3A_401, %swap3A_402] {strides = array<i32>} : memref<128x128xf32, #tpu.memory_space<vmem>>, vector<16xf32>,
        tpu.vector_store %arg11[%swap3A_401, %swap3A_402], %mul3A_398 {strides = array<i32>} : memref<128x128xf32, #tpu.memory_space<vmem>>, vector<16xf32>,
        %add3A_404 = arith.constant 1 : i32
        %add3A_405 = arith.addi %mul3A_196, %add3A_404 : i32
        %get3A_406 = arith.index_cast %add3A_405 : i32 to index
        %get3A_407 = arith.constant 64 : index
        %get3A_408 = tpu.vector_load %arg11[%get3A_406, %get3A_407] {strides = array<i32>} : memref<128x128xf32, #tpu.memory_space<vmem>>, vector<16xf32>,
        %mul3A_409 = arith.mulf %get3A_408, %gather3A_206 : vector<16xf32>
        %add3A_410 = arith.constant 1 : i32
        %add3A_411 = arith.addi %mul3A_196, %add3A_410 : i32
        %swap3A_412 = arith.index_cast %add3A_411 : i32 to index
        %swap3A_413 = arith.constant 64 : index
        %swap3A_414 = tpu.vector_load %arg11[%swap3A_412, %swap3A_413] {strides = array<i32>} : memref<128x128xf32, #tpu.memory_space<vmem>>, vector<16xf32>,
        tpu.vector_store %arg11[%swap3A_412, %swap3A_413], %mul3A_409 {strides = array<i32>} : memref<128x128xf32, #tpu.memory_space<vmem>>, vector<16xf32>,
        %add3A_415 = arith.constant 2 : i32
        %add3A_416 = arith.addi %mul3A_196, %add3A_415 : i32
        %get3A_417 = arith.index_cast %add3A_416 : i32 to index
        %get3A_418 = arith.constant 64 : index
        %get3A_419 = tpu.vector_load %arg11[%get3A_417, %get3A_418] {strides = array<i32>} : memref<128x128xf32, #tpu.memory_space<vmem>>, vector<16xf32>,
        %mul3A_420 = arith.mulf %get3A_419, %gather3A_212 : vector<16xf32>
        %add3A_421 = arith.constant 2 : i32
        %add3A_422 = arith.addi %mul3A_196, %add3A_421 : i32
        %swap3A_423 = arith.index_cast %add3A_422 : i32 to index
        %swap3A_424 = arith.constant 64 : index
        %swap3A_425 = tpu.vector_load %arg11[%swap3A_423, %swap3A_424] {strides = array<i32>} : memref<128x128xf32, #tpu.memory_space<vmem>>, vector<16xf32>,
        tpu.vector_store %arg11[%swap3A_423, %swap3A_424], %mul3A_420 {strides = array<i32>} : memref<128x128xf32, #tpu.memory_space<vmem>>, vector<16xf32>,
        %add3A_426 = arith.constant 3 : i32
        %add3A_427 = arith.addi %mul3A_196, %add3A_426 : i32
        %get3A_428 = arith.index_cast %add3A_427 : i32 to index
        %get3A_429 = arith.constant 64 : index
        %get3A_430 = tpu.vector_load %arg11[%get3A_428, %get3A_429] {strides = array<i32>} : memref<128x128xf32, #tpu.memory_space<vmem>>, vector<16xf32>,
        %mul3A_431 = arith.mulf %get3A_430, %gather3A_218 : vector<16xf32>
        %add3A_432 = arith.constant 3 : i32
        %add3A_433 = arith.addi %mul3A_196, %add3A_432 : i32
        %swap3A_434 = arith.index_cast %add3A_433 : i32 to index
        %swap3A_435 = arith.constant 64 : index
        %swap3A_436 = tpu.vector_load %arg11[%swap3A_434, %swap3A_435] {strides = array<i32>} : memref<128x128xf32, #tpu.memory_space<vmem>>, vector<16xf32>,
        tpu.vector_store %arg11[%swap3A_434, %swap3A_435], %mul3A_431 {strides = array<i32>} : memref<128x128xf32, #tpu.memory_space<vmem>>, vector<16xf32>,
        %add3A_437 = arith.constant 0 : i32
        %add3A_438 = arith.addi %mul3A_196, %add3A_437 : i32
        %get3A_439 = arith.index_cast %add3A_438 : i32 to index
        %get3A_440 = arith.constant 80 : index
        %get3A_441 = tpu.vector_load %arg11[%get3A_439, %get3A_440] {strides = array<i32>} : memref<128x128xf32, #tpu.memory_space<vmem>>, vector<16xf32>,
        %mul3A_442 = arith.mulf %get3A_441, %gather3A : vector<16xf32>
        %add3A_443 = arith.constant 0 : i32
        %add3A_444 = arith.addi %mul3A_196, %add3A_443 : i32
        %swap3A_445 = arith.index_cast %add3A_444 : i32 to index
        %swap3A_446 = arith.constant 80 : index
        %swap3A_447 = tpu.vector_load %arg11[%swap3A_445, %swap3A_446] {strides = array<i32>} : memref<128x128xf32, #tpu.memory_space<vmem>>, vector<16xf32>,
        tpu.vector_store %arg11[%swap3A_445, %swap3A_446], %mul3A_442 {strides = array<i32>} : memref<128x128xf32, #tpu.memory_space<vmem>>, vector<16xf32>,
        %add3A_448 = arith.constant 1 : i32
        %add3A_449 = arith.addi %mul3A_196, %add3A_448 : i32
        %get3A_450 = arith.index_cast %add3A_449 : i32 to index
        %get3A_451 = arith.constant 80 : index
        %get3A_452 = tpu.vector_load %arg11[%get3A_450, %get3A_451] {strides = array<i32>} : memref<128x128xf32, #tpu.memory_space<vmem>>, vector<16xf32>,
        %mul3A_453 = arith.mulf %get3A_452, %gather3A_206 : vector<16xf32>
        %add3A_454 = arith.constant 1 : i32
        %add3A_455 = arith.addi %mul3A_196, %add3A_454 : i32
        %swap3A_456 = arith.index_cast %add3A_455 : i32 to index
        %swap3A_457 = arith.constant 80 : index
        %swap3A_458 = tpu.vector_load %arg11[%swap3A_456, %swap3A_457] {strides = array<i32>} : memref<128x128xf32, #tpu.memory_space<vmem>>, vector<16xf32>,
        tpu.vector_store %arg11[%swap3A_456, %swap3A_457], %mul3A_453 {strides = array<i32>} : memref<128x128xf32, #tpu.memory_space<vmem>>, vector<16xf32>,
        %add3A_459 = arith.constant 2 : i32
        %add3A_460 = arith.addi %mul3A_196, %add3A_459 : i32
        %get3A_461 = arith.index_cast %add3A_460 : i32 to index
        %get3A_462 = arith.constant 80 : index
        %get3A_463 = tpu.vector_load %arg11[%get3A_461, %get3A_462] {strides = array<i32>} : memref<128x128xf32, #tpu.memory_space<vmem>>, vector<16xf32>,
        %mul3A_464 = arith.mulf %get3A_463, %gather3A_212 : vector<16xf32>
        %add3A_465 = arith.constant 2 : i32
        %add3A_466 = arith.addi %mul3A_196, %add3A_465 : i32
        %swap3A_467 = arith.index_cast %add3A_466 : i32 to index
        %swap3A_468 = arith.constant 80 : index
        %swap3A_469 = tpu.vector_load %arg11[%swap3A_467, %swap3A_468] {strides = array<i32>} : memref<128x128xf32, #tpu.memory_space<vmem>>, vector<16xf32>,
        tpu.vector_store %arg11[%swap3A_467, %swap3A_468], %mul3A_464 {strides = array<i32>} : memref<128x128xf32, #tpu.memory_space<vmem>>, vector<16xf32>,
        %add3A_470 = arith.constant 3 : i32
        %add3A_471 = arith.addi %mul3A_196, %add3A_470 : i32
        %get3A_472 = arith.index_cast %add3A_471 : i32 to index
        %get3A_473 = arith.constant 80 : index
        %get3A_474 = tpu.vector_load %arg11[%get3A_472, %get3A_473] {strides = array<i32>} : memref<128x128xf32, #tpu.memory_space<vmem>>, vector<16xf32>,
        %mul3A_475 = arith.mulf %get3A_474, %gather3A_218 : vector<16xf32>
        %add3A_476 = arith.constant 3 : i32
        %add3A_477 = arith.addi %mul3A_196, %add3A_476 : i32
        %swap3A_478 = arith.index_cast %add3A_477 : i32 to index
        %swap3A_479 = arith.constant 80 : index
        %swap3A_480 = tpu.vector_load %arg11[%swap3A_478, %swap3A_479] {strides = array<i32>} : memref<128x128xf32, #tpu.memory_space<vmem>>, vector<16xf32>,
        tpu.vector_store %arg11[%swap3A_478, %swap3A_479], %mul3A_475 {strides = array<i32>} : memref<128x128xf32, #tpu.memory_space<vmem>>, vector<16xf32>,
        %add3A_481 = arith.constant 0 : i32
        %add3A_482 = arith.addi %mul3A_196, %add3A_481 : i32
        %get3A_483 = arith.index_cast %add3A_482 : i32 to index
        %get3A_484 = arith.constant 96 : index
        %get3A_485 = tpu.vector_load %arg11[%get3A_483, %get3A_484] {strides = array<i32>} : memref<128x128xf32, #tpu.memory_space<vmem>>, vector<16xf32>,
        %mul3A_486 = arith.mulf %get3A_485, %gather3A : vector<16xf32>
        %add3A_487 = arith.constant 0 : i32
        %add3A_488 = arith.addi %mul3A_196, %add3A_487 : i32
        %swap3A_489 = arith.index_cast %add3A_488 : i32 to index
        %swap3A_490 = arith.constant 96 : index
        %swap3A_491 = tpu.vector_load %arg11[%swap3A_489, %swap3A_490] {strides = array<i32>} : memref<128x128xf32, #tpu.memory_space<vmem>>, vector<16xf32>,
        tpu.vector_store %arg11[%swap3A_489, %swap3A_490], %mul3A_486 {strides = array<i32>} : memref<128x128xf32, #tpu.memory_space<vmem>>, vector<16xf32>,
        %add3A_492 = arith.constant 1 : i32
        %add3A_493 = arith.addi %mul3A_196, %add3A_492 : i32
        %get3A_494 = arith.index_cast %add3A_493 : i32 to index
        %get3A_495 = arith.constant 96 : index
        %get3A_496 = tpu.vector_load %arg11[%get3A_494, %get3A_495] {strides = array<i32>} : memref<128x128xf32, #tpu.memory_space<vmem>>, vector<16xf32>,
        %mul3A_497 = arith.mulf %get3A_496, %gather3A_206 : vector<16xf32>
        %add3A_498 = arith.constant 1 : i32
        %add3A_499 = arith.addi %mul3A_196, %add3A_498 : i32
        %swap3A_500 = arith.index_cast %add3A_499 : i32 to index
        %swap3A_501 = arith.constant 96 : index
        %swap3A_502 = tpu.vector_load %arg11[%swap3A_500, %swap3A_501] {strides = array<i32>} : memref<128x128xf32, #tpu.memory_space<vmem>>, vector<16xf32>,
        tpu.vector_store %arg11[%swap3A_500, %swap3A_501], %mul3A_497 {strides = array<i32>} : memref<128x128xf32, #tpu.memory_space<vmem>>, vector<16xf32>,
        %add3A_503 = arith.constant 2 : i32
        %add3A_504 = arith.addi %mul3A_196, %add3A_503 : i32
        %get3A_505 = arith.index_cast %add3A_504 : i32 to index
        %get3A_506 = arith.constant 96 : index
        %get3A_507 = tpu.vector_load %arg11[%get3A_505, %get3A_506] {strides = array<i32>} : memref<128x128xf32, #tpu.memory_space<vmem>>, vector<16xf32>,
        %mul3A_508 = arith.mulf %get3A_507, %gather3A_212 : vector<16xf32>
        %add3A_509 = arith.constant 2 : i32
        %add3A_510 = arith.addi %mul3A_196, %add3A_509 : i32
        %swap3A_511 = arith.index_cast %add3A_510 : i32 to index
        %swap3A_512 = arith.constant 96 : index
        %swap3A_513 = tpu.vector_load %arg11[%swap3A_511, %swap3A_512] {strides = array<i32>} : memref<128x128xf32, #tpu.memory_space<vmem>>, vector<16xf32>,
        tpu.vector_store %arg11[%swap3A_511, %swap3A_512], %mul3A_508 {strides = array<i32>} : memref<128x128xf32, #tpu.memory_space<vmem>>, vector<16xf32>,
        %add3A_514 = arith.constant 3 : i32
        %add3A_515 = arith.addi %mul3A_196, %add3A_514 : i32
        %get3A_516 = arith.index_cast %add3A_515 : i32 to index
        %get3A_517 = arith.constant 96 : index
        %get3A_518 = tpu.vector_load %arg11[%get3A_516, %get3A_517] {strides = array<i32>} : memref<128x128xf32, #tpu.memory_space<vmem>>, vector<16xf32>,
        %mul3A_519 = arith.mulf %get3A_518, %gather3A_218 : vector<16xf32>
        %add3A_520 = arith.constant 3 : i32
        %add3A_521 = arith.addi %mul3A_196, %add3A_520 : i32
        %swap3A_522 = arith.index_cast %add3A_521 : i32 to index
        %swap3A_523 = arith.constant 96 : index
        %swap3A_524 = tpu.vector_load %arg11[%swap3A_522, %swap3A_523] {strides = array<i32>} : memref<128x128xf32, #tpu.memory_space<vmem>>, vector<16xf32>,
        tpu.vector_store %arg11[%swap3A_522, %swap3A_523], %mul3A_519 {strides = array<i32>} : memref<128x128xf32, #tpu.memory_space<vmem>>, vector<16xf32>,
        %add3A_525 = arith.constant 0 : i32
        %add3A_526 = arith.addi %mul3A_196, %add3A_525 : i32
        %get3A_527 = arith.index_cast %add3A_526 : i32 to index
        %get3A_528 = arith.constant 112 : index
        %get3A_529 = tpu.vector_load %arg11[%get3A_527, %get3A_528] {strides = array<i32>} : memref<128x128xf32, #tpu.memory_space<vmem>>, vector<16xf32>,
        %mul3A_530 = arith.mulf %get3A_529, %gather3A : vector<16xf32>
        %add3A_531 = arith.constant 0 : i32
        %add3A_532 = arith.addi %mul3A_196, %add3A_531 : i32
        %swap3A_533 = arith.index_cast %add3A_532 : i32 to index
        %swap3A_534 = arith.constant 112 : index
        %swap3A_535 = tpu.vector_load %arg11[%swap3A_533, %swap3A_534] {strides = array<i32>} : memref<128x128xf32, #tpu.memory_space<vmem>>, vector<16xf32>,
        tpu.vector_store %arg11[%swap3A_533, %swap3A_534], %mul3A_530 {strides = array<i32>} : memref<128x128xf32, #tpu.memory_space<vmem>>, vector<16xf32>,
        %add3A_536 = arith.constant 1 : i32
        %add3A_537 = arith.addi %mul3A_196, %add3A_536 : i32
        %get3A_538 = arith.index_cast %add3A_537 : i32 to index
        %get3A_539 = arith.constant 112 : index
        %get3A_540 = tpu.vector_load %arg11[%get3A_538, %get3A_539] {strides = array<i32>} : memref<128x128xf32, #tpu.memory_space<vmem>>, vector<16xf32>,
        %mul3A_541 = arith.mulf %get3A_540, %gather3A_206 : vector<16xf32>
        %add3A_542 = arith.constant 1 : i32
        %add3A_543 = arith.addi %mul3A_196, %add3A_542 : i32
        %swap3A_544 = arith.index_cast %add3A_543 : i32 to index
        %swap3A_545 = arith.constant 112 : index
        %swap3A_546 = tpu.vector_load %arg11[%swap3A_544, %swap3A_545] {strides = array<i32>} : memref<128x128xf32, #tpu.memory_space<vmem>>, vector<16xf32>,
        tpu.vector_store %arg11[%swap3A_544, %swap3A_545], %mul3A_541 {strides = array<i32>} : memref<128x128xf32, #tpu.memory_space<vmem>>, vector<16xf32>,
        %add3A_547 = arith.constant 2 : i32
        %add3A_548 = arith.addi %mul3A_196, %add3A_547 : i32
        %get3A_549 = arith.index_cast %add3A_548 : i32 to index
        %get3A_550 = arith.constant 112 : index
        %get3A_551 = tpu.vector_load %arg11[%get3A_549, %get3A_550] {strides = array<i32>} : memref<128x128xf32, #tpu.memory_space<vmem>>, vector<16xf32>,
        %mul3A_552 = arith.mulf %get3A_551, %gather3A_212 : vector<16xf32>
        %add3A_553 = arith.constant 2 : i32
        %add3A_554 = arith.addi %mul3A_196, %add3A_553 : i32
        %swap3A_555 = arith.index_cast %add3A_554 : i32 to index
        %swap3A_556 = arith.constant 112 : index
        %swap3A_557 = tpu.vector_load %arg11[%swap3A_555, %swap3A_556] {strides = array<i32>} : memref<128x128xf32, #tpu.memory_space<vmem>>, vector<16xf32>,
        tpu.vector_store %arg11[%swap3A_555, %swap3A_556], %mul3A_552 {strides = array<i32>} : memref<128x128xf32, #tpu.memory_space<vmem>>, vector<16xf32>,
        %add3A_558 = arith.constant 3 : i32
        %add3A_559 = arith.addi %mul3A_196, %add3A_558 : i32
        %get3A_560 = arith.index_cast %add3A_559 : i32 to index
        %get3A_561 = arith.constant 112 : index
        %get3A_562 = tpu.vector_load %arg11[%get3A_560, %get3A_561] {strides = array<i32>} : memref<128x128xf32, #tpu.memory_space<vmem>>, vector<16xf32>,
        %mul3A_563 = arith.mulf %get3A_562, %gather3A_218 : vector<16xf32>
        %add3A_564 = arith.constant 3 : i32
        %add3A_565 = arith.addi %mul3A_196, %add3A_564 : i32
        %swap3A_566 = arith.index_cast %add3A_565 : i32 to index
        %swap3A_567 = arith.constant 112 : index
        %swap3A_568 = tpu.vector_load %arg11[%swap3A_566, %swap3A_567] {strides = array<i32>} : memref<128x128xf32, #tpu.memory_space<vmem>>, vector<16xf32>,
        tpu.vector_store %arg11[%swap3A_566, %swap3A_567], %mul3A_563 {strides = array<i32>} : memref<128x128xf32, #tpu.memory_space<vmem>>, vector<16xf32>,
      }
      %scan3A_186 = arith.constant 32 : i32
      %dma_start3A_187 = arith.constant 1 : i32
      %dma_start3A_188 = arith.constant 0 : i32
      %dma_start3A_189 = tpu.memref_slice %arg8[%dma_start3A_187, %dma_start3A_188] : memref<2x128xi32, #tpu.memory_space<vmem>> -> memref<1x128xi32, #tpu.memory_space<vmem>>
      %dma_start3A_190 = tpu.memref_squeeze %dma_start3A_189 : memref<1x128xi32, #tpu.memory_space<vmem>> -> memref<128xi32, #tpu.memory_space<vmem>>
      %dma_start3A_191 = arith.constant 0 : i32
      %dma_start3A_192 = arith.constant 0 : i32
      %dma_start3A_193 = tpu.memref_slice %arg12[%dma_start3A_191, %dma_start3A_192] : memref<10240x128xf32, #tpu.memory_space<vmem_shared>> -> memref<10240x128xf32, #tpu.memory_space<vmem_shared>>
      tpu.enqueue_indirect_dma source(%arg11 : memref<128x128xf32, #tpu.memory_space<vmem>>) target(%dma_start3A_193 : memref<10240x128xf32, #tpu.memory_space<vmem_shared>>) offsets(%dma_start3A_190 : memref<128xi32, #tpu.memory_space<vmem>>) semaphore(%arg16 : memref<!tpu.dma_semaphore, #tpu.memory_space<semaphore_mem>>) {add = true}
    }
    %scan3A_65 = arith.constant 40 : i32
    %dma_wait3A = arith.constant 0 : i32
    %dma_wait3A_66 = arith.constant 0 : i32
    %dma_wait3A_67 = tpu.memref_slice %arg8[%dma_wait3A, %dma_wait3A_66] : memref<2x128xi32, #tpu.memory_space<vmem>> -> memref<1x128xi32, #tpu.memory_space<vmem>>
    %dma_wait3A_68 = tpu.memref_squeeze %dma_wait3A_67 : memref<1x128xi32, #tpu.memory_space<vmem>> -> memref<128xi32, #tpu.memory_space<vmem>>
    %dma_wait3A_69 = arith.constant 0 : i32
    %dma_wait3A_70 = arith.constant 0 : i32
    %dma_wait3A_71 = tpu.memref_slice %arg12[%dma_wait3A_69, %dma_wait3A_70] : memref<10240x128xf32, #tpu.memory_space<vmem_shared>> -> memref<10240x128xf32, #tpu.memory_space<vmem_shared>>
    tpu.wait_indirect_dma semaphore(%arg15 : memref<!tpu.dma_semaphore, #tpu.memory_space<semaphore_mem>>) src(%arg10 : memref<128x128xf32, #tpu.memory_space<vmem>>) dst(%dma_wait3A_71 : memref<10240x128xf32, #tpu.memory_space<vmem_shared>>)
    %dma_wait3A_72 = arith.constant 1 : i32
    %dma_wait3A_73 = arith.constant 0 : i32
    %dma_wait3A_74 = tpu.memref_slice %arg8[%dma_wait3A_72, %dma_wait3A_73] : memref<2x128xi32, #tpu.memory_space<vmem>> -> memref<1x128xi32, #tpu.memory_space<vmem>>
    %dma_wait3A_75 = tpu.memref_squeeze %dma_wait3A_74 : memref<1x128xi32, #tpu.memory_space<vmem>> -> memref<128xi32, #tpu.memory_space<vmem>>
    %dma_wait3A_76 = arith.constant 0 : i32
    %dma_wait3A_77 = arith.constant 0 : i32
    %dma_wait3A_78 = tpu.memref_slice %arg12[%dma_wait3A_76, %dma_wait3A_77] : memref<10240x128xf32, #tpu.memory_space<vmem_shared>> -> memref<10240x128xf32, #tpu.memory_space<vmem_shared>>
    tpu.wait_indirect_dma semaphore(%arg16 : memref<!tpu.dma_semaphore, #tpu.memory_space<semaphore_mem>>) src(%arg11 : memref<128x128xf32, #tpu.memory_space<vmem>>) dst(%dma_wait3A_78 : memref<10240x128xf32, #tpu.memory_space<vmem_shared>>)
    %barrier3A_79 = arith.constant 0 : index
    tpu.barrier barrier_id(%barrier3A_79)
    %mul3A_80 = arith.constant 640 : i32
    %mul3A_81 = arith.muli %arg1, %mul3A_80 : i32
    %mul3A_82 = arith.constant 640 : i32
    %mul3A_83 = arith.muli %arg1, %mul3A_82 : i32
    "tpu.region"() ({
      %run_scoped3A = tpu.sem_alloc : memref<!tpu.dma_semaphore, #tpu.memory_space<semaphore_mem>>
      %dma_start3A_84 = arith.constant 0 : i32
      %dma_start3A_85 = tpu.memref_slice %arg6[%arg0, %mul3A_83, %dma_start3A_84] : memref<2x10240x128xf32, #tpu.memory_space<hbm>> -> memref<1x640x128xf32, #tpu.memory_space<hbm>>
      %dma_start3A_86 = tpu.memref_squeeze %dma_start3A_85 : memref<1x640x128xf32, #tpu.memory_space<hbm>> -> memref<640x128xf32, #tpu.memory_space<hbm>>
      %dma_start3A_87 = arith.constant 0 : i32
      %dma_start3A_88 = tpu.memref_slice %arg12[%mul3A_81, %dma_start3A_87] : memref<10240x128xf32, #tpu.memory_space<vmem_shared>> -> memref<640x128xf32, #tpu.memory_space<vmem_shared>>
      tpu.enqueue_dma source(%dma_start3A_88 : memref<640x128xf32, #tpu.memory_space<vmem_shared>>) target(%dma_start3A_86 : memref<640x128xf32, #tpu.memory_space<hbm>>) target_semaphore(%run_scoped3A : memref<!tpu.dma_semaphore, #tpu.memory_space<semaphore_mem>>)
      %dma_wait3A_89 = arith.constant 0 : i32
      %dma_wait3A_90 = tpu.memref_slice %arg6[%arg0, %mul3A_83, %dma_wait3A_89] : memref<2x10240x128xf32, #tpu.memory_space<hbm>> -> memref<1x640x128xf32, #tpu.memory_space<hbm>>
      %dma_wait3A_91 = tpu.memref_squeeze %dma_wait3A_90 : memref<1x640x128xf32, #tpu.memory_space<hbm>> -> memref<640x128xf32, #tpu.memory_space<hbm>>
      %dma_wait3A_92 = arith.constant 0 : i32
      %dma_wait3A_93 = tpu.memref_slice %arg12[%mul3A_81, %dma_wait3A_92] : memref<10240x128xf32, #tpu.memory_space<vmem_shared>> -> memref<640x128xf32, #tpu.memory_space<vmem_shared>>
      tpu.wait_dma2 semaphore(%run_scoped3A : memref<!tpu.dma_semaphore, #tpu.memory_space<semaphore_mem>>) src(%dma_wait3A_93 : memref<640x128xf32, #tpu.memory_space<vmem_shared>>) dst(%dma_wait3A_91 : memref<640x128xf32, #tpu.memory_space<hbm>>)
      tpu.yield
    }) : () -> ()
    return
  }
}

module attributes {stable_mosaic.version = 14 : i64} {
  func.func @_mm_body(%arg0: i32, %arg1: memref<1000x128xf32, #tpu.memory_space<vmem>>, %arg2: memref<128x128xf32, #tpu.memory_space<vmem>>, %arg3: memref<1000x128xf32, #tpu.memory_space<vmem>>) attributes {dimension_semantics = [#tpu.dimension_semantics<arbitrary>], iteration_bounds = array<i64: 10>, scalar_prefetch = 0 : i64, scratch_operands = 0 : i64, tpu.core_type = #tpu.core_type<tc>, window_params = [{transform_indices = @transform_0, window_bounds = array<i64: 1000, 128>}, {pipeline_mode = #tpu.pipeline_mode<synchronous>, transform_indices = @transform_1, window_bounds = array<i64: 128, 128>}, {transform_indices = @transform_2, window_bounds = array<i64: 1000, 128>}]} {
    %get3A = arith.constant 0 : index
    %get3A_0 = arith.constant 0 : index
    %get3A_1 = vector.load %arg1[%get3A, %get3A_0] : memref<1000x128xf32, #tpu.memory_space<vmem>>, vector<1000x128xf32>
    %get3A_2 = arith.constant 0 : index
    %get3A_3 = arith.constant 0 : index
    %get3A_4 = vector.load %arg2[%get3A_2, %get3A_3] : memref<128x128xf32, #tpu.memory_space<vmem>>, vector<128x128xf32>
    %dot_general3A = arith.constant dense<0.000000e+00> : vector<1000x128xf32>
    %dot_general3A_5 = tpu.matmul %get3A_1, %get3A_4, %dot_general3A {dimension_numbers = #tpu.dot_dimension_numbers<[1], [1], [0], [0], [0, 0, 1, 0], [], []>, transpose_lhs_hint = false} : vector<1000x128xf32>, vector<128x128xf32>, vector<1000x128xf32> -> vector<1000x128xf32>
    %swap3A = arith.constant 0 : index
    %swap3A_6 = arith.constant 0 : index
    %swap3A_7 = vector.load %arg3[%swap3A, %swap3A_6] : memref<1000x128xf32, #tpu.memory_space<vmem>>, vector<1000x128xf32>
    tpu.vector_store %arg3[%swap3A, %swap3A_6], %dot_general3A_5 {strides = array<i32>} : memref<1000x128xf32, #tpu.memory_space<vmem>>, vector<1000x128xf32>,
    return
  }
  func.func @transform_0(%arg0: i32) -> (i32, i32) {
    %c0_i32 = arith.constant 0 : i32
    %c0_i32_0 = arith.constant 0 : i32
    return %arg0, %c0_i32 : i32, i32
  }
  func.func @transform_1(%arg0: i32) -> (i32, i32) {
    %c0_i32 = arith.constant 0 : i32
    %c0_i32_0 = arith.constant 0 : i32
    %c0_i32_1 = arith.constant 0 : i32
    return %c0_i32, %c0_i32_0 : i32, i32
  }
  func.func @transform_2(%arg0: i32) -> (i32, i32) {
    %c0_i32 = arith.constant 0 : i32
    %c0_i32_0 = arith.constant 0 : i32
    return %arg0, %c0_i32 : i32, i32
  }
}

module attributes {stable_mosaic.version = 14 : i64} {
  func.func @_logsoftmax_body(%arg0: i32, %arg1: memref<2x1000x128xf32, #tpu.memory_space<vmem>>, %arg2: memref<1000x128xf32, #tpu.memory_space<vmem>>) attributes {dimension_semantics = [#tpu.dimension_semantics<arbitrary>], iteration_bounds = array<i64: 10>, scalar_prefetch = 0 : i64, scratch_operands = 0 : i64, tpu.core_type = #tpu.core_type<tc>, window_params = [{transform_indices = @transform_0, window_bounds = array<i64: 2, 1000, 128>}, {transform_indices = @transform_1, window_bounds = array<i64: 1000, 128>}]} {
    %get3A = arith.constant 0 : index
    %get3A_0 = arith.constant 0 : index
    %get3A_1 = arith.constant 0 : index
    %get3A_2 = vector.load %arg1[%get3A, %get3A_0, %get3A_1] : memref<2x1000x128xf32, #tpu.memory_space<vmem>>, vector<1x1000x128xf32>
    %get3A_3 = vector.shape_cast %get3A_2 : vector<1x1000x128xf32> to vector<1000x128xf32>
    %get3A_4 = arith.constant 1 : index
    %get3A_5 = arith.constant 0 : index
    %get3A_6 = arith.constant 0 : index
    %get3A_7 = vector.load %arg1[%get3A_4, %get3A_5, %get3A_6] : memref<2x1000x128xf32, #tpu.memory_space<vmem>>, vector<1x1000x128xf32>
    %get3A_8 = vector.shape_cast %get3A_7 : vector<1x1000x128xf32> to vector<1000x128xf32>
    %add3A = arith.addf %get3A_3, %get3A_8 : vector<1000x128xf32>
    %reduce_max3A = arith.constant dense<0xFF800000> : vector<1000xf32>
    %reduce_max3A_9 = vector.multi_reduction <maximumf>, %add3A, %reduce_max3A [1] : vector<1000x128xf32> to vector<1000xf32>
    %broadcast_in_dim3A = vector.shape_cast %reduce_max3A_9 : vector<1000xf32> to vector<1000x1xf32>
    %sub3A = vector.broadcast %broadcast_in_dim3A : vector<1000x1xf32> to vector<1000x128xf32>
    %sub3A_10 = arith.subf %add3A, %sub3A : vector<1000x128xf32>
    %exp3A = math.exp %sub3A_10 : vector<1000x128xf32>
    %reduce_sum3A = arith.constant dense<0.000000e+00> : vector<1000xf32>
    %reduce_sum3A_11 = vector.multi_reduction <add>, %exp3A, %reduce_sum3A [1] : vector<1000x128xf32> to vector<1000xf32>
    %broadcast_in_dim3A_12 = vector.shape_cast %reduce_sum3A_11 : vector<1000xf32> to vector<1000x1xf32>
    %sub3A_13 = vector.broadcast %broadcast_in_dim3A : vector<1000x1xf32> to vector<1000x128xf32>
    %sub3A_14 = arith.subf %add3A, %sub3A_13 : vector<1000x128xf32>
    %log3A = math.log %broadcast_in_dim3A_12 : vector<1000x1xf32>
    %sub3A_15 = vector.broadcast %log3A : vector<1000x1xf32> to vector<1000x128xf32>
    %sub3A_16 = arith.subf %sub3A_14, %sub3A_15 : vector<1000x128xf32>
    %swap3A = arith.constant 0 : index
    %swap3A_17 = arith.constant 0 : index
    %swap3A_18 = vector.load %arg2[%swap3A, %swap3A_17] : memref<1000x128xf32, #tpu.memory_space<vmem>>, vector<1000x128xf32>
    tpu.vector_store %arg2[%swap3A, %swap3A_17], %sub3A_16 {strides = array<i32>} : memref<1000x128xf32, #tpu.memory_space<vmem>>, vector<1000x128xf32>,
    return
  }
  func.func @transform_0(%arg0: i32) -> (i32, i32, i32) {
    %c0_i32 = arith.constant 0 : i32
    %c0_i32_0 = arith.constant 0 : i32
    %c0_i32_1 = arith.constant 0 : i32
    return %c0_i32, %arg0, %c0_i32_0 : i32, i32, i32
  }
  func.func @transform_1(%arg0: i32) -> (i32, i32) {
    %c0_i32 = arith.constant 0 : i32
    %c0_i32_0 = arith.constant 0 : i32
    return %arg0, %c0_i32 : i32, i32
  }
}

module attributes {stable_mosaic.version = 14 : i64} {
  func.func @_relu_mm_body(%arg0: i32, %arg1: memref<2x1000x128xf32, #tpu.memory_space<vmem>>, %arg2: memref<128x128xf32, #tpu.memory_space<vmem>>, %arg3: memref<1000x128xf32, #tpu.memory_space<vmem>>) attributes {dimension_semantics = [#tpu.dimension_semantics<arbitrary>], iteration_bounds = array<i64: 10>, scalar_prefetch = 0 : i64, scratch_operands = 0 : i64, tpu.core_type = #tpu.core_type<tc>, window_params = [{transform_indices = @transform_0, window_bounds = array<i64: 2, 1000, 128>}, {pipeline_mode = #tpu.pipeline_mode<synchronous>, transform_indices = @transform_1, window_bounds = array<i64: 128, 128>}, {transform_indices = @transform_2, window_bounds = array<i64: 1000, 128>}]} {
    %get3A = arith.constant 0 : index
    %get3A_0 = arith.constant 0 : index
    %get3A_1 = arith.constant 0 : index
    %get3A_2 = vector.load %arg1[%get3A, %get3A_0, %get3A_1] : memref<2x1000x128xf32, #tpu.memory_space<vmem>>, vector<1x1000x128xf32>
    %get3A_3 = vector.shape_cast %get3A_2 : vector<1x1000x128xf32> to vector<1000x128xf32>
    %get3A_4 = arith.constant 1 : index
    %get3A_5 = arith.constant 0 : index
    %get3A_6 = arith.constant 0 : index
    %get3A_7 = vector.load %arg1[%get3A_4, %get3A_5, %get3A_6] : memref<2x1000x128xf32, #tpu.memory_space<vmem>>, vector<1x1000x128xf32>
    %get3A_8 = vector.shape_cast %get3A_7 : vector<1x1000x128xf32> to vector<1000x128xf32>
    %add3A = arith.addf %get3A_3, %get3A_8 : vector<1000x128xf32>
    %max3A = arith.constant 0.000000e+00 : f32
    %max3A_9 = vector.broadcast %max3A : f32 to vector<1000x128xf32>
    %max3A_10 = arith.maximumf %add3A, %max3A_9 : vector<1000x128xf32>
    %get3A_11 = arith.constant 0 : index
    %get3A_12 = arith.constant 0 : index
    %get3A_13 = vector.load %arg2[%get3A_11, %get3A_12] : memref<128x128xf32, #tpu.memory_space<vmem>>, vector<128x128xf32>
    %dot_general3A = arith.constant dense<0.000000e+00> : vector<1000x128xf32>
    %dot_general3A_14 = tpu.matmul %max3A_10, %get3A_13, %dot_general3A {dimension_numbers = #tpu.dot_dimension_numbers<[1], [1], [0], [0], [0, 0, 1, 0], [], []>, transpose_lhs_hint = false} : vector<1000x128xf32>, vector<128x128xf32>, vector<1000x128xf32> -> vector<1000x128xf32>
    %swap3A = arith.constant 0 : index
    %swap3A_15 = arith.constant 0 : index
    %swap3A_16 = vector.load %arg3[%swap3A, %swap3A_15] : memref<1000x128xf32, #tpu.memory_space<vmem>>, vector<1000x128xf32>
    tpu.vector_store %arg3[%swap3A, %swap3A_15], %dot_general3A_14 {strides = array<i32>} : memref<1000x128xf32, #tpu.memory_space<vmem>>, vector<1000x128xf32>,
    return
  }
  func.func @transform_0(%arg0: i32) -> (i32, i32, i32) {
    %c0_i32 = arith.constant 0 : i32
    %c0_i32_0 = arith.constant 0 : i32
    %c0_i32_1 = arith.constant 0 : i32
    return %c0_i32, %arg0, %c0_i32_0 : i32, i32, i32
  }
  func.func @transform_1(%arg0: i32) -> (i32, i32) {
    %c0_i32 = arith.constant 0 : i32
    %c0_i32_0 = arith.constant 0 : i32
    %c0_i32_1 = arith.constant 0 : i32
    return %c0_i32, %c0_i32_0 : i32, i32
  }
  func.func @transform_2(%arg0: i32) -> (i32, i32) {
    %c0_i32 = arith.constant 0 : i32
    %c0_i32_0 = arith.constant 0 : i32
    return %arg0, %c0_i32 : i32, i32
  }
}

</mosaic_0001>

<sc_bundles>
// kernel: kernel.12.cloned.1.call-start
scs
__scs_entry_jumppad:
0x0: {  	(pc) =	sbr.rel $0x88, $3  }
0x1: {  	(tag) =	ssettag $0x0;
	lr =	simm.s32 $0x1  }
0x2: {  	[smem:$0x3F9B] =	sst lr;
	_ =	strace $0xD0000000  }
0x3: {  	_ = 	snop  }
0x4: {  	_ = 	snop  }
0x5: {  	_ = 	snop  }
0x6: {  	_ = 	snop  }
0x7: {  	_ = 	snop  }
__scs_overlays_trampoline_lowered:
0x8: {  	[smem:$0x3FAA] =	sst s0  }
0x9: {  	[smem:$0x3FAB] =	sst s1  }
0xa: {  	[smem:$0x3FAC] =	sst s2  }
0xb: {  	[smem:$0x3FAD] =	sst s3  }
0xc: {  	[smem:$0x3FAE] =	sst s4  }
0xd: {  	[smem:$0x3FAF] =	sst s5  }
0xe: {  	[smem:$0x3FB0] =	sst s6  }
0xf: {  	[smem:$0x3FB1] =	sst s7  }
0x10: {  	[smem:$0x3FB2] =	sst s8  }
0x11: {  	[smem:$0x3FB3] =	sst s9;
	s0 =	simm.s32 @!p0 $0x0  }
0x12: {  	s1 =	sld [smem:$0x3F99];
	s0 =	simm.s32 @p0 $0x1  }
0x13: {  	[smem:$0x3FB4] =	sst s0;
	s0 =	simm.s32 @!p1 $0x0  }
0x14: {  	s2 =	sld [smem:$0x3F98];
	s0 =	simm.s32 @p1 $0x1  }
0x15: {  	[smem:$0x3FB5] =	sst s0;
	s0 =	simm.s32 @!p2 $0x0  }
0x16: {  	s3 =	sld [smem:$0x3FDB];
	s0 =	simm.s32 @p2 $0x1  }
0x17: {  	s4 =	simm.s32 $0x1BF5;
	[smem:$0x3FB7] =	sst s0  }
0x18: {  	s0 =	sld [smem:$0x3F9A];
	_ =	swait.ge [sflag:s4], $0x0  }
0x19: {  	s7 =	sld [smem:$0x3F9B]  }
0x1a: {  	s8 =	sadd.s32 $0xFFFFE003, lr  }
0x1b: {  	s9 =	sadd.s32 $0xFFFFFEF7, lr;
	s5 =	simm.s32 $0xFFFFFFFF;
	p2 =	slt.u32 s8, $0xFFFFF086  }
0x1c: {  	p1 =	slt.u32 s9, $0xF7A;
	s5 =	simm.s32 @!p2 $0x0  }
0x1d: {  	s5 =	simm.s32 @p1 $0x1;
	p0 =	seq.s32 s7, s2  }
0x1e: {  	s7 =	smul.u32 @!p0 $0xF7A, s2;
	p2 =	seq.s32 @!p0 s5, $0x0  }
0x1f: {  	s9 =	smul.u32 $0xF7A, s1;
	s8 =	simm.s32 @!p0 $0x1BF5;
	p2 =	por !p2, p0  }
0x20: {  	[sflag:s8] =	ssyncset.s32 @!p0 $0xFFFFF086;
	s6 =	sadd.s32 @!p0 s3, s7;
	s7 =	simm.s32 @!p0 $0x108  }
0x21: {  	s3 =	sadd.s32 s3, s9;
	s6 =	sadd.s32 @!p0 $0x88, s6;
	s7 =	simm.s32 @p2 $0x1082  }
0x22: {  	[simem:s7], [sflag:s8] =	dma.local @!p0 [hbm:s6], $0xF7A  }
0x23: {  	s9 =	sor.u32 $0xD0000000, s2;
	s6 =	simm.s32 $0x108;
	_ =	swait.ge @!p0 [sflag:s8], $0x0  }
0x24: {  	s3 =	sadd.s32 $0x88, s3;
	s6 =	simm.s32 @!p1 $0x1082;
	[sflag:s4] =	ssyncset.s32 $0xFFFFF086  }
0x25: {  	[simem:s6], [sflag:s4] =	dma.local [hbm:s3], $0xF7A  }
0x26: {  	[smem:$0x3F9B] =	sst s1;
	(tag) =	ssettag s2;
	_ =	strace s9  }
0x27: {  	s1 =	sld [smem:$0x3FAB]  }
0x28: {  	s2 =	sld [smem:$0x3FAC]  }
0x29: {  	s4 =	sld [smem:$0x3FAE]  }
0x2a: {  	p0 =	seq.s32 s5, $0x0;
	s5 =	sld [smem:$0x3FAF]  }
0x2b: {  	s6 =	sld [smem:$0x3FB0]  }
0x2c: {  	s7 =	sld [smem:$0x3FB1]  }
0x2d: {  	s3 =	simm.s32 $0x108;
	s8 =	sld [smem:$0x3FB2]  }
0x2e: {  	s3 =	simm.s32 @!p0 $0x1082;
	s9 =	sld [smem:$0x3FB3]  }
0x2f: {  	lr =	sadd.s32 s0, s3;
	s0 =	sld [smem:$0x3FAA]  }
0x30: {  	s3 =	sld [smem:$0x3FAD]  }
0x31: {  	[smem:$0x3FB6] =	sst s10  }
0x32: {  	s10 =	sld [smem:$0x3FB4];
	_ =	sdelay $0x3  }
0x33: {  	p0 =	seq.s32 s10, $0x1;
	s10 =	sld [smem:$0x3FB6];
	_ =	sdelay $0x3  }
0x34: {  	[smem:$0x3FB6] =	sst s10  }
0x35: {  	s10 =	sld [smem:$0x3FB5];
	_ =	sdelay $0x3  }
0x36: {  	p1 =	seq.s32 s10, $0x1;
	s10 =	sld [smem:$0x3FB6];
	_ =	sdelay $0x3  }
0x37: {  	[smem:$0x3FB6] =	sst s10  }
0x38: {  	s10 =	sld [smem:$0x3FB7]  }
0x39: {  	_ = 	snop;
	(pc) =	sbr.ind lr, $3  }
0x3a: {  	_ = 	snop  }
0x3b: {  	_ = 	snop  }
0x3c: {  	p2 =	seq.s32 s10, $0x1;
	s10 =	sld [smem:$0x3FB6]  }
0x3d: {  	_ =	shalt  }
0x3e: {  	_ =	shalt  }
0x3f: {  	_ =	shalt  }
0x40: {  	_ =	shalt  }
0x41: {  	_ =	shalt  }
0x42: {  	_ =	shalt  }
0x43: {  	_ =	shalt  }
0x44: {  	_ =	shalt  }
0x45: {  	_ =	shalt  }
0x46: {  	_ =	shalt  }
0x47: {  	_ =	shalt  }
0x48: {  	_ =	shalt  }
0x49: {  	_ =	shalt  }
0x4a: {  	_ =	shalt  }
0x4b: {  	_ =	shalt  }
0x4c: {  	_ =	shalt  }
0x4d: {  	_ =	shalt  }
0x4e: {  	_ =	shalt  }
0x4f: {  	_ =	shalt  }
0x50: {  	_ =	shalt  }
0x51: {  	_ =	shalt  }
0x52: {  	_ =	shalt  }
0x53: {  	_ =	shalt  }
0x54: {  	_ =	shalt  }
0x55: {  	_ =	shalt  }
0x56: {  	_ =	shalt  }
0x57: {  	_ =	shalt  }
0x58: {  	_ =	shalt  }
0x59: {  	_ =	shalt  }
0x5a: {  	_ =	shalt  }
0x5b: {  	_ =	shalt  }
0x5c: {  	_ =	shalt  }
0x5d: {  	_ =	shalt  }
0x5e: {  	_ =	shalt  }
0x5f: {  	_ =	shalt  }
0x60: {  	_ =	shalt  }
0x61: {  	_ =	shalt  }
0x62: {  	_ =	shalt  }
0x63: {  	_ =	shalt  }
0x64: {  	_ =	shalt  }
0x65: {  	_ =	shalt  }
0x66: {  	_ =	shalt  }
0x67: {  	_ =	shalt  }
0x68: {  	_ =	shalt  }
0x69: {  	_ =	shalt  }
0x6a: {  	_ =	shalt  }
0x6b: {  	_ =	shalt  }
0x6c: {  	_ =	shalt  }
0x6d: {  	_ =	shalt  }
0x6e: {  	_ =	shalt  }
0x6f: {  	_ =	shalt  }
0x70: {  	_ =	shalt  }
0x71: {  	_ =	shalt  }
0x72: {  	_ =	shalt  }
0x73: {  	_ =	shalt  }
0x74: {  	_ =	shalt  }
0x75: {  	_ =	shalt  }
0x76: {  	_ =	shalt  }
0x77: {  	_ =	shalt  }
0x78: {  	_ =	shalt  }
0x79: {  	_ =	shalt  }
0x7a: {  	_ =	shalt  }
0x7b: {  	_ =	shalt  }
0x7c: {  	_ =	shalt  }
0x7d: {  	_ =	shalt  }
0x7e: {  	_ =	shalt  }
0x7f: {  	_ =	shalt  }
0x80: {  	_ =	shalt  }
0x81: {  	_ =	shalt  }
0x82: {  	_ =	shalt  }
0x83: {  	_ =	shalt  }
0x84: {  	_ =	shalt  }
0x85: {  	_ =	shalt  }
0x86: {  	_ =	shalt  }
0x87: {  	_ =	shalt  }
.Lfunc_end0:
.L_simem_size_0:
called_computation.1_lowered:
.L_overlay_start_0:
0x88: {  	s2 =	sld [smem:$0x3FD9]  }
0x89: {  	s3 =	sld [smem:$0x3FFE];
	_ =	sdelay $0x1  }
0x8a: {  	s1 =	srdreg.scid  }
0x8b: {  	s0 =	sand.u32 $0x1, s1  }
0x8c: {  	s17 =	sshll.u32 s0, $0xA;
	s2 =	sadd.s32 s3, s2  }
0x8d: {  	s2 =	sadd.s32 s2, s17  }
0x8e: {  	[smem:$0x3FC2] =	sst s2  }
0x8f: {  	_ = 	snop  }
0x90: {  	s2 =	sld [smem:$0x3FD0];
	(tm) =	ssettm $0x1  }
0x91: {  	s18 =	sld [smem:$0x3FFB];
	_ =	sdelay $0x3  }
0x92: {  	_ =	strace s18  }
0x93: {  	s3 =	sld [smem:$0x3FFC];
	_ =	sdelay $0x3  }
0x94: {  	_ =	strace s3  }
0x95: {  	s3 =	sld [smem:$0x3FFD];
	_ =	sdelay $0x3  }
0x96: {  	_ =	strace s3  }
0x97: {  	_ =	strace $0x8FFFFFFF  }
0x98: {  	s19 =	sld [smem:$0x3FDB];
	_ =	sdelay $0x1  }
0x99: {  	s4 =	simm.s32 $_scs_section_size  }
0x9a: {  	s5 =	simm.s32 $_size__tile_overlayer_lowered;
	s6 =	simm.s32 $_tile_overlayer_lowered  }
0x9b: {  	s22 =	simm.s32 $0x1BFF;
	s21 =	sshll.u32 s6, $0x1;
	s3 =	sadd.s32 s4, s19  }
0x9c: {  	s7 =	simm.s32 $0x0;
	s20 =	sshll.u32 s5, $0x1;
	s5 =	sadd.s32 s21, s3  }
0x9d: {  	[timem:s7], [sflag:s22] =	dma.local [hbm:s5], s20  }
0x9e: {  	_ =	swait.ge [sflag:s22], s20  }
0x9f: {  	s4 =	ssub.s32 $0x0, s20;
	[sflag:s22] =	ssyncset.done $0x0  }
0xa0: {  	[sflag:s22] =	ssyncadd.s32 s4;
	_ =	sdelay $0x1  }
0xa1: {  	s23 =	simm.s32 $0x1B8B  }
0xa2: {  	_ =	swait.ge [sflag:s23], $0x1  }
0xa3: {  	[sflag:s23] =	ssyncset.done $0x0  }
0xa4: {  	s25 =	simm.s32 $0x1B8E;
	s24 =	sld [smem:$0x3FFE];
	[sflag:s23] =	ssyncadd.s32 $0xFFFFFFFF  }
0xa5: {  	s26 =	simm.s32 $execute0_lowered;
	[smem:$0x3FD2] =	sst s25  }
0xa6: {  	s5 =	sshll.u32 s26, $0x1;
	_ =	strace $0x80000049;
	[dreg:$0x1] =	wrdreg $0xFFFFFFFF  }
0xa7: {  	s28 =	simm.s32 $_size_execute0_lowered;
	s3 =	sadd.s32 s3, s5;
	[dreg:$0x0] =	wrdreg $0x0  }
0xa8: {  	s5 =	sshll.u32 s28, $0x1;
	[dreg:$0x2] =	wrdreg s3  }
0xa9: {  	[dreg:$0x3] =	wrdreg s5  }
0xaa: {  	[dreg:$0x4] =	wrdreg $0xC0  }
0xab: {  	_ =	task [dreg:s7], $0x5FFFF  }
0xac: {  	[dreg:$0x1] =	wrdreg $0xFFFFFFFF  }
0xad: {  	[dreg:$0x0] =	wrdreg $0x60  }
0xae: {  	[dreg:$0x2] =	wrdreg s2  }
0xaf: {  	[dreg:$0x3] =	wrdreg s24  }
0xb0: {  	[dreg:$0x4] =	wrdreg $0xAA000  }
0xb1: {  	[dreg:$0x5] =	wrdreg $0x9  }
0xb2: {  	_ =	task.clear_ibuf [dreg:s7], $0x6FFFF;
	_ =	strace $0x90000049  }
0xb3: {  	s29 =	simm.s32 $0x9;
	_ =	strace $0x8000004B  }
0xb4: {  	_ =	swait.ge [sflag:s29], $0x1  }
0xb5: {  	[sflag:s29] =	ssyncadd.s32 $0xFFFFFFFF  }
0xb6: {  	_ =	strace $0x9000004B  }
0xb7: {  	_ =	sfence  }
0xb8: {  	s30 =	sld [smem:$0x0];
	_ =	sdelay $0x2  }
0xb9: {  	s31 =	sshll.u32 s1, $0xD;
	s1 =	sshrl.u32 s1, $0x2  }
0xba: {  	s3 =	sand.u32 $0x4000, s31;
	s1 =	sadd.s32 s1, s30  }
0xbb: {  	s0 =	sor.u32 s3, s0;
	s1 =	sshll.u32 s1, $0x11  }
0xbc: {  	s0 =	sor.u32 s1, s0  }
0xbd: {  	s0 =	sadd.s32 $0x8F2B, s0  }
0xbe: {  	[sflag:s0] =	ssyncadd.remote.s32 $0x1  }
0xbf: {  	_ =	sfence.sel $0xFFFF  }
0xc0: {  	[dreg:$0x0] =	wrdreg $0xFFFFFFFF;
	(pc) =	sbr.abs _section_cstart, $3  }
0xc1: {  	[dreg:$0x1] =	wrdreg $0xFFFFFFFF  }
0xc2: {  	_ =	task.clear_ibuf [dreg:s7], $0x2FFFF;
	_ =	strace $0x9FFFFFFF  }
0xc3: {  	(tm) =	ssettm $0x7FFFFFFF  }
tec
execute0_lowered:
.L_overlay_start_1:
0x0: {  	(tag) =	ssettag $0x1  }
0x1: {  	s1 =	rddreg [dreg:$0x0]  }
0x2: {  	s0 =	srdreg.scid;
	s2 =	rddreg [dreg:$0x1]  }
0x3: {  	s7 =	stileid.u32;
	s3 =	rddreg [dreg:$0x2];
	s18 =	simm.s32 $0x0  }
0x4: {  	s28 =	simm.s32 $0x5;
	s29 =	simm.s32 $0x2;
	s0 =	sand.u32 $0x1, s0  }
0x5: {  	s4 =	sshll.u32 s7, $0x1;
	[smem:$0x7FF] =	sst s18;
	s10 =	smul.u32 $0x14000, s7  }
0x6: {  	s6 =	sadd.s32 $0xC000, s2;
	s12 =	smul.u32 $0x50000, s7;
	s7 =	sadd.s32 $0x2000, s2  }
0x7: {  	s5 =	sor.u32 s0, s4;
	s8 =	smul.u32 $0x140000, s0;
	s0 =	ssub.s32 $0x2, s0  }
0x8: {  	_ =	strace $0x8000004A;
	s5 =	smul.u32 $0x2800, s5;
	s19 =	sshrl.u32 s0, $0x1  }
0x9: {  	s12 =	sshrl.u32 s12, $0x2;
	s8 =	sadd.s32 s10, s8;
	s0 =	ssub.s32 s0, s19  }
0xa: {  	s9 =	sshrl.u32 s5, $0x3;
	s8 =	sshrl.u32 s8, $0x3;
	s0 =	smax.u32 s0, $0x1  }
0xb: {  	s11 =	sadd.s32 s9, s2;
	s25 =	sadd.s32 s6, s9;
	[dreg:$0xc] =	wrdreg s0  }
0xc: {  	s2 =	sadd.s32 s8, s2;
	s26 =	sadd.s32 s7, s9;
	[dreg:$0x9] =	wrdreg s25  }
0xd: {  	s8 =	sadd.s32 s12, s3;
	s20 =	sadd.s32 $0x16000, s11;
	[dreg:$0xa] =	wrdreg s26  }
0xe: {  	s30 =	simm.s32 $0x6;
	s21 =	sadd.s32 $0x4000, s8;
	[dreg:$0x4] =	wrdreg s20  }
0xf: {  	s31 =	simm.s32 $0x3;
	s22 =	sadd.s32 $0x8000, s8;
	[dreg:$0x5] =	wrdreg s21  }
0x10: {  	s18 =	simm.s32 $0x7;
	s23 =	sadd.s32 $0xC000, s8;
	[dreg:$0x6] =	wrdreg s22  }
0x11: {  	s19 =	simm.s32 $0x2A00;
	s24 =	sadd.s32 $0x10000, s8;
	[dreg:$0x7] =	wrdreg s23  }
0x12: {  	s0 =	simm.s32 $0x0;
	s2 =	sadd.s32 $0x20000, s2;
	[dreg:$0x8] =	wrdreg s24  }
0x13: {  	s25 =	simm.s32 $0x6A00;
	s26 =	simm.s32 $0x1;
	[dreg:$0xb] =	wrdreg s2  }
0x14: {  	s20 =	simm.s32 $0x2800;
	s21 =	simm.s32 $0x2900;
	s22 =	simm.s32 $0x80  }
0x15: {  	v0 =	vimm.f32 $0.0e+00;
	s23 =	simm.s32 $0x2880;
	s24 =	simm.s32 $0x2980;
	s2 =	simm.s32 $0x4  }
.LBB2_1:
0x16: {  	s4 =	simm.s32 $0x0;
	s9 =	rddreg [dreg:$0x4]  }
0x17: {  	[tilespmem:s4], [sflag:$0x7] =	stream.linear.gather [hbm4b:s9+s4], $0x2800, $0x38;
	[tilespmem:$0x1EA00] =	vst v63  }
0x18: {  	s17 =	sand.u32 $0xFE00, s4;
	s10 =	sand.u32 $0x70, s4;
	_ =	swait.ge [sflag:s18], $0x2800  }
0x19: {  	s9 =	simm.s32 $0x40;
	s11 =	sshrl.u32 s17, $0x2;
	[sflag:s18] =	ssyncset.done $0x0  }
0x1a: {  	s11 =	sor.u32 s10, s11;
	s10 =	simm.s32 $0x0;
	[sflag:s18] =	ssyncadd.s32 $0xFFFFD800  }
.LBB2_2:
0x1b: {  	p0 =	sne.s32 s9, $0xFFC0  }
0x1c: {  	[tilespmem:s11+$0x2A00] =	vst v0;
	s10 =	sadd.s32 $0x10, s10;
	s11 =	smov.u32 s9;
	s9 =	sadd.s32 $0x40, s9  }
.Ltmp0:
0x1d: {  	(pc) =	sbr.rel @p0 .LBB2_2-.Ltmp0, $4  }
0x1e: {  	_ = 	snop  }
0x1f: {  	s11 =	sand.u32 $0xFE00, s11  }
0x20: {  	s12 =	sand.u32 $0x70, s10;
	s11 =	sshrl.u32 s11, $0x2  }
0x21: {  	s11 =	sor.u32 s12, s11  }
0x22: {  	[tilespmem:s11+$0x2A00] =	vst v0  }
0x23: {  	[spmem:s8] =	stream.linear.scatter [tilespmem:s19], [sflag:$0x7], $0x4000, $0x38;
	[tilespmem:$0x1EA00] =	vst v63  }
0x24: {  	_ =	swait.ge [sflag:s18], $0x4000  }
0x25: {  	[sflag:s18] =	ssyncset.done $0x0  }
0x26: {  	s4 =	rddreg [dreg:$0x5];
	[sflag:s18] =	ssyncadd.s32 $0xFFFFC000  }
0x27: {  	[spmem:s4] =	stream.linear.scatter [tilespmem:s19], [sflag:$0x7], $0x4000, $0x38;
	[tilespmem:$0x1EA00] =	vst v63  }
0x28: {  	_ =	swait.ge [sflag:s18], $0x4000  }
0x29: {  	[sflag:s18] =	ssyncset.done $0x0  }
0x2a: {  	s13 =	rddreg [dreg:$0x6];
	[sflag:s18] =	ssyncadd.s32 $0xFFFFC000  }
0x2b: {  	[spmem:s13] =	stream.linear.scatter [tilespmem:s19], [sflag:$0x7], $0x4000, $0x38;
	[tilespmem:$0x1EA00] =	vst v63  }
0x2c: {  	_ =	swait.ge [sflag:s18], $0x4000  }
0x2d: {  	[sflag:s18] =	ssyncset.done $0x0  }
0x2e: {  	s14 =	rddreg [dreg:$0x7];
	[sflag:s18] =	ssyncadd.s32 $0xFFFFC000  }
0x2f: {  	[spmem:s14] =	stream.linear.scatter [tilespmem:s19], [sflag:$0x7], $0x4000, $0x38;
	[tilespmem:$0x1EA00] =	vst v63  }
0x30: {  	_ =	swait.ge [sflag:s18], $0x4000  }
0x31: {  	[sflag:s18] =	ssyncset.done $0x0  }
0x32: {  	s15 =	rddreg [dreg:$0x8];
	[sflag:s18] =	ssyncadd.s32 $0xFFFFC000  }
0x33: {  	[spmem:s15] =	stream.linear.scatter [tilespmem:s19], [sflag:$0x7], $0x4000, $0x38;
	[tilespmem:$0x1EA00] =	vst v63  }
0x34: {  	_ =	swait.ge [sflag:s18], $0x4000  }
0x35: {  	[sflag:s18] =	ssyncset.done $0x0  }
0x36: {  	[sflag:s18] =	ssyncadd.s32 $0xFFFFC000  }
0x37: {  	[bflag:$0x0] =	sbarrier.arrive $0xFFFF  }
0x38: {  	s9 =	simm.s32 $0x0;
	s16 =	rddreg [dreg:$0x9]  }
0x39: {  	[tilespmem:s20], [sflag:$0x5] =	stream.linear.gather [hbm4b:s16+s9], $0x80, $0x38;
	[tilespmem:$0x1EA00] =	vst v63  }
0x3a: {  	s17 =	rddreg [dreg:$0xa]  }
0x3b: {  	[tilespmem:s21], [sflag:$0x5] =	stream.linear.gather [hbm4b:s17+s9], $0x80, $0x38;
	[tilespmem:$0x1EA00] =	vst v63  }
0x3c: {  	s10 =	simm.s32 $0x0  }
0x3d: {  	[tilespmem:s19], [sflag:$0x1] =	stream.indirect.gather [hbm4b:s1+s22], $0x80, s9, s22, $0xb8;
	[tilespmem:$0x1EA00] =	vst v63  }
.LBB2_4:
0x3e: {  	s11 =	sshllo.u32 s10, $0x1;
	s12 =	sshll.u32 s10, $0x8  }
0x3f: {  	p0 =	seq.s32 s10, $0x0;
	s12 =	sand.u32 $0x3C00, s12;
	s11 =	sshll.u32 s11, $0x7  }
0x40: {  	s13 =	simm.s32 @!p0 $0x4;
	s12 =	sadd.s32 s5, s12;
	s14 =	sand.u32 $0x380, s11  }
0x41: {  	_ =	swait.ge @!p0 [sflag:s13], $0x4000;
	s12 =	sor.u32 s12, s14  }
0x42: {  	[sflag:s13] =	ssyncset.done @!p0 $0x0;
	s12 =	sshrl.u32 s12, $0x3  }
0x43: {  	[sflag:s13] =	ssyncadd.s32 @!p0 $0xFFFFC000;
	s14 =	sadd.s32 s6, s12  }
0x44: {  	[tilespmem:s23], [sflag:$0x6] =	stream.linear.gather [hbm4b:s14+s9], $0x80, $0x38;
	[tilespmem:$0x1EA00] =	vst v63  }
0x45: {  	s12 =	sadd.s32 s7, s12  }
0x46: {  	[tilespmem:s24], [sflag:$0x6] =	stream.linear.gather [hbm4b:s12+s9], $0x80, $0x38;
	[tilespmem:$0x1EA00] =	vst v63  }
0x47: {  	s11 =	sand.u32 $0x3FFFFF80, s11  }
0x48: {  	[tilespmem:s25], [sflag:$0x2] =	stream.indirect.gather [hbm4b:s1+s22], $0x80, s11, s22, $0xb8;
	[tilespmem:$0x1EA00] =	vst v63  }
0x49: {  	_ =	swait.ge [sflag:s26], $0x4000  }
0x4a: {  	[sflag:s26] =	ssyncset.done $0x0  }
0x4b: {  	[sflag:s26] =	ssyncadd.s32 $0xFFFFC000  }
0x4c: {  	_ =	swait.ge [sflag:s28], $0x80  }
0x4d: {  	[sflag:s28] =	ssyncset.done $0x0  }
0x4e: {  	[sflag:s28] =	ssyncadd.s32 $0xFFFFFF80  }
0x4f: {  	_ =	swait.ge [sflag:s28], $0x80  }
0x50: {  	[sflag:s28] =	ssyncset.done $0x0  }
0x51: {  	s11 =	simm.s32 $0x2B00;
	[sflag:s28] =	ssyncadd.s32 $0xFFFFFF80  }
0x52: {  	v3 =	vld [tilespmem:s11+$0xFFFFFFF0]  }
0x53: {  	v4 =	vld [tilespmem:s11+$0xF0]  }
0x54: {  	v2 =	vld [tilespmem:s11+$0xB0]  }
0x55: {  	v5 =	vld [tilespmem:s11+$0xFFFFFFC0]  }
0x56: {  	v6 =	vld [tilespmem:s11+$0x40]  }
0x57: {  	v7 =	vld [tilespmem:s11+$0xFFFFFF50]  }
0x58: {  	v8 =	vld [tilespmem:s11+$0xFFFFFFD0]  }
0x59: {  	v1 =	vmov s9;
	s15 =	simm.s32 $0x1;
	s16 =	simm.s32 $0x3;
	v9 =	vld [tilespmem:s11+$0x50]  }
0x5a: {  	s17 =	simm.s32 $0x2;
	v1 =	vand.u32 $0xFFFFFFFC, v1;
	v10 =	vmov s15;
	v11 =	vmov s16;
	v12 =	vld [tilespmem:s11+$0xD0]  }
0x5b: {  	v13 =	vbroadcast v1, $0x0;
	v1 =	vand.u32 $0xFFFFFFFD, v10;
	v10 =	vmov s17;
	v14 =	vld [tilespmem:s11+$0xFFFFFF60]  }
0x5c: {  	v15 =	vbroadcast v1, $0x0;
	v1 =	vand.u32 $0xFFFFFFFE, v10;
	v10 =	vld [tilespmem:s11+$0xFFFFFFE0]  }
0x5d: {  	v16 =	vbroadcast v1, $0x0;
	v17 =	vld [tilespmem:s11+$0x60]  }
0x5e: {  	v18 =	vld [tilespmem:s11+$0xE0]  }
0x5f: {  	v19 =	vld [tilespmem:s11+$0xFFFFFF70]  }
0x60: {  	v1 =	vld.idx.msk [tilespmem:v11+s21+$0x0], $0xffff  }
0x61: {  	v20 =	vld.idx.msk [tilespmem:v13+s21+$0x0], $0xffff  }
0x62: {  	v21 =	vld.idx.msk [tilespmem:v15+s21+$0x0], $0xffff  }
0x63: {  	v16 =	vld.idx.msk [tilespmem:v16+s21+$0x0], $0xffff  }
0x64: {  	v11 =	vld [tilespmem:s11+$0x70]  }
0x65: {  	v13 =	vld [tilespmem:s11+$0x30]  }
0x66: {  	v15 =	vld [tilespmem:s11+$0xFFFFFFB0];
	v12 =	vmul.f32 v12, v1  }
0x67: {  	v22 =	vld [tilespmem:s11+$0xA0];
	v18 =	vmul.f32 v18, v1  }
0x68: {  	v23 =	vld [tilespmem:s11+$0xFFFFFF30];
	v7 =	vmul.f32 v7, v20;
	[tilespmem:s11+$0xD0] =	vst v12  }
0x69: {  	v60 =	vld [tilespmem:s11+$0xFFFFFFA0];
	v5 =	vmul.f32 v5, v21;
	[tilespmem:s11+$0xE0] =	vst v18  }
0x6a: {  	v24 =	vld [tilespmem:s11+$0x10];
	v2 =	vmul.f32 v2, v1;
	[tilespmem:s11+$0xFFFFFF50] =	vst v7  }
0x6b: {  	v25 =	vld [tilespmem:s11+$0xFFFFFF10];
	v11 =	vmul.f32 v11, v16;
	[tilespmem:s11+$0xFFFFFFC0] =	vst v5  }
0x6c: {  	v61 =	vld [tilespmem:s11+$0xFFFFFF80];
	v10 =	vmul.f32 v10, v21;
	[tilespmem:s11+$0xB0] =	vst v2  }
0x6d: {  	v62 =	vld [tilespmem:s11+$0xFFFFFF00];
	v26 =	vmul.f32 v3, v21;
	v3 =	vmul.f32 v19, v20;
	[tilespmem:s11+$0x70] =	vst v11  }
0x6e: {  	v63 =	vld [tilespmem:s11+$0xFFFFFF40];
	v4 =	vmul.f32 v4, v1;
	[tilespmem:s11+$0xFFFFFFE0] =	vst v10  }
0x6f: {  	v12 =	vmul.f32 v14, v20;
	v14 =	vld [tilespmem:s11+$0x20];
	[tilespmem:s11+$0xFFFFFF70] =	vst v3  }
0x70: {  	v22 =	vmul.f32 v22, v1;
	v7 =	vmul.f32 v8, v21;
	v8 =	vld [tilespmem:s11+$0xFFFFFF20];
	[tilespmem:s11+$0xF0] =	vst v4  }
0x71: {  	v5 =	vmul.f32 v6, v16;
	v2 =	vmul.f32 v17, v16;
	v17 =	vld [tilespmem:s11+$0x80];
	[tilespmem:s11+$0xFFFFFF60] =	vst v12  }
0x72: {  	v6 =	vmul.f32 v13, v16;
	v11 =	vmul.f32 v24, v16;
	v12 =	vld [tilespmem:s11+$0x90];
	[tilespmem:s11+$0xFFFFFFD0] =	vst v7  }
0x73: {  	v13 =	vld [tilespmem:s11+$0xFFFFFF90];
	v4 =	vmul.f32 v61, v21;
	v7 =	vmul.f32 v9, v16;
	[tilespmem:s11+$0x40] =	vst v5  }
0x74: {  	v5 =	vmul.f32 v23, v20;
	[tilespmem:s11+$0x30] =	vst v6;
	v6 =	vmul.f32 v14, v16;
	v14 =	vld [tilespmem:s11+$0x0]  }
0x75: {  	v9 =	vmul.f32 v15, v21;
	[tilespmem:s11+$0x50] =	vst v7;
	v7 =	vmul.f32 v60, v21  }
0x76: {  	v15 =	vld [tilespmem:s11+$0xC0];
	[tilespmem:s11+$0xFFFFFF30] =	vst v5;
	v5 =	vmul.f32 v62, v20;
	v8 =	vmul.f32 v8, v20  }
0x77: {  	[tilespmem:s11+$0xFFFFFFB0] =	vst v9;
	v10 =	vmul.f32 v17, v1;
	v9 =	vmul.f32 v12, v1  }
0x78: {  	[tilespmem:s11+$0xFFFFFFF0] =	vst v26;
	v12 =	vmul.f32 v13, v21;
	v13 =	vmul.f32 v25, v20  }
0x79: {  	s13 =	simm.s32 $0x2D00;
	s14 =	simm.s32 $0x4;
	s12 =	sshll.u32 s10, $0x1;
	[tilespmem:s11+$0xA0] =	vst v22;
	v3 =	vmul.f32 v14, v16;
	v14 =	vmul.f32 v63, v20  }
.LBB2_5:
0x7a: {  	s16 =	sadd.s32 $0x1, s14  }
0x7b: {  	v16 =	vmov s14;
	s17 =	sadd.s32 $0x3, s14;
	v17 =	vld [tilespmem:s13+$0xFFFFFFF0];
	[tilespmem:s11+$0x20] =	vst v6;
	v1 =	vmul.f32 v15, v1;
	s4 =	smov.u32 s14;
	s15 =	sadd.s32 $0x4, s14  }
0x7c: {  	p0 =	sne.s32 s14, $0x7C;
	v6 =	vand.u32 $0xFFFFFFFC, v16;
	v15 =	vmov s16;
	s4 =	sadd.s32 $0x2, s4;
	v16 =	vmov s17;
	v18 =	vld [tilespmem:s13+$0xF0];
	[tilespmem:s11+$0xFFFFFFA0] =	vst v7  }
0x7d: {  	v6 =	vbroadcast v6, $0x0;
	v7 =	vand.u32 $0xFFFFFFFD, v15;
	v15 =	vmov s4;
	v19 =	vld [tilespmem:s13+$0xB0];
	[tilespmem:s11+$0xFFFFFF20] =	vst v8  }
0x7e: {  	v7 =	vbroadcast v7, $0x0;
	v8 =	vand.u32 $0xFFFFFFFE, v15;
	v15 =	vld [tilespmem:s13+$0xFFFFFFC0];
	[tilespmem:s11+$0x90] =	vst v9  }
0x7f: {  	v8 =	vbroadcast v8, $0x0;
	v9 =	vld [tilespmem:s13+$0x40];
	[tilespmem:s11+$0x10] =	vst v11  }
0x80: {  	v11 =	vld [tilespmem:s13+$0xFFFFFF50];
	[tilespmem:s11+$0xFFFFFF90] =	vst v12  }
0x81: {  	v12 =	vld [tilespmem:s13+$0xFFFFFFD0];
	[tilespmem:s11+$0xFFFFFF10] =	vst v13  }
0x82: {  	v13 =	vld [tilespmem:s13+$0x50];
	[tilespmem:s11+$0xFFFFFF40] =	vst v14  }
0x83: {  	v14 =	vld [tilespmem:s13+$0xD0];
	[tilespmem:s11+$0x80] =	vst v10  }
0x84: {  	v10 =	vld [tilespmem:s13+$0xFFFFFF60];
	[tilespmem:s11+$0x60] =	vst v2  }
0x85: {  	v20 =	vld [tilespmem:s13+$0xFFFFFFE0];
	[tilespmem:s11+$0xC0] =	vst v1  }
0x86: {  	v2 =	vld [tilespmem:s13+$0x60];
	[tilespmem:s11+$0x0] =	vst v3  }
0x87: {  	v3 =	vld [tilespmem:s13+$0xE0];
	[tilespmem:s11+$0xFFFFFF80] =	vst v4  }
0x88: {  	v4 =	vld [tilespmem:s13+$0xFFFFFF70];
	[tilespmem:s11+$0xFFFFFF00] =	vst v5;
	s11 =	smov.u32 s13  }
0x89: {  	v1 =	vld.idx.msk [tilespmem:v16+s21+$0x0], $0xffff  }
0x8a: {  	v16 =	vld.idx.msk [tilespmem:v6+s21+$0x0], $0xffff  }
0x8b: {  	v5 =	vld.idx.msk [tilespmem:v7+s21+$0x0], $0xffff  }
0x8c: {  	v21 =	vld.idx.msk [tilespmem:v8+s21+$0x0], $0xffff  }
0x8d: {  	v6 =	vld [tilespmem:s13+$0x70]  }
0x8e: {  	v7 =	vld [tilespmem:s13+$0x30]  }
0x8f: {  	v14 =	vmul.f32 v14, v1;
	v3 =	vmul.f32 v3, v1;
	v8 =	vld [tilespmem:s13+$0xFFFFFFB0]  }
0x90: {  	v11 =	vmul.f32 v11, v16;
	v10 =	vmul.f32 v10, v16;
	v22 =	vld [tilespmem:s13+$0xFFFFFF30]  }
0x91: {  	v15 =	vmul.f32 v15, v5;
	v12 =	vmul.f32 v12, v5;
	v23 =	vld [tilespmem:s13+$0xA0];
	[tilespmem:s13+$0xD0] =	vst v14  }
0x92: {  	v19 =	vmul.f32 v19, v1;
	v9 =	vmul.f32 v9, v21;
	v14 =	vld [tilespmem:s13+$0x20];
	[tilespmem:s13+$0xE0] =	vst v3  }
0x93: {  	v3 =	vld [tilespmem:s13+$0xFFFFFFA0];
	v24 =	vmul.f32 v7, v21;
	[tilespmem:s13+$0xFFFFFF50] =	vst v11;
	v11 =	vmul.f32 v13, v21  }
0x94: {  	v2 =	vmul.f32 v2, v21;
	v13 =	vld [tilespmem:s13+$0xFFFFFF20];
	v25 =	vmul.f32 v8, v5;
	[tilespmem:s13+$0xFFFFFF60] =	vst v10  }
0x95: {  	v10 =	vld [tilespmem:s13+$0x90];
	v22 =	vmul.f32 v22, v16;
	[tilespmem:s13+$0xFFFFFFC0] =	vst v15;
	v15 =	vmul.f32 v6, v21  }
0x96: {  	v20 =	vmul.f32 v20, v5;
	v26 =	vld [tilespmem:s13+$0x10];
	v23 =	vmul.f32 v23, v1;
	[tilespmem:s13+$0xFFFFFFD0] =	vst v12  }
0x97: {  	v12 =	vld [tilespmem:s13+$0xFFFFFF90];
	v6 =	vmul.f32 v14, v21;
	[tilespmem:s13+$0xB0] =	vst v19;
	v14 =	vmul.f32 v17, v5  }
0x98: {  	v17 =	vld [tilespmem:s13+$0xFFFFFF10];
	v7 =	vmul.f32 v3, v5;
	[tilespmem:s13+$0x40] =	vst v9;
	v3 =	vmul.f32 v4, v16  }
0x99: {  	v18 =	vmul.f32 v18, v1;
	v4 =	vld [tilespmem:s13+$0x80];
	v8 =	vmul.f32 v13, v16;
	[tilespmem:s13+$0x30] =	vst v24  }
0x9a: {  	v19 =	vld [tilespmem:s13+$0x0];
	v9 =	vmul.f32 v10, v1;
	[tilespmem:s13+$0x50] =	vst v11  }
0x9b: {  	v24 =	vld [tilespmem:s13+$0xFFFFFF80];
	v11 =	vmul.f32 v26, v21;
	[tilespmem:s13+$0xFFFFFFB0] =	vst v25  }
0x9c: {  	v25 =	vld [tilespmem:s13+$0xFFFFFF00];
	v12 =	vmul.f32 v12, v5;
	[tilespmem:s13+$0x70] =	vst v15  }
0x9d: {  	v13 =	vmul.f32 v17, v16;
	v17 =	vld [tilespmem:s13+$0xFFFFFF40];
	[tilespmem:s13+$0xFFFFFFE0] =	vst v20  }
.Ltmp1:
0x9e: {  	v10 =	vmul.f32 v4, v1;
	v15 =	vld [tilespmem:s13+$0xC0];
	[tilespmem:s13+$0xFFFFFF70] =	vst v3;
	(pc) =	sbr.rel @p0 .LBB2_5-.Ltmp1, $4  }
0x9f: {  	v3 =	vmul.f32 v19, v21;
	[tilespmem:s13+$0xF0] =	vst v18  }
0xa0: {  	v4 =	vmul.f32 v24, v5;
	[tilespmem:s13+$0xFFFFFF30] =	vst v22  }
0xa1: {  	v5 =	vmul.f32 v25, v16;
	[tilespmem:s13+$0xFFFFFFF0] =	vst v14  }
0xa2: {  	s14 =	smov.u32 s15;
	s13 =	sadd.s32 $0x200, s13;
	[tilespmem:s11+$0xA0] =	vst v23;
	v14 =	vmul.f32 v17, v16  }
0xa3: {  	[tilespmem:s11+$0x20] =	vst v6  }
0xa4: {  	[tilespmem:s11+$0xFFFFFFA0] =	vst v7  }
0xa5: {  	[tilespmem:s11+$0xFFFFFF20] =	vst v8  }
0xa6: {  	[tilespmem:s11+$0x90] =	vst v9  }
0xa7: {  	[tilespmem:s11+$0x10] =	vst v11  }
0xa8: {  	[tilespmem:s11+$0xFFFFFF90] =	vst v12  }
0xa9: {  	[tilespmem:s11+$0xFFFFFF10] =	vst v13  }
0xaa: {  	[tilespmem:s11+$0x80] =	vst v10  }
0xab: {  	[tilespmem:s11+$0x60] =	vst v2  }
0xac: {  	[tilespmem:s11+$0x0] =	vst v3  }
0xad: {  	[tilespmem:s11+$0xFFFFFF80] =	vst v4  }
0xae: {  	v1 =	vmul.f32 v15, v1;
	[tilespmem:s11+$0xFFFFFF00] =	vst v5;
	p0 =	seq.s32 s10, $0x27  }
0xaf: {  	[tilespmem:s11+$0xFFFFFF40] =	vst v14;
	s4 =	sshll.u32 @!p0 s12, $0x7  }
0xb0: {  	[tilespmem:s11+$0xC0] =	vst v1;
	s4 =	sadd.s32 @!p0 $0x100, s4  }
0xb1: {  	[spmem:s3] =	stream.indirect.scatter.add.f32 [tilespmem:s19], [sflag:$0x3], $0x80, s20, s22, $0xb8;
	[tilespmem:$0x1EA00] =	vst v63  }
0xb2: {  	s11 =	simm.s32 @!p0 $0x3;
	s12 =	sand.u32 @!p0 $0x7C00, s4  }
0xb3: {  	s13 =	sand.u32 @!p0 $0x300, s4;
	_ =	swait.ge @!p0 [sflag:s11], $0x4000;
	s12 =	sadd.s32 @!p0 s5, s12  }
0xb4: {  	[sflag:s11] =	ssyncset.done @!p0 $0x0;
	s12 =	sor.u32 @!p0 s13, s12  }
0xb5: {  	[sflag:s11] =	ssyncadd.s32 @!p0 $0xFFFFC000;
	s11 =	sshrl.u32 @!p0 s12, $0x3  }
0xb6: {  	s14 =	simm.s32 @!p0 $0x2800;
	s13 =	simm.s32 @!p0 $0x0;
	s12 =	sadd.s32 @!p0 s6, s11  }
0xb7: {  	[tilespmem:s14], [sflag:$0x5] =	stream.linear.gather @!p0 [hbm4b:s12+s13], $0x80, $0x38;
	[tilespmem:$0x1EA00] =	vst v63  }
0xb8: {  	s11 =	sadd.s32 @!p0 s7, s11;
	s12 =	simm.s32 @!p0 $0x2900  }
0xb9: {  	[tilespmem:s12], [sflag:$0x5] =	stream.linear.gather @!p0 [hbm4b:s11+s13], $0x80, $0x38;
	[tilespmem:$0x1EA00] =	vst v63  }
0xba: {  	s4 =	sand.u32 @!p0 $0x3FFFFF80, s4;
	s11 =	simm.s32 @!p0 $0x80;
	s12 =	simm.s32 @!p0 $0x2A00  }
0xbb: {  	[tilespmem:s12], [sflag:$0x1] =	stream.indirect.gather @!p0 [hbm4b:s1+s11], $0x80, s4, s11, $0xb8;
	[tilespmem:$0x1EA00] =	vst v63  }
0xbc: {  	_ =	swait.ge [sflag:s29], $0x4000  }
0xbd: {  	[sflag:s29] =	ssyncset.done $0x0  }
0xbe: {  	[sflag:s29] =	ssyncadd.s32 $0xFFFFC000  }
0xbf: {  	_ =	swait.ge [sflag:s30], $0x80  }
0xc0: {  	[sflag:s30] =	ssyncset.done $0x0  }
0xc1: {  	[sflag:s30] =	ssyncadd.s32 $0xFFFFFF80  }
0xc2: {  	_ =	swait.ge [sflag:s30], $0x80  }
0xc3: {  	[sflag:s30] =	ssyncset.done $0x0  }
0xc4: {  	s11 =	simm.s32 $0x6B00;
	[sflag:s30] =	ssyncadd.s32 $0xFFFFFF80  }
0xc5: {  	v4 =	vld [tilespmem:s11+$0xFFFFFFF0]  }
0xc6: {  	v3 =	vld [tilespmem:s11+$0xF0]  }
0xc7: {  	v5 =	vld [tilespmem:s11+$0xB0]  }
0xc8: {  	v6 =	vld [tilespmem:s11+$0xFFFFFF40]  }
0xc9: {  	v7 =	vld [tilespmem:s11+$0x40]  }
0xca: {  	s14 =	simm.s32 $0x1;
	v8 =	vld [tilespmem:s11+$0xC0]  }
0xcb: {  	s15 =	simm.s32 $0x0;
	s16 =	simm.s32 $0x2;
	v1 =	vmov s14;
	v9 =	vld [tilespmem:s11+$0xFFFFFF50]  }
0xcc: {  	s17 =	simm.s32 $0x3;
	v2 =	vmov s15;
	v10 =	vmov s16;
	v1 =	vand.u32 $0x7D, v1;
	v11 =	vld [tilespmem:s11+$0xFFFFFFD0]  }
0xcd: {  	v12 =	vmov s17;
	v10 =	vand.u32 $0x7E, v10;
	v1 =	vor.u32 $0x80, v1;
	v13 =	vld [tilespmem:s11+$0x50]  }
0xce: {  	v12 =	vand.u32 $0x7F, v12;
	v10 =	vor.u32 $0x80, v10;
	v1 =	vbroadcast v1, $0x0;
	v14 =	vld [tilespmem:s11+$0xD0]  }
0xcf: {  	v2 =	vand.u32 $0x7C, v2;
	v12 =	vor.u32 $0x80, v12;
	v10 =	vbroadcast v10, $0x0;
	v15 =	vld [tilespmem:s11+$0xFFFFFF60]  }
0xd0: {  	v2 =	vor.u32 $0x80, v2;
	v12 =	vbroadcast v12, $0x0;
	v16 =	vld [tilespmem:s11+$0xFFFFFFE0]  }
0xd1: {  	v17 =	vbroadcast v2, $0x0;
	v18 =	vld [tilespmem:s11+$0x60]  }
0xd2: {  	v19 =	vld [tilespmem:s11+$0xE0]  }
0xd3: {  	v20 =	vld [tilespmem:s11+$0xFFFFFF70]  }
0xd4: {  	v2 =	vld.idx.msk [tilespmem:v1+s21+$0x0], $0xffff  }
0xd5: {  	v1 =	vld.idx.msk [tilespmem:v10+s21+$0x0], $0xffff  }
0xd6: {  	v21 =	vld.idx.msk [tilespmem:v12+s21+$0x0], $0xffff  }
0xd7: {  	v17 =	vld.idx.msk [tilespmem:v17+s21+$0x0], $0xffff  }
0xd8: {  	v10 =	vld [tilespmem:s11+$0x30]  }
0xd9: {  	v12 =	vld [tilespmem:s11+$0xFFFFFFB0];
	v11 =	vmul.f32 v11, v2  }
0xda: {  	v22 =	vld [tilespmem:s11+$0xFFFFFF30];
	v16 =	vmul.f32 v16, v2  }
0xdb: {  	v23 =	vld [tilespmem:s11+$0xA0];
	v13 =	vmul.f32 v13, v1;
	[tilespmem:s11+$0xFFFFFFD0] =	vst v11  }
0xdc: {  	v24 =	vld [tilespmem:s11+$0x10];
	v7 =	vmul.f32 v7, v1;
	[tilespmem:s11+$0xFFFFFFE0] =	vst v16  }
0xdd: {  	v26 =	vld [tilespmem:s11+$0xFFFFFF10];
	v5 =	vmul.f32 v5, v21;
	[tilespmem:s11+$0x50] =	vst v13  }
0xde: {  	v6 =	vmul.f32 v6, v17;
	v11 =	vld [tilespmem:s11+$0x20];
	[tilespmem:s11+$0x40] =	vst v7  }
0xdf: {  	v4 =	vmul.f32 v4, v2;
	v16 =	vld [tilespmem:s11+$0xFFFFFFA0];
	[tilespmem:s11+$0xB0] =	vst v5  }
0xe0: {  	v13 =	vld [tilespmem:s11+$0x90];
	v7 =	vmul.f32 v8, v21;
	[tilespmem:s11+$0xFFFFFF40] =	vst v6  }
0xe1: {  	v25 =	vmul.f32 v3, v21;
	v8 =	vld [tilespmem:s11+$0xFFFFFF20];
	v5 =	vmul.f32 v9, v17;
	[tilespmem:s11+$0xFFFFFFF0] =	vst v4  }
0xe2: {  	v3 =	vmul.f32 v15, v17;
	v6 =	vmul.f32 v10, v1;
	v10 =	vld [tilespmem:s11+$0xFFFFFF90];
	[tilespmem:s11+$0xC0] =	vst v7  }
0xe3: {  	v22 =	vmul.f32 v22, v17;
	v7 =	vmul.f32 v14, v21;
	[tilespmem:s11+$0xFFFFFF50] =	vst v5;
	v5 =	vld [tilespmem:s11+$0x0]  }
0xe4: {  	v14 =	vmul.f32 v19, v21;
	[tilespmem:s11+$0x30] =	vst v6;
	v6 =	vmul.f32 v12, v2;
	v19 =	vld [tilespmem:s11+$0x80]  }
0xe5: {  	[tilespmem:s11+$0xF0] =	vst v25;
	v12 =	vmul.f32 v18, v1;
	v18 =	vmul.f32 v20, v17;
	v20 =	vld [tilespmem:s11+$0xFFFFFF00]  }
0xe6: {  	v9 =	vmul.f32 v23, v21;
	[tilespmem:s11+$0xD0] =	vst v7;
	v7 =	vld [tilespmem:s11+$0xFFFFFF80];
	v11 =	vmul.f32 v11, v1  }
0xe7: {  	[tilespmem:s11+$0x60] =	vst v12;
	v15 =	vmul.f32 v16, v2;
	v12 =	vmul.f32 v8, v17  }
0xe8: {  	[tilespmem:s11+$0xFFFFFF70] =	vst v18;
	v18 =	vld [tilespmem:s11+$0xFFFFFFC0];
	v16 =	vmul.f32 v13, v21;
	v13 =	vmul.f32 v24, v1  }
0xe9: {  	[tilespmem:s11+$0xE0] =	vst v14;
	v14 =	vmul.f32 v10, v2;
	v10 =	vmul.f32 v26, v17  }
0xea: {  	[tilespmem:s11+$0xFFFFFFB0] =	vst v6;
	v6 =	vmul.f32 v19, v21;
	v5 =	vmul.f32 v5, v1  }
0xeb: {  	s13 =	simm.s32 $0x6D00;
	s12 =	simm.s32 $0x4;
	[tilespmem:s11+$0xFFFFFF30] =	vst v22;
	v8 =	vmul.f32 v20, v17;
	v17 =	vld [tilespmem:s11+$0x70];
	v7 =	vmul.f32 v7, v2  }
.LBB2_7:
0xec: {  	v19 =	vmov s12;
	s4 =	sadd.s32 $0x1, s12;
	s14 =	sadd.s32 $0x2, s12;
	s15 =	sadd.s32 $0x3, s12;
	v4 =	vld [tilespmem:s13+$0xFFFFFFF0];
	[tilespmem:s11+$0xA0] =	vst v9  }
0xed: {  	p0 =	sne.s32 s12, $0x7C;
	s12 =	sadd.s32 $0x4, s12;
	v9 =	vmov s4;
	v20 =	vmov s14;
	v21 =	vld [tilespmem:s13+$0xF0];
	[tilespmem:s11+$0x20] =	vst v11;
	v2 =	vmul.f32 v18, v2  }
0xee: {  	v11 =	vand.u32 $0x7C, v19;
	v9 =	vand.u32 $0x7D, v9;
	v18 =	vand.u32 $0x7E, v20;
	v19 =	vld [tilespmem:s13+$0xB0];
	[tilespmem:s11+$0xFFFFFFA0] =	vst v15  }
0xef: {  	v9 =	vor.u32 $0x80, v9;
	v15 =	vor.u32 $0x80, v18;
	v18 =	vmov s15;
	v20 =	vld [tilespmem:s13+$0xFFFFFF40];
	[tilespmem:s11+$0xFFFFFF20] =	vst v12  }
0xf0: {  	v9 =	vbroadcast v9, $0x0;
	v12 =	vand.u32 $0x7F, v18;
	v18 =	vld [tilespmem:s13+$0x40];
	[tilespmem:s11+$0x90] =	vst v16;
	v1 =	vmul.f32 v17, v1  }
0xf1: {  	v15 =	vbroadcast v15, $0x0;
	v12 =	vor.u32 $0x80, v12;
	v16 =	vld [tilespmem:s13+$0xC0];
	[tilespmem:s11+$0x10] =	vst v13  }
0xf2: {  	v11 =	vor.u32 $0x80, v11;
	v12 =	vbroadcast v12, $0x0;
	v13 =	vld [tilespmem:s13+$0xFFFFFF50];
	[tilespmem:s11+$0xFFFFFF90] =	vst v14  }
0xf3: {  	v11 =	vbroadcast v11, $0x0;
	v14 =	vld [tilespmem:s13+$0xFFFFFFD0];
	[tilespmem:s11+$0xFFFFFF10] =	vst v10  }
0xf4: {  	v10 =	vld [tilespmem:s13+$0x50];
	[tilespmem:s11+$0xFFFFFFC0] =	vst v2  }
0xf5: {  	v17 =	vld [tilespmem:s13+$0xD0];
	[tilespmem:s11+$0xFFFFFF60] =	vst v3  }
0xf6: {  	v3 =	vld [tilespmem:s13+$0xFFFFFF60];
	[tilespmem:s11+$0x80] =	vst v6  }
0xf7: {  	v6 =	vld [tilespmem:s13+$0xFFFFFFE0];
	[tilespmem:s11+$0x70] =	vst v1  }
0xf8: {  	v22 =	vld [tilespmem:s13+$0x60];
	[tilespmem:s11+$0x0] =	vst v5  }
0xf9: {  	v5 =	vld [tilespmem:s13+$0xE0];
	[tilespmem:s11+$0xFFFFFF80] =	vst v7  }
0xfa: {  	v7 =	vld [tilespmem:s13+$0xFFFFFF70];
	[tilespmem:s11+$0xFFFFFF00] =	vst v8;
	s11 =	smov.u32 s13  }
0xfb: {  	v2 =	vld.idx.msk [tilespmem:v9+s21+$0x0], $0xffff  }
0xfc: {  	v1 =	vld.idx.msk [tilespmem:v15+s21+$0x0], $0xffff  }
0xfd: {  	v8 =	vld.idx.msk [tilespmem:v12+s21+$0x0], $0xffff  }
0xfe: {  	v23 =	vld.idx.msk [tilespmem:v11+s21+$0x0], $0xffff  }
0xff: {  	v11 =	vld [tilespmem:s13+$0x30]  }
0x100: {  	v9 =	vld [tilespmem:s13+$0xFFFFFFB0]  }
0x101: {  	v14 =	vmul.f32 v14, v2;
	v6 =	vmul.f32 v6, v2;
	v12 =	vld [tilespmem:s13+$0xFFFFFF30]  }
0x102: {  	v18 =	vmul.f32 v18, v1;
	v10 =	vmul.f32 v10, v1;
	v15 =	vld [tilespmem:s13+$0xA0]  }
0x103: {  	v19 =	vmul.f32 v19, v8;
	v21 =	vmul.f32 v21, v8;
	v24 =	vld [tilespmem:s13+$0x20];
	[tilespmem:s13+$0xFFFFFFD0] =	vst v14  }
0x104: {  	v16 =	vmul.f32 v16, v8;
	v20 =	vmul.f32 v20, v23;
	v14 =	vld [tilespmem:s13+$0xFFFFFFA0];
	[tilespmem:s13+$0xFFFFFFE0] =	vst v6  }
0x105: {  	v13 =	vmul.f32 v13, v23;
	v3 =	vmul.f32 v3, v23;
	v6 =	vld [tilespmem:s13+$0xFFFFFF20];
	[tilespmem:s13+$0x50] =	vst v10  }
0x106: {  	v26 =	vmul.f32 v9, v2;
	v10 =	vld [tilespmem:s13+$0x90];
	v25 =	vmul.f32 v12, v23;
	[tilespmem:s13+$0x40] =	vst v18  }
0x107: {  	v27 =	vmul.f32 v11, v1;
	v18 =	vld [tilespmem:s13+$0x10];
	v9 =	vmul.f32 v15, v8;
	[tilespmem:s13+$0xB0] =	vst v19  }
0x108: {  	v19 =	vld [tilespmem:s13+$0xFFFFFF90];
	v11 =	vmul.f32 v24, v1;
	[tilespmem:s13+$0xFFFFFF40] =	vst v20;
	v20 =	vmul.f32 v7, v23  }
0x109: {  	v7 =	vld [tilespmem:s13+$0xFFFFFF10];
	v15 =	vmul.f32 v14, v2;
	[tilespmem:s13+$0xC0] =	vst v16;
	v14 =	vmul.f32 v17, v8  }
0x10a: {  	v5 =	vmul.f32 v5, v8;
	v17 =	vld [tilespmem:s13+$0x80];
	v12 =	vmul.f32 v6, v23;
	[tilespmem:s13+$0xFFFFFF50] =	vst v13  }
0x10b: {  	v6 =	vmul.f32 v22, v1;
	v24 =	vld [tilespmem:s13+$0x0];
	v16 =	vmul.f32 v10, v8;
	[tilespmem:s13+$0x30] =	vst v27  }
0x10c: {  	v4 =	vmul.f32 v4, v2;
	v22 =	vld [tilespmem:s13+$0xFFFFFF80];
	v13 =	vmul.f32 v18, v1;
	[tilespmem:s13+$0xD0] =	vst v14  }
0x10d: {  	v27 =	vld [tilespmem:s13+$0xFFFFFF00];
	v14 =	vmul.f32 v19, v2;
	[tilespmem:s13+$0xE0] =	vst v5  }
0x10e: {  	v10 =	vmul.f32 v7, v23;
	[tilespmem:s13+$0x60] =	vst v6  }
.Ltmp2:
0x10f: {  	v6 =	vmul.f32 v17, v8;
	[tilespmem:s13+$0xFFFFFFF0] =	vst v4;
	(pc) =	sbr.rel @p0 .LBB2_7-.Ltmp2, $4  }
0x110: {  	v5 =	vmul.f32 v24, v1;
	[tilespmem:s13+$0xFFFFFFB0] =	vst v26;
	v18 =	vld [tilespmem:s13+$0xFFFFFFC0]  }
0x111: {  	v7 =	vmul.f32 v22, v2;
	[tilespmem:s13+$0xFFFFFF70] =	vst v20  }
0x112: {  	v8 =	vmul.f32 v27, v23;
	[tilespmem:s13+$0xF0] =	vst v21  }
0x113: {  	s13 =	sadd.s32 $0x200, s13;
	[tilespmem:s11+$0xFFFFFF30] =	vst v25;
	v17 =	vld [tilespmem:s11+$0x70]  }
0x114: {  	[tilespmem:s11+$0xA0] =	vst v9  }
0x115: {  	[tilespmem:s11+$0x20] =	vst v11  }
0x116: {  	[tilespmem:s11+$0xFFFFFFA0] =	vst v15  }
0x117: {  	[tilespmem:s11+$0xFFFFFF20] =	vst v12  }
0x118: {  	[tilespmem:s11+$0x90] =	vst v16  }
0x119: {  	[tilespmem:s11+$0x10] =	vst v13  }
0x11a: {  	[tilespmem:s11+$0xFFFFFF90] =	vst v14  }
0x11b: {  	[tilespmem:s11+$0xFFFFFF10] =	vst v10  }
0x11c: {  	[tilespmem:s11+$0xFFFFFF60] =	vst v3  }
0x11d: {  	[tilespmem:s11+$0x80] =	vst v6;
	s10 =	sadd.s32 $0x1, s10  }
0x11e: {  	[tilespmem:s11+$0x0] =	vst v5;
	p0 =	sne.s32 s10, $0x28  }
.Ltmp3:
0x11f: {  	[tilespmem:s11+$0xFFFFFF80] =	vst v7;
	v2 =	vmul.f32 v18, v2;
	(pc) =	sbr.rel @p0 .LBB2_4-.Ltmp3, $4  }
0x120: {  	[tilespmem:s11+$0xFFFFFF00] =	vst v8;
	v1 =	vmul.f32 v17, v1  }
0x121: {  	[tilespmem:s11+$0xFFFFFFC0] =	vst v2  }
0x122: {  	[tilespmem:s11+$0x70] =	vst v1  }
0x123: {  	[spmem:s3] =	stream.indirect.scatter.add.f32 [tilespmem:s25], [sflag:$0x4], $0x80, s23, s22, $0xb8;
	[tilespmem:$0x1EA00] =	vst v63  }
0x124: {  	_ =	swait.ge [sflag:s31], $0x4000  }
0x125: {  	[sflag:s31] =	ssyncset.done $0x0  }
0x126: {  	[sflag:s31] =	ssyncadd.s32 $0xFFFFC000  }
0x127: {  	_ =	swait.ge [sflag:s2], $0x4000  }
0x128: {  	[sflag:s2] =	ssyncset.done $0x0  }
0x129: {  	s4 =	stileid.u32;
	[sflag:s2] =	ssyncadd.s32 $0xFFFFC000  }
0x12a: {  	s4 =	sshll.u32 s4, $0x6;
	[bflag:$0x0] =	sbarrier.arrive $0xFFFF  }
0x12b: {  	s9 =	sshrl.u32 s8, $0x3;
	s4 =	sor.u32 $0x1C07, s4;
	s10 =	rddreg [dreg:$0xb]  }
0x12c: {  	[hbm:s10], [sflag:s4] =	dma.local [spmem:s9], $0x2800  }
0x12d: {  	_ =	swait.ge [sflag:s18], $0x2800  }
0x12e: {  	s0 =	sadd.s32 $0x1, s0;
	s17 =	rddreg [dreg:$0xc]  }
0x12f: {  	p0 =	sne.s32 s0, s17  }
.Ltmp4:
0x130: {  	_ = 	snop;
	(pc) =	sbr.rel @p0 .LBB2_1-.Ltmp4, $3  }
0x131: {  	_ =	sdelay $0x1  }
0x132: {  	[sflag:s18] =	ssyncset.done $0x0  }
0x133: {  	[sflag:s18] =	ssyncadd.s32 $0xFFFFD800  }
0x134: {  	_ =	sfence.sel $0x180000  }
0x135: {  	[bflag:$0x0] =	sbarrier.arrive $0xFFFF  }
0x136: {  	_ =	strace $0x9000004A  }
0x137: {  	s0 =	stileid.u32;
	[bflag:$0x2] =	sbarrier.arrive $0xFFFF  }
0x138: {  	p0 =	sne.s32 s0, $0x0;
	s0 =	rddreg [dreg:$0x3]  }
0x139: {  	s0 =	sadd.s32 @!p0 $0x100000, s0  }
0x13a: {  	[sflag:s0] =	ssyncadd.tile.s32 @!p0 $0x1;
	_ =	shalt  }
.Lfunc_end2:
_tile_overlayer_lowered:
.L_overlay_start_2:
0x13b: {  	(tag) =	ssettag $0x2  }
0x13c: {  	s0 =	rddreg [dreg:$0x0];
	s2 =	stileid.u32  }
0x13d: {  	s1 =	rddreg [dreg:$0x1];
	p0 =	sne.s32 s2, $0x0  }
0x13e: {  	s3 =	rddreg [dreg:$0x2];
	[bflag:$0x3] =	sbarrier.arrive $0xFFFF;
	s2 =	simm.s32 @!p0 $0x1C07  }
0x13f: {  	[timem:s3], [sflag:s2] =	dma.local @!p0 [hbm:s0], s1  }
0x140: {  	s0 =	simm.s32 @!p0 $0x7  }
0x141: {  	_ =	swait.ge @!p0 [sflag:s0], s1  }
0x142: {  	s1 =	ssub.s32 @!p0 $0x0, s1;
	[sflag:s0] =	ssyncset.done @!p0 $0x0  }
0x143: {  	[sflag:s0] =	ssyncadd.s32 @!p0 s1  }
0x144: {  	[bflag:$0x3] =	sbarrier.arrive $0xFFFF  }
0x145: {  	_ =	shalt  }

// kernel: kernel.15.cloned.1.call-start
scs
__scs_entry_jumppad:
0x0: {  	(pc) =	sbr.rel $0x88, $3  }
0x1: {  	(tag) =	ssettag $0x0;
	lr =	simm.s32 $0x1  }
0x2: {  	[smem:$0x3F9B] =	sst lr;
	_ =	strace $0xD0000000  }
0x3: {  	_ = 	snop  }
0x4: {  	_ = 	snop  }
0x5: {  	_ = 	snop  }
0x6: {  	_ = 	snop  }
0x7: {  	_ = 	snop  }
__scs_overlays_trampoline_lowered:
0x8: {  	[smem:$0x3FAA] =	sst s0  }
0x9: {  	[smem:$0x3FAB] =	sst s1  }
0xa: {  	[smem:$0x3FAC] =	sst s2  }
0xb: {  	[smem:$0x3FAD] =	sst s3  }
0xc: {  	[smem:$0x3FAE] =	sst s4  }
0xd: {  	[smem:$0x3FAF] =	sst s5  }
0xe: {  	[smem:$0x3FB0] =	sst s6  }
0xf: {  	[smem:$0x3FB1] =	sst s7  }
0x10: {  	[smem:$0x3FB2] =	sst s8  }
0x11: {  	[smem:$0x3FB3] =	sst s9;
	s0 =	simm.s32 @!p0 $0x0  }
0x12: {  	s1 =	sld [smem:$0x3F99];
	s0 =	simm.s32 @p0 $0x1  }
0x13: {  	[smem:$0x3FB4] =	sst s0;
	s0 =	simm.s32 @!p1 $0x0  }
0x14: {  	s2 =	sld [smem:$0x3F98];
	s0 =	simm.s32 @p1 $0x1  }
0x15: {  	[smem:$0x3FB5] =	sst s0;
	s0 =	simm.s32 @!p2 $0x0  }
0x16: {  	s3 =	sld [smem:$0x3FDB];
	s0 =	simm.s32 @p2 $0x1  }
0x17: {  	s4 =	simm.s32 $0x1BF5;
	[smem:$0x3FB7] =	sst s0  }
0x18: {  	s0 =	sld [smem:$0x3F9A];
	_ =	swait.ge [sflag:s4], $0x0  }
0x19: {  	s7 =	sld [smem:$0x3F9B]  }
0x1a: {  	s8 =	sadd.s32 $0xFFFFE003, lr  }
0x1b: {  	s9 =	sadd.s32 $0xFFFFFEF7, lr;
	s5 =	simm.s32 $0xFFFFFFFF;
	p2 =	slt.u32 s8, $0xFFFFF086  }
0x1c: {  	p1 =	slt.u32 s9, $0xF7A;
	s5 =	simm.s32 @!p2 $0x0  }
0x1d: {  	s5 =	simm.s32 @p1 $0x1;
	p0 =	seq.s32 s7, s2  }
0x1e: {  	s7 =	smul.u32 @!p0 $0xF7A, s2;
	p2 =	seq.s32 @!p0 s5, $0x0  }
0x1f: {  	s9 =	smul.u32 $0xF7A, s1;
	s8 =	simm.s32 @!p0 $0x1BF5;
	p2 =	por !p2, p0  }
0x20: {  	[sflag:s8] =	ssyncset.s32 @!p0 $0xFFFFF086;
	s6 =	sadd.s32 @!p0 s3, s7;
	s7 =	simm.s32 @!p0 $0x108  }
0x21: {  	s3 =	sadd.s32 s3, s9;
	s6 =	sadd.s32 @!p0 $0x88, s6;
	s7 =	simm.s32 @p2 $0x1082  }
0x22: {  	[simem:s7], [sflag:s8] =	dma.local @!p0 [hbm:s6], $0xF7A  }
0x23: {  	s9 =	sor.u32 $0xD0000000, s2;
	s6 =	simm.s32 $0x108;
	_ =	swait.ge @!p0 [sflag:s8], $0x0  }
0x24: {  	s3 =	sadd.s32 $0x88, s3;
	s6 =	simm.s32 @!p1 $0x1082;
	[sflag:s4] =	ssyncset.s32 $0xFFFFF086  }
0x25: {  	[simem:s6], [sflag:s4] =	dma.local [hbm:s3], $0xF7A  }
0x26: {  	[smem:$0x3F9B] =	sst s1;
	(tag) =	ssettag s2;
	_ =	strace s9  }
0x27: {  	s1 =	sld [smem:$0x3FAB]  }
0x28: {  	s2 =	sld [smem:$0x3FAC]  }
0x29: {  	s4 =	sld [smem:$0x3FAE]  }
0x2a: {  	p0 =	seq.s32 s5, $0x0;
	s5 =	sld [smem:$0x3FAF]  }
0x2b: {  	s6 =	sld [smem:$0x3FB0]  }
0x2c: {  	s7 =	sld [smem:$0x3FB1]  }
0x2d: {  	s3 =	simm.s32 $0x108;
	s8 =	sld [smem:$0x3FB2]  }
0x2e: {  	s3 =	simm.s32 @!p0 $0x1082;
	s9 =	sld [smem:$0x3FB3]  }
0x2f: {  	lr =	sadd.s32 s0, s3;
	s0 =	sld [smem:$0x3FAA]  }
0x30: {  	s3 =	sld [smem:$0x3FAD]  }
0x31: {  	[smem:$0x3FB6] =	sst s10  }
0x32: {  	s10 =	sld [smem:$0x3FB4];
	_ =	sdelay $0x3  }
0x33: {  	p0 =	seq.s32 s10, $0x1;
	s10 =	sld [smem:$0x3FB6];
	_ =	sdelay $0x3  }
0x34: {  	[smem:$0x3FB6] =	sst s10  }
0x35: {  	s10 =	sld [smem:$0x3FB5];
	_ =	sdelay $0x3  }
0x36: {  	p1 =	seq.s32 s10, $0x1;
	s10 =	sld [smem:$0x3FB6];
	_ =	sdelay $0x3  }
0x37: {  	[smem:$0x3FB6] =	sst s10  }
0x38: {  	s10 =	sld [smem:$0x3FB7]  }
0x39: {  	_ = 	snop;
	(pc) =	sbr.ind lr, $3  }
0x3a: {  	_ = 	snop  }
0x3b: {  	_ = 	snop  }
0x3c: {  	p2 =	seq.s32 s10, $0x1;
	s10 =	sld [smem:$0x3FB6]  }
0x3d: {  	_ =	shalt  }
0x3e: {  	_ =	shalt  }
0x3f: {  	_ =	shalt  }
0x40: {  	_ =	shalt  }
0x41: {  	_ =	shalt  }
0x42: {  	_ =	shalt  }
0x43: {  	_ =	shalt  }
0x44: {  	_ =	shalt  }
0x45: {  	_ =	shalt  }
0x46: {  	_ =	shalt  }
0x47: {  	_ =	shalt  }
0x48: {  	_ =	shalt  }
0x49: {  	_ =	shalt  }
0x4a: {  	_ =	shalt  }
0x4b: {  	_ =	shalt  }
0x4c: {  	_ =	shalt  }
0x4d: {  	_ =	shalt  }
0x4e: {  	_ =	shalt  }
0x4f: {  	_ =	shalt  }
0x50: {  	_ =	shalt  }
0x51: {  	_ =	shalt  }
0x52: {  	_ =	shalt  }
0x53: {  	_ =	shalt  }
0x54: {  	_ =	shalt  }
0x55: {  	_ =	shalt  }
0x56: {  	_ =	shalt  }
0x57: {  	_ =	shalt  }
0x58: {  	_ =	shalt  }
0x59: {  	_ =	shalt  }
0x5a: {  	_ =	shalt  }
0x5b: {  	_ =	shalt  }
0x5c: {  	_ =	shalt  }
0x5d: {  	_ =	shalt  }
0x5e: {  	_ =	shalt  }
0x5f: {  	_ =	shalt  }
0x60: {  	_ =	shalt  }
0x61: {  	_ =	shalt  }
0x62: {  	_ =	shalt  }
0x63: {  	_ =	shalt  }
0x64: {  	_ =	shalt  }
0x65: {  	_ =	shalt  }
0x66: {  	_ =	shalt  }
0x67: {  	_ =	shalt  }
0x68: {  	_ =	shalt  }
0x69: {  	_ =	shalt  }
0x6a: {  	_ =	shalt  }
0x6b: {  	_ =	shalt  }
0x6c: {  	_ =	shalt  }
0x6d: {  	_ =	shalt  }
0x6e: {  	_ =	shalt  }
0x6f: {  	_ =	shalt  }
0x70: {  	_ =	shalt  }
0x71: {  	_ =	shalt  }
0x72: {  	_ =	shalt  }
0x73: {  	_ =	shalt  }
0x74: {  	_ =	shalt  }
0x75: {  	_ =	shalt  }
0x76: {  	_ =	shalt  }
0x77: {  	_ =	shalt  }
0x78: {  	_ =	shalt  }
0x79: {  	_ =	shalt  }
0x7a: {  	_ =	shalt  }
0x7b: {  	_ =	shalt  }
0x7c: {  	_ =	shalt  }
0x7d: {  	_ =	shalt  }
0x7e: {  	_ =	shalt  }
0x7f: {  	_ =	shalt  }
0x80: {  	_ =	shalt  }
0x81: {  	_ =	shalt  }
0x82: {  	_ =	shalt  }
0x83: {  	_ =	shalt  }
0x84: {  	_ =	shalt  }
0x85: {  	_ =	shalt  }
0x86: {  	_ =	shalt  }
0x87: {  	_ =	shalt  }
.Lfunc_end0:
.L_simem_size_0:
called_computation.2_lowered:
.L_overlay_start_0:
0x88: {  	s2 =	sld [smem:$0x3FD9]  }
0x89: {  	s3 =	sld [smem:$0x3FFE];
	_ =	sdelay $0x1  }
0x8a: {  	s1 =	srdreg.scid  }
0x8b: {  	s0 =	sand.u32 $0x1, s1  }
0x8c: {  	s17 =	sshll.u32 s0, $0xA;
	s2 =	sadd.s32 s3, s2  }
0x8d: {  	s2 =	sadd.s32 s2, s17  }
0x8e: {  	[smem:$0x3FC2] =	sst s2  }
0x8f: {  	_ = 	snop  }
0x90: {  	s2 =	sld [smem:$0x3FD0];
	(tm) =	ssettm $0x1  }
0x91: {  	s18 =	sld [smem:$0x3FFB];
	_ =	sdelay $0x3  }
0x92: {  	_ =	strace s18  }
0x93: {  	s3 =	sld [smem:$0x3FFC];
	_ =	sdelay $0x3  }
0x94: {  	_ =	strace s3  }
0x95: {  	s3 =	sld [smem:$0x3FFD];
	_ =	sdelay $0x3  }
0x96: {  	_ =	strace s3  }
0x97: {  	_ =	strace $0x8FFFFFFF  }
0x98: {  	s19 =	sld [smem:$0x3FDB];
	_ =	sdelay $0x1  }
0x99: {  	s4 =	simm.s32 $_scs_section_size  }
0x9a: {  	s5 =	simm.s32 $_size__tile_overlayer_lowered;
	s6 =	simm.s32 $_tile_overlayer_lowered  }
0x9b: {  	s22 =	simm.s32 $0x1BFF;
	s21 =	sshll.u32 s6, $0x1;
	s3 =	sadd.s32 s4, s19  }
0x9c: {  	s7 =	simm.s32 $0x0;
	s20 =	sshll.u32 s5, $0x1;
	s5 =	sadd.s32 s21, s3  }
0x9d: {  	[timem:s7], [sflag:s22] =	dma.local [hbm:s5], s20  }
0x9e: {  	_ =	swait.ge [sflag:s22], s20  }
0x9f: {  	s4 =	ssub.s32 $0x0, s20;
	[sflag:s22] =	ssyncset.done $0x0  }
0xa0: {  	[sflag:s22] =	ssyncadd.s32 s4;
	_ =	sdelay $0x1  }
0xa1: {  	s23 =	simm.s32 $0x1B8B  }
0xa2: {  	_ =	swait.ge [sflag:s23], $0x1  }
0xa3: {  	[sflag:s23] =	ssyncset.done $0x0  }
0xa4: {  	s25 =	simm.s32 $0x1B8E;
	s24 =	sld [smem:$0x3FFE];
	[sflag:s23] =	ssyncadd.s32 $0xFFFFFFFF  }
0xa5: {  	s26 =	simm.s32 $execute0_lowered;
	[smem:$0x3FD2] =	sst s25  }
0xa6: {  	s5 =	sshll.u32 s26, $0x1;
	_ =	strace $0x8000004C;
	[dreg:$0x1] =	wrdreg $0xFFFFFFFF  }
0xa7: {  	s28 =	simm.s32 $_size_execute0_lowered;
	s3 =	sadd.s32 s3, s5;
	[dreg:$0x0] =	wrdreg $0x0  }
0xa8: {  	s5 =	sshll.u32 s28, $0x1;
	[dreg:$0x2] =	wrdreg s3  }
0xa9: {  	[dreg:$0x3] =	wrdreg s5  }
0xaa: {  	[dreg:$0x4] =	wrdreg $0xC0  }
0xab: {  	_ =	task [dreg:s7], $0x5FFFF  }
0xac: {  	[dreg:$0x1] =	wrdreg $0xFFFFFFFF  }
0xad: {  	[dreg:$0x0] =	wrdreg $0x60  }
0xae: {  	[dreg:$0x2] =	wrdreg s2  }
0xaf: {  	[dreg:$0x3] =	wrdreg s24  }
0xb0: {  	[dreg:$0x4] =	wrdreg $0xAA000  }
0xb1: {  	[dreg:$0x5] =	wrdreg $0x9  }
0xb2: {  	_ =	task.clear_ibuf [dreg:s7], $0x6FFFF;
	_ =	strace $0x9000004C  }
0xb3: {  	s29 =	simm.s32 $0x9;
	_ =	strace $0x8000004E  }
0xb4: {  	_ =	swait.ge [sflag:s29], $0x1  }
0xb5: {  	[sflag:s29] =	ssyncadd.s32 $0xFFFFFFFF  }
0xb6: {  	_ =	strace $0x9000004E  }
0xb7: {  	_ =	sfence  }
0xb8: {  	s30 =	sld [smem:$0x0];
	_ =	sdelay $0x2  }
0xb9: {  	s31 =	sshll.u32 s1, $0xD;
	s1 =	sshrl.u32 s1, $0x2  }
0xba: {  	s3 =	sand.u32 $0x4000, s31;
	s1 =	sadd.s32 s1, s30  }
0xbb: {  	s0 =	sor.u32 s3, s0;
	s1 =	sshll.u32 s1, $0x11  }
0xbc: {  	s0 =	sor.u32 s1, s0  }
0xbd: {  	s0 =	sadd.s32 $0x8F2B, s0  }
0xbe: {  	[sflag:s0] =	ssyncadd.remote.s32 $0x1  }
0xbf: {  	_ =	sfence.sel $0xFFFF  }
0xc0: {  	[dreg:$0x0] =	wrdreg $0xFFFFFFFF;
	(pc) =	sbr.abs _section_cstart, $3  }
0xc1: {  	[dreg:$0x1] =	wrdreg $0xFFFFFFFF  }
0xc2: {  	_ =	task.clear_ibuf [dreg:s7], $0x2FFFF;
	_ =	strace $0x9FFFFFFF  }
0xc3: {  	(tm) =	ssettm $0x7FFFFFFF  }
tec
execute0_lowered:
.L_overlay_start_1:
0x0: {  	(tag) =	ssettag $0x1  }
0x1: {  	s1 =	rddreg [dreg:$0x0]  }
0x2: {  	s0 =	srdreg.scid;
	s2 =	rddreg [dreg:$0x1]  }
0x3: {  	s7 =	stileid.u32;
	s3 =	rddreg [dreg:$0x2];
	s18 =	simm.s32 $0x0  }
0x4: {  	s28 =	simm.s32 $0x5;
	s29 =	simm.s32 $0x2;
	s0 =	sand.u32 $0x1, s0  }
0x5: {  	s4 =	sshll.u32 s7, $0x1;
	[smem:$0x7FF] =	sst s18;
	s10 =	smul.u32 $0x14000, s7  }
0x6: {  	s6 =	sadd.s32 $0xC000, s2;
	s12 =	smul.u32 $0x50000, s7;
	s7 =	sadd.s32 $0x2000, s2  }
0x7: {  	s5 =	sor.u32 s0, s4;
	s8 =	smul.u32 $0x140000, s0;
	s0 =	ssub.s32 $0x2, s0  }
0x8: {  	_ =	strace $0x8000004D;
	s5 =	smul.u32 $0x2800, s5;
	s19 =	sshrl.u32 s0, $0x1  }
0x9: {  	s12 =	sshrl.u32 s12, $0x2;
	s8 =	sadd.s32 s10, s8;
	s0 =	ssub.s32 s0, s19  }
0xa: {  	s9 =	sshrl.u32 s5, $0x3;
	s8 =	sshrl.u32 s8, $0x3;
	s0 =	smax.u32 s0, $0x1  }
0xb: {  	s11 =	sadd.s32 s9, s2;
	s25 =	sadd.s32 s6, s9;
	[dreg:$0xc] =	wrdreg s0  }
0xc: {  	s2 =	sadd.s32 s8, s2;
	s26 =	sadd.s32 s7, s9;
	[dreg:$0x9] =	wrdreg s25  }
0xd: {  	s8 =	sadd.s32 s12, s3;
	s20 =	sadd.s32 $0x16000, s11;
	[dreg:$0xa] =	wrdreg s26  }
0xe: {  	s30 =	simm.s32 $0x6;
	s21 =	sadd.s32 $0x4000, s8;
	[dreg:$0x4] =	wrdreg s20  }
0xf: {  	s31 =	simm.s32 $0x3;
	s22 =	sadd.s32 $0x8000, s8;
	[dreg:$0x5] =	wrdreg s21  }
0x10: {  	s18 =	simm.s32 $0x7;
	s23 =	sadd.s32 $0xC000, s8;
	[dreg:$0x6] =	wrdreg s22  }
0x11: {  	s19 =	simm.s32 $0x2A00;
	s24 =	sadd.s32 $0x10000, s8;
	[dreg:$0x7] =	wrdreg s23  }
0x12: {  	s0 =	simm.s32 $0x0;
	s2 =	sadd.s32 $0x20000, s2;
	[dreg:$0x8] =	wrdreg s24  }
0x13: {  	s25 =	simm.s32 $0x6A00;
	s26 =	simm.s32 $0x1;
	[dreg:$0xb] =	wrdreg s2  }
0x14: {  	s20 =	simm.s32 $0x2800;
	s21 =	simm.s32 $0x2900;
	s22 =	simm.s32 $0x80  }
0x15: {  	v0 =	vimm.f32 $0.0e+00;
	s23 =	simm.s32 $0x2880;
	s24 =	simm.s32 $0x2980;
	s2 =	simm.s32 $0x4  }
.LBB2_1:
0x16: {  	s4 =	simm.s32 $0x0;
	s9 =	rddreg [dreg:$0x4]  }
0x17: {  	[tilespmem:s4], [sflag:$0x7] =	stream.linear.gather [hbm4b:s9+s4], $0x2800, $0x38;
	[tilespmem:$0x1EA00] =	vst v63  }
0x18: {  	s17 =	sand.u32 $0xFE00, s4;
	s10 =	sand.u32 $0x70, s4;
	_ =	swait.ge [sflag:s18], $0x2800  }
0x19: {  	s9 =	simm.s32 $0x40;
	s11 =	sshrl.u32 s17, $0x2;
	[sflag:s18] =	ssyncset.done $0x0  }
0x1a: {  	s11 =	sor.u32 s10, s11;
	s10 =	simm.s32 $0x0;
	[sflag:s18] =	ssyncadd.s32 $0xFFFFD800  }
.LBB2_2:
0x1b: {  	p0 =	sne.s32 s9, $0xFFC0  }
0x1c: {  	[tilespmem:s11+$0x2A00] =	vst v0;
	s10 =	sadd.s32 $0x10, s10;
	s11 =	smov.u32 s9;
	s9 =	sadd.s32 $0x40, s9  }
.Ltmp0:
0x1d: {  	(pc) =	sbr.rel @p0 .LBB2_2-.Ltmp0, $4  }
0x1e: {  	_ = 	snop  }
0x1f: {  	s11 =	sand.u32 $0xFE00, s11  }
0x20: {  	s12 =	sand.u32 $0x70, s10;
	s11 =	sshrl.u32 s11, $0x2  }
0x21: {  	s11 =	sor.u32 s12, s11  }
0x22: {  	[tilespmem:s11+$0x2A00] =	vst v0  }
0x23: {  	[spmem:s8] =	stream.linear.scatter [tilespmem:s19], [sflag:$0x7], $0x4000, $0x38;
	[tilespmem:$0x1EA00] =	vst v63  }
0x24: {  	_ =	swait.ge [sflag:s18], $0x4000  }
0x25: {  	[sflag:s18] =	ssyncset.done $0x0  }
0x26: {  	s4 =	rddreg [dreg:$0x5];
	[sflag:s18] =	ssyncadd.s32 $0xFFFFC000  }
0x27: {  	[spmem:s4] =	stream.linear.scatter [tilespmem:s19], [sflag:$0x7], $0x4000, $0x38;
	[tilespmem:$0x1EA00] =	vst v63  }
0x28: {  	_ =	swait.ge [sflag:s18], $0x4000  }
0x29: {  	[sflag:s18] =	ssyncset.done $0x0  }
0x2a: {  	s13 =	rddreg [dreg:$0x6];
	[sflag:s18] =	ssyncadd.s32 $0xFFFFC000  }
0x2b: {  	[spmem:s13] =	stream.linear.scatter [tilespmem:s19], [sflag:$0x7], $0x4000, $0x38;
	[tilespmem:$0x1EA00] =	vst v63  }
0x2c: {  	_ =	swait.ge [sflag:s18], $0x4000  }
0x2d: {  	[sflag:s18] =	ssyncset.done $0x0  }
0x2e: {  	s14 =	rddreg [dreg:$0x7];
	[sflag:s18] =	ssyncadd.s32 $0xFFFFC000  }
0x2f: {  	[spmem:s14] =	stream.linear.scatter [tilespmem:s19], [sflag:$0x7], $0x4000, $0x38;
	[tilespmem:$0x1EA00] =	vst v63  }
0x30: {  	_ =	swait.ge [sflag:s18], $0x4000  }
0x31: {  	[sflag:s18] =	ssyncset.done $0x0  }
0x32: {  	s15 =	rddreg [dreg:$0x8];
	[sflag:s18] =	ssyncadd.s32 $0xFFFFC000  }
0x33: {  	[spmem:s15] =	stream.linear.scatter [tilespmem:s19], [sflag:$0x7], $0x4000, $0x38;
	[tilespmem:$0x1EA00] =	vst v63  }
0x34: {  	_ =	swait.ge [sflag:s18], $0x4000  }
0x35: {  	[sflag:s18] =	ssyncset.done $0x0  }
0x36: {  	[sflag:s18] =	ssyncadd.s32 $0xFFFFC000  }
0x37: {  	[bflag:$0x0] =	sbarrier.arrive $0xFFFF  }
0x38: {  	s9 =	simm.s32 $0x0;
	s16 =	rddreg [dreg:$0x9]  }
0x39: {  	[tilespmem:s20], [sflag:$0x5] =	stream.linear.gather [hbm4b:s16+s9], $0x80, $0x38;
	[tilespmem:$0x1EA00] =	vst v63  }
0x3a: {  	s17 =	rddreg [dreg:$0xa]  }
0x3b: {  	[tilespmem:s21], [sflag:$0x5] =	stream.linear.gather [hbm4b:s17+s9], $0x80, $0x38;
	[tilespmem:$0x1EA00] =	vst v63  }
0x3c: {  	s10 =	simm.s32 $0x0  }
0x3d: {  	[tilespmem:s19], [sflag:$0x1] =	stream.indirect.gather [hbm4b:s1+s22], $0x80, s9, s22, $0xb8;
	[tilespmem:$0x1EA00] =	vst v63  }
.LBB2_4:
0x3e: {  	s11 =	sshllo.u32 s10, $0x1;
	s12 =	sshll.u32 s10, $0x8  }
0x3f: {  	p0 =	seq.s32 s10, $0x0;
	s12 =	sand.u32 $0x3C00, s12;
	s11 =	sshll.u32 s11, $0x7  }
0x40: {  	s13 =	simm.s32 @!p0 $0x4;
	s12 =	sadd.s32 s5, s12;
	s14 =	sand.u32 $0x380, s11  }
0x41: {  	_ =	swait.ge @!p0 [sflag:s13], $0x4000;
	s12 =	sor.u32 s12, s14  }
0x42: {  	[sflag:s13] =	ssyncset.done @!p0 $0x0;
	s12 =	sshrl.u32 s12, $0x3  }
0x43: {  	[sflag:s13] =	ssyncadd.s32 @!p0 $0xFFFFC000;
	s14 =	sadd.s32 s6, s12  }
0x44: {  	[tilespmem:s23], [sflag:$0x6] =	stream.linear.gather [hbm4b:s14+s9], $0x80, $0x38;
	[tilespmem:$0x1EA00] =	vst v63  }
0x45: {  	s12 =	sadd.s32 s7, s12  }
0x46: {  	[tilespmem:s24], [sflag:$0x6] =	stream.linear.gather [hbm4b:s12+s9], $0x80, $0x38;
	[tilespmem:$0x1EA00] =	vst v63  }
0x47: {  	s11 =	sand.u32 $0x3FFFFF80, s11  }
0x48: {  	[tilespmem:s25], [sflag:$0x2] =	stream.indirect.gather [hbm4b:s1+s22], $0x80, s11, s22, $0xb8;
	[tilespmem:$0x1EA00] =	vst v63  }
0x49: {  	_ =	swait.ge [sflag:s26], $0x4000  }
0x4a: {  	[sflag:s26] =	ssyncset.done $0x0  }
0x4b: {  	[sflag:s26] =	ssyncadd.s32 $0xFFFFC000  }
0x4c: {  	_ =	swait.ge [sflag:s28], $0x80  }
0x4d: {  	[sflag:s28] =	ssyncset.done $0x0  }
0x4e: {  	[sflag:s28] =	ssyncadd.s32 $0xFFFFFF80  }
0x4f: {  	_ =	swait.ge [sflag:s28], $0x80  }
0x50: {  	[sflag:s28] =	ssyncset.done $0x0  }
0x51: {  	s11 =	simm.s32 $0x2B00;
	[sflag:s28] =	ssyncadd.s32 $0xFFFFFF80  }
0x52: {  	v3 =	vld [tilespmem:s11+$0xFFFFFFF0]  }
0x53: {  	v4 =	vld [tilespmem:s11+$0xF0]  }
0x54: {  	v2 =	vld [tilespmem:s11+$0xB0]  }
0x55: {  	v5 =	vld [tilespmem:s11+$0xFFFFFFC0]  }
0x56: {  	v6 =	vld [tilespmem:s11+$0x40]  }
0x57: {  	v7 =	vld [tilespmem:s11+$0xFFFFFF50]  }
0x58: {  	v8 =	vld [tilespmem:s11+$0xFFFFFFD0]  }
0x59: {  	v1 =	vmov s9;
	s15 =	simm.s32 $0x1;
	s16 =	simm.s32 $0x3;
	v9 =	vld [tilespmem:s11+$0x50]  }
0x5a: {  	s17 =	simm.s32 $0x2;
	v1 =	vand.u32 $0xFFFFFFFC, v1;
	v10 =	vmov s15;
	v11 =	vmov s16;
	v12 =	vld [tilespmem:s11+$0xD0]  }
0x5b: {  	v13 =	vbroadcast v1, $0x0;
	v1 =	vand.u32 $0xFFFFFFFD, v10;
	v10 =	vmov s17;
	v14 =	vld [tilespmem:s11+$0xFFFFFF60]  }
0x5c: {  	v15 =	vbroadcast v1, $0x0;
	v1 =	vand.u32 $0xFFFFFFFE, v10;
	v10 =	vld [tilespmem:s11+$0xFFFFFFE0]  }
0x5d: {  	v16 =	vbroadcast v1, $0x0;
	v17 =	vld [tilespmem:s11+$0x60]  }
0x5e: {  	v18 =	vld [tilespmem:s11+$0xE0]  }
0x5f: {  	v19 =	vld [tilespmem:s11+$0xFFFFFF70]  }
0x60: {  	v1 =	vld.idx.msk [tilespmem:v11+s21+$0x0], $0xffff  }
0x61: {  	v20 =	vld.idx.msk [tilespmem:v13+s21+$0x0], $0xffff  }
0x62: {  	v21 =	vld.idx.msk [tilespmem:v15+s21+$0x0], $0xffff  }
0x63: {  	v16 =	vld.idx.msk [tilespmem:v16+s21+$0x0], $0xffff  }
0x64: {  	v11 =	vld [tilespmem:s11+$0x70]  }
0x65: {  	v13 =	vld [tilespmem:s11+$0x30]  }
0x66: {  	v15 =	vld [tilespmem:s11+$0xFFFFFFB0];
	v12 =	vmul.f32 v12, v1  }
0x67: {  	v22 =	vld [tilespmem:s11+$0xA0];
	v18 =	vmul.f32 v18, v1  }
0x68: {  	v23 =	vld [tilespmem:s11+$0xFFFFFF30];
	v7 =	vmul.f32 v7, v20;
	[tilespmem:s11+$0xD0] =	vst v12  }
0x69: {  	v60 =	vld [tilespmem:s11+$0xFFFFFFA0];
	v5 =	vmul.f32 v5, v21;
	[tilespmem:s11+$0xE0] =	vst v18  }
0x6a: {  	v24 =	vld [tilespmem:s11+$0x10];
	v2 =	vmul.f32 v2, v1;
	[tilespmem:s11+$0xFFFFFF50] =	vst v7  }
0x6b: {  	v25 =	vld [tilespmem:s11+$0xFFFFFF10];
	v11 =	vmul.f32 v11, v16;
	[tilespmem:s11+$0xFFFFFFC0] =	vst v5  }
0x6c: {  	v61 =	vld [tilespmem:s11+$0xFFFFFF80];
	v10 =	vmul.f32 v10, v21;
	[tilespmem:s11+$0xB0] =	vst v2  }
0x6d: {  	v62 =	vld [tilespmem:s11+$0xFFFFFF00];
	v26 =	vmul.f32 v3, v21;
	v3 =	vmul.f32 v19, v20;
	[tilespmem:s11+$0x70] =	vst v11  }
0x6e: {  	v63 =	vld [tilespmem:s11+$0xFFFFFF40];
	v4 =	vmul.f32 v4, v1;
	[tilespmem:s11+$0xFFFFFFE0] =	vst v10  }
0x6f: {  	v12 =	vmul.f32 v14, v20;
	v14 =	vld [tilespmem:s11+$0x20];
	[tilespmem:s11+$0xFFFFFF70] =	vst v3  }
0x70: {  	v22 =	vmul.f32 v22, v1;
	v7 =	vmul.f32 v8, v21;
	v8 =	vld [tilespmem:s11+$0xFFFFFF20];
	[tilespmem:s11+$0xF0] =	vst v4  }
0x71: {  	v5 =	vmul.f32 v6, v16;
	v2 =	vmul.f32 v17, v16;
	v17 =	vld [tilespmem:s11+$0x80];
	[tilespmem:s11+$0xFFFFFF60] =	vst v12  }
0x72: {  	v6 =	vmul.f32 v13, v16;
	v11 =	vmul.f32 v24, v16;
	v12 =	vld [tilespmem:s11+$0x90];
	[tilespmem:s11+$0xFFFFFFD0] =	vst v7  }
0x73: {  	v13 =	vld [tilespmem:s11+$0xFFFFFF90];
	v4 =	vmul.f32 v61, v21;
	v7 =	vmul.f32 v9, v16;
	[tilespmem:s11+$0x40] =	vst v5  }
0x74: {  	v5 =	vmul.f32 v23, v20;
	[tilespmem:s11+$0x30] =	vst v6;
	v6 =	vmul.f32 v14, v16;
	v14 =	vld [tilespmem:s11+$0x0]  }
0x75: {  	v9 =	vmul.f32 v15, v21;
	[tilespmem:s11+$0x50] =	vst v7;
	v7 =	vmul.f32 v60, v21  }
0x76: {  	v15 =	vld [tilespmem:s11+$0xC0];
	[tilespmem:s11+$0xFFFFFF30] =	vst v5;
	v5 =	vmul.f32 v62, v20;
	v8 =	vmul.f32 v8, v20  }
0x77: {  	[tilespmem:s11+$0xFFFFFFB0] =	vst v9;
	v10 =	vmul.f32 v17, v1;
	v9 =	vmul.f32 v12, v1  }
0x78: {  	[tilespmem:s11+$0xFFFFFFF0] =	vst v26;
	v12 =	vmul.f32 v13, v21;
	v13 =	vmul.f32 v25, v20  }
0x79: {  	s13 =	simm.s32 $0x2D00;
	s14 =	simm.s32 $0x4;
	s12 =	sshll.u32 s10, $0x1;
	[tilespmem:s11+$0xA0] =	vst v22;
	v3 =	vmul.f32 v14, v16;
	v14 =	vmul.f32 v63, v20  }
.LBB2_5:
0x7a: {  	s16 =	sadd.s32 $0x1, s14  }
0x7b: {  	v16 =	vmov s14;
	s17 =	sadd.s32 $0x3, s14;
	v17 =	vld [tilespmem:s13+$0xFFFFFFF0];
	[tilespmem:s11+$0x20] =	vst v6;
	v1 =	vmul.f32 v15, v1;
	s4 =	smov.u32 s14;
	s15 =	sadd.s32 $0x4, s14  }
0x7c: {  	p0 =	sne.s32 s14, $0x7C;
	v6 =	vand.u32 $0xFFFFFFFC, v16;
	v15 =	vmov s16;
	s4 =	sadd.s32 $0x2, s4;
	v16 =	vmov s17;
	v18 =	vld [tilespmem:s13+$0xF0];
	[tilespmem:s11+$0xFFFFFFA0] =	vst v7  }
0x7d: {  	v6 =	vbroadcast v6, $0x0;
	v7 =	vand.u32 $0xFFFFFFFD, v15;
	v15 =	vmov s4;
	v19 =	vld [tilespmem:s13+$0xB0];
	[tilespmem:s11+$0xFFFFFF20] =	vst v8  }
0x7e: {  	v7 =	vbroadcast v7, $0x0;
	v8 =	vand.u32 $0xFFFFFFFE, v15;
	v15 =	vld [tilespmem:s13+$0xFFFFFFC0];
	[tilespmem:s11+$0x90] =	vst v9  }
0x7f: {  	v8 =	vbroadcast v8, $0x0;
	v9 =	vld [tilespmem:s13+$0x40];
	[tilespmem:s11+$0x10] =	vst v11  }
0x80: {  	v11 =	vld [tilespmem:s13+$0xFFFFFF50];
	[tilespmem:s11+$0xFFFFFF90] =	vst v12  }
0x81: {  	v12 =	vld [tilespmem:s13+$0xFFFFFFD0];
	[tilespmem:s11+$0xFFFFFF10] =	vst v13  }
0x82: {  	v13 =	vld [tilespmem:s13+$0x50];
	[tilespmem:s11+$0xFFFFFF40] =	vst v14  }
0x83: {  	v14 =	vld [tilespmem:s13+$0xD0];
	[tilespmem:s11+$0x80] =	vst v10  }
0x84: {  	v10 =	vld [tilespmem:s13+$0xFFFFFF60];
	[tilespmem:s11+$0x60] =	vst v2  }
0x85: {  	v20 =	vld [tilespmem:s13+$0xFFFFFFE0];
	[tilespmem:s11+$0xC0] =	vst v1  }
0x86: {  	v2 =	vld [tilespmem:s13+$0x60];
	[tilespmem:s11+$0x0] =	vst v3  }
0x87: {  	v3 =	vld [tilespmem:s13+$0xE0];
	[tilespmem:s11+$0xFFFFFF80] =	vst v4  }
0x88: {  	v4 =	vld [tilespmem:s13+$0xFFFFFF70];
	[tilespmem:s11+$0xFFFFFF00] =	vst v5;
	s11 =	smov.u32 s13  }
0x89: {  	v1 =	vld.idx.msk [tilespmem:v16+s21+$0x0], $0xffff  }
0x8a: {  	v16 =	vld.idx.msk [tilespmem:v6+s21+$0x0], $0xffff  }
0x8b: {  	v5 =	vld.idx.msk [tilespmem:v7+s21+$0x0], $0xffff  }
0x8c: {  	v21 =	vld.idx.msk [tilespmem:v8+s21+$0x0], $0xffff  }
0x8d: {  	v6 =	vld [tilespmem:s13+$0x70]  }
0x8e: {  	v7 =	vld [tilespmem:s13+$0x30]  }
0x8f: {  	v14 =	vmul.f32 v14, v1;
	v3 =	vmul.f32 v3, v1;
	v8 =	vld [tilespmem:s13+$0xFFFFFFB0]  }
0x90: {  	v11 =	vmul.f32 v11, v16;
	v10 =	vmul.f32 v10, v16;
	v22 =	vld [tilespmem:s13+$0xFFFFFF30]  }
0x91: {  	v15 =	vmul.f32 v15, v5;
	v12 =	vmul.f32 v12, v5;
	v23 =	vld [tilespmem:s13+$0xA0];
	[tilespmem:s13+$0xD0] =	vst v14  }
0x92: {  	v19 =	vmul.f32 v19, v1;
	v9 =	vmul.f32 v9, v21;
	v14 =	vld [tilespmem:s13+$0x20];
	[tilespmem:s13+$0xE0] =	vst v3  }
0x93: {  	v3 =	vld [tilespmem:s13+$0xFFFFFFA0];
	v24 =	vmul.f32 v7, v21;
	[tilespmem:s13+$0xFFFFFF50] =	vst v11;
	v11 =	vmul.f32 v13, v21  }
0x94: {  	v2 =	vmul.f32 v2, v21;
	v13 =	vld [tilespmem:s13+$0xFFFFFF20];
	v25 =	vmul.f32 v8, v5;
	[tilespmem:s13+$0xFFFFFF60] =	vst v10  }
0x95: {  	v10 =	vld [tilespmem:s13+$0x90];
	v22 =	vmul.f32 v22, v16;
	[tilespmem:s13+$0xFFFFFFC0] =	vst v15;
	v15 =	vmul.f32 v6, v21  }
0x96: {  	v20 =	vmul.f32 v20, v5;
	v26 =	vld [tilespmem:s13+$0x10];
	v23 =	vmul.f32 v23, v1;
	[tilespmem:s13+$0xFFFFFFD0] =	vst v12  }
0x97: {  	v12 =	vld [tilespmem:s13+$0xFFFFFF90];
	v6 =	vmul.f32 v14, v21;
	[tilespmem:s13+$0xB0] =	vst v19;
	v14 =	vmul.f32 v17, v5  }
0x98: {  	v17 =	vld [tilespmem:s13+$0xFFFFFF10];
	v7 =	vmul.f32 v3, v5;
	[tilespmem:s13+$0x40] =	vst v9;
	v3 =	vmul.f32 v4, v16  }
0x99: {  	v18 =	vmul.f32 v18, v1;
	v4 =	vld [tilespmem:s13+$0x80];
	v8 =	vmul.f32 v13, v16;
	[tilespmem:s13+$0x30] =	vst v24  }
0x9a: {  	v19 =	vld [tilespmem:s13+$0x0];
	v9 =	vmul.f32 v10, v1;
	[tilespmem:s13+$0x50] =	vst v11  }
0x9b: {  	v24 =	vld [tilespmem:s13+$0xFFFFFF80];
	v11 =	vmul.f32 v26, v21;
	[tilespmem:s13+$0xFFFFFFB0] =	vst v25  }
0x9c: {  	v25 =	vld [tilespmem:s13+$0xFFFFFF00];
	v12 =	vmul.f32 v12, v5;
	[tilespmem:s13+$0x70] =	vst v15  }
0x9d: {  	v13 =	vmul.f32 v17, v16;
	v17 =	vld [tilespmem:s13+$0xFFFFFF40];
	[tilespmem:s13+$0xFFFFFFE0] =	vst v20  }
.Ltmp1:
0x9e: {  	v10 =	vmul.f32 v4, v1;
	v15 =	vld [tilespmem:s13+$0xC0];
	[tilespmem:s13+$0xFFFFFF70] =	vst v3;
	(pc) =	sbr.rel @p0 .LBB2_5-.Ltmp1, $4  }
0x9f: {  	v3 =	vmul.f32 v19, v21;
	[tilespmem:s13+$0xF0] =	vst v18  }
0xa0: {  	v4 =	vmul.f32 v24, v5;
	[tilespmem:s13+$0xFFFFFF30] =	vst v22  }
0xa1: {  	v5 =	vmul.f32 v25, v16;
	[tilespmem:s13+$0xFFFFFFF0] =	vst v14  }
0xa2: {  	s14 =	smov.u32 s15;
	s13 =	sadd.s32 $0x200, s13;
	[tilespmem:s11+$0xA0] =	vst v23;
	v14 =	vmul.f32 v17, v16  }
0xa3: {  	[tilespmem:s11+$0x20] =	vst v6  }
0xa4: {  	[tilespmem:s11+$0xFFFFFFA0] =	vst v7  }
0xa5: {  	[tilespmem:s11+$0xFFFFFF20] =	vst v8  }
0xa6: {  	[tilespmem:s11+$0x90] =	vst v9  }
0xa7: {  	[tilespmem:s11+$0x10] =	vst v11  }
0xa8: {  	[tilespmem:s11+$0xFFFFFF90] =	vst v12  }
0xa9: {  	[tilespmem:s11+$0xFFFFFF10] =	vst v13  }
0xaa: {  	[tilespmem:s11+$0x80] =	vst v10  }
0xab: {  	[tilespmem:s11+$0x60] =	vst v2  }
0xac: {  	[tilespmem:s11+$0x0] =	vst v3  }
0xad: {  	[tilespmem:s11+$0xFFFFFF80] =	vst v4  }
0xae: {  	v1 =	vmul.f32 v15, v1;
	[tilespmem:s11+$0xFFFFFF00] =	vst v5;
	p0 =	seq.s32 s10, $0x27  }
0xaf: {  	[tilespmem:s11+$0xFFFFFF40] =	vst v14;
	s4 =	sshll.u32 @!p0 s12, $0x7  }
0xb0: {  	[tilespmem:s11+$0xC0] =	vst v1;
	s4 =	sadd.s32 @!p0 $0x100, s4  }
0xb1: {  	[spmem:s3] =	stream.indirect.scatter.add.f32 [tilespmem:s19], [sflag:$0x3], $0x80, s20, s22, $0xb8;
	[tilespmem:$0x1EA00] =	vst v63  }
0xb2: {  	s11 =	simm.s32 @!p0 $0x3;
	s12 =	sand.u32 @!p0 $0x7C00, s4  }
0xb3: {  	s13 =	sand.u32 @!p0 $0x300, s4;
	_ =	swait.ge @!p0 [sflag:s11], $0x4000;
	s12 =	sadd.s32 @!p0 s5, s12  }
0xb4: {  	[sflag:s11] =	ssyncset.done @!p0 $0x0;
	s12 =	sor.u32 @!p0 s13, s12  }
0xb5: {  	[sflag:s11] =	ssyncadd.s32 @!p0 $0xFFFFC000;
	s11 =	sshrl.u32 @!p0 s12, $0x3  }
0xb6: {  	s14 =	simm.s32 @!p0 $0x2800;
	s13 =	simm.s32 @!p0 $0x0;
	s12 =	sadd.s32 @!p0 s6, s11  }
0xb7: {  	[tilespmem:s14], [sflag:$0x5] =	stream.linear.gather @!p0 [hbm4b:s12+s13], $0x80, $0x38;
	[tilespmem:$0x1EA00] =	vst v63  }
0xb8: {  	s11 =	sadd.s32 @!p0 s7, s11;
	s12 =	simm.s32 @!p0 $0x2900  }
0xb9: {  	[tilespmem:s12], [sflag:$0x5] =	stream.linear.gather @!p0 [hbm4b:s11+s13], $0x80, $0x38;
	[tilespmem:$0x1EA00] =	vst v63  }
0xba: {  	s4 =	sand.u32 @!p0 $0x3FFFFF80, s4;
	s11 =	simm.s32 @!p0 $0x80;
	s12 =	simm.s32 @!p0 $0x2A00  }
0xbb: {  	[tilespmem:s12], [sflag:$0x1] =	stream.indirect.gather @!p0 [hbm4b:s1+s11], $0x80, s4, s11, $0xb8;
	[tilespmem:$0x1EA00] =	vst v63  }
0xbc: {  	_ =	swait.ge [sflag:s29], $0x4000  }
0xbd: {  	[sflag:s29] =	ssyncset.done $0x0  }
0xbe: {  	[sflag:s29] =	ssyncadd.s32 $0xFFFFC000  }
0xbf: {  	_ =	swait.ge [sflag:s30], $0x80  }
0xc0: {  	[sflag:s30] =	ssyncset.done $0x0  }
0xc1: {  	[sflag:s30] =	ssyncadd.s32 $0xFFFFFF80  }
0xc2: {  	_ =	swait.ge [sflag:s30], $0x80  }
0xc3: {  	[sflag:s30] =	ssyncset.done $0x0  }
0xc4: {  	s11 =	simm.s32 $0x6B00;
	[sflag:s30] =	ssyncadd.s32 $0xFFFFFF80  }
0xc5: {  	v4 =	vld [tilespmem:s11+$0xFFFFFFF0]  }
0xc6: {  	v3 =	vld [tilespmem:s11+$0xF0]  }
0xc7: {  	v5 =	vld [tilespmem:s11+$0xB0]  }
0xc8: {  	v6 =	vld [tilespmem:s11+$0xFFFFFF40]  }
0xc9: {  	v7 =	vld [tilespmem:s11+$0x40]  }
0xca: {  	s14 =	simm.s32 $0x1;
	v8 =	vld [tilespmem:s11+$0xC0]  }
0xcb: {  	s15 =	simm.s32 $0x0;
	s16 =	simm.s32 $0x2;
	v1 =	vmov s14;
	v9 =	vld [tilespmem:s11+$0xFFFFFF50]  }
0xcc: {  	s17 =	simm.s32 $0x3;
	v2 =	vmov s15;
	v10 =	vmov s16;
	v1 =	vand.u32 $0x7D, v1;
	v11 =	vld [tilespmem:s11+$0xFFFFFFD0]  }
0xcd: {  	v12 =	vmov s17;
	v10 =	vand.u32 $0x7E, v10;
	v1 =	vor.u32 $0x80, v1;
	v13 =	vld [tilespmem:s11+$0x50]  }
0xce: {  	v12 =	vand.u32 $0x7F, v12;
	v10 =	vor.u32 $0x80, v10;
	v1 =	vbroadcast v1, $0x0;
	v14 =	vld [tilespmem:s11+$0xD0]  }
0xcf: {  	v2 =	vand.u32 $0x7C, v2;
	v12 =	vor.u32 $0x80, v12;
	v10 =	vbroadcast v10, $0x0;
	v15 =	vld [tilespmem:s11+$0xFFFFFF60]  }
0xd0: {  	v2 =	vor.u32 $0x80, v2;
	v12 =	vbroadcast v12, $0x0;
	v16 =	vld [tilespmem:s11+$0xFFFFFFE0]  }
0xd1: {  	v17 =	vbroadcast v2, $0x0;
	v18 =	vld [tilespmem:s11+$0x60]  }
0xd2: {  	v19 =	vld [tilespmem:s11+$0xE0]  }
0xd3: {  	v20 =	vld [tilespmem:s11+$0xFFFFFF70]  }
0xd4: {  	v2 =	vld.idx.msk [tilespmem:v1+s21+$0x0], $0xffff  }
0xd5: {  	v1 =	vld.idx.msk [tilespmem:v10+s21+$0x0], $0xffff  }
0xd6: {  	v21 =	vld.idx.msk [tilespmem:v12+s21+$0x0], $0xffff  }
0xd7: {  	v17 =	vld.idx.msk [tilespmem:v17+s21+$0x0], $0xffff  }
0xd8: {  	v10 =	vld [tilespmem:s11+$0x30]  }
0xd9: {  	v12 =	vld [tilespmem:s11+$0xFFFFFFB0];
	v11 =	vmul.f32 v11, v2  }
0xda: {  	v22 =	vld [tilespmem:s11+$0xFFFFFF30];
	v16 =	vmul.f32 v16, v2  }
0xdb: {  	v23 =	vld [tilespmem:s11+$0xA0];
	v13 =	vmul.f32 v13, v1;
	[tilespmem:s11+$0xFFFFFFD0] =	vst v11  }
0xdc: {  	v24 =	vld [tilespmem:s11+$0x10];
	v7 =	vmul.f32 v7, v1;
	[tilespmem:s11+$0xFFFFFFE0] =	vst v16  }
0xdd: {  	v26 =	vld [tilespmem:s11+$0xFFFFFF10];
	v5 =	vmul.f32 v5, v21;
	[tilespmem:s11+$0x50] =	vst v13  }
0xde: {  	v6 =	vmul.f32 v6, v17;
	v11 =	vld [tilespmem:s11+$0x20];
	[tilespmem:s11+$0x40] =	vst v7  }
0xdf: {  	v4 =	vmul.f32 v4, v2;
	v16 =	vld [tilespmem:s11+$0xFFFFFFA0];
	[tilespmem:s11+$0xB0] =	vst v5  }
0xe0: {  	v13 =	vld [tilespmem:s11+$0x90];
	v7 =	vmul.f32 v8, v21;
	[tilespmem:s11+$0xFFFFFF40] =	vst v6  }
0xe1: {  	v25 =	vmul.f32 v3, v21;
	v8 =	vld [tilespmem:s11+$0xFFFFFF20];
	v5 =	vmul.f32 v9, v17;
	[tilespmem:s11+$0xFFFFFFF0] =	vst v4  }
0xe2: {  	v3 =	vmul.f32 v15, v17;
	v6 =	vmul.f32 v10, v1;
	v10 =	vld [tilespmem:s11+$0xFFFFFF90];
	[tilespmem:s11+$0xC0] =	vst v7  }
0xe3: {  	v22 =	vmul.f32 v22, v17;
	v7 =	vmul.f32 v14, v21;
	[tilespmem:s11+$0xFFFFFF50] =	vst v5;
	v5 =	vld [tilespmem:s11+$0x0]  }
0xe4: {  	v14 =	vmul.f32 v19, v21;
	[tilespmem:s11+$0x30] =	vst v6;
	v6 =	vmul.f32 v12, v2;
	v19 =	vld [tilespmem:s11+$0x80]  }
0xe5: {  	[tilespmem:s11+$0xF0] =	vst v25;
	v12 =	vmul.f32 v18, v1;
	v18 =	vmul.f32 v20, v17;
	v20 =	vld [tilespmem:s11+$0xFFFFFF00]  }
0xe6: {  	v9 =	vmul.f32 v23, v21;
	[tilespmem:s11+$0xD0] =	vst v7;
	v7 =	vld [tilespmem:s11+$0xFFFFFF80];
	v11 =	vmul.f32 v11, v1  }
0xe7: {  	[tilespmem:s11+$0x60] =	vst v12;
	v15 =	vmul.f32 v16, v2;
	v12 =	vmul.f32 v8, v17  }
0xe8: {  	[tilespmem:s11+$0xFFFFFF70] =	vst v18;
	v18 =	vld [tilespmem:s11+$0xFFFFFFC0];
	v16 =	vmul.f32 v13, v21;
	v13 =	vmul.f32 v24, v1  }
0xe9: {  	[tilespmem:s11+$0xE0] =	vst v14;
	v14 =	vmul.f32 v10, v2;
	v10 =	vmul.f32 v26, v17  }
0xea: {  	[tilespmem:s11+$0xFFFFFFB0] =	vst v6;
	v6 =	vmul.f32 v19, v21;
	v5 =	vmul.f32 v5, v1  }
0xeb: {  	s13 =	simm.s32 $0x6D00;
	s12 =	simm.s32 $0x4;
	[tilespmem:s11+$0xFFFFFF30] =	vst v22;
	v8 =	vmul.f32 v20, v17;
	v17 =	vld [tilespmem:s11+$0x70];
	v7 =	vmul.f32 v7, v2  }
.LBB2_7:
0xec: {  	v19 =	vmov s12;
	s4 =	sadd.s32 $0x1, s12;
	s14 =	sadd.s32 $0x2, s12;
	s15 =	sadd.s32 $0x3, s12;
	v4 =	vld [tilespmem:s13+$0xFFFFFFF0];
	[tilespmem:s11+$0xA0] =	vst v9  }
0xed: {  	p0 =	sne.s32 s12, $0x7C;
	s12 =	sadd.s32 $0x4, s12;
	v9 =	vmov s4;
	v20 =	vmov s14;
	v21 =	vld [tilespmem:s13+$0xF0];
	[tilespmem:s11+$0x20] =	vst v11;
	v2 =	vmul.f32 v18, v2  }
0xee: {  	v11 =	vand.u32 $0x7C, v19;
	v9 =	vand.u32 $0x7D, v9;
	v18 =	vand.u32 $0x7E, v20;
	v19 =	vld [tilespmem:s13+$0xB0];
	[tilespmem:s11+$0xFFFFFFA0] =	vst v15  }
0xef: {  	v9 =	vor.u32 $0x80, v9;
	v15 =	vor.u32 $0x80, v18;
	v18 =	vmov s15;
	v20 =	vld [tilespmem:s13+$0xFFFFFF40];
	[tilespmem:s11+$0xFFFFFF20] =	vst v12  }
0xf0: {  	v9 =	vbroadcast v9, $0x0;
	v12 =	vand.u32 $0x7F, v18;
	v18 =	vld [tilespmem:s13+$0x40];
	[tilespmem:s11+$0x90] =	vst v16;
	v1 =	vmul.f32 v17, v1  }
0xf1: {  	v15 =	vbroadcast v15, $0x0;
	v12 =	vor.u32 $0x80, v12;
	v16 =	vld [tilespmem:s13+$0xC0];
	[tilespmem:s11+$0x10] =	vst v13  }
0xf2: {  	v11 =	vor.u32 $0x80, v11;
	v12 =	vbroadcast v12, $0x0;
	v13 =	vld [tilespmem:s13+$0xFFFFFF50];
	[tilespmem:s11+$0xFFFFFF90] =	vst v14  }
0xf3: {  	v11 =	vbroadcast v11, $0x0;
	v14 =	vld [tilespmem:s13+$0xFFFFFFD0];
	[tilespmem:s11+$0xFFFFFF10] =	vst v10  }
0xf4: {  	v10 =	vld [tilespmem:s13+$0x50];
	[tilespmem:s11+$0xFFFFFFC0] =	vst v2  }
0xf5: {  	v17 =	vld [tilespmem:s13+$0xD0];
	[tilespmem:s11+$0xFFFFFF60] =	vst v3  }
0xf6: {  	v3 =	vld [tilespmem:s13+$0xFFFFFF60];
	[tilespmem:s11+$0x80] =	vst v6  }
0xf7: {  	v6 =	vld [tilespmem:s13+$0xFFFFFFE0];
	[tilespmem:s11+$0x70] =	vst v1  }
0xf8: {  	v22 =	vld [tilespmem:s13+$0x60];
	[tilespmem:s11+$0x0] =	vst v5  }
0xf9: {  	v5 =	vld [tilespmem:s13+$0xE0];
	[tilespmem:s11+$0xFFFFFF80] =	vst v7  }
0xfa: {  	v7 =	vld [tilespmem:s13+$0xFFFFFF70];
	[tilespmem:s11+$0xFFFFFF00] =	vst v8;
	s11 =	smov.u32 s13  }
0xfb: {  	v2 =	vld.idx.msk [tilespmem:v9+s21+$0x0], $0xffff  }
0xfc: {  	v1 =	vld.idx.msk [tilespmem:v15+s21+$0x0], $0xffff  }
0xfd: {  	v8 =	vld.idx.msk [tilespmem:v12+s21+$0x0], $0xffff  }
0xfe: {  	v23 =	vld.idx.msk [tilespmem:v11+s21+$0x0], $0xffff  }
0xff: {  	v11 =	vld [tilespmem:s13+$0x30]  }
0x100: {  	v9 =	vld [tilespmem:s13+$0xFFFFFFB0]  }
0x101: {  	v14 =	vmul.f32 v14, v2;
	v6 =	vmul.f32 v6, v2;
	v12 =	vld [tilespmem:s13+$0xFFFFFF30]  }
0x102: {  	v18 =	vmul.f32 v18, v1;
	v10 =	vmul.f32 v10, v1;
	v15 =	vld [tilespmem:s13+$0xA0]  }
0x103: {  	v19 =	vmul.f32 v19, v8;
	v21 =	vmul.f32 v21, v8;
	v24 =	vld [tilespmem:s13+$0x20];
	[tilespmem:s13+$0xFFFFFFD0] =	vst v14  }
0x104: {  	v16 =	vmul.f32 v16, v8;
	v20 =	vmul.f32 v20, v23;
	v14 =	vld [tilespmem:s13+$0xFFFFFFA0];
	[tilespmem:s13+$0xFFFFFFE0] =	vst v6  }
0x105: {  	v13 =	vmul.f32 v13, v23;
	v3 =	vmul.f32 v3, v23;
	v6 =	vld [tilespmem:s13+$0xFFFFFF20];
	[tilespmem:s13+$0x50] =	vst v10  }
0x106: {  	v26 =	vmul.f32 v9, v2;
	v10 =	vld [tilespmem:s13+$0x90];
	v25 =	vmul.f32 v12, v23;
	[tilespmem:s13+$0x40] =	vst v18  }
0x107: {  	v27 =	vmul.f32 v11, v1;
	v18 =	vld [tilespmem:s13+$0x10];
	v9 =	vmul.f32 v15, v8;
	[tilespmem:s13+$0xB0] =	vst v19  }
0x108: {  	v19 =	vld [tilespmem:s13+$0xFFFFFF90];
	v11 =	vmul.f32 v24, v1;
	[tilespmem:s13+$0xFFFFFF40] =	vst v20;
	v20 =	vmul.f32 v7, v23  }
0x109: {  	v7 =	vld [tilespmem:s13+$0xFFFFFF10];
	v15 =	vmul.f32 v14, v2;
	[tilespmem:s13+$0xC0] =	vst v16;
	v14 =	vmul.f32 v17, v8  }
0x10a: {  	v5 =	vmul.f32 v5, v8;
	v17 =	vld [tilespmem:s13+$0x80];
	v12 =	vmul.f32 v6, v23;
	[tilespmem:s13+$0xFFFFFF50] =	vst v13  }
0x10b: {  	v6 =	vmul.f32 v22, v1;
	v24 =	vld [tilespmem:s13+$0x0];
	v16 =	vmul.f32 v10, v8;
	[tilespmem:s13+$0x30] =	vst v27  }
0x10c: {  	v4 =	vmul.f32 v4, v2;
	v22 =	vld [tilespmem:s13+$0xFFFFFF80];
	v13 =	vmul.f32 v18, v1;
	[tilespmem:s13+$0xD0] =	vst v14  }
0x10d: {  	v27 =	vld [tilespmem:s13+$0xFFFFFF00];
	v14 =	vmul.f32 v19, v2;
	[tilespmem:s13+$0xE0] =	vst v5  }
0x10e: {  	v10 =	vmul.f32 v7, v23;
	[tilespmem:s13+$0x60] =	vst v6  }
.Ltmp2:
0x10f: {  	v6 =	vmul.f32 v17, v8;
	[tilespmem:s13+$0xFFFFFFF0] =	vst v4;
	(pc) =	sbr.rel @p0 .LBB2_7-.Ltmp2, $4  }
0x110: {  	v5 =	vmul.f32 v24, v1;
	[tilespmem:s13+$0xFFFFFFB0] =	vst v26;
	v18 =	vld [tilespmem:s13+$0xFFFFFFC0]  }
0x111: {  	v7 =	vmul.f32 v22, v2;
	[tilespmem:s13+$0xFFFFFF70] =	vst v20  }
0x112: {  	v8 =	vmul.f32 v27, v23;
	[tilespmem:s13+$0xF0] =	vst v21  }
0x113: {  	s13 =	sadd.s32 $0x200, s13;
	[tilespmem:s11+$0xFFFFFF30] =	vst v25;
	v17 =	vld [tilespmem:s11+$0x70]  }
0x114: {  	[tilespmem:s11+$0xA0] =	vst v9  }
0x115: {  	[tilespmem:s11+$0x20] =	vst v11  }
0x116: {  	[tilespmem:s11+$0xFFFFFFA0] =	vst v15  }
0x117: {  	[tilespmem:s11+$0xFFFFFF20] =	vst v12  }
0x118: {  	[tilespmem:s11+$0x90] =	vst v16  }
0x119: {  	[tilespmem:s11+$0x10] =	vst v13  }
0x11a: {  	[tilespmem:s11+$0xFFFFFF90] =	vst v14  }
0x11b: {  	[tilespmem:s11+$0xFFFFFF10] =	vst v10  }
0x11c: {  	[tilespmem:s11+$0xFFFFFF60] =	vst v3  }
0x11d: {  	[tilespmem:s11+$0x80] =	vst v6;
	s10 =	sadd.s32 $0x1, s10  }
0x11e: {  	[tilespmem:s11+$0x0] =	vst v5;
	p0 =	sne.s32 s10, $0x28  }
.Ltmp3:
0x11f: {  	[tilespmem:s11+$0xFFFFFF80] =	vst v7;
	v2 =	vmul.f32 v18, v2;
	(pc) =	sbr.rel @p0 .LBB2_4-.Ltmp3, $4  }
0x120: {  	[tilespmem:s11+$0xFFFFFF00] =	vst v8;
	v1 =	vmul.f32 v17, v1  }
0x121: {  	[tilespmem:s11+$0xFFFFFFC0] =	vst v2  }
0x122: {  	[tilespmem:s11+$0x70] =	vst v1  }
0x123: {  	[spmem:s3] =	stream.indirect.scatter.add.f32 [tilespmem:s25], [sflag:$0x4], $0x80, s23, s22, $0xb8;
	[tilespmem:$0x1EA00] =	vst v63  }
0x124: {  	_ =	swait.ge [sflag:s31], $0x4000  }
0x125: {  	[sflag:s31] =	ssyncset.done $0x0  }
0x126: {  	[sflag:s31] =	ssyncadd.s32 $0xFFFFC000  }
0x127: {  	_ =	swait.ge [sflag:s2], $0x4000  }
0x128: {  	[sflag:s2] =	ssyncset.done $0x0  }
0x129: {  	s4 =	stileid.u32;
	[sflag:s2] =	ssyncadd.s32 $0xFFFFC000  }
0x12a: {  	s4 =	sshll.u32 s4, $0x6;
	[bflag:$0x0] =	sbarrier.arrive $0xFFFF  }
0x12b: {  	s9 =	sshrl.u32 s8, $0x3;
	s4 =	sor.u32 $0x1C07, s4;
	s10 =	rddreg [dreg:$0xb]  }
0x12c: {  	[hbm:s10], [sflag:s4] =	dma.local [spmem:s9], $0x2800  }
0x12d: {  	_ =	swait.ge [sflag:s18], $0x2800  }
0x12e: {  	s0 =	sadd.s32 $0x1, s0;
	s17 =	rddreg [dreg:$0xc]  }
0x12f: {  	p0 =	sne.s32 s0, s17  }
.Ltmp4:
0x130: {  	_ = 	snop;
	(pc) =	sbr.rel @p0 .LBB2_1-.Ltmp4, $3  }
0x131: {  	_ =	sdelay $0x1  }
0x132: {  	[sflag:s18] =	ssyncset.done $0x0  }
0x133: {  	[sflag:s18] =	ssyncadd.s32 $0xFFFFD800  }
0x134: {  	_ =	sfence.sel $0x180000  }
0x135: {  	[bflag:$0x0] =	sbarrier.arrive $0xFFFF  }
0x136: {  	_ =	strace $0x9000004D  }
0x137: {  	s0 =	stileid.u32;
	[bflag:$0x2] =	sbarrier.arrive $0xFFFF  }
0x138: {  	p0 =	sne.s32 s0, $0x0;
	s0 =	rddreg [dreg:$0x3]  }
0x139: {  	s0 =	sadd.s32 @!p0 $0x100000, s0  }
0x13a: {  	[sflag:s0] =	ssyncadd.tile.s32 @!p0 $0x1;
	_ =	shalt  }
.Lfunc_end2:
_tile_overlayer_lowered:
.L_overlay_start_2:
0x13b: {  	(tag) =	ssettag $0x2  }
0x13c: {  	s0 =	rddreg [dreg:$0x0];
	s2 =	stileid.u32  }
0x13d: {  	s1 =	rddreg [dreg:$0x1];
	p0 =	sne.s32 s2, $0x0  }
0x13e: {  	s3 =	rddreg [dreg:$0x2];
	[bflag:$0x3] =	sbarrier.arrive $0xFFFF;
	s2 =	simm.s32 @!p0 $0x1C07  }
0x13f: {  	[timem:s3], [sflag:s2] =	dma.local @!p0 [hbm:s0], s1  }
0x140: {  	s0 =	simm.s32 @!p0 $0x7  }
0x141: {  	_ =	swait.ge @!p0 [sflag:s0], s1  }
0x142: {  	s1 =	ssub.s32 @!p0 $0x0, s1;
	[sflag:s0] =	ssyncset.done @!p0 $0x0  }
0x143: {  	[sflag:s0] =	ssyncadd.s32 @!p0 s1  }
0x144: {  	[bflag:$0x3] =	sbarrier.arrive $0xFFFF  }
0x145: {  	_ =	shalt  }

// kernel: kernel.9.cloned.1.call-start
scs
__scs_entry_jumppad:
0x0: {  	(pc) =	sbr.rel $0x88, $3  }
0x1: {  	(tag) =	ssettag $0x0;
	lr =	simm.s32 $0x1  }
0x2: {  	[smem:$0x3F9B] =	sst lr;
	_ =	strace $0xD0000000  }
0x3: {  	_ = 	snop  }
0x4: {  	_ = 	snop  }
0x5: {  	_ = 	snop  }
0x6: {  	_ = 	snop  }
0x7: {  	_ = 	snop  }
__scs_overlays_trampoline_lowered:
0x8: {  	[smem:$0x3FAA] =	sst s0  }
0x9: {  	[smem:$0x3FAB] =	sst s1  }
0xa: {  	[smem:$0x3FAC] =	sst s2  }
0xb: {  	[smem:$0x3FAD] =	sst s3  }
0xc: {  	[smem:$0x3FAE] =	sst s4  }
0xd: {  	[smem:$0x3FAF] =	sst s5  }
0xe: {  	[smem:$0x3FB0] =	sst s6  }
0xf: {  	[smem:$0x3FB1] =	sst s7  }
0x10: {  	[smem:$0x3FB2] =	sst s8  }
0x11: {  	[smem:$0x3FB3] =	sst s9;
	s0 =	simm.s32 @!p0 $0x0  }
0x12: {  	s1 =	sld [smem:$0x3F99];
	s0 =	simm.s32 @p0 $0x1  }
0x13: {  	[smem:$0x3FB4] =	sst s0;
	s0 =	simm.s32 @!p1 $0x0  }
0x14: {  	s2 =	sld [smem:$0x3F98];
	s0 =	simm.s32 @p1 $0x1  }
0x15: {  	[smem:$0x3FB5] =	sst s0;
	s0 =	simm.s32 @!p2 $0x0  }
0x16: {  	s3 =	sld [smem:$0x3FDB];
	s0 =	simm.s32 @p2 $0x1  }
0x17: {  	s4 =	simm.s32 $0x1BF5;
	[smem:$0x3FB7] =	sst s0  }
0x18: {  	s0 =	sld [smem:$0x3F9A];
	_ =	swait.ge [sflag:s4], $0x0  }
0x19: {  	s7 =	sld [smem:$0x3F9B]  }
0x1a: {  	s8 =	sadd.s32 $0xFFFFE003, lr  }
0x1b: {  	s9 =	sadd.s32 $0xFFFFFEF7, lr;
	s5 =	simm.s32 $0xFFFFFFFF;
	p2 =	slt.u32 s8, $0xFFFFF086  }
0x1c: {  	p1 =	slt.u32 s9, $0xF7A;
	s5 =	simm.s32 @!p2 $0x0  }
0x1d: {  	s5 =	simm.s32 @p1 $0x1;
	p0 =	seq.s32 s7, s2  }
0x1e: {  	s7 =	smul.u32 @!p0 $0xF7A, s2;
	p2 =	seq.s32 @!p0 s5, $0x0  }
0x1f: {  	s9 =	smul.u32 $0xF7A, s1;
	s8 =	simm.s32 @!p0 $0x1BF5;
	p2 =	por !p2, p0  }
0x20: {  	[sflag:s8] =	ssyncset.s32 @!p0 $0xFFFFF086;
	s6 =	sadd.s32 @!p0 s3, s7;
	s7 =	simm.s32 @!p0 $0x108  }
0x21: {  	s3 =	sadd.s32 s3, s9;
	s6 =	sadd.s32 @!p0 $0x88, s6;
	s7 =	simm.s32 @p2 $0x1082  }
0x22: {  	[simem:s7], [sflag:s8] =	dma.local @!p0 [hbm:s6], $0xF7A  }
0x23: {  	s9 =	sor.u32 $0xD0000000, s2;
	s6 =	simm.s32 $0x108;
	_ =	swait.ge @!p0 [sflag:s8], $0x0  }
0x24: {  	s3 =	sadd.s32 $0x88, s3;
	s6 =	simm.s32 @!p1 $0x1082;
	[sflag:s4] =	ssyncset.s32 $0xFFFFF086  }
0x25: {  	[simem:s6], [sflag:s4] =	dma.local [hbm:s3], $0xF7A  }
0x26: {  	[smem:$0x3F9B] =	sst s1;
	(tag) =	ssettag s2;
	_ =	strace s9  }
0x27: {  	s1 =	sld [smem:$0x3FAB]  }
0x28: {  	s2 =	sld [smem:$0x3FAC]  }
0x29: {  	s4 =	sld [smem:$0x3FAE]  }
0x2a: {  	p0 =	seq.s32 s5, $0x0;
	s5 =	sld [smem:$0x3FAF]  }
0x2b: {  	s6 =	sld [smem:$0x3FB0]  }
0x2c: {  	s7 =	sld [smem:$0x3FB1]  }
0x2d: {  	s3 =	simm.s32 $0x108;
	s8 =	sld [smem:$0x3FB2]  }
0x2e: {  	s3 =	simm.s32 @!p0 $0x1082;
	s9 =	sld [smem:$0x3FB3]  }
0x2f: {  	lr =	sadd.s32 s0, s3;
	s0 =	sld [smem:$0x3FAA]  }
0x30: {  	s3 =	sld [smem:$0x3FAD]  }
0x31: {  	[smem:$0x3FB6] =	sst s10  }
0x32: {  	s10 =	sld [smem:$0x3FB4];
	_ =	sdelay $0x3  }
0x33: {  	p0 =	seq.s32 s10, $0x1;
	s10 =	sld [smem:$0x3FB6];
	_ =	sdelay $0x3  }
0x34: {  	[smem:$0x3FB6] =	sst s10  }
0x35: {  	s10 =	sld [smem:$0x3FB5];
	_ =	sdelay $0x3  }
0x36: {  	p1 =	seq.s32 s10, $0x1;
	s10 =	sld [smem:$0x3FB6];
	_ =	sdelay $0x3  }
0x37: {  	[smem:$0x3FB6] =	sst s10  }
0x38: {  	s10 =	sld [smem:$0x3FB7]  }
0x39: {  	_ = 	snop;
	(pc) =	sbr.ind lr, $3  }
0x3a: {  	_ = 	snop  }
0x3b: {  	_ = 	snop  }
0x3c: {  	p2 =	seq.s32 s10, $0x1;
	s10 =	sld [smem:$0x3FB6]  }
0x3d: {  	_ =	shalt  }
0x3e: {  	_ =	shalt  }
0x3f: {  	_ =	shalt  }
0x40: {  	_ =	shalt  }
0x41: {  	_ =	shalt  }
0x42: {  	_ =	shalt  }
0x43: {  	_ =	shalt  }
0x44: {  	_ =	shalt  }
0x45: {  	_ =	shalt  }
0x46: {  	_ =	shalt  }
0x47: {  	_ =	shalt  }
0x48: {  	_ =	shalt  }
0x49: {  	_ =	shalt  }
0x4a: {  	_ =	shalt  }
0x4b: {  	_ =	shalt  }
0x4c: {  	_ =	shalt  }
0x4d: {  	_ =	shalt  }
0x4e: {  	_ =	shalt  }
0x4f: {  	_ =	shalt  }
0x50: {  	_ =	shalt  }
0x51: {  	_ =	shalt  }
0x52: {  	_ =	shalt  }
0x53: {  	_ =	shalt  }
0x54: {  	_ =	shalt  }
0x55: {  	_ =	shalt  }
0x56: {  	_ =	shalt  }
0x57: {  	_ =	shalt  }
0x58: {  	_ =	shalt  }
0x59: {  	_ =	shalt  }
0x5a: {  	_ =	shalt  }
0x5b: {  	_ =	shalt  }
0x5c: {  	_ =	shalt  }
0x5d: {  	_ =	shalt  }
0x5e: {  	_ =	shalt  }
0x5f: {  	_ =	shalt  }
0x60: {  	_ =	shalt  }
0x61: {  	_ =	shalt  }
0x62: {  	_ =	shalt  }
0x63: {  	_ =	shalt  }
0x64: {  	_ =	shalt  }
0x65: {  	_ =	shalt  }
0x66: {  	_ =	shalt  }
0x67: {  	_ =	shalt  }
0x68: {  	_ =	shalt  }
0x69: {  	_ =	shalt  }
0x6a: {  	_ =	shalt  }
0x6b: {  	_ =	shalt  }
0x6c: {  	_ =	shalt  }
0x6d: {  	_ =	shalt  }
0x6e: {  	_ =	shalt  }
0x6f: {  	_ =	shalt  }
0x70: {  	_ =	shalt  }
0x71: {  	_ =	shalt  }
0x72: {  	_ =	shalt  }
0x73: {  	_ =	shalt  }
0x74: {  	_ =	shalt  }
0x75: {  	_ =	shalt  }
0x76: {  	_ =	shalt  }
0x77: {  	_ =	shalt  }
0x78: {  	_ =	shalt  }
0x79: {  	_ =	shalt  }
0x7a: {  	_ =	shalt  }
0x7b: {  	_ =	shalt  }
0x7c: {  	_ =	shalt  }
0x7d: {  	_ =	shalt  }
0x7e: {  	_ =	shalt  }
0x7f: {  	_ =	shalt  }
0x80: {  	_ =	shalt  }
0x81: {  	_ =	shalt  }
0x82: {  	_ =	shalt  }
0x83: {  	_ =	shalt  }
0x84: {  	_ =	shalt  }
0x85: {  	_ =	shalt  }
0x86: {  	_ =	shalt  }
0x87: {  	_ =	shalt  }
.Lfunc_end0:
.L_simem_size_0:
called_computation_lowered:
.L_overlay_start_0:
0x88: {  	s2 =	sld [smem:$0x3FD9]  }
0x89: {  	s3 =	sld [smem:$0x3FFE];
	_ =	sdelay $0x1  }
0x8a: {  	s1 =	srdreg.scid  }
0x8b: {  	s0 =	sand.u32 $0x1, s1  }
0x8c: {  	s17 =	sshll.u32 s0, $0xA;
	s2 =	sadd.s32 s3, s2  }
0x8d: {  	s2 =	sadd.s32 s2, s17  }
0x8e: {  	[smem:$0x3FC2] =	sst s2  }
0x8f: {  	_ = 	snop  }
0x90: {  	s2 =	sld [smem:$0x3FD0];
	(tm) =	ssettm $0x1  }
0x91: {  	s18 =	sld [smem:$0x3FFB];
	_ =	sdelay $0x3  }
0x92: {  	_ =	strace s18  }
0x93: {  	s3 =	sld [smem:$0x3FFC];
	_ =	sdelay $0x3  }
0x94: {  	_ =	strace s3  }
0x95: {  	s3 =	sld [smem:$0x3FFD];
	_ =	sdelay $0x3  }
0x96: {  	_ =	strace s3  }
0x97: {  	_ =	strace $0x8FFFFFFF  }
0x98: {  	s19 =	sld [smem:$0x3FDB];
	_ =	sdelay $0x1  }
0x99: {  	s4 =	simm.s32 $_scs_section_size  }
0x9a: {  	s5 =	simm.s32 $_size__tile_overlayer_lowered;
	s6 =	simm.s32 $_tile_overlayer_lowered  }
0x9b: {  	s22 =	simm.s32 $0x1BFF;
	s21 =	sshll.u32 s6, $0x1;
	s3 =	sadd.s32 s4, s19  }
0x9c: {  	s7 =	simm.s32 $0x0;
	s20 =	sshll.u32 s5, $0x1;
	s5 =	sadd.s32 s21, s3  }
0x9d: {  	[timem:s7], [sflag:s22] =	dma.local [hbm:s5], s20  }
0x9e: {  	_ =	swait.ge [sflag:s22], s20  }
0x9f: {  	s4 =	ssub.s32 $0x0, s20;
	[sflag:s22] =	ssyncset.done $0x0  }
0xa0: {  	[sflag:s22] =	ssyncadd.s32 s4;
	_ =	sdelay $0x1  }
0xa1: {  	s23 =	simm.s32 $0x1B8B  }
0xa2: {  	_ =	swait.ge [sflag:s23], $0x1  }
0xa3: {  	[sflag:s23] =	ssyncset.done $0x0  }
0xa4: {  	s25 =	simm.s32 $0x1B8E;
	s24 =	sld [smem:$0x3FFE];
	[sflag:s23] =	ssyncadd.s32 $0xFFFFFFFF  }
0xa5: {  	s26 =	simm.s32 $execute0_lowered;
	[smem:$0x3FD2] =	sst s25  }
0xa6: {  	s5 =	sshll.u32 s26, $0x1;
	_ =	strace $0x80000046;
	[dreg:$0x1] =	wrdreg $0xFFFFFFFF  }
0xa7: {  	s28 =	simm.s32 $_size_execute0_lowered;
	s3 =	sadd.s32 s3, s5;
	[dreg:$0x0] =	wrdreg $0x0  }
0xa8: {  	s5 =	sshll.u32 s28, $0x1;
	[dreg:$0x2] =	wrdreg s3  }
0xa9: {  	[dreg:$0x3] =	wrdreg s5  }
0xaa: {  	[dreg:$0x4] =	wrdreg $0xC0  }
0xab: {  	_ =	task [dreg:s7], $0x5FFFF  }
0xac: {  	[dreg:$0x1] =	wrdreg $0xFFFFFFFF  }
0xad: {  	[dreg:$0x0] =	wrdreg $0x60  }
0xae: {  	[dreg:$0x2] =	wrdreg s2  }
0xaf: {  	[dreg:$0x3] =	wrdreg s24  }
0xb0: {  	[dreg:$0x4] =	wrdreg $0xAA000  }
0xb1: {  	[dreg:$0x5] =	wrdreg $0x9  }
0xb2: {  	_ =	task.clear_ibuf [dreg:s7], $0x6FFFF;
	_ =	strace $0x90000046  }
0xb3: {  	s29 =	simm.s32 $0x9;
	_ =	strace $0x80000048  }
0xb4: {  	_ =	swait.ge [sflag:s29], $0x1  }
0xb5: {  	[sflag:s29] =	ssyncadd.s32 $0xFFFFFFFF  }
0xb6: {  	_ =	strace $0x90000048  }
0xb7: {  	_ =	sfence  }
0xb8: {  	s30 =	sld [smem:$0x0];
	_ =	sdelay $0x2  }
0xb9: {  	s31 =	sshll.u32 s1, $0xD;
	s1 =	sshrl.u32 s1, $0x2  }
0xba: {  	s3 =	sand.u32 $0x4000, s31;
	s1 =	sadd.s32 s1, s30  }
0xbb: {  	s0 =	sor.u32 s3, s0;
	s1 =	sshll.u32 s1, $0x11  }
0xbc: {  	s0 =	sor.u32 s1, s0  }
0xbd: {  	s0 =	sadd.s32 $0x8F2B, s0  }
0xbe: {  	[sflag:s0] =	ssyncadd.remote.s32 $0x1  }
0xbf: {  	_ =	sfence.sel $0xFFFF  }
0xc0: {  	[dreg:$0x0] =	wrdreg $0xFFFFFFFF;
	(pc) =	sbr.abs _section_cstart, $3  }
0xc1: {  	[dreg:$0x1] =	wrdreg $0xFFFFFFFF  }
0xc2: {  	_ =	task.clear_ibuf [dreg:s7], $0x2FFFF;
	_ =	strace $0x9FFFFFFF  }
0xc3: {  	(tm) =	ssettm $0x7FFFFFFF  }
tec
execute0_lowered:
.L_overlay_start_1:
0x0: {  	(tag) =	ssettag $0x1  }
0x1: {  	s1 =	rddreg [dreg:$0x0]  }
0x2: {  	s0 =	srdreg.scid;
	s2 =	rddreg [dreg:$0x1]  }
0x3: {  	s7 =	stileid.u32;
	s3 =	rddreg [dreg:$0x2];
	s18 =	simm.s32 $0x0  }
0x4: {  	s28 =	simm.s32 $0x5;
	s29 =	simm.s32 $0x2;
	s0 =	sand.u32 $0x1, s0  }
0x5: {  	s4 =	sshll.u32 s7, $0x1;
	[smem:$0x7FF] =	sst s18;
	s10 =	smul.u32 $0x14000, s7  }
0x6: {  	s6 =	sadd.s32 $0xC000, s2;
	s12 =	smul.u32 $0x50000, s7;
	s7 =	sadd.s32 $0x2000, s2  }
0x7: {  	s5 =	sor.u32 s0, s4;
	s8 =	smul.u32 $0x140000, s0;
	s0 =	ssub.s32 $0x2, s0  }
0x8: {  	_ =	strace $0x80000047;
	s5 =	smul.u32 $0x2800, s5;
	s19 =	sshrl.u32 s0, $0x1  }
0x9: {  	s12 =	sshrl.u32 s12, $0x2;
	s8 =	sadd.s32 s10, s8;
	s0 =	ssub.s32 s0, s19  }
0xa: {  	s9 =	sshrl.u32 s5, $0x3;
	s8 =	sshrl.u32 s8, $0x3;
	s0 =	smax.u32 s0, $0x1  }
0xb: {  	s11 =	sadd.s32 s9, s2;
	s25 =	sadd.s32 s6, s9;
	[dreg:$0xc] =	wrdreg s0  }
0xc: {  	s2 =	sadd.s32 s8, s2;
	s26 =	sadd.s32 s7, s9;
	[dreg:$0x9] =	wrdreg s25  }
0xd: {  	s8 =	sadd.s32 s12, s3;
	s20 =	sadd.s32 $0x16000, s11;
	[dreg:$0xa] =	wrdreg s26  }
0xe: {  	s30 =	simm.s32 $0x6;
	s21 =	sadd.s32 $0x4000, s8;
	[dreg:$0x4] =	wrdreg s20  }
0xf: {  	s31 =	simm.s32 $0x3;
	s22 =	sadd.s32 $0x8000, s8;
	[dreg:$0x5] =	wrdreg s21  }
0x10: {  	s18 =	simm.s32 $0x7;
	s23 =	sadd.s32 $0xC000, s8;
	[dreg:$0x6] =	wrdreg s22  }
0x11: {  	s19 =	simm.s32 $0x2A00;
	s24 =	sadd.s32 $0x10000, s8;
	[dreg:$0x7] =	wrdreg s23  }
0x12: {  	s0 =	simm.s32 $0x0;
	s2 =	sadd.s32 $0x20000, s2;
	[dreg:$0x8] =	wrdreg s24  }
0x13: {  	s25 =	simm.s32 $0x6A00;
	s26 =	simm.s32 $0x1;
	[dreg:$0xb] =	wrdreg s2  }
0x14: {  	s20 =	simm.s32 $0x2800;
	s21 =	simm.s32 $0x2900;
	s22 =	simm.s32 $0x80  }
0x15: {  	v0 =	vimm.f32 $0.0e+00;
	s23 =	simm.s32 $0x2880;
	s24 =	simm.s32 $0x2980;
	s2 =	simm.s32 $0x4  }
.LBB2_1:
0x16: {  	s4 =	simm.s32 $0x0;
	s9 =	rddreg [dreg:$0x4]  }
0x17: {  	[tilespmem:s4], [sflag:$0x7] =	stream.linear.gather [hbm4b:s9+s4], $0x2800, $0x38;
	[tilespmem:$0x1EA00] =	vst v63  }
0x18: {  	s17 =	sand.u32 $0xFE00, s4;
	s10 =	sand.u32 $0x70, s4;
	_ =	swait.ge [sflag:s18], $0x2800  }
0x19: {  	s9 =	simm.s32 $0x40;
	s11 =	sshrl.u32 s17, $0x2;
	[sflag:s18] =	ssyncset.done $0x0  }
0x1a: {  	s11 =	sor.u32 s10, s11;
	s10 =	simm.s32 $0x0;
	[sflag:s18] =	ssyncadd.s32 $0xFFFFD800  }
.LBB2_2:
0x1b: {  	p0 =	sne.s32 s9, $0xFFC0  }
0x1c: {  	[tilespmem:s11+$0x2A00] =	vst v0;
	s10 =	sadd.s32 $0x10, s10;
	s11 =	smov.u32 s9;
	s9 =	sadd.s32 $0x40, s9  }
.Ltmp0:
0x1d: {  	(pc) =	sbr.rel @p0 .LBB2_2-.Ltmp0, $4  }
0x1e: {  	_ = 	snop  }
0x1f: {  	s11 =	sand.u32 $0xFE00, s11  }
0x20: {  	s12 =	sand.u32 $0x70, s10;
	s11 =	sshrl.u32 s11, $0x2  }
0x21: {  	s11 =	sor.u32 s12, s11  }
0x22: {  	[tilespmem:s11+$0x2A00] =	vst v0  }
0x23: {  	[spmem:s8] =	stream.linear.scatter [tilespmem:s19], [sflag:$0x7], $0x4000, $0x38;
	[tilespmem:$0x1EA00] =	vst v63  }
0x24: {  	_ =	swait.ge [sflag:s18], $0x4000  }
0x25: {  	[sflag:s18] =	ssyncset.done $0x0  }
0x26: {  	s4 =	rddreg [dreg:$0x5];
	[sflag:s18] =	ssyncadd.s32 $0xFFFFC000  }
0x27: {  	[spmem:s4] =	stream.linear.scatter [tilespmem:s19], [sflag:$0x7], $0x4000, $0x38;
	[tilespmem:$0x1EA00] =	vst v63  }
0x28: {  	_ =	swait.ge [sflag:s18], $0x4000  }
0x29: {  	[sflag:s18] =	ssyncset.done $0x0  }
0x2a: {  	s13 =	rddreg [dreg:$0x6];
	[sflag:s18] =	ssyncadd.s32 $0xFFFFC000  }
0x2b: {  	[spmem:s13] =	stream.linear.scatter [tilespmem:s19], [sflag:$0x7], $0x4000, $0x38;
	[tilespmem:$0x1EA00] =	vst v63  }
0x2c: {  	_ =	swait.ge [sflag:s18], $0x4000  }
0x2d: {  	[sflag:s18] =	ssyncset.done $0x0  }
0x2e: {  	s14 =	rddreg [dreg:$0x7];
	[sflag:s18] =	ssyncadd.s32 $0xFFFFC000  }
0x2f: {  	[spmem:s14] =	stream.linear.scatter [tilespmem:s19], [sflag:$0x7], $0x4000, $0x38;
	[tilespmem:$0x1EA00] =	vst v63  }
0x30: {  	_ =	swait.ge [sflag:s18], $0x4000  }
0x31: {  	[sflag:s18] =	ssyncset.done $0x0  }
0x32: {  	s15 =	rddreg [dreg:$0x8];
	[sflag:s18] =	ssyncadd.s32 $0xFFFFC000  }
0x33: {  	[spmem:s15] =	stream.linear.scatter [tilespmem:s19], [sflag:$0x7], $0x4000, $0x38;
	[tilespmem:$0x1EA00] =	vst v63  }
0x34: {  	_ =	swait.ge [sflag:s18], $0x4000  }
0x35: {  	[sflag:s18] =	ssyncset.done $0x0  }
0x36: {  	[sflag:s18] =	ssyncadd.s32 $0xFFFFC000  }
0x37: {  	[bflag:$0x0] =	sbarrier.arrive $0xFFFF  }
0x38: {  	s9 =	simm.s32 $0x0;
	s16 =	rddreg [dreg:$0x9]  }
0x39: {  	[tilespmem:s20], [sflag:$0x5] =	stream.linear.gather [hbm4b:s16+s9], $0x80, $0x38;
	[tilespmem:$0x1EA00] =	vst v63  }
0x3a: {  	s17 =	rddreg [dreg:$0xa]  }
0x3b: {  	[tilespmem:s21], [sflag:$0x5] =	stream.linear.gather [hbm4b:s17+s9], $0x80, $0x38;
	[tilespmem:$0x1EA00] =	vst v63  }
0x3c: {  	s10 =	simm.s32 $0x0  }
0x3d: {  	[tilespmem:s19], [sflag:$0x1] =	stream.indirect.gather [hbm4b:s1+s22], $0x80, s9, s22, $0xb8;
	[tilespmem:$0x1EA00] =	vst v63  }
.LBB2_4:
0x3e: {  	s11 =	sshllo.u32 s10, $0x1;
	s12 =	sshll.u32 s10, $0x8  }
0x3f: {  	p0 =	seq.s32 s10, $0x0;
	s12 =	sand.u32 $0x3C00, s12;
	s11 =	sshll.u32 s11, $0x7  }
0x40: {  	s13 =	simm.s32 @!p0 $0x4;
	s12 =	sadd.s32 s5, s12;
	s14 =	sand.u32 $0x380, s11  }
0x41: {  	_ =	swait.ge @!p0 [sflag:s13], $0x4000;
	s12 =	sor.u32 s12, s14  }
0x42: {  	[sflag:s13] =	ssyncset.done @!p0 $0x0;
	s12 =	sshrl.u32 s12, $0x3  }
0x43: {  	[sflag:s13] =	ssyncadd.s32 @!p0 $0xFFFFC000;
	s14 =	sadd.s32 s6, s12  }
0x44: {  	[tilespmem:s23], [sflag:$0x6] =	stream.linear.gather [hbm4b:s14+s9], $0x80, $0x38;
	[tilespmem:$0x1EA00] =	vst v63  }
0x45: {  	s12 =	sadd.s32 s7, s12  }
0x46: {  	[tilespmem:s24], [sflag:$0x6] =	stream.linear.gather [hbm4b:s12+s9], $0x80, $0x38;
	[tilespmem:$0x1EA00] =	vst v63  }
0x47: {  	s11 =	sand.u32 $0x3FFFFF80, s11  }
0x48: {  	[tilespmem:s25], [sflag:$0x2] =	stream.indirect.gather [hbm4b:s1+s22], $0x80, s11, s22, $0xb8;
	[tilespmem:$0x1EA00] =	vst v63  }
0x49: {  	_ =	swait.ge [sflag:s26], $0x4000  }
0x4a: {  	[sflag:s26] =	ssyncset.done $0x0  }
0x4b: {  	[sflag:s26] =	ssyncadd.s32 $0xFFFFC000  }
0x4c: {  	_ =	swait.ge [sflag:s28], $0x80  }
0x4d: {  	[sflag:s28] =	ssyncset.done $0x0  }
0x4e: {  	[sflag:s28] =	ssyncadd.s32 $0xFFFFFF80  }
0x4f: {  	_ =	swait.ge [sflag:s28], $0x80  }
0x50: {  	[sflag:s28] =	ssyncset.done $0x0  }
0x51: {  	s11 =	simm.s32 $0x2B00;
	[sflag:s28] =	ssyncadd.s32 $0xFFFFFF80  }
0x52: {  	v3 =	vld [tilespmem:s11+$0xFFFFFFF0]  }
0x53: {  	v4 =	vld [tilespmem:s11+$0xF0]  }
0x54: {  	v2 =	vld [tilespmem:s11+$0xB0]  }
0x55: {  	v5 =	vld [tilespmem:s11+$0xFFFFFFC0]  }
0x56: {  	v6 =	vld [tilespmem:s11+$0x40]  }
0x57: {  	v7 =	vld [tilespmem:s11+$0xFFFFFF50]  }
0x58: {  	v8 =	vld [tilespmem:s11+$0xFFFFFFD0]  }
0x59: {  	v1 =	vmov s9;
	s15 =	simm.s32 $0x1;
	s16 =	simm.s32 $0x3;
	v9 =	vld [tilespmem:s11+$0x50]  }
0x5a: {  	s17 =	simm.s32 $0x2;
	v1 =	vand.u32 $0xFFFFFFFC, v1;
	v10 =	vmov s15;
	v11 =	vmov s16;
	v12 =	vld [tilespmem:s11+$0xD0]  }
0x5b: {  	v13 =	vbroadcast v1, $0x0;
	v1 =	vand.u32 $0xFFFFFFFD, v10;
	v10 =	vmov s17;
	v14 =	vld [tilespmem:s11+$0xFFFFFF60]  }
0x5c: {  	v15 =	vbroadcast v1, $0x0;
	v1 =	vand.u32 $0xFFFFFFFE, v10;
	v10 =	vld [tilespmem:s11+$0xFFFFFFE0]  }
0x5d: {  	v16 =	vbroadcast v1, $0x0;
	v17 =	vld [tilespmem:s11+$0x60]  }
0x5e: {  	v18 =	vld [tilespmem:s11+$0xE0]  }
0x5f: {  	v19 =	vld [tilespmem:s11+$0xFFFFFF70]  }
0x60: {  	v1 =	vld.idx.msk [tilespmem:v11+s21+$0x0], $0xffff  }
0x61: {  	v20 =	vld.idx.msk [tilespmem:v13+s21+$0x0], $0xffff  }
0x62: {  	v21 =	vld.idx.msk [tilespmem:v15+s21+$0x0], $0xffff  }
0x63: {  	v16 =	vld.idx.msk [tilespmem:v16+s21+$0x0], $0xffff  }
0x64: {  	v11 =	vld [tilespmem:s11+$0x70]  }
0x65: {  	v13 =	vld [tilespmem:s11+$0x30]  }
0x66: {  	v15 =	vld [tilespmem:s11+$0xFFFFFFB0];
	v12 =	vmul.f32 v12, v1  }
0x67: {  	v22 =	vld [tilespmem:s11+$0xA0];
	v18 =	vmul.f32 v18, v1  }
0x68: {  	v23 =	vld [tilespmem:s11+$0xFFFFFF30];
	v7 =	vmul.f32 v7, v20;
	[tilespmem:s11+$0xD0] =	vst v12  }
0x69: {  	v60 =	vld [tilespmem:s11+$0xFFFFFFA0];
	v5 =	vmul.f32 v5, v21;
	[tilespmem:s11+$0xE0] =	vst v18  }
0x6a: {  	v24 =	vld [tilespmem:s11+$0x10];
	v2 =	vmul.f32 v2, v1;
	[tilespmem:s11+$0xFFFFFF50] =	vst v7  }
0x6b: {  	v25 =	vld [tilespmem:s11+$0xFFFFFF10];
	v11 =	vmul.f32 v11, v16;
	[tilespmem:s11+$0xFFFFFFC0] =	vst v5  }
0x6c: {  	v61 =	vld [tilespmem:s11+$0xFFFFFF80];
	v10 =	vmul.f32 v10, v21;
	[tilespmem:s11+$0xB0] =	vst v2  }
0x6d: {  	v62 =	vld [tilespmem:s11+$0xFFFFFF00];
	v26 =	vmul.f32 v3, v21;
	v3 =	vmul.f32 v19, v20;
	[tilespmem:s11+$0x70] =	vst v11  }
0x6e: {  	v63 =	vld [tilespmem:s11+$0xFFFFFF40];
	v4 =	vmul.f32 v4, v1;
	[tilespmem:s11+$0xFFFFFFE0] =	vst v10  }
0x6f: {  	v12 =	vmul.f32 v14, v20;
	v14 =	vld [tilespmem:s11+$0x20];
	[tilespmem:s11+$0xFFFFFF70] =	vst v3  }
0x70: {  	v22 =	vmul.f32 v22, v1;
	v7 =	vmul.f32 v8, v21;
	v8 =	vld [tilespmem:s11+$0xFFFFFF20];
	[tilespmem:s11+$0xF0] =	vst v4  }
0x71: {  	v5 =	vmul.f32 v6, v16;
	v2 =	vmul.f32 v17, v16;
	v17 =	vld [tilespmem:s11+$0x80];
	[tilespmem:s11+$0xFFFFFF60] =	vst v12  }
0x72: {  	v6 =	vmul.f32 v13, v16;
	v11 =	vmul.f32 v24, v16;
	v12 =	vld [tilespmem:s11+$0x90];
	[tilespmem:s11+$0xFFFFFFD0] =	vst v7  }
0x73: {  	v13 =	vld [tilespmem:s11+$0xFFFFFF90];
	v4 =	vmul.f32 v61, v21;
	v7 =	vmul.f32 v9, v16;
	[tilespmem:s11+$0x40] =	vst v5  }
0x74: {  	v5 =	vmul.f32 v23, v20;
	[tilespmem:s11+$0x30] =	vst v6;
	v6 =	vmul.f32 v14, v16;
	v14 =	vld [tilespmem:s11+$0x0]  }
0x75: {  	v9 =	vmul.f32 v15, v21;
	[tilespmem:s11+$0x50] =	vst v7;
	v7 =	vmul.f32 v60, v21  }
0x76: {  	v15 =	vld [tilespmem:s11+$0xC0];
	[tilespmem:s11+$0xFFFFFF30] =	vst v5;
	v5 =	vmul.f32 v62, v20;
	v8 =	vmul.f32 v8, v20  }
0x77: {  	[tilespmem:s11+$0xFFFFFFB0] =	vst v9;
	v10 =	vmul.f32 v17, v1;
	v9 =	vmul.f32 v12, v1  }
0x78: {  	[tilespmem:s11+$0xFFFFFFF0] =	vst v26;
	v12 =	vmul.f32 v13, v21;
	v13 =	vmul.f32 v25, v20  }
0x79: {  	s13 =	simm.s32 $0x2D00;
	s14 =	simm.s32 $0x4;
	s12 =	sshll.u32 s10, $0x1;
	[tilespmem:s11+$0xA0] =	vst v22;
	v3 =	vmul.f32 v14, v16;
	v14 =	vmul.f32 v63, v20  }
.LBB2_5:
0x7a: {  	s16 =	sadd.s32 $0x1, s14  }
0x7b: {  	v16 =	vmov s14;
	s17 =	sadd.s32 $0x3, s14;
	v17 =	vld [tilespmem:s13+$0xFFFFFFF0];
	[tilespmem:s11+$0x20] =	vst v6;
	v1 =	vmul.f32 v15, v1;
	s4 =	smov.u32 s14;
	s15 =	sadd.s32 $0x4, s14  }
0x7c: {  	p0 =	sne.s32 s14, $0x7C;
	v6 =	vand.u32 $0xFFFFFFFC, v16;
	v15 =	vmov s16;
	s4 =	sadd.s32 $0x2, s4;
	v16 =	vmov s17;
	v18 =	vld [tilespmem:s13+$0xF0];
	[tilespmem:s11+$0xFFFFFFA0] =	vst v7  }
0x7d: {  	v6 =	vbroadcast v6, $0x0;
	v7 =	vand.u32 $0xFFFFFFFD, v15;
	v15 =	vmov s4;
	v19 =	vld [tilespmem:s13+$0xB0];
	[tilespmem:s11+$0xFFFFFF20] =	vst v8  }
0x7e: {  	v7 =	vbroadcast v7, $0x0;
	v8 =	vand.u32 $0xFFFFFFFE, v15;
	v15 =	vld [tilespmem:s13+$0xFFFFFFC0];
	[tilespmem:s11+$0x90] =	vst v9  }
0x7f: {  	v8 =	vbroadcast v8, $0x0;
	v9 =	vld [tilespmem:s13+$0x40];
	[tilespmem:s11+$0x10] =	vst v11  }
0x80: {  	v11 =	vld [tilespmem:s13+$0xFFFFFF50];
	[tilespmem:s11+$0xFFFFFF90] =	vst v12  }
0x81: {  	v12 =	vld [tilespmem:s13+$0xFFFFFFD0];
	[tilespmem:s11+$0xFFFFFF10] =	vst v13  }
0x82: {  	v13 =	vld [tilespmem:s13+$0x50];
	[tilespmem:s11+$0xFFFFFF40] =	vst v14  }
0x83: {  	v14 =	vld [tilespmem:s13+$0xD0];
	[tilespmem:s11+$0x80] =	vst v10  }
0x84: {  	v10 =	vld [tilespmem:s13+$0xFFFFFF60];
	[tilespmem:s11+$0x60] =	vst v2  }
0x85: {  	v20 =	vld [tilespmem:s13+$0xFFFFFFE0];
	[tilespmem:s11+$0xC0] =	vst v1  }
0x86: {  	v2 =	vld [tilespmem:s13+$0x60];
	[tilespmem:s11+$0x0] =	vst v3  }
0x87: {  	v3 =	vld [tilespmem:s13+$0xE0];
	[tilespmem:s11+$0xFFFFFF80] =	vst v4  }
0x88: {  	v4 =	vld [tilespmem:s13+$0xFFFFFF70];
	[tilespmem:s11+$0xFFFFFF00] =	vst v5;
	s11 =	smov.u32 s13  }
0x89: {  	v1 =	vld.idx.msk [tilespmem:v16+s21+$0x0], $0xffff  }
0x8a: {  	v16 =	vld.idx.msk [tilespmem:v6+s21+$0x0], $0xffff  }
0x8b: {  	v5 =	vld.idx.msk [tilespmem:v7+s21+$0x0], $0xffff  }
0x8c: {  	v21 =	vld.idx.msk [tilespmem:v8+s21+$0x0], $0xffff  }
0x8d: {  	v6 =	vld [tilespmem:s13+$0x70]  }
0x8e: {  	v7 =	vld [tilespmem:s13+$0x30]  }
0x8f: {  	v14 =	vmul.f32 v14, v1;
	v3 =	vmul.f32 v3, v1;
	v8 =	vld [tilespmem:s13+$0xFFFFFFB0]  }
0x90: {  	v11 =	vmul.f32 v11, v16;
	v10 =	vmul.f32 v10, v16;
	v22 =	vld [tilespmem:s13+$0xFFFFFF30]  }
0x91: {  	v15 =	vmul.f32 v15, v5;
	v12 =	vmul.f32 v12, v5;
	v23 =	vld [tilespmem:s13+$0xA0];
	[tilespmem:s13+$0xD0] =	vst v14  }
0x92: {  	v19 =	vmul.f32 v19, v1;
	v9 =	vmul.f32 v9, v21;
	v14 =	vld [tilespmem:s13+$0x20];
	[tilespmem:s13+$0xE0] =	vst v3  }
0x93: {  	v3 =	vld [tilespmem:s13+$0xFFFFFFA0];
	v24 =	vmul.f32 v7, v21;
	[tilespmem:s13+$0xFFFFFF50] =	vst v11;
	v11 =	vmul.f32 v13, v21  }
0x94: {  	v2 =	vmul.f32 v2, v21;
	v13 =	vld [tilespmem:s13+$0xFFFFFF20];
	v25 =	vmul.f32 v8, v5;
	[tilespmem:s13+$0xFFFFFF60] =	vst v10  }
0x95: {  	v10 =	vld [tilespmem:s13+$0x90];
	v22 =	vmul.f32 v22, v16;
	[tilespmem:s13+$0xFFFFFFC0] =	vst v15;
	v15 =	vmul.f32 v6, v21  }
0x96: {  	v20 =	vmul.f32 v20, v5;
	v26 =	vld [tilespmem:s13+$0x10];
	v23 =	vmul.f32 v23, v1;
	[tilespmem:s13+$0xFFFFFFD0] =	vst v12  }
0x97: {  	v12 =	vld [tilespmem:s13+$0xFFFFFF90];
	v6 =	vmul.f32 v14, v21;
	[tilespmem:s13+$0xB0] =	vst v19;
	v14 =	vmul.f32 v17, v5  }
0x98: {  	v17 =	vld [tilespmem:s13+$0xFFFFFF10];
	v7 =	vmul.f32 v3, v5;
	[tilespmem:s13+$0x40] =	vst v9;
	v3 =	vmul.f32 v4, v16  }
0x99: {  	v18 =	vmul.f32 v18, v1;
	v4 =	vld [tilespmem:s13+$0x80];
	v8 =	vmul.f32 v13, v16;
	[tilespmem:s13+$0x30] =	vst v24  }
0x9a: {  	v19 =	vld [tilespmem:s13+$0x0];
	v9 =	vmul.f32 v10, v1;
	[tilespmem:s13+$0x50] =	vst v11  }
0x9b: {  	v24 =	vld [tilespmem:s13+$0xFFFFFF80];
	v11 =	vmul.f32 v26, v21;
	[tilespmem:s13+$0xFFFFFFB0] =	vst v25  }
0x9c: {  	v25 =	vld [tilespmem:s13+$0xFFFFFF00];
	v12 =	vmul.f32 v12, v5;
	[tilespmem:s13+$0x70] =	vst v15  }
0x9d: {  	v13 =	vmul.f32 v17, v16;
	v17 =	vld [tilespmem:s13+$0xFFFFFF40];
	[tilespmem:s13+$0xFFFFFFE0] =	vst v20  }
.Ltmp1:
0x9e: {  	v10 =	vmul.f32 v4, v1;
	v15 =	vld [tilespmem:s13+$0xC0];
	[tilespmem:s13+$0xFFFFFF70] =	vst v3;
	(pc) =	sbr.rel @p0 .LBB2_5-.Ltmp1, $4  }
0x9f: {  	v3 =	vmul.f32 v19, v21;
	[tilespmem:s13+$0xF0] =	vst v18  }
0xa0: {  	v4 =	vmul.f32 v24, v5;
	[tilespmem:s13+$0xFFFFFF30] =	vst v22  }
0xa1: {  	v5 =	vmul.f32 v25, v16;
	[tilespmem:s13+$0xFFFFFFF0] =	vst v14  }
0xa2: {  	s14 =	smov.u32 s15;
	s13 =	sadd.s32 $0x200, s13;
	[tilespmem:s11+$0xA0] =	vst v23;
	v14 =	vmul.f32 v17, v16  }
0xa3: {  	[tilespmem:s11+$0x20] =	vst v6  }
0xa4: {  	[tilespmem:s11+$0xFFFFFFA0] =	vst v7  }
0xa5: {  	[tilespmem:s11+$0xFFFFFF20] =	vst v8  }
0xa6: {  	[tilespmem:s11+$0x90] =	vst v9  }
0xa7: {  	[tilespmem:s11+$0x10] =	vst v11  }
0xa8: {  	[tilespmem:s11+$0xFFFFFF90] =	vst v12  }
0xa9: {  	[tilespmem:s11+$0xFFFFFF10] =	vst v13  }
0xaa: {  	[tilespmem:s11+$0x80] =	vst v10  }
0xab: {  	[tilespmem:s11+$0x60] =	vst v2  }
0xac: {  	[tilespmem:s11+$0x0] =	vst v3  }
0xad: {  	[tilespmem:s11+$0xFFFFFF80] =	vst v4  }
0xae: {  	v1 =	vmul.f32 v15, v1;
	[tilespmem:s11+$0xFFFFFF00] =	vst v5;
	p0 =	seq.s32 s10, $0x27  }
0xaf: {  	[tilespmem:s11+$0xFFFFFF40] =	vst v14;
	s4 =	sshll.u32 @!p0 s12, $0x7  }
0xb0: {  	[tilespmem:s11+$0xC0] =	vst v1;
	s4 =	sadd.s32 @!p0 $0x100, s4  }
0xb1: {  	[spmem:s3] =	stream.indirect.scatter.add.f32 [tilespmem:s19], [sflag:$0x3], $0x80, s20, s22, $0xb8;
	[tilespmem:$0x1EA00] =	vst v63  }
0xb2: {  	s11 =	simm.s32 @!p0 $0x3;
	s12 =	sand.u32 @!p0 $0x7C00, s4  }
0xb3: {  	s13 =	sand.u32 @!p0 $0x300, s4;
	_ =	swait.ge @!p0 [sflag:s11], $0x4000;
	s12 =	sadd.s32 @!p0 s5, s12  }
0xb4: {  	[sflag:s11] =	ssyncset.done @!p0 $0x0;
	s12 =	sor.u32 @!p0 s13, s12  }
0xb5: {  	[sflag:s11] =	ssyncadd.s32 @!p0 $0xFFFFC000;
	s11 =	sshrl.u32 @!p0 s12, $0x3  }
0xb6: {  	s14 =	simm.s32 @!p0 $0x2800;
	s13 =	simm.s32 @!p0 $0x0;
	s12 =	sadd.s32 @!p0 s6, s11  }
0xb7: {  	[tilespmem:s14], [sflag:$0x5] =	stream.linear.gather @!p0 [hbm4b:s12+s13], $0x80, $0x38;
	[tilespmem:$0x1EA00] =	vst v63  }
0xb8: {  	s11 =	sadd.s32 @!p0 s7, s11;
	s12 =	simm.s32 @!p0 $0x2900  }
0xb9: {  	[tilespmem:s12], [sflag:$0x5] =	stream.linear.gather @!p0 [hbm4b:s11+s13], $0x80, $0x38;
	[tilespmem:$0x1EA00] =	vst v63  }
0xba: {  	s4 =	sand.u32 @!p0 $0x3FFFFF80, s4;
	s11 =	simm.s32 @!p0 $0x80;
	s12 =	simm.s32 @!p0 $0x2A00  }
0xbb: {  	[tilespmem:s12], [sflag:$0x1] =	stream.indirect.gather @!p0 [hbm4b:s1+s11], $0x80, s4, s11, $0xb8;
	[tilespmem:$0x1EA00] =	vst v63  }
0xbc: {  	_ =	swait.ge [sflag:s29], $0x4000  }
0xbd: {  	[sflag:s29] =	ssyncset.done $0x0  }
0xbe: {  	[sflag:s29] =	ssyncadd.s32 $0xFFFFC000  }
0xbf: {  	_ =	swait.ge [sflag:s30], $0x80  }
0xc0: {  	[sflag:s30] =	ssyncset.done $0x0  }
0xc1: {  	[sflag:s30] =	ssyncadd.s32 $0xFFFFFF80  }
0xc2: {  	_ =	swait.ge [sflag:s30], $0x80  }
0xc3: {  	[sflag:s30] =	ssyncset.done $0x0  }
0xc4: {  	s11 =	simm.s32 $0x6B00;
	[sflag:s30] =	ssyncadd.s32 $0xFFFFFF80  }
0xc5: {  	v4 =	vld [tilespmem:s11+$0xFFFFFFF0]  }
0xc6: {  	v3 =	vld [tilespmem:s11+$0xF0]  }
0xc7: {  	v5 =	vld [tilespmem:s11+$0xB0]  }
0xc8: {  	v6 =	vld [tilespmem:s11+$0xFFFFFF40]  }
0xc9: {  	v7 =	vld [tilespmem:s11+$0x40]  }
0xca: {  	s14 =	simm.s32 $0x1;
	v8 =	vld [tilespmem:s11+$0xC0]  }
0xcb: {  	s15 =	simm.s32 $0x0;
	s16 =	simm.s32 $0x2;
	v1 =	vmov s14;
	v9 =	vld [tilespmem:s11+$0xFFFFFF50]  }
0xcc: {  	s17 =	simm.s32 $0x3;
	v2 =	vmov s15;
	v10 =	vmov s16;
	v1 =	vand.u32 $0x7D, v1;
	v11 =	vld [tilespmem:s11+$0xFFFFFFD0]  }
0xcd: {  	v12 =	vmov s17;
	v10 =	vand.u32 $0x7E, v10;
	v1 =	vor.u32 $0x80, v1;
	v13 =	vld [tilespmem:s11+$0x50]  }
0xce: {  	v12 =	vand.u32 $0x7F, v12;
	v10 =	vor.u32 $0x80, v10;
	v1 =	vbroadcast v1, $0x0;
	v14 =	vld [tilespmem:s11+$0xD0]  }
0xcf: {  	v2 =	vand.u32 $0x7C, v2;
	v12 =	vor.u32 $0x80, v12;
	v10 =	vbroadcast v10, $0x0;
	v15 =	vld [tilespmem:s11+$0xFFFFFF60]  }
0xd0: {  	v2 =	vor.u32 $0x80, v2;
	v12 =	vbroadcast v12, $0x0;
	v16 =	vld [tilespmem:s11+$0xFFFFFFE0]  }
0xd1: {  	v17 =	vbroadcast v2, $0x0;
	v18 =	vld [tilespmem:s11+$0x60]  }
0xd2: {  	v19 =	vld [tilespmem:s11+$0xE0]  }
0xd3: {  	v20 =	vld [tilespmem:s11+$0xFFFFFF70]  }
0xd4: {  	v2 =	vld.idx.msk [tilespmem:v1+s21+$0x0], $0xffff  }
0xd5: {  	v1 =	vld.idx.msk [tilespmem:v10+s21+$0x0], $0xffff  }
0xd6: {  	v21 =	vld.idx.msk [tilespmem:v12+s21+$0x0], $0xffff  }
0xd7: {  	v17 =	vld.idx.msk [tilespmem:v17+s21+$0x0], $0xffff  }
0xd8: {  	v10 =	vld [tilespmem:s11+$0x30]  }
0xd9: {  	v12 =	vld [tilespmem:s11+$0xFFFFFFB0];
	v11 =	vmul.f32 v11, v2  }
0xda: {  	v22 =	vld [tilespmem:s11+$0xFFFFFF30];
	v16 =	vmul.f32 v16, v2  }
0xdb: {  	v23 =	vld [tilespmem:s11+$0xA0];
	v13 =	vmul.f32 v13, v1;
	[tilespmem:s11+$0xFFFFFFD0] =	vst v11  }
0xdc: {  	v24 =	vld [tilespmem:s11+$0x10];
	v7 =	vmul.f32 v7, v1;
	[tilespmem:s11+$0xFFFFFFE0] =	vst v16  }
0xdd: {  	v26 =	vld [tilespmem:s11+$0xFFFFFF10];
	v5 =	vmul.f32 v5, v21;
	[tilespmem:s11+$0x50] =	vst v13  }
0xde: {  	v6 =	vmul.f32 v6, v17;
	v11 =	vld [tilespmem:s11+$0x20];
	[tilespmem:s11+$0x40] =	vst v7  }
0xdf: {  	v4 =	vmul.f32 v4, v2;
	v16 =	vld [tilespmem:s11+$0xFFFFFFA0];
	[tilespmem:s11+$0xB0] =	vst v5  }
0xe0: {  	v13 =	vld [tilespmem:s11+$0x90];
	v7 =	vmul.f32 v8, v21;
	[tilespmem:s11+$0xFFFFFF40] =	vst v6  }
0xe1: {  	v25 =	vmul.f32 v3, v21;
	v8 =	vld [tilespmem:s11+$0xFFFFFF20];
	v5 =	vmul.f32 v9, v17;
	[tilespmem:s11+$0xFFFFFFF0] =	vst v4  }
0xe2: {  	v3 =	vmul.f32 v15, v17;
	v6 =	vmul.f32 v10, v1;
	v10 =	vld [tilespmem:s11+$0xFFFFFF90];
	[tilespmem:s11+$0xC0] =	vst v7  }
0xe3: {  	v22 =	vmul.f32 v22, v17;
	v7 =	vmul.f32 v14, v21;
	[tilespmem:s11+$0xFFFFFF50] =	vst v5;
	v5 =	vld [tilespmem:s11+$0x0]  }
0xe4: {  	v14 =	vmul.f32 v19, v21;
	[tilespmem:s11+$0x30] =	vst v6;
	v6 =	vmul.f32 v12, v2;
	v19 =	vld [tilespmem:s11+$0x80]  }
0xe5: {  	[tilespmem:s11+$0xF0] =	vst v25;
	v12 =	vmul.f32 v18, v1;
	v18 =	vmul.f32 v20, v17;
	v20 =	vld [tilespmem:s11+$0xFFFFFF00]  }
0xe6: {  	v9 =	vmul.f32 v23, v21;
	[tilespmem:s11+$0xD0] =	vst v7;
	v7 =	vld [tilespmem:s11+$0xFFFFFF80];
	v11 =	vmul.f32 v11, v1  }
0xe7: {  	[tilespmem:s11+$0x60] =	vst v12;
	v15 =	vmul.f32 v16, v2;
	v12 =	vmul.f32 v8, v17  }
0xe8: {  	[tilespmem:s11+$0xFFFFFF70] =	vst v18;
	v18 =	vld [tilespmem:s11+$0xFFFFFFC0];
	v16 =	vmul.f32 v13, v21;
	v13 =	vmul.f32 v24, v1  }
0xe9: {  	[tilespmem:s11+$0xE0] =	vst v14;
	v14 =	vmul.f32 v10, v2;
	v10 =	vmul.f32 v26, v17  }
0xea: {  	[tilespmem:s11+$0xFFFFFFB0] =	vst v6;
	v6 =	vmul.f32 v19, v21;
	v5 =	vmul.f32 v5, v1  }
0xeb: {  	s13 =	simm.s32 $0x6D00;
	s12 =	simm.s32 $0x4;
	[tilespmem:s11+$0xFFFFFF30] =	vst v22;
	v8 =	vmul.f32 v20, v17;
	v17 =	vld [tilespmem:s11+$0x70];
	v7 =	vmul.f32 v7, v2  }
.LBB2_7:
0xec: {  	v19 =	vmov s12;
	s4 =	sadd.s32 $0x1, s12;
	s14 =	sadd.s32 $0x2, s12;
	s15 =	sadd.s32 $0x3, s12;
	v4 =	vld [tilespmem:s13+$0xFFFFFFF0];
	[tilespmem:s11+$0xA0] =	vst v9  }
0xed: {  	p0 =	sne.s32 s12, $0x7C;
	s12 =	sadd.s32 $0x4, s12;
	v9 =	vmov s4;
	v20 =	vmov s14;
	v21 =	vld [tilespmem:s13+$0xF0];
	[tilespmem:s11+$0x20] =	vst v11;
	v2 =	vmul.f32 v18, v2  }
0xee: {  	v11 =	vand.u32 $0x7C, v19;
	v9 =	vand.u32 $0x7D, v9;
	v18 =	vand.u32 $0x7E, v20;
	v19 =	vld [tilespmem:s13+$0xB0];
	[tilespmem:s11+$0xFFFFFFA0] =	vst v15  }
0xef: {  	v9 =	vor.u32 $0x80, v9;
	v15 =	vor.u32 $0x80, v18;
	v18 =	vmov s15;
	v20 =	vld [tilespmem:s13+$0xFFFFFF40];
	[tilespmem:s11+$0xFFFFFF20] =	vst v12  }
0xf0: {  	v9 =	vbroadcast v9, $0x0;
	v12 =	vand.u32 $0x7F, v18;
	v18 =	vld [tilespmem:s13+$0x40];
	[tilespmem:s11+$0x90] =	vst v16;
	v1 =	vmul.f32 v17, v1  }
0xf1: {  	v15 =	vbroadcast v15, $0x0;
	v12 =	vor.u32 $0x80, v12;
	v16 =	vld [tilespmem:s13+$0xC0];
	[tilespmem:s11+$0x10] =	vst v13  }
0xf2: {  	v11 =	vor.u32 $0x80, v11;
	v12 =	vbroadcast v12, $0x0;
	v13 =	vld [tilespmem:s13+$0xFFFFFF50];
	[tilespmem:s11+$0xFFFFFF90] =	vst v14  }
0xf3: {  	v11 =	vbroadcast v11, $0x0;
	v14 =	vld [tilespmem:s13+$0xFFFFFFD0];
	[tilespmem:s11+$0xFFFFFF10] =	vst v10  }
0xf4: {  	v10 =	vld [tilespmem:s13+$0x50];
	[tilespmem:s11+$0xFFFFFFC0] =	vst v2  }
0xf5: {  	v17 =	vld [tilespmem:s13+$0xD0];
	[tilespmem:s11+$0xFFFFFF60] =	vst v3  }
0xf6: {  	v3 =	vld [tilespmem:s13+$0xFFFFFF60];
	[tilespmem:s11+$0x80] =	vst v6  }
0xf7: {  	v6 =	vld [tilespmem:s13+$0xFFFFFFE0];
	[tilespmem:s11+$0x70] =	vst v1  }
0xf8: {  	v22 =	vld [tilespmem:s13+$0x60];
	[tilespmem:s11+$0x0] =	vst v5  }
0xf9: {  	v5 =	vld [tilespmem:s13+$0xE0];
	[tilespmem:s11+$0xFFFFFF80] =	vst v7  }
0xfa: {  	v7 =	vld [tilespmem:s13+$0xFFFFFF70];
	[tilespmem:s11+$0xFFFFFF00] =	vst v8;
	s11 =	smov.u32 s13  }
0xfb: {  	v2 =	vld.idx.msk [tilespmem:v9+s21+$0x0], $0xffff  }
0xfc: {  	v1 =	vld.idx.msk [tilespmem:v15+s21+$0x0], $0xffff  }
0xfd: {  	v8 =	vld.idx.msk [tilespmem:v12+s21+$0x0], $0xffff  }
0xfe: {  	v23 =	vld.idx.msk [tilespmem:v11+s21+$0x0], $0xffff  }
0xff: {  	v11 =	vld [tilespmem:s13+$0x30]  }
0x100: {  	v9 =	vld [tilespmem:s13+$0xFFFFFFB0]  }
0x101: {  	v14 =	vmul.f32 v14, v2;
	v6 =	vmul.f32 v6, v2;
	v12 =	vld [tilespmem:s13+$0xFFFFFF30]  }
0x102: {  	v18 =	vmul.f32 v18, v1;
	v10 =	vmul.f32 v10, v1;
	v15 =	vld [tilespmem:s13+$0xA0]  }
0x103: {  	v19 =	vmul.f32 v19, v8;
	v21 =	vmul.f32 v21, v8;
	v24 =	vld [tilespmem:s13+$0x20];
	[tilespmem:s13+$0xFFFFFFD0] =	vst v14  }
0x104: {  	v16 =	vmul.f32 v16, v8;
	v20 =	vmul.f32 v20, v23;
	v14 =	vld [tilespmem:s13+$0xFFFFFFA0];
	[tilespmem:s13+$0xFFFFFFE0] =	vst v6  }
0x105: {  	v13 =	vmul.f32 v13, v23;
	v3 =	vmul.f32 v3, v23;
	v6 =	vld [tilespmem:s13+$0xFFFFFF20];
	[tilespmem:s13+$0x50] =	vst v10  }
0x106: {  	v26 =	vmul.f32 v9, v2;
	v10 =	vld [tilespmem:s13+$0x90];
	v25 =	vmul.f32 v12, v23;
	[tilespmem:s13+$0x40] =	vst v18  }
0x107: {  	v27 =	vmul.f32 v11, v1;
	v18 =	vld [tilespmem:s13+$0x10];
	v9 =	vmul.f32 v15, v8;
	[tilespmem:s13+$0xB0] =	vst v19  }
0x108: {  	v19 =	vld [tilespmem:s13+$0xFFFFFF90];
	v11 =	vmul.f32 v24, v1;
	[tilespmem:s13+$0xFFFFFF40] =	vst v20;
	v20 =	vmul.f32 v7, v23  }
0x109: {  	v7 =	vld [tilespmem:s13+$0xFFFFFF10];
	v15 =	vmul.f32 v14, v2;
	[tilespmem:s13+$0xC0] =	vst v16;
	v14 =	vmul.f32 v17, v8  }
0x10a: {  	v5 =	vmul.f32 v5, v8;
	v17 =	vld [tilespmem:s13+$0x80];
	v12 =	vmul.f32 v6, v23;
	[tilespmem:s13+$0xFFFFFF50] =	vst v13  }
0x10b: {  	v6 =	vmul.f32 v22, v1;
	v24 =	vld [tilespmem:s13+$0x0];
	v16 =	vmul.f32 v10, v8;
	[tilespmem:s13+$0x30] =	vst v27  }
0x10c: {  	v4 =	vmul.f32 v4, v2;
	v22 =	vld [tilespmem:s13+$0xFFFFFF80];
	v13 =	vmul.f32 v18, v1;
	[tilespmem:s13+$0xD0] =	vst v14  }
0x10d: {  	v27 =	vld [tilespmem:s13+$0xFFFFFF00];
	v14 =	vmul.f32 v19, v2;
	[tilespmem:s13+$0xE0] =	vst v5  }
0x10e: {  	v10 =	vmul.f32 v7, v23;
	[tilespmem:s13+$0x60] =	vst v6  }
.Ltmp2:
0x10f: {  	v6 =	vmul.f32 v17, v8;
	[tilespmem:s13+$0xFFFFFFF0] =	vst v4;
	(pc) =	sbr.rel @p0 .LBB2_7-.Ltmp2, $4  }
0x110: {  	v5 =	vmul.f32 v24, v1;
	[tilespmem:s13+$0xFFFFFFB0] =	vst v26;
	v18 =	vld [tilespmem:s13+$0xFFFFFFC0]  }
0x111: {  	v7 =	vmul.f32 v22, v2;
	[tilespmem:s13+$0xFFFFFF70] =	vst v20  }
0x112: {  	v8 =	vmul.f32 v27, v23;
	[tilespmem:s13+$0xF0] =	vst v21  }
0x113: {  	s13 =	sadd.s32 $0x200, s13;
	[tilespmem:s11+$0xFFFFFF30] =	vst v25;
	v17 =	vld [tilespmem:s11+$0x70]  }
0x114: {  	[tilespmem:s11+$0xA0] =	vst v9  }
0x115: {  	[tilespmem:s11+$0x20] =	vst v11  }
0x116: {  	[tilespmem:s11+$0xFFFFFFA0] =	vst v15  }
0x117: {  	[tilespmem:s11+$0xFFFFFF20] =	vst v12  }
0x118: {  	[tilespmem:s11+$0x90] =	vst v16  }
0x119: {  	[tilespmem:s11+$0x10] =	vst v13  }
0x11a: {  	[tilespmem:s11+$0xFFFFFF90] =	vst v14  }
0x11b: {  	[tilespmem:s11+$0xFFFFFF10] =	vst v10  }
0x11c: {  	[tilespmem:s11+$0xFFFFFF60] =	vst v3  }
0x11d: {  	[tilespmem:s11+$0x80] =	vst v6;
	s10 =	sadd.s32 $0x1, s10  }
0x11e: {  	[tilespmem:s11+$0x0] =	vst v5;
	p0 =	sne.s32 s10, $0x28  }
.Ltmp3:
0x11f: {  	[tilespmem:s11+$0xFFFFFF80] =	vst v7;
	v2 =	vmul.f32 v18, v2;
	(pc) =	sbr.rel @p0 .LBB2_4-.Ltmp3, $4  }
0x120: {  	[tilespmem:s11+$0xFFFFFF00] =	vst v8;
	v1 =	vmul.f32 v17, v1  }
0x121: {  	[tilespmem:s11+$0xFFFFFFC0] =	vst v2  }
0x122: {  	[tilespmem:s11+$0x70] =	vst v1  }
0x123: {  	[spmem:s3] =	stream.indirect.scatter.add.f32 [tilespmem:s25], [sflag:$0x4], $0x80, s23, s22, $0xb8;
	[tilespmem:$0x1EA00] =	vst v63  }
0x124: {  	_ =	swait.ge [sflag:s31], $0x4000  }
0x125: {  	[sflag:s31] =	ssyncset.done $0x0  }
0x126: {  	[sflag:s31] =	ssyncadd.s32 $0xFFFFC000  }
0x127: {  	_ =	swait.ge [sflag:s2], $0x4000  }
0x128: {  	[sflag:s2] =	ssyncset.done $0x0  }
0x129: {  	s4 =	stileid.u32;
	[sflag:s2] =	ssyncadd.s32 $0xFFFFC000  }
0x12a: {  	s4 =	sshll.u32 s4, $0x6;
	[bflag:$0x0] =	sbarrier.arrive $0xFFFF  }
0x12b: {  	s9 =	sshrl.u32 s8, $0x3;
	s4 =	sor.u32 $0x1C07, s4;
	s10 =	rddreg [dreg:$0xb]  }
0x12c: {  	[hbm:s10], [sflag:s4] =	dma.local [spmem:s9], $0x2800  }
0x12d: {  	_ =	swait.ge [sflag:s18], $0x2800  }
0x12e: {  	s0 =	sadd.s32 $0x1, s0;
	s17 =	rddreg [dreg:$0xc]  }
0x12f: {  	p0 =	sne.s32 s0, s17  }
.Ltmp4:
0x130: {  	_ = 	snop;
	(pc) =	sbr.rel @p0 .LBB2_1-.Ltmp4, $3  }
0x131: {  	_ =	sdelay $0x1  }
0x132: {  	[sflag:s18] =	ssyncset.done $0x0  }
0x133: {  	[sflag:s18] =	ssyncadd.s32 $0xFFFFD800  }
0x134: {  	_ =	sfence.sel $0x180000  }
0x135: {  	[bflag:$0x0] =	sbarrier.arrive $0xFFFF  }
0x136: {  	_ =	strace $0x90000047  }
0x137: {  	s0 =	stileid.u32;
	[bflag:$0x2] =	sbarrier.arrive $0xFFFF  }
0x138: {  	p0 =	sne.s32 s0, $0x0;
	s0 =	rddreg [dreg:$0x3]  }
0x139: {  	s0 =	sadd.s32 @!p0 $0x100000, s0  }
0x13a: {  	[sflag:s0] =	ssyncadd.tile.s32 @!p0 $0x1;
	_ =	shalt  }
.Lfunc_end2:
_tile_overlayer_lowered:
.L_overlay_start_2:
0x13b: {  	(tag) =	ssettag $0x2  }
0x13c: {  	s0 =	rddreg [dreg:$0x0];
	s2 =	stileid.u32  }
0x13d: {  	s1 =	rddreg [dreg:$0x1];
	p0 =	sne.s32 s2, $0x0  }
0x13e: {  	s3 =	rddreg [dreg:$0x2];
	[bflag:$0x3] =	sbarrier.arrive $0xFFFF;
	s2 =	simm.s32 @!p0 $0x1C07  }
0x13f: {  	[timem:s3], [sflag:s2] =	dma.local @!p0 [hbm:s0], s1  }
0x140: {  	s0 =	simm.s32 @!p0 $0x7  }
0x141: {  	_ =	swait.ge @!p0 [sflag:s0], s1  }
0x142: {  	s1 =	ssub.s32 @!p0 $0x0, s1;
	[sflag:s0] =	ssyncset.done @!p0 $0x0  }
0x143: {  	[sflag:s0] =	ssyncadd.s32 @!p0 s1  }
0x144: {  	[bflag:$0x3] =	sbarrier.arrive $0xFFFF  }
0x145: {  	_ =	shalt  }

</sc_bundles>
